<compile_context>
chip_gen: v7x
topology: tpu7x:2x2x1
jax: 0.10.2.dev20260603
libtpu: 0.0.44.dev20260713+nightly
codegen_flags: <defaults>
</compile_context>

<pallas_src>
import jax
import jax.numpy as jnp
from jax import lax
from jax.experimental import pallas as pl
from jax.experimental.pallas import tpu as pltpu
from jax.experimental.pallas import tpu_sc as plsc

N = 10000
F = 128
NC = 2
NS = 16
NW = NC * NS
ROWS_PER_TILE = 632
N_PAD = NS * ROWS_PER_TILE
CH = 72
K = 140
E_PAD = NW * K * CH


def _segsum_sc(panels, srcb, dstb, zeros, ones_rows=None):
    nh = len(panels)
    with_deg = ones_rows is not None
    mesh = plsc.VectorSubcoreMesh(core_axis_name="c", subcore_axis_name="s")
    n_out = nh + (1 if with_deg else 0)
    out_type = [jax.ShapeDtypeStruct((NC, N_PAD, F), jnp.float32)
                for _ in range(n_out)]
    scratch = [
        pltpu.VMEM((K * CH,), jnp.int32),
        pltpu.VMEM((CH,), jnp.int32),
        pltpu.VMEM((CH,), jnp.int32),
        pltpu.VMEM((CH,), jnp.int32),
        pltpu.VMEM((CH,), jnp.int32),
        pltpu.VMEM((CH, F), jnp.float32),
        pltpu.VMEM((CH, F), jnp.float32),
        pltpu.VMEM((CH, F), jnp.float32),
        pltpu.VMEM((CH, F), jnp.float32),
        pltpu.SemaphoreType.DMA,
        pltpu.SemaphoreType.DMA,
        pltpu.SemaphoreType.DMA,
        pltpu.SemaphoreType.DMA,
        pltpu.SemaphoreType.DMA,
        pltpu.SemaphoreType.DMA,
        pltpu.SemaphoreType.DMA,
        pltpu.SemaphoreType.DMA,
        pltpu.VMEM_SHARED((N_PAD, F), jnp.float32),
    ]

    def body(*refs):
        i = 0
        panel_r = refs[i:i + nh]; i += nh
        srcb_r, dstb_r, zeros_r = refs[i:i + 3]; i += 3
        if with_deg:
            ones_r = refs[i]; i += 1
        agg_out = refs[i:i + n_out]; i += n_out
        src_all = refs[i]; i += 1
        dstv = refs[i:i + 4]; i += 4
        rows = refs[i:i + 4]; i += 4
        semG = refs[i:i + 4]; i += 4
        semD = refs[i:i + 4]; i += 4
        agg_sp = refs[i]

        c = lax.axis_index("c")
        s = lax.axis_index("s")
        wid = s * NC + c
        r0 = s * ROWS_PER_TILE

        pltpu.sync_copy(srcb_r.at[wid], src_all)

        def run_pass(ph, out_ref, gather):
            pltpu.sync_copy(zeros_r.at[pl.ds(r0, ROWS_PER_TILE)],
                            agg_sp.at[pl.ds(r0, ROWS_PER_TILE)])
            plsc.subcore_barrier()

            for t in range(3):
                if gather:
                    pltpu.async_copy(ph.at[src_all.at[pl.ds(t * CH, CH)]],
                                     rows[t], semG[t])
                pltpu.async_copy(dstb_r.at[wid, t], dstv[t], semD[t])

            @pl.loop(0, K, step=4)
            def _(j):
                for t in range(4):
                    u = (t + 3) % 4

                    @pl.when(j + t + 3 < K)
                    def _():
                        if gather:
                            pltpu.async_copy(
                                ph.at[src_all.at[pl.ds((j + t + 3) * CH, CH)]],
                                rows[u], semG[u])
                        pltpu.async_copy(dstb_r.at[wid, j + t + 3],
                                         dstv[u], semD[u])
                    pltpu.make_async_copy(dstb_r.at[wid, j + t],
                                          dstv[t], semD[t]).wait()
                    if gather:
                        pltpu.make_async_copy(
                            ph.at[src_all.at[pl.ds((j + t) * CH, CH)]],
                            rows[t], semG[t]).wait()
                        pltpu.sync_copy(rows[t], agg_sp.at[dstv[t]], add=True)
                    else:
                        pltpu.sync_copy(rows[0], agg_sp.at[dstv[t]], add=True)

            plsc.subcore_barrier()
            pltpu.sync_copy(agg_sp.at[pl.ds(r0, ROWS_PER_TILE)],
                            out_ref.at[c, pl.ds(r0, ROWS_PER_TILE)])
            plsc.subcore_barrier()

        for h in range(nh):
            run_pass(panel_r[h], agg_out[h], True)
        if with_deg:
            pltpu.sync_copy(ones_r, rows[0])
            run_pass(None, agg_out[nh], False)

    args = list(panels) + [srcb, dstb, zeros]
    if with_deg:
        args.append(ones_rows)
    outs = pl.kernel(body, out_type=tuple(out_type), mesh=mesh,
                     scratch_types=tuple(scratch))(*args)
    if not isinstance(outs, (tuple, list)):
        outs = (outs,)
    return list(outs)


def _layer_tc(xhs, aggs, deg8, Wl, Wr, b, relu):
    nin = len(xhs)
    din = nin * F
    dout = Wl.shape[1]
    nout = dout // F
    BM = 2000
    grid = (N // BM,)

    def body(*refs):
        xs = refs[:nin]
        ags = refs[nin:2 * nin]
        degr, wl, wr, br = refs[2 * nin:2 * nin + 4]
        outs = refs[2 * nin + 4:]
        deg = degr[...]
        dsum = deg[0, :, 0:1] + deg[1, :, 0:1]
        dinv = 1.0 / jnp.maximum(dsum, 1.0)
        acc = jnp.broadcast_to(br[...], (BM, dout)).astype(jnp.float32)
        for h in range(nin):
            a = ags[h][...]
            mean_h = (a[0] + a[1]) * dinv
            acc = acc + jnp.dot(mean_h, wl[pl.ds(h * F, F), :],
                                preferred_element_type=jnp.float32)
            acc = acc + jnp.dot(xs[h][...], wr[pl.ds(h * F, F), :],
                                preferred_element_type=jnp.float32)
        if relu:
            acc = jnp.maximum(acc, 0.0)
        for g in range(nout):
            outs[g][...] = acc[:, g * F:(g + 1) * F]

    in_specs = (
        [pl.BlockSpec((BM, F), lambda i: (i, 0)) for _ in range(nin)]
        + [pl.BlockSpec((NC, BM, F), lambda i: (0, i, 0)) for _ in range(nin)]
        + [pl.BlockSpec((NC, BM, 8), lambda i: (0, i, 0)),
           pl.BlockSpec((din, dout), lambda i: (0, 0)),
           pl.BlockSpec((din, dout), lambda i: (0, 0)),
           pl.BlockSpec((1, dout), lambda i: (0, 0))]
    )
    out_specs = [pl.BlockSpec((BM, F), lambda i: (i, 0)) for _ in range(nout)]
    out_shape = [jax.ShapeDtypeStruct((N, F), jnp.float32) for _ in range(nout)]
    outs = pl.pallas_call(body, grid=grid, in_specs=in_specs,
                          out_specs=out_specs, out_shape=out_shape)(
        *xhs, *aggs, deg8, Wl, Wr, b)
    return list(outs)


def kernel(x, edge_index, Wl1, Wr1, b1, Wl2, Wr2, b2, Wl3, Wr3, b3, Wl4, Wr4, b4):
    ei = edge_index.astype(jnp.int32)
    src, dst = ei[0], ei[1]
    p = E_PAD - src.shape[0]
    pad = jnp.arange(p, dtype=jnp.int32)
    srcb = jnp.concatenate([src, pad % N]).reshape(NW, K * CH)
    dstb = jnp.concatenate([dst, N + pad % (N_PAD - N)]).reshape(NW, K, CH)
    zeros = jnp.zeros((N_PAD, F), jnp.float32)
    ones_rows = jnp.ones((CH, F), jnp.float32)

    a1, degp = _segsum_sc([x], srcb, dstb, zeros, ones_rows)
    a1 = [a1]
    deg8 = degp[:, :, :8]
    h1 = _layer_tc([x], a1, deg8, Wl1, Wr1, b1.reshape(1, -1), True)
    a2 = _segsum_sc(h1, srcb, dstb, zeros)
    h2 = _layer_tc(h1, a2, deg8, Wl2, Wr2, b2.reshape(1, -1), True)
    a3 = _segsum_sc(h2, srcb, dstb, zeros)
    h3 = _layer_tc(h2, a3, deg8, Wl3, Wr3, b3.reshape(1, -1), True)
    a4 = _segsum_sc(h3, srcb, dstb, zeros)
    h4 = _layer_tc(h3, a4, deg8, Wl4, Wr4, b4.reshape(1, -1), False)
    return h4[0]

# --- scband reference (transcript-rebuilt; emitter-appended) ---
"""Pipeline reference for scband-graph-encoder-26860725469213 (READ-ONLY COPY).

The authoritative reference and input builder live on the scoring server;
editing this copy changes nothing except your own understanding.
"""

import jax, jax.numpy as jnp
import numpy as np

N_NODES = 10000
N_EDGES = 320000
IN_CH = 128
HID = 128


def _sage_conv(x, src, dst, Wl, Wr, b, n_nodes):
    # PyG-style SAGEConv with mean aggregation:
    # out = lin_l(mean_{j in N(i)} x_j) + lin_r(x_i)
    msgs = x[src]
    agg = jax.ops.segment_sum(msgs, dst, num_segments=n_nodes)
    deg = jax.ops.segment_sum(jnp.ones((src.shape[0],), dtype=x.dtype), dst, num_segments=n_nodes)
    mean = agg / jnp.clip(deg, 1.0, None)[:, None]
    return mean @ Wl + x @ Wr + b


def setup_inputs(seed: int = 0) -> dict:
    key = jax.random.key(seed)
    ks = jax.random.split(key, 16)
    x = jax.random.normal(ks[0], (N_NODES, IN_CH), dtype=jnp.float32)
    edge_index = jax.random.randint(ks[1], (2, N_EDGES), 0, N_NODES, dtype=jnp.int64)
    dims = [(IN_CH, HID), (HID, HID * 2), (HID * 2, HID * 2), (HID * 2, HID)]
    params = {}
    for i, (din, dout) in enumerate(dims):
        scale = 1.0 / np.sqrt(din)
        params[f"Wl{i+1}"] = jax.random.normal(ks[2 + 3 * i], (din, dout), dtype=jnp.float32) * scale
        params[f"Wr{i+1}"] = jax.random.normal(ks[3 + 3 * i], (din, dout), dtype=jnp.float32) * scale
        params[f"b{i+1}"] = jnp.zeros((dout,), dtype=jnp.float32)
    return {"x": x, "edge_index": edge_index, **params}


def reference(x, edge_index, Wl1, Wr1, b1, Wl2, Wr2, b2, Wl3, Wr3, b3, Wl4, Wr4, b4):
    src = edge_index[0]
    dst = edge_index[1]
    n = x.shape[0]
    h = jax.nn.relu(_sage_conv(x, src, dst, Wl1, Wr1, b1, n))
    h = jax.nn.relu(_sage_conv(h, src, dst, Wl2, Wr2, b2, n))
    h = jax.nn.relu(_sage_conv(h, src, dst, Wl3, Wr3, b3, n))
    h = _sage_conv(h, src, dst, Wl4, Wr4, b4, n)
    return h

if __name__ == "__main__":
    import jax
    _d = setup_inputs()
    print(jax.jit(kernel)(*tuple(_d.values())))

</pallas_src>

<mosaic_0001>
#map = affine_map<(d0, d1) -> (0, 0)>
#map1 = affine_map<(d0, d1) -> (0, 0, 0)>
module attributes {stable_mosaic.version = 14 : i64} {
  func.func @body(%arg0: i32, %arg1: i32, %arg2: memref<10000x128xf32, #tpu.memory_space<hbm>>, %arg3: memref<32x10080xi32, #tpu.memory_space<hbm>>, %arg4: memref<32x140x72xi32, #tpu.memory_space<hbm>>, %arg5: memref<10112x128xf32, #tpu.memory_space<hbm>>, %arg6: memref<2x10112x128xf32, #tpu.memory_space<hbm>>, %arg7: memref<10080xi32, #tpu.memory_space<vmem>>, %arg8: memref<72xi32, #tpu.memory_space<vmem>>, %arg9: memref<72xi32, #tpu.memory_space<vmem>>, %arg10: memref<72xi32, #tpu.memory_space<vmem>>, %arg11: memref<72xi32, #tpu.memory_space<vmem>>, %arg12: memref<72x128xf32, #tpu.memory_space<vmem>>, %arg13: memref<72x128xf32, #tpu.memory_space<vmem>>, %arg14: memref<72x128xf32, #tpu.memory_space<vmem>>, %arg15: memref<72x128xf32, #tpu.memory_space<vmem>>, %arg16: memref<!tpu.dma_semaphore, #tpu.memory_space<semaphore_mem>>, %arg17: memref<!tpu.dma_semaphore, #tpu.memory_space<semaphore_mem>>, %arg18: memref<!tpu.dma_semaphore, #tpu.memory_space<semaphore_mem>>, %arg19: memref<!tpu.dma_semaphore, #tpu.memory_space<semaphore_mem>>, %arg20: memref<!tpu.dma_semaphore, #tpu.memory_space<semaphore_mem>>, %arg21: memref<!tpu.dma_semaphore, #tpu.memory_space<semaphore_mem>>, %arg22: memref<!tpu.dma_semaphore, #tpu.memory_space<semaphore_mem>>, %arg23: memref<!tpu.dma_semaphore, #tpu.memory_space<semaphore_mem>>, %arg24: memref<10112x128xf32, #tpu.memory_space<vmem_shared>>) attributes {dimension_semantics = [#tpu.dimension_semantics<core_parallel>, #tpu.dimension_semantics<subcore_parallel>], iteration_bounds = array<i64: 2, 16>, scalar_prefetch = 0 : i64, scratch_operands = 18 : i64, tpu.core_type = #tpu.core_type<sc_vector_subcore>, window_params = [{transform_indices = #map}, {transform_indices = #map}, {transform_indices = #map1}, {transform_indices = #map}, {transform_indices = #map1}]} {
    %mul3A = arith.constant 2 : i32
    %mul3A_0 = arith.muli %arg1, %mul3A : i32
    %add3A = arith.addi %mul3A_0, %arg0 : i32
    %mul3A_1 = arith.constant 632 : i32
    %mul3A_2 = arith.muli %arg1, %mul3A_1 : i32
    "tpu.region"() ({
      %run_scoped3A = tpu.sem_alloc : memref<!tpu.dma_semaphore, #tpu.memory_space<semaphore_mem>>
      %dma_start3A_44 = arith.constant 0 : i32
      %dma_start3A_45 = tpu.memref_slice %arg3[%add3A, %dma_start3A_44] : memref<32x10080xi32, #tpu.memory_space<hbm>> -> memref<1x10080xi32, #tpu.memory_space<hbm>>
      %dma_start3A_46 = tpu.memref_squeeze %dma_start3A_45 : memref<1x10080xi32, #tpu.memory_space<hbm>> -> memref<10080xi32, #tpu.memory_space<hbm>>
      %dma_start3A_47 = arith.constant 0 : i32
      %dma_start3A_48 = tpu.memref_slice %arg3[%add3A, %dma_start3A_47] : memref<32x10080xi32, #tpu.memory_space<hbm>> -> memref<1x10080xi32, #tpu.memory_space<hbm>>
      %dma_start3A_49 = tpu.memref_squeeze %dma_start3A_48 : memref<1x10080xi32, #tpu.memory_space<hbm>> -> memref<10080xi32, #tpu.memory_space<hbm>>
      tpu.enqueue_dma source(%dma_start3A_49 : memref<10080xi32, #tpu.memory_space<hbm>>) target(%arg7 : memref<10080xi32, #tpu.memory_space<vmem>>) target_semaphore(%run_scoped3A : memref<!tpu.dma_semaphore, #tpu.memory_space<semaphore_mem>>)
      %dma_wait3A = arith.constant 0 : i32
      %dma_wait3A_50 = tpu.memref_slice %arg3[%add3A, %dma_wait3A] : memref<32x10080xi32, #tpu.memory_space<hbm>> -> memref<1x10080xi32, #tpu.memory_space<hbm>>
      %dma_wait3A_51 = tpu.memref_squeeze %dma_wait3A_50 : memref<1x10080xi32, #tpu.memory_space<hbm>> -> memref<10080xi32, #tpu.memory_space<hbm>>
      %dma_wait3A_52 = arith.constant 0 : i32
      %dma_wait3A_53 = tpu.memref_slice %arg3[%add3A, %dma_wait3A_52] : memref<32x10080xi32, #tpu.memory_space<hbm>> -> memref<1x10080xi32, #tpu.memory_space<hbm>>
      %dma_wait3A_54 = tpu.memref_squeeze %dma_wait3A_53 : memref<1x10080xi32, #tpu.memory_space<hbm>> -> memref<10080xi32, #tpu.memory_space<hbm>>
      tpu.wait_dma2 semaphore(%run_scoped3A : memref<!tpu.dma_semaphore, #tpu.memory_space<semaphore_mem>>) src(%dma_wait3A_54 : memref<10080xi32, #tpu.memory_space<hbm>>) dst(%arg7 : memref<10080xi32, #tpu.memory_space<vmem>>)
      tpu.yield
    }) : () -> ()
    "tpu.region"() ({
      %run_scoped3A = tpu.sem_alloc : memref<!tpu.dma_semaphore, #tpu.memory_space<semaphore_mem>>
      %dma_start3A_44 = arith.constant 0 : i32
      %dma_start3A_45 = tpu.memref_slice %arg24[%mul3A_2, %dma_start3A_44] : memref<10112x128xf32, #tpu.memory_space<vmem_shared>> -> memref<632x128xf32, #tpu.memory_space<vmem_shared>>
      %dma_start3A_46 = arith.constant 0 : i32
      %dma_start3A_47 = tpu.memref_slice %arg5[%mul3A_2, %dma_start3A_46] : memref<10112x128xf32, #tpu.memory_space<hbm>> -> memref<632x128xf32, #tpu.memory_space<hbm>>
      tpu.enqueue_dma source(%dma_start3A_47 : memref<632x128xf32, #tpu.memory_space<hbm>>) target(%dma_start3A_45 : memref<632x128xf32, #tpu.memory_space<vmem_shared>>) target_semaphore(%run_scoped3A : memref<!tpu.dma_semaphore, #tpu.memory_space<semaphore_mem>>)
      %dma_wait3A = arith.constant 0 : i32
      %dma_wait3A_48 = tpu.memref_slice %arg24[%mul3A_2, %dma_wait3A] : memref<10112x128xf32, #tpu.memory_space<vmem_shared>> -> memref<632x128xf32, #tpu.memory_space<vmem_shared>>
      %dma_wait3A_49 = arith.constant 0 : i32
      %dma_wait3A_50 = tpu.memref_slice %arg5[%mul3A_2, %dma_wait3A_49] : memref<10112x128xf32, #tpu.memory_space<hbm>> -> memref<632x128xf32, #tpu.memory_space<hbm>>
      tpu.wait_dma2 semaphore(%run_scoped3A : memref<!tpu.dma_semaphore, #tpu.memory_space<semaphore_mem>>) src(%dma_wait3A_50 : memref<632x128xf32, #tpu.memory_space<hbm>>) dst(%dma_wait3A_48 : memref<632x128xf32, #tpu.memory_space<vmem_shared>>)
      tpu.yield
    }) : () -> ()
    %barrier3A = arith.constant 0 : index
    tpu.barrier barrier_id(%barrier3A)
    %dma_start3A = arith.constant 0 : i32
    %dma_start3A_3 = tpu.memref_slice %arg7[%dma_start3A] : memref<10080xi32, #tpu.memory_space<vmem>> -> memref<72xi32, #tpu.memory_space<vmem>>
    %dma_start3A_4 = arith.constant 0 : i32
    %dma_start3A_5 = arith.constant 0 : i32
    %dma_start3A_6 = tpu.memref_slice %arg2[%dma_start3A_4, %dma_start3A_5] : memref<10000x128xf32, #tpu.memory_space<hbm>> -> memref<10000x128xf32, #tpu.memory_space<hbm>>
    tpu.enqueue_indirect_dma source(%dma_start3A_6 : memref<10000x128xf32, #tpu.memory_space<hbm>>) target(%arg12 : memref<72x128xf32, #tpu.memory_space<vmem>>) offsets(%dma_start3A_3 : memref<72xi32, #tpu.memory_space<vmem>>) semaphore(%arg16 : memref<!tpu.dma_semaphore, #tpu.memory_space<semaphore_mem>>)
    %dma_start3A_7 = arith.constant 0 : i32
    %dma_start3A_8 = arith.constant 0 : i32
    %dma_start3A_9 = tpu.memref_slice %arg4[%add3A, %dma_start3A_7, %dma_start3A_8] : memref<32x140x72xi32, #tpu.memory_space<hbm>> -> memref<1x1x72xi32, #tpu.memory_space<hbm>>
    %dma_start3A_10 = tpu.memref_squeeze %dma_start3A_9 : memref<1x1x72xi32, #tpu.memory_space<hbm>> -> memref<72xi32, #tpu.memory_space<hbm>>
    %dma_start3A_11 = arith.constant 0 : i32
    %dma_start3A_12 = tpu.memref_slice %arg4[%add3A, %dma_start3A_7, %dma_start3A_11] : memref<32x140x72xi32, #tpu.memory_space<hbm>> -> memref<1x1x72xi32, #tpu.memory_space<hbm>>
    %dma_start3A_13 = tpu.memref_squeeze %dma_start3A_12 : memref<1x1x72xi32, #tpu.memory_space<hbm>> -> memref<72xi32, #tpu.memory_space<hbm>>
    tpu.enqueue_dma source(%dma_start3A_13 : memref<72xi32, #tpu.memory_space<hbm>>) target(%arg8 : memref<72xi32, #tpu.memory_space<vmem>>) target_semaphore(%arg20 : memref<!tpu.dma_semaphore, #tpu.memory_space<semaphore_mem>>)
    %dma_start3A_14 = arith.constant 72 : i32
    %dma_start3A_15 = tpu.memref_slice %arg7[%dma_start3A_14] : memref<10080xi32, #tpu.memory_space<vmem>> -> memref<72xi32, #tpu.memory_space<vmem>>
    %dma_start3A_16 = arith.constant 0 : i32
    %dma_start3A_17 = arith.constant 0 : i32
    %dma_start3A_18 = tpu.memref_slice %arg2[%dma_start3A_16, %dma_start3A_17] : memref<10000x128xf32, #tpu.memory_space<hbm>> -> memref<10000x128xf32, #tpu.memory_space<hbm>>
    tpu.enqueue_indirect_dma source(%dma_start3A_18 : memref<10000x128xf32, #tpu.memory_space<hbm>>) target(%arg13 : memref<72x128xf32, #tpu.memory_space<vmem>>) offsets(%dma_start3A_15 : memref<72xi32, #tpu.memory_space<vmem>>) semaphore(%arg17 : memref<!tpu.dma_semaphore, #tpu.memory_space<semaphore_mem>>)
    %dma_start3A_19 = arith.constant 1 : i32
    %dma_start3A_20 = arith.constant 0 : i32
    %dma_start3A_21 = tpu.memref_slice %arg4[%add3A, %dma_start3A_19, %dma_start3A_20] : memref<32x140x72xi32, #tpu.memory_space<hbm>> -> memref<1x1x72xi32, #tpu.memory_space<hbm>>
    %dma_start3A_22 = tpu.memref_squeeze %dma_start3A_21 : memref<1x1x72xi32, #tpu.memory_space<hbm>> -> memref<72xi32, #tpu.memory_space<hbm>>
    %dma_start3A_23 = arith.constant 0 : i32
    %dma_start3A_24 = tpu.memref_slice %arg4[%add3A, %dma_start3A_19, %dma_start3A_23] : memref<32x140x72xi32, #tpu.memory_space<hbm>> -> memref<1x1x72xi32, #tpu.memory_space<hbm>>
    %dma_start3A_25 = tpu.memref_squeeze %dma_start3A_24 : memref<1x1x72xi32, #tpu.memory_space<hbm>> -> memref<72xi32, #tpu.memory_space<hbm>>
    tpu.enqueue_dma source(%dma_start3A_25 : memref<72xi32, #tpu.memory_space<hbm>>) target(%arg9 : memref<72xi32, #tpu.memory_space<vmem>>) target_semaphore(%arg21 : memref<!tpu.dma_semaphore, #tpu.memory_space<semaphore_mem>>)
    %dma_start3A_26 = arith.constant 144 : i32
    %dma_start3A_27 = tpu.memref_slice %arg7[%dma_start3A_26] : memref<10080xi32, #tpu.memory_space<vmem>> -> memref<72xi32, #tpu.memory_space<vmem>>
    %dma_start3A_28 = arith.constant 0 : i32
    %dma_start3A_29 = arith.constant 0 : i32
    %dma_start3A_30 = tpu.memref_slice %arg2[%dma_start3A_28, %dma_start3A_29] : memref<10000x128xf32, #tpu.memory_space<hbm>> -> memref<10000x128xf32, #tpu.memory_space<hbm>>
    tpu.enqueue_indirect_dma source(%dma_start3A_30 : memref<10000x128xf32, #tpu.memory_space<hbm>>) target(%arg14 : memref<72x128xf32, #tpu.memory_space<vmem>>) offsets(%dma_start3A_27 : memref<72xi32, #tpu.memory_space<vmem>>) semaphore(%arg18 : memref<!tpu.dma_semaphore, #tpu.memory_space<semaphore_mem>>)
    %dma_start3A_31 = arith.constant 2 : i32
    %dma_start3A_32 = arith.constant 0 : i32
    %dma_start3A_33 = tpu.memref_slice %arg4[%add3A, %dma_start3A_31, %dma_start3A_32] : memref<32x140x72xi32, #tpu.memory_space<hbm>> -> memref<1x1x72xi32, #tpu.memory_space<hbm>>
    %dma_start3A_34 = tpu.memref_squeeze %dma_start3A_33 : memref<1x1x72xi32, #tpu.memory_space<hbm>> -> memref<72xi32, #tpu.memory_space<hbm>>
    %dma_start3A_35 = arith.constant 0 : i32
    %dma_start3A_36 = tpu.memref_slice %arg4[%add3A, %dma_start3A_31, %dma_start3A_35] : memref<32x140x72xi32, #tpu.memory_space<hbm>> -> memref<1x1x72xi32, #tpu.memory_space<hbm>>
    %dma_start3A_37 = tpu.memref_squeeze %dma_start3A_36 : memref<1x1x72xi32, #tpu.memory_space<hbm>> -> memref<72xi32, #tpu.memory_space<hbm>>
    tpu.enqueue_dma source(%dma_start3A_37 : memref<72xi32, #tpu.memory_space<hbm>>) target(%arg10 : memref<72xi32, #tpu.memory_space<vmem>>) target_semaphore(%arg22 : memref<!tpu.dma_semaphore, #tpu.memory_space<semaphore_mem>>)
    %scan3A = arith.constant 0 : i32
    %scan3A_38 = arith.constant 35 : i32
    %scan3A_39 = arith.addi %scan3A, %scan3A_38 : i32
    %scan3A_40 = arith.constant 1 : i32
    scf.for %scan3A_44 = %scan3A to %scan3A_39 step %scan3A_40  : i32 {
      %mul3A_45 = arith.constant 4 : i32
      %mul3A_46 = arith.muli %scan3A_44, %mul3A_45 : i32
      %add3A_47 = arith.constant 0 : i32
      %add3A_48 = arith.addi %add3A_47, %mul3A_46 : i32
      %add3A_49 = arith.constant 0 : i32
      %add3A_50 = arith.addi %add3A_48, %add3A_49 : i32
      %add3A_51 = arith.constant 3 : i32
      %add3A_52 = arith.addi %add3A_50, %add3A_51 : i32
      %lt3A = arith.constant 140 : i32
      %lt3A_53 = arith.cmpi slt, %add3A_52, %lt3A : i32
      %convert_element_type3A = arith.extui %lt3A_53 : i1 to i32
      %cond3A = arith.constant 0 : i32
      %cond3A_54 = arith.cmpi ne, %convert_element_type3A, %cond3A : i32
      scf.if %cond3A_54 {
        %add3A_145 = arith.constant 0 : i32
        %add3A_146 = arith.addi %add3A_48, %add3A_145 : i32
        %add3A_147 = arith.constant 3 : i32
        %add3A_148 = arith.addi %add3A_146, %add3A_147 : i32
        %mul3A_149 = arith.constant 72 : i32
        %mul3A_150 = arith.muli %add3A_148, %mul3A_149 : i32
        %dma_start3A_151 = tpu.memref_slice %arg7[%mul3A_150] : memref<10080xi32, #tpu.memory_space<vmem>> -> memref<72xi32, #tpu.memory_space<vmem>>
        %dma_start3A_152 = arith.constant 0 : i32
        %dma_start3A_153 = arith.constant 0 : i32
        %dma_start3A_154 = tpu.memref_slice %arg2[%dma_start3A_152, %dma_start3A_153] : memref<10000x128xf32, #tpu.memory_space<hbm>> -> memref<10000x128xf32, #tpu.memory_space<hbm>>
        tpu.enqueue_indirect_dma source(%dma_start3A_154 : memref<10000x128xf32, #tpu.memory_space<hbm>>) target(%arg15 : memref<72x128xf32, #tpu.memory_space<vmem>>) offsets(%dma_start3A_151 : memref<72xi32, #tpu.memory_space<vmem>>) semaphore(%arg19 : memref<!tpu.dma_semaphore, #tpu.memory_space<semaphore_mem>>)
        %add3A_155 = arith.constant 0 : i32
        %add3A_156 = arith.addi %add3A_48, %add3A_155 : i32
        %add3A_157 = arith.constant 3 : i32
        %add3A_158 = arith.addi %add3A_156, %add3A_157 : i32
        %dma_start3A_159 = arith.constant 0 : i32
        %dma_start3A_160 = tpu.memref_slice %arg4[%add3A, %add3A_158, %dma_start3A_159] : memref<32x140x72xi32, #tpu.memory_space<hbm>> -> memref<1x1x72xi32, #tpu.memory_space<hbm>>
        %dma_start3A_161 = tpu.memref_squeeze %dma_start3A_160 : memref<1x1x72xi32, #tpu.memory_space<hbm>> -> memref<72xi32, #tpu.memory_space<hbm>>
        %dma_start3A_162 = arith.constant 0 : i32
        %dma_start3A_163 = tpu.memref_slice %arg4[%add3A, %add3A_158, %dma_start3A_162] : memref<32x140x72xi32, #tpu.memory_space<hbm>> -> memref<1x1x72xi32, #tpu.memory_space<hbm>>
        %dma_start3A_164 = tpu.memref_squeeze %dma_start3A_163 : memref<1x1x72xi32, #tpu.memory_space<hbm>> -> memref<72xi32, #tpu.memory_space<hbm>>
        tpu.enqueue_dma source(%dma_start3A_164 : memref<72xi32, #tpu.memory_space<hbm>>) target(%arg11 : memref<72xi32, #tpu.memory_space<vmem>>) target_semaphore(%arg23 : memref<!tpu.dma_semaphore, #tpu.memory_space<semaphore_mem>>)
      } else {
      }
      %add3A_55 = arith.constant 0 : i32
      %add3A_56 = arith.addi %add3A_48, %add3A_55 : i32
      %dma_wait3A = arith.constant 0 : i32
      %dma_wait3A_57 = tpu.memref_slice %arg4[%add3A, %add3A_56, %dma_wait3A] : memref<32x140x72xi32, #tpu.memory_space<hbm>> -> memref<1x1x72xi32, #tpu.memory_space<hbm>>
      %dma_wait3A_58 = tpu.memref_squeeze %dma_wait3A_57 : memref<1x1x72xi32, #tpu.memory_space<hbm>> -> memref<72xi32, #tpu.memory_space<hbm>>
      %dma_wait3A_59 = arith.constant 0 : i32
      %dma_wait3A_60 = tpu.memref_slice %arg4[%add3A, %add3A_56, %dma_wait3A_59] : memref<32x140x72xi32, #tpu.memory_space<hbm>> -> memref<1x1x72xi32, #tpu.memory_space<hbm>>
      %dma_wait3A_61 = tpu.memref_squeeze %dma_wait3A_60 : memref<1x1x72xi32, #tpu.memory_space<hbm>> -> memref<72xi32, #tpu.memory_space<hbm>>
      tpu.wait_dma2 semaphore(%arg20 : memref<!tpu.dma_semaphore, #tpu.memory_space<semaphore_mem>>) src(%dma_wait3A_61 : memref<72xi32, #tpu.memory_space<hbm>>) dst(%arg8 : memref<72xi32, #tpu.memory_space<vmem>>)
      %add3A_62 = arith.constant 0 : i32
      %add3A_63 = arith.addi %add3A_48, %add3A_62 : i32
      %mul3A_64 = arith.constant 72 : i32
      %mul3A_65 = arith.muli %add3A_63, %mul3A_64 : i32
      %dma_wait3A_66 = tpu.memref_slice %arg7[%mul3A_65] : memref<10080xi32, #tpu.memory_space<vmem>> -> memref<72xi32, #tpu.memory_space<vmem>>
      %dma_wait3A_67 = arith.constant 0 : i32
      %dma_wait3A_68 = arith.constant 0 : i32
      %dma_wait3A_69 = tpu.memref_slice %arg2[%dma_wait3A_67, %dma_wait3A_68] : memref<10000x128xf32, #tpu.memory_space<hbm>> -> memref<10000x128xf32, #tpu.memory_space<hbm>>
      tpu.wait_indirect_dma semaphore(%arg16 : memref<!tpu.dma_semaphore, #tpu.memory_space<semaphore_mem>>) src(%dma_wait3A_69 : memref<10000x128xf32, #tpu.memory_space<hbm>>) dst(%arg12 : memref<72x128xf32, #tpu.memory_space<vmem>>)
      "tpu.region"() ({
        %run_scoped3A = tpu.sem_alloc : memref<!tpu.dma_semaphore, #tpu.memory_space<semaphore_mem>>
        %dma_start3A_145 = arith.constant 0 : i32
        %dma_start3A_146 = arith.constant 0 : i32
        %dma_start3A_147 = tpu.memref_slice %arg24[%dma_start3A_145, %dma_start3A_146] : memref<10112x128xf32, #tpu.memory_space<vmem_shared>> -> memref<10112x128xf32, #tpu.memory_space<vmem_shared>>
        tpu.enqueue_indirect_dma source(%arg12 : memref<72x128xf32, #tpu.memory_space<vmem>>) target(%dma_start3A_147 : memref<10112x128xf32, #tpu.memory_space<vmem_shared>>) offsets(%arg8 : memref<72xi32, #tpu.memory_space<vmem>>) semaphore(%run_scoped3A : memref<!tpu.dma_semaphore, #tpu.memory_space<semaphore_mem>>) {add = true}
        %dma_wait3A_148 = arith.constant 0 : i32
        %dma_wait3A_149 = arith.constant 0 : i32
        %dma_wait3A_150 = tpu.memref_slice %arg24[%dma_wait3A_148, %dma_wait3A_149] : memref<10112x128xf32, #tpu.memory_space<vmem_shared>> -> memref<10112x128xf32, #tpu.memory_space<vmem_shared>>
        tpu.wait_indirect_dma semaphore(%run_scoped3A : memref<!tpu.dma_semaphore, #tpu.memory_space<semaphore_mem>>) src(%arg12 : memref<72x128xf32, #tpu.memory_space<vmem>>) dst(%dma_wait3A_150 : memref<10112x128xf32, #tpu.memory_space<vmem_shared>>)
        tpu.yield
      }) : () -> ()
      %add3A_70 = arith.constant 1 : i32
      %add3A_71 = arith.addi %add3A_48, %add3A_70 : i32
      %add3A_72 = arith.constant 3 : i32
      %add3A_73 = arith.addi %add3A_71, %add3A_72 : i32
      %lt3A_74 = arith.constant 140 : i32
      %lt3A_75 = arith.cmpi slt, %add3A_73, %lt3A_74 : i32
      %convert_element_type3A_76 = arith.extui %lt3A_75 : i1 to i32
      %cond3A_77 = arith.constant 0 : i32
      %cond3A_78 = arith.cmpi ne, %convert_element_type3A_76, %cond3A_77 : i32
      scf.if %cond3A_78 {
        %add3A_145 = arith.constant 1 : i32
        %add3A_146 = arith.addi %add3A_48, %add3A_145 : i32
        %add3A_147 = arith.constant 3 : i32
        %add3A_148 = arith.addi %add3A_146, %add3A_147 : i32
        %mul3A_149 = arith.constant 72 : i32
        %mul3A_150 = arith.muli %add3A_148, %mul3A_149 : i32
        %dma_start3A_151 = tpu.memref_slice %arg7[%mul3A_150] : memref<10080xi32, #tpu.memory_space<vmem>> -> memref<72xi32, #tpu.memory_space<vmem>>
        %dma_start3A_152 = arith.constant 0 : i32
        %dma_start3A_153 = arith.constant 0 : i32
        %dma_start3A_154 = tpu.memref_slice %arg2[%dma_start3A_152, %dma_start3A_153] : memref<10000x128xf32, #tpu.memory_space<hbm>> -> memref<10000x128xf32, #tpu.memory_space<hbm>>
        tpu.enqueue_indirect_dma source(%dma_start3A_154 : memref<10000x128xf32, #tpu.memory_space<hbm>>) target(%arg12 : memref<72x128xf32, #tpu.memory_space<vmem>>) offsets(%dma_start3A_151 : memref<72xi32, #tpu.memory_space<vmem>>) semaphore(%arg16 : memref<!tpu.dma_semaphore, #tpu.memory_space<semaphore_mem>>)
        %add3A_155 = arith.constant 1 : i32
        %add3A_156 = arith.addi %add3A_48, %add3A_155 : i32
        %add3A_157 = arith.constant 3 : i32
        %add3A_158 = arith.addi %add3A_156, %add3A_157 : i32
        %dma_start3A_159 = arith.constant 0 : i32
        %dma_start3A_160 = tpu.memref_slice %arg4[%add3A, %add3A_158, %dma_start3A_159] : memref<32x140x72xi32, #tpu.memory_space<hbm>> -> memref<1x1x72xi32, #tpu.memory_space<hbm>>
        %dma_start3A_161 = tpu.memref_squeeze %dma_start3A_160 : memref<1x1x72xi32, #tpu.memory_space<hbm>> -> memref<72xi32, #tpu.memory_space<hbm>>
        %dma_start3A_162 = arith.constant 0 : i32
        %dma_start3A_163 = tpu.memref_slice %arg4[%add3A, %add3A_158, %dma_start3A_162] : memref<32x140x72xi32, #tpu.memory_space<hbm>> -> memref<1x1x72xi32, #tpu.memory_space<hbm>>
        %dma_start3A_164 = tpu.memref_squeeze %dma_start3A_163 : memref<1x1x72xi32, #tpu.memory_space<hbm>> -> memref<72xi32, #tpu.memory_space<hbm>>
        tpu.enqueue_dma source(%dma_start3A_164 : memref<72xi32, #tpu.memory_space<hbm>>) target(%arg8 : memref<72xi32, #tpu.memory_space<vmem>>) target_semaphore(%arg20 : memref<!tpu.dma_semaphore, #tpu.memory_space<semaphore_mem>>)
      } else {
      }
      %add3A_79 = arith.constant 1 : i32
      %add3A_80 = arith.addi %add3A_48, %add3A_79 : i32
      %dma_wait3A_81 = arith.constant 0 : i32
      %dma_wait3A_82 = tpu.memref_slice %arg4[%add3A, %add3A_80, %dma_wait3A_81] : memref<32x140x72xi32, #tpu.memory_space<hbm>> -> memref<1x1x72xi32, #tpu.memory_space<hbm>>
      %dma_wait3A_83 = tpu.memref_squeeze %dma_wait3A_82 : memref<1x1x72xi32, #tpu.memory_space<hbm>> -> memref<72xi32, #tpu.memory_space<hbm>>
      %dma_wait3A_84 = arith.constant 0 : i32
      %dma_wait3A_85 = tpu.memref_slice %arg4[%add3A, %add3A_80, %dma_wait3A_84] : memref<32x140x72xi32, #tpu.memory_space<hbm>> -> memref<1x1x72xi32, #tpu.memory_space<hbm>>
      %dma_wait3A_86 = tpu.memref_squeeze %dma_wait3A_85 : memref<1x1x72xi32, #tpu.memory_space<hbm>> -> memref<72xi32, #tpu.memory_space<hbm>>
      tpu.wait_dma2 semaphore(%arg21 : memref<!tpu.dma_semaphore, #tpu.memory_space<semaphore_mem>>) src(%dma_wait3A_86 : memref<72xi32, #tpu.memory_space<hbm>>) dst(%arg9 : memref<72xi32, #tpu.memory_space<vmem>>)
      %add3A_87 = arith.constant 1 : i32
      %add3A_88 = arith.addi %add3A_48, %add3A_87 : i32
      %mul3A_89 = arith.constant 72 : i32
      %mul3A_90 = arith.muli %add3A_88, %mul3A_89 : i32
      %dma_wait3A_91 = tpu.memref_slice %arg7[%mul3A_90] : memref<10080xi32, #tpu.memory_space<vmem>> -> memref<72xi32, #tpu.memory_space<vmem>>
      %dma_wait3A_92 = arith.constant 0 : i32
      %dma_wait3A_93 = arith.constant 0 : i32
      %dma_wait3A_94 = tpu.memref_slice %arg2[%dma_wait3A_92, %dma_wait3A_93] : memref<10000x128xf32, #tpu.memory_space<hbm>> -> memref<10000x128xf32, #tpu.memory_space<hbm>>
      tpu.wait_indirect_dma semaphore(%arg17 : memref<!tpu.dma_semaphore, #tpu.memory_space<semaphore_mem>>) src(%dma_wait3A_94 : memref<10000x128xf32, #tpu.memory_space<hbm>>) dst(%arg13 : memref<72x128xf32, #tpu.memory_space<vmem>>)
      "tpu.region"() ({
        %run_scoped3A = tpu.sem_alloc : memref<!tpu.dma_semaphore, #tpu.memory_space<semaphore_mem>>
        %dma_start3A_145 = arith.constant 0 : i32
        %dma_start3A_146 = arith.constant 0 : i32
        %dma_start3A_147 = tpu.memref_slice %arg24[%dma_start3A_145, %dma_start3A_146] : memref<10112x128xf32, #tpu.memory_space<vmem_shared>> -> memref<10112x128xf32, #tpu.memory_space<vmem_shared>>
        tpu.enqueue_indirect_dma source(%arg13 : memref<72x128xf32, #tpu.memory_space<vmem>>) target(%dma_start3A_147 : memref<10112x128xf32, #tpu.memory_space<vmem_shared>>) offsets(%arg9 : memref<72xi32, #tpu.memory_space<vmem>>) semaphore(%run_scoped3A : memref<!tpu.dma_semaphore, #tpu.memory_space<semaphore_mem>>) {add = true}
        %dma_wait3A_148 = arith.constant 0 : i32
        %dma_wait3A_149 = arith.constant 0 : i32
        %dma_wait3A_150 = tpu.memref_slice %arg24[%dma_wait3A_148, %dma_wait3A_149] : memref<10112x128xf32, #tpu.memory_space<vmem_shared>> -> memref<10112x128xf32, #tpu.memory_space<vmem_shared>>
        tpu.wait_indirect_dma semaphore(%run_scoped3A : memref<!tpu.dma_semaphore, #tpu.memory_space<semaphore_mem>>) src(%arg13 : memref<72x128xf32, #tpu.memory_space<vmem>>) dst(%dma_wait3A_150 : memref<10112x128xf32, #tpu.memory_space<vmem_shared>>)
        tpu.yield
      }) : () -> ()
      %add3A_95 = arith.constant 2 : i32
      %add3A_96 = arith.addi %add3A_48, %add3A_95 : i32
      %add3A_97 = arith.constant 3 : i32
      %add3A_98 = arith.addi %add3A_96, %add3A_97 : i32
      %lt3A_99 = arith.constant 140 : i32
      %lt3A_100 = arith.cmpi slt, %add3A_98, %lt3A_99 : i32
      %convert_element_type3A_101 = arith.extui %lt3A_100 : i1 to i32
      %cond3A_102 = arith.constant 0 : i32
      %cond3A_103 = arith.cmpi ne, %convert_element_type3A_101, %cond3A_102 : i32
      scf.if %cond3A_103 {
        %add3A_145 = arith.constant 2 : i32
        %add3A_146 = arith.addi %add3A_48, %add3A_145 : i32
        %add3A_147 = arith.constant 3 : i32
        %add3A_148 = arith.addi %add3A_146, %add3A_147 : i32
        %mul3A_149 = arith.constant 72 : i32
        %mul3A_150 = arith.muli %add3A_148, %mul3A_149 : i32
        %dma_start3A_151 = tpu.memref_slice %arg7[%mul3A_150] : memref<10080xi32, #tpu.memory_space<vmem>> -> memref<72xi32, #tpu.memory_space<vmem>>
        %dma_start3A_152 = arith.constant 0 : i32
        %dma_start3A_153 = arith.constant 0 : i32
        %dma_start3A_154 = tpu.memref_slice %arg2[%dma_start3A_152, %dma_start3A_153] : memref<10000x128xf32, #tpu.memory_space<hbm>> -> memref<10000x128xf32, #tpu.memory_space<hbm>>
        tpu.enqueue_indirect_dma source(%dma_start3A_154 : memref<10000x128xf32, #tpu.memory_space<hbm>>) target(%arg13 : memref<72x128xf32, #tpu.memory_space<vmem>>) offsets(%dma_start3A_151 : memref<72xi32, #tpu.memory_space<vmem>>) semaphore(%arg17 : memref<!tpu.dma_semaphore, #tpu.memory_space<semaphore_mem>>)
        %add3A_155 = arith.constant 2 : i32
        %add3A_156 = arith.addi %add3A_48, %add3A_155 : i32
        %add3A_157 = arith.constant 3 : i32
        %add3A_158 = arith.addi %add3A_156, %add3A_157 : i32
        %dma_start3A_159 = arith.constant 0 : i32
        %dma_start3A_160 = tpu.memref_slice %arg4[%add3A, %add3A_158, %dma_start3A_159] : memref<32x140x72xi32, #tpu.memory_space<hbm>> -> memref<1x1x72xi32, #tpu.memory_space<hbm>>
        %dma_start3A_161 = tpu.memref_squeeze %dma_start3A_160 : memref<1x1x72xi32, #tpu.memory_space<hbm>> -> memref<72xi32, #tpu.memory_space<hbm>>
        %dma_start3A_162 = arith.constant 0 : i32
        %dma_start3A_163 = tpu.memref_slice %arg4[%add3A, %add3A_158, %dma_start3A_162] : memref<32x140x72xi32, #tpu.memory_space<hbm>> -> memref<1x1x72xi32, #tpu.memory_space<hbm>>
        %dma_start3A_164 = tpu.memref_squeeze %dma_start3A_163 : memref<1x1x72xi32, #tpu.memory_space<hbm>> -> memref<72xi32, #tpu.memory_space<hbm>>
        tpu.enqueue_dma source(%dma_start3A_164 : memref<72xi32, #tpu.memory_space<hbm>>) target(%arg9 : memref<72xi32, #tpu.memory_space<vmem>>) target_semaphore(%arg21 : memref<!tpu.dma_semaphore, #tpu.memory_space<semaphore_mem>>)
      } else {
      }
      %add3A_104 = arith.constant 2 : i32
      %add3A_105 = arith.addi %add3A_48, %add3A_104 : i32
      %dma_wait3A_106 = arith.constant 0 : i32
      %dma_wait3A_107 = tpu.memref_slice %arg4[%add3A, %add3A_105, %dma_wait3A_106] : memref<32x140x72xi32, #tpu.memory_space<hbm>> -> memref<1x1x72xi32, #tpu.memory_space<hbm>>
      %dma_wait3A_108 = tpu.memref_squeeze %dma_wait3A_107 : memref<1x1x72xi32, #tpu.memory_space<hbm>> -> memref<72xi32, #tpu.memory_space<hbm>>
      %dma_wait3A_109 = arith.constant 0 : i32
      %dma_wait3A_110 = tpu.memref_slice %arg4[%add3A, %add3A_105, %dma_wait3A_109] : memref<32x140x72xi32, #tpu.memory_space<hbm>> -> memref<1x1x72xi32, #tpu.memory_space<hbm>>
      %dma_wait3A_111 = tpu.memref_squeeze %dma_wait3A_110 : memref<1x1x72xi32, #tpu.memory_space<hbm>> -> memref<72xi32, #tpu.memory_space<hbm>>
      tpu.wait_dma2 semaphore(%arg22 : memref<!tpu.dma_semaphore, #tpu.memory_space<semaphore_mem>>) src(%dma_wait3A_111 : memref<72xi32, #tpu.memory_space<hbm>>) dst(%arg10 : memref<72xi32, #tpu.memory_space<vmem>>)
      %add3A_112 = arith.constant 2 : i32
      %add3A_113 = arith.addi %add3A_48, %add3A_112 : i32
      %mul3A_114 = arith.constant 72 : i32
      %mul3A_115 = arith.muli %add3A_113, %mul3A_114 : i32
      %dma_wait3A_116 = tpu.memref_slice %arg7[%mul3A_115] : memref<10080xi32, #tpu.memory_space<vmem>> -> memref<72xi32, #tpu.memory_space<vmem>>
      %dma_wait3A_117 = arith.constant 0 : i32
      %dma_wait3A_118 = arith.constant 0 : i32
      %dma_wait3A_119 = tpu.memref_slice %arg2[%dma_wait3A_117, %dma_wait3A_118] : memref<10000x128xf32, #tpu.memory_space<hbm>> -> memref<10000x128xf32, #tpu.memory_space<hbm>>
      tpu.wait_indirect_dma semaphore(%arg18 : memref<!tpu.dma_semaphore, #tpu.memory_space<semaphore_mem>>) src(%dma_wait3A_119 : memref<10000x128xf32, #tpu.memory_space<hbm>>) dst(%arg14 : memref<72x128xf32, #tpu.memory_space<vmem>>)
      "tpu.region"() ({
        %run_scoped3A = tpu.sem_alloc : memref<!tpu.dma_semaphore, #tpu.memory_space<semaphore_mem>>
        %dma_start3A_145 = arith.constant 0 : i32
        %dma_start3A_146 = arith.constant 0 : i32
        %dma_start3A_147 = tpu.memref_slice %arg24[%dma_start3A_145, %dma_start3A_146] : memref<10112x128xf32, #tpu.memory_space<vmem_shared>> -> memref<10112x128xf32, #tpu.memory_space<vmem_shared>>
        tpu.enqueue_indirect_dma source(%arg14 : memref<72x128xf32, #tpu.memory_space<vmem>>) target(%dma_start3A_147 : memref<10112x128xf32, #tpu.memory_space<vmem_shared>>) offsets(%arg10 : memref<72xi32, #tpu.memory_space<vmem>>) semaphore(%run_scoped3A : memref<!tpu.dma_semaphore, #tpu.memory_space<semaphore_mem>>) {add = true}
        %dma_wait3A_148 = arith.constant 0 : i32
        %dma_wait3A_149 = arith.constant 0 : i32
        %dma_wait3A_150 = tpu.memref_slice %arg24[%dma_wait3A_148, %dma_wait3A_149] : memref<10112x128xf32, #tpu.memory_space<vmem_shared>> -> memref<10112x128xf32, #tpu.memory_space<vmem_shared>>
        tpu.wait_indirect_dma semaphore(%run_scoped3A : memref<!tpu.dma_semaphore, #tpu.memory_space<semaphore_mem>>) src(%arg14 : memref<72x128xf32, #tpu.memory_space<vmem>>) dst(%dma_wait3A_150 : memref<10112x128xf32, #tpu.memory_space<vmem_shared>>)
        tpu.yield
      }) : () -> ()
      %add3A_120 = arith.constant 3 : i32
      %add3A_121 = arith.addi %add3A_48, %add3A_120 : i32
      %add3A_122 = arith.constant 3 : i32
      %add3A_123 = arith.addi %add3A_121, %add3A_122 : i32
      %lt3A_124 = arith.constant 140 : i32
      %lt3A_125 = arith.cmpi slt, %add3A_123, %lt3A_124 : i32
      %convert_element_type3A_126 = arith.extui %lt3A_125 : i1 to i32
      %cond3A_127 = arith.constant 0 : i32
      %cond3A_128 = arith.cmpi ne, %convert_element_type3A_126, %cond3A_127 : i32
      scf.if %cond3A_128 {
        %add3A_145 = arith.constant 3 : i32
        %add3A_146 = arith.addi %add3A_48, %add3A_145 : i32
        %add3A_147 = arith.constant 3 : i32
        %add3A_148 = arith.addi %add3A_146, %add3A_147 : i32
        %mul3A_149 = arith.constant 72 : i32
        %mul3A_150 = arith.muli %add3A_148, %mul3A_149 : i32
        %dma_start3A_151 = tpu.memref_slice %arg7[%mul3A_150] : memref<10080xi32, #tpu.memory_space<vmem>> -> memref<72xi32, #tpu.memory_space<vmem>>
        %dma_start3A_152 = arith.constant 0 : i32
        %dma_start3A_153 = arith.constant 0 : i32
        %dma_start3A_154 = tpu.memref_slice %arg2[%dma_start3A_152, %dma_start3A_153] : memref<10000x128xf32, #tpu.memory_space<hbm>> -> memref<10000x128xf32, #tpu.memory_space<hbm>>
        tpu.enqueue_indirect_dma source(%dma_start3A_154 : memref<10000x128xf32, #tpu.memory_space<hbm>>) target(%arg14 : memref<72x128xf32, #tpu.memory_space<vmem>>) offsets(%dma_start3A_151 : memref<72xi32, #tpu.memory_space<vmem>>) semaphore(%arg18 : memref<!tpu.dma_semaphore, #tpu.memory_space<semaphore_mem>>)
        %add3A_155 = arith.constant 3 : i32
        %add3A_156 = arith.addi %add3A_48, %add3A_155 : i32
        %add3A_157 = arith.constant 3 : i32
        %add3A_158 = arith.addi %add3A_156, %add3A_157 : i32
        %dma_start3A_159 = arith.constant 0 : i32
        %dma_start3A_160 = tpu.memref_slice %arg4[%add3A, %add3A_158, %dma_start3A_159] : memref<32x140x72xi32, #tpu.memory_space<hbm>> -> memref<1x1x72xi32, #tpu.memory_space<hbm>>
        %dma_start3A_161 = tpu.memref_squeeze %dma_start3A_160 : memref<1x1x72xi32, #tpu.memory_space<hbm>> -> memref<72xi32, #tpu.memory_space<hbm>>
        %dma_start3A_162 = arith.constant 0 : i32
        %dma_start3A_163 = tpu.memref_slice %arg4[%add3A, %add3A_158, %dma_start3A_162] : memref<32x140x72xi32, #tpu.memory_space<hbm>> -> memref<1x1x72xi32, #tpu.memory_space<hbm>>
        %dma_start3A_164 = tpu.memref_squeeze %dma_start3A_163 : memref<1x1x72xi32, #tpu.memory_space<hbm>> -> memref<72xi32, #tpu.memory_space<hbm>>
        tpu.enqueue_dma source(%dma_start3A_164 : memref<72xi32, #tpu.memory_space<hbm>>) target(%arg10 : memref<72xi32, #tpu.memory_space<vmem>>) target_semaphore(%arg22 : memref<!tpu.dma_semaphore, #tpu.memory_space<semaphore_mem>>)
      } else {
      }
      %add3A_129 = arith.constant 3 : i32
      %add3A_130 = arith.addi %add3A_48, %add3A_129 : i32
      %dma_wait3A_131 = arith.constant 0 : i32
      %dma_wait3A_132 = tpu.memref_slice %arg4[%add3A, %add3A_130, %dma_wait3A_131] : memref<32x140x72xi32, #tpu.memory_space<hbm>> -> memref<1x1x72xi32, #tpu.memory_space<hbm>>
      %dma_wait3A_133 = tpu.memref_squeeze %dma_wait3A_132 : memref<1x1x72xi32, #tpu.memory_space<hbm>> -> memref<72xi32, #tpu.memory_space<hbm>>
      %dma_wait3A_134 = arith.constant 0 : i32
      %dma_wait3A_135 = tpu.memref_slice %arg4[%add3A, %add3A_130, %dma_wait3A_134] : memref<32x140x72xi32, #tpu.memory_space<hbm>> -> memref<1x1x72xi32, #tpu.memory_space<hbm>>
      %dma_wait3A_136 = tpu.memref_squeeze %dma_wait3A_135 : memref<1x1x72xi32, #tpu.memory_space<hbm>> -> memref<72xi32, #tpu.memory_space<hbm>>
      tpu.wait_dma2 semaphore(%arg23 : memref<!tpu.dma_semaphore, #tpu.memory_space<semaphore_mem>>) src(%dma_wait3A_136 : memref<72xi32, #tpu.memory_space<hbm>>) dst(%arg11 : memref<72xi32, #tpu.memory_space<vmem>>)
      %add3A_137 = arith.constant 3 : i32
      %add3A_138 = arith.addi %add3A_48, %add3A_137 : i32
      %mul3A_139 = arith.constant 72 : i32
      %mul3A_140 = arith.muli %add3A_138, %mul3A_139 : i32
      %dma_wait3A_141 = tpu.memref_slice %arg7[%mul3A_140] : memref<10080xi32, #tpu.memory_space<vmem>> -> memref<72xi32, #tpu.memory_space<vmem>>
      %dma_wait3A_142 = arith.constant 0 : i32
      %dma_wait3A_143 = arith.constant 0 : i32
      %dma_wait3A_144 = tpu.memref_slice %arg2[%dma_wait3A_142, %dma_wait3A_143] : memref<10000x128xf32, #tpu.memory_space<hbm>> -> memref<10000x128xf32, #tpu.memory_space<hbm>>
      tpu.wait_indirect_dma semaphore(%arg19 : memref<!tpu.dma_semaphore, #tpu.memory_space<semaphore_mem>>) src(%dma_wait3A_144 : memref<10000x128xf32, #tpu.memory_space<hbm>>) dst(%arg15 : memref<72x128xf32, #tpu.memory_space<vmem>>)
      "tpu.region"() ({
        %run_scoped3A = tpu.sem_alloc : memref<!tpu.dma_semaphore, #tpu.memory_space<semaphore_mem>>
        %dma_start3A_145 = arith.constant 0 : i32
        %dma_start3A_146 = arith.constant 0 : i32
        %dma_start3A_147 = tpu.memref_slice %arg24[%dma_start3A_145, %dma_start3A_146] : memref<10112x128xf32, #tpu.memory_space<vmem_shared>> -> memref<10112x128xf32, #tpu.memory_space<vmem_shared>>
        tpu.enqueue_indirect_dma source(%arg15 : memref<72x128xf32, #tpu.memory_space<vmem>>) target(%dma_start3A_147 : memref<10112x128xf32, #tpu.memory_space<vmem_shared>>) offsets(%arg11 : memref<72xi32, #tpu.memory_space<vmem>>) semaphore(%run_scoped3A : memref<!tpu.dma_semaphore, #tpu.memory_space<semaphore_mem>>) {add = true}
        %dma_wait3A_148 = arith.constant 0 : i32
        %dma_wait3A_149 = arith.constant 0 : i32
        %dma_wait3A_150 = tpu.memref_slice %arg24[%dma_wait3A_148, %dma_wait3A_149] : memref<10112x128xf32, #tpu.memory_space<vmem_shared>> -> memref<10112x128xf32, #tpu.memory_space<vmem_shared>>
        tpu.wait_indirect_dma semaphore(%run_scoped3A : memref<!tpu.dma_semaphore, #tpu.memory_space<semaphore_mem>>) src(%arg15 : memref<72x128xf32, #tpu.memory_space<vmem>>) dst(%dma_wait3A_150 : memref<10112x128xf32, #tpu.memory_space<vmem_shared>>)
        tpu.yield
      }) : () -> ()
    }
    %scan3A_41 = arith.constant 35 : i32
    %barrier3A_42 = arith.constant 0 : index
    tpu.barrier barrier_id(%barrier3A_42)
    "tpu.region"() ({
      %run_scoped3A = tpu.sem_alloc : memref<!tpu.dma_semaphore, #tpu.memory_space<semaphore_mem>>
      %dma_start3A_44 = arith.constant 0 : i32
      %dma_start3A_45 = tpu.memref_slice %arg6[%arg0, %mul3A_2, %dma_start3A_44] : memref<2x10112x128xf32, #tpu.memory_space<hbm>> -> memref<1x632x128xf32, #tpu.memory_space<hbm>>
      %dma_start3A_46 = tpu.memref_squeeze %dma_start3A_45 : memref<1x632x128xf32, #tpu.memory_space<hbm>> -> memref<632x128xf32, #tpu.memory_space<hbm>>
      %dma_start3A_47 = arith.constant 0 : i32
      %dma_start3A_48 = tpu.memref_slice %arg24[%mul3A_2, %dma_start3A_47] : memref<10112x128xf32, #tpu.memory_space<vmem_shared>> -> memref<632x128xf32, #tpu.memory_space<vmem_shared>>
      tpu.enqueue_dma source(%dma_start3A_48 : memref<632x128xf32, #tpu.memory_space<vmem_shared>>) target(%dma_start3A_46 : memref<632x128xf32, #tpu.memory_space<hbm>>) target_semaphore(%run_scoped3A : memref<!tpu.dma_semaphore, #tpu.memory_space<semaphore_mem>>)
      %dma_wait3A = arith.constant 0 : i32
      %dma_wait3A_49 = tpu.memref_slice %arg6[%arg0, %mul3A_2, %dma_wait3A] : memref<2x10112x128xf32, #tpu.memory_space<hbm>> -> memref<1x632x128xf32, #tpu.memory_space<hbm>>
      %dma_wait3A_50 = tpu.memref_squeeze %dma_wait3A_49 : memref<1x632x128xf32, #tpu.memory_space<hbm>> -> memref<632x128xf32, #tpu.memory_space<hbm>>
      %dma_wait3A_51 = arith.constant 0 : i32
      %dma_wait3A_52 = tpu.memref_slice %arg24[%mul3A_2, %dma_wait3A_51] : memref<10112x128xf32, #tpu.memory_space<vmem_shared>> -> memref<632x128xf32, #tpu.memory_space<vmem_shared>>
      tpu.wait_dma2 semaphore(%run_scoped3A : memref<!tpu.dma_semaphore, #tpu.memory_space<semaphore_mem>>) src(%dma_wait3A_52 : memref<632x128xf32, #tpu.memory_space<vmem_shared>>) dst(%dma_wait3A_50 : memref<632x128xf32, #tpu.memory_space<hbm>>)
      tpu.yield
    }) : () -> ()
    %barrier3A_43 = arith.constant 0 : index
    tpu.barrier barrier_id(%barrier3A_43)
    return
  }
}

#map = affine_map<(d0, d1) -> (0, 0)>
#map1 = affine_map<(d0, d1) -> (0, 0, 0)>
module attributes {stable_mosaic.version = 14 : i64} {
  func.func @body(%arg0: i32, %arg1: i32, %arg2: memref<10000x128xf32, #tpu.memory_space<hbm>>, %arg3: memref<10000x128xf32, #tpu.memory_space<hbm>>, %arg4: memref<32x10080xi32, #tpu.memory_space<hbm>>, %arg5: memref<32x140x72xi32, #tpu.memory_space<hbm>>, %arg6: memref<10112x128xf32, #tpu.memory_space<hbm>>, %arg7: memref<2x10112x128xf32, #tpu.memory_space<hbm>>, %arg8: memref<2x10112x128xf32, #tpu.memory_space<hbm>>, %arg9: memref<10080xi32, #tpu.memory_space<vmem>>, %arg10: memref<72xi32, #tpu.memory_space<vmem>>, %arg11: memref<72xi32, #tpu.memory_space<vmem>>, %arg12: memref<72xi32, #tpu.memory_space<vmem>>, %arg13: memref<72xi32, #tpu.memory_space<vmem>>, %arg14: memref<72x128xf32, #tpu.memory_space<vmem>>, %arg15: memref<72x128xf32, #tpu.memory_space<vmem>>, %arg16: memref<72x128xf32, #tpu.memory_space<vmem>>, %arg17: memref<72x128xf32, #tpu.memory_space<vmem>>, %arg18: memref<!tpu.dma_semaphore, #tpu.memory_space<semaphore_mem>>, %arg19: memref<!tpu.dma_semaphore, #tpu.memory_space<semaphore_mem>>, %arg20: memref<!tpu.dma_semaphore, #tpu.memory_space<semaphore_mem>>, %arg21: memref<!tpu.dma_semaphore, #tpu.memory_space<semaphore_mem>>, %arg22: memref<!tpu.dma_semaphore, #tpu.memory_space<semaphore_mem>>, %arg23: memref<!tpu.dma_semaphore, #tpu.memory_space<semaphore_mem>>, %arg24: memref<!tpu.dma_semaphore, #tpu.memory_space<semaphore_mem>>, %arg25: memref<!tpu.dma_semaphore, #tpu.memory_space<semaphore_mem>>, %arg26: memref<10112x128xf32, #tpu.memory_space<vmem_shared>>) attributes {dimension_semantics = [#tpu.dimension_semantics<core_parallel>, #tpu.dimension_semantics<subcore_parallel>], iteration_bounds = array<i64: 2, 16>, scalar_prefetch = 0 : i64, scratch_operands = 18 : i64, tpu.core_type = #tpu.core_type<sc_vector_subcore>, window_params = [{transform_indices = #map}, {transform_indices = #map}, {transform_indices = #map}, {transform_indices = #map1}, {transform_indices = #map}, {transform_indices = #map1}, {transform_indices = #map1}]} {
    %mul3A = arith.constant 2 : i32
    %mul3A_0 = arith.muli %arg1, %mul3A : i32
    %add3A = arith.addi %mul3A_0, %arg0 : i32
    %mul3A_1 = arith.constant 632 : i32
    %mul3A_2 = arith.muli %arg1, %mul3A_1 : i32
    "tpu.region"() ({
      %run_scoped3A = tpu.sem_alloc : memref<!tpu.dma_semaphore, #tpu.memory_space<semaphore_mem>>
      %dma_start3A_88 = arith.constant 0 : i32
      %dma_start3A_89 = tpu.memref_slice %arg4[%add3A, %dma_start3A_88] : memref<32x10080xi32, #tpu.memory_space<hbm>> -> memref<1x10080xi32, #tpu.memory_space<hbm>>
      %dma_start3A_90 = tpu.memref_squeeze %dma_start3A_89 : memref<1x10080xi32, #tpu.memory_space<hbm>> -> memref<10080xi32, #tpu.memory_space<hbm>>
      %dma_start3A_91 = arith.constant 0 : i32
      %dma_start3A_92 = tpu.memref_slice %arg4[%add3A, %dma_start3A_91] : memref<32x10080xi32, #tpu.memory_space<hbm>> -> memref<1x10080xi32, #tpu.memory_space<hbm>>
      %dma_start3A_93 = tpu.memref_squeeze %dma_start3A_92 : memref<1x10080xi32, #tpu.memory_space<hbm>> -> memref<10080xi32, #tpu.memory_space<hbm>>
      tpu.enqueue_dma source(%dma_start3A_93 : memref<10080xi32, #tpu.memory_space<hbm>>) target(%arg9 : memref<10080xi32, #tpu.memory_space<vmem>>) target_semaphore(%run_scoped3A : memref<!tpu.dma_semaphore, #tpu.memory_space<semaphore_mem>>)
      %dma_wait3A = arith.constant 0 : i32
      %dma_wait3A_94 = tpu.memref_slice %arg4[%add3A, %dma_wait3A] : memref<32x10080xi32, #tpu.memory_space<hbm>> -> memref<1x10080xi32, #tpu.memory_space<hbm>>
      %dma_wait3A_95 = tpu.memref_squeeze %dma_wait3A_94 : memref<1x10080xi32, #tpu.memory_space<hbm>> -> memref<10080xi32, #tpu.memory_space<hbm>>
      %dma_wait3A_96 = arith.constant 0 : i32
      %dma_wait3A_97 = tpu.memref_slice %arg4[%add3A, %dma_wait3A_96] : memref<32x10080xi32, #tpu.memory_space<hbm>> -> memref<1x10080xi32, #tpu.memory_space<hbm>>
      %dma_wait3A_98 = tpu.memref_squeeze %dma_wait3A_97 : memref<1x10080xi32, #tpu.memory_space<hbm>> -> memref<10080xi32, #tpu.memory_space<hbm>>
      tpu.wait_dma2 semaphore(%run_scoped3A : memref<!tpu.dma_semaphore, #tpu.memory_space<semaphore_mem>>) src(%dma_wait3A_98 : memref<10080xi32, #tpu.memory_space<hbm>>) dst(%arg9 : memref<10080xi32, #tpu.memory_space<vmem>>)
      tpu.yield
    }) : () -> ()
    "tpu.region"() ({
      %run_scoped3A = tpu.sem_alloc : memref<!tpu.dma_semaphore, #tpu.memory_space<semaphore_mem>>
      %dma_start3A_88 = arith.constant 0 : i32
      %dma_start3A_89 = tpu.memref_slice %arg26[%mul3A_2, %dma_start3A_88] : memref<10112x128xf32, #tpu.memory_space<vmem_shared>> -> memref<632x128xf32, #tpu.memory_space<vmem_shared>>
      %dma_start3A_90 = arith.constant 0 : i32
      %dma_start3A_91 = tpu.memref_slice %arg6[%mul3A_2, %dma_start3A_90] : memref<10112x128xf32, #tpu.memory_space<hbm>> -> memref<632x128xf32, #tpu.memory_space<hbm>>
      tpu.enqueue_dma source(%dma_start3A_91 : memref<632x128xf32, #tpu.memory_space<hbm>>) target(%dma_start3A_89 : memref<632x128xf32, #tpu.memory_space<vmem_shared>>) target_semaphore(%run_scoped3A : memref<!tpu.dma_semaphore, #tpu.memory_space<semaphore_mem>>)
      %dma_wait3A = arith.constant 0 : i32
      %dma_wait3A_92 = tpu.memref_slice %arg26[%mul3A_2, %dma_wait3A] : memref<10112x128xf32, #tpu.memory_space<vmem_shared>> -> memref<632x128xf32, #tpu.memory_space<vmem_shared>>
      %dma_wait3A_93 = arith.constant 0 : i32
      %dma_wait3A_94 = tpu.memref_slice %arg6[%mul3A_2, %dma_wait3A_93] : memref<10112x128xf32, #tpu.memory_space<hbm>> -> memref<632x128xf32, #tpu.memory_space<hbm>>
      tpu.wait_dma2 semaphore(%run_scoped3A : memref<!tpu.dma_semaphore, #tpu.memory_space<semaphore_mem>>) src(%dma_wait3A_94 : memref<632x128xf32, #tpu.memory_space<hbm>>) dst(%dma_wait3A_92 : memref<632x128xf32, #tpu.memory_space<vmem_shared>>)
      tpu.yield
    }) : () -> ()
    %barrier3A = arith.constant 0 : index
    tpu.barrier barrier_id(%barrier3A)
    %dma_start3A = arith.constant 0 : i32
    %dma_start3A_3 = tpu.memref_slice %arg9[%dma_start3A] : memref<10080xi32, #tpu.memory_space<vmem>> -> memref<72xi32, #tpu.memory_space<vmem>>
    %dma_start3A_4 = arith.constant 0 : i32
    %dma_start3A_5 = arith.constant 0 : i32
    %dma_start3A_6 = tpu.memref_slice %arg2[%dma_start3A_4, %dma_start3A_5] : memref<10000x128xf32, #tpu.memory_space<hbm>> -> memref<10000x128xf32, #tpu.memory_space<hbm>>
    tpu.enqueue_indirect_dma source(%dma_start3A_6 : memref<10000x128xf32, #tpu.memory_space<hbm>>) target(%arg14 : memref<72x128xf32, #tpu.memory_space<vmem>>) offsets(%dma_start3A_3 : memref<72xi32, #tpu.memory_space<vmem>>) semaphore(%arg18 : memref<!tpu.dma_semaphore, #tpu.memory_space<semaphore_mem>>)
    %dma_start3A_7 = arith.constant 0 : i32
    %dma_start3A_8 = arith.constant 0 : i32
    %dma_start3A_9 = tpu.memref_slice %arg5[%add3A, %dma_start3A_7, %dma_start3A_8] : memref<32x140x72xi32, #tpu.memory_space<hbm>> -> memref<1x1x72xi32, #tpu.memory_space<hbm>>
    %dma_start3A_10 = tpu.memref_squeeze %dma_start3A_9 : memref<1x1x72xi32, #tpu.memory_space<hbm>> -> memref<72xi32, #tpu.memory_space<hbm>>
    %dma_start3A_11 = arith.constant 0 : i32
    %dma_start3A_12 = tpu.memref_slice %arg5[%add3A, %dma_start3A_7, %dma_start3A_11] : memref<32x140x72xi32, #tpu.memory_space<hbm>> -> memref<1x1x72xi32, #tpu.memory_space<hbm>>
    %dma_start3A_13 = tpu.memref_squeeze %dma_start3A_12 : memref<1x1x72xi32, #tpu.memory_space<hbm>> -> memref<72xi32, #tpu.memory_space<hbm>>
    tpu.enqueue_dma source(%dma_start3A_13 : memref<72xi32, #tpu.memory_space<hbm>>) target(%arg10 : memref<72xi32, #tpu.memory_space<vmem>>) target_semaphore(%arg22 : memref<!tpu.dma_semaphore, #tpu.memory_space<semaphore_mem>>)
    %dma_start3A_14 = arith.constant 72 : i32
    %dma_start3A_15 = tpu.memref_slice %arg9[%dma_start3A_14] : memref<10080xi32, #tpu.memory_space<vmem>> -> memref<72xi32, #tpu.memory_space<vmem>>
    %dma_start3A_16 = arith.constant 0 : i32
    %dma_start3A_17 = arith.constant 0 : i32
    %dma_start3A_18 = tpu.memref_slice %arg2[%dma_start3A_16, %dma_start3A_17] : memref<10000x128xf32, #tpu.memory_space<hbm>> -> memref<10000x128xf32, #tpu.memory_space<hbm>>
    tpu.enqueue_indirect_dma source(%dma_start3A_18 : memref<10000x128xf32, #tpu.memory_space<hbm>>) target(%arg15 : memref<72x128xf32, #tpu.memory_space<vmem>>) offsets(%dma_start3A_15 : memref<72xi32, #tpu.memory_space<vmem>>) semaphore(%arg19 : memref<!tpu.dma_semaphore, #tpu.memory_space<semaphore_mem>>)
    %dma_start3A_19 = arith.constant 1 : i32
    %dma_start3A_20 = arith.constant 0 : i32
    %dma_start3A_21 = tpu.memref_slice %arg5[%add3A, %dma_start3A_19, %dma_start3A_20] : memref<32x140x72xi32, #tpu.memory_space<hbm>> -> memref<1x1x72xi32, #tpu.memory_space<hbm>>
    %dma_start3A_22 = tpu.memref_squeeze %dma_start3A_21 : memref<1x1x72xi32, #tpu.memory_space<hbm>> -> memref<72xi32, #tpu.memory_space<hbm>>
    %dma_start3A_23 = arith.constant 0 : i32
    %dma_start3A_24 = tpu.memref_slice %arg5[%add3A, %dma_start3A_19, %dma_start3A_23] : memref<32x140x72xi32, #tpu.memory_space<hbm>> -> memref<1x1x72xi32, #tpu.memory_space<hbm>>
    %dma_start3A_25 = tpu.memref_squeeze %dma_start3A_24 : memref<1x1x72xi32, #tpu.memory_space<hbm>> -> memref<72xi32, #tpu.memory_space<hbm>>
    tpu.enqueue_dma source(%dma_start3A_25 : memref<72xi32, #tpu.memory_space<hbm>>) target(%arg11 : memref<72xi32, #tpu.memory_space<vmem>>) target_semaphore(%arg23 : memref<!tpu.dma_semaphore, #tpu.memory_space<semaphore_mem>>)
    %dma_start3A_26 = arith.constant 144 : i32
    %dma_start3A_27 = tpu.memref_slice %arg9[%dma_start3A_26] : memref<10080xi32, #tpu.memory_space<vmem>> -> memref<72xi32, #tpu.memory_space<vmem>>
    %dma_start3A_28 = arith.constant 0 : i32
    %dma_start3A_29 = arith.constant 0 : i32
    %dma_start3A_30 = tpu.memref_slice %arg2[%dma_start3A_28, %dma_start3A_29] : memref<10000x128xf32, #tpu.memory_space<hbm>> -> memref<10000x128xf32, #tpu.memory_space<hbm>>
    tpu.enqueue_indirect_dma source(%dma_start3A_30 : memref<10000x128xf32, #tpu.memory_space<hbm>>) target(%arg16 : memref<72x128xf32, #tpu.memory_space<vmem>>) offsets(%dma_start3A_27 : memref<72xi32, #tpu.memory_space<vmem>>) semaphore(%arg20 : memref<!tpu.dma_semaphore, #tpu.memory_space<semaphore_mem>>)
    %dma_start3A_31 = arith.constant 2 : i32
    %dma_start3A_32 = arith.constant 0 : i32
    %dma_start3A_33 = tpu.memref_slice %arg5[%add3A, %dma_start3A_31, %dma_start3A_32] : memref<32x140x72xi32, #tpu.memory_space<hbm>> -> memref<1x1x72xi32, #tpu.memory_space<hbm>>
    %dma_start3A_34 = tpu.memref_squeeze %dma_start3A_33 : memref<1x1x72xi32, #tpu.memory_space<hbm>> -> memref<72xi32, #tpu.memory_space<hbm>>
    %dma_start3A_35 = arith.constant 0 : i32
    %dma_start3A_36 = tpu.memref_slice %arg5[%add3A, %dma_start3A_31, %dma_start3A_35] : memref<32x140x72xi32, #tpu.memory_space<hbm>> -> memref<1x1x72xi32, #tpu.memory_space<hbm>>
    %dma_start3A_37 = tpu.memref_squeeze %dma_start3A_36 : memref<1x1x72xi32, #tpu.memory_space<hbm>> -> memref<72xi32, #tpu.memory_space<hbm>>
    tpu.enqueue_dma source(%dma_start3A_37 : memref<72xi32, #tpu.memory_space<hbm>>) target(%arg12 : memref<72xi32, #tpu.memory_space<vmem>>) target_semaphore(%arg24 : memref<!tpu.dma_semaphore, #tpu.memory_space<semaphore_mem>>)
    %scan3A = arith.constant 0 : i32
    %scan3A_38 = arith.constant 35 : i32
    %scan3A_39 = arith.addi %scan3A, %scan3A_38 : i32
    %scan3A_40 = arith.constant 1 : i32
    scf.for %scan3A_88 = %scan3A to %scan3A_39 step %scan3A_40  : i32 {
      %mul3A_89 = arith.constant 4 : i32
      %mul3A_90 = arith.muli %scan3A_88, %mul3A_89 : i32
      %add3A_91 = arith.constant 0 : i32
      %add3A_92 = arith.addi %add3A_91, %mul3A_90 : i32
      %add3A_93 = arith.constant 0 : i32
      %add3A_94 = arith.addi %add3A_92, %add3A_93 : i32
      %add3A_95 = arith.constant 3 : i32
      %add3A_96 = arith.addi %add3A_94, %add3A_95 : i32
      %lt3A = arith.constant 140 : i32
      %lt3A_97 = arith.cmpi slt, %add3A_96, %lt3A : i32
      %convert_element_type3A = arith.extui %lt3A_97 : i1 to i32
      %cond3A = arith.constant 0 : i32
      %cond3A_98 = arith.cmpi ne, %convert_element_type3A, %cond3A : i32
      scf.if %cond3A_98 {
        %add3A_189 = arith.constant 0 : i32
        %add3A_190 = arith.addi %add3A_92, %add3A_189 : i32
        %add3A_191 = arith.constant 3 : i32
        %add3A_192 = arith.addi %add3A_190, %add3A_191 : i32
        %mul3A_193 = arith.constant 72 : i32
        %mul3A_194 = arith.muli %add3A_192, %mul3A_193 : i32
        %dma_start3A_195 = tpu.memref_slice %arg9[%mul3A_194] : memref<10080xi32, #tpu.memory_space<vmem>> -> memref<72xi32, #tpu.memory_space<vmem>>
        %dma_start3A_196 = arith.constant 0 : i32
        %dma_start3A_197 = arith.constant 0 : i32
        %dma_start3A_198 = tpu.memref_slice %arg2[%dma_start3A_196, %dma_start3A_197] : memref<10000x128xf32, #tpu.memory_space<hbm>> -> memref<10000x128xf32, #tpu.memory_space<hbm>>
        tpu.enqueue_indirect_dma source(%dma_start3A_198 : memref<10000x128xf32, #tpu.memory_space<hbm>>) target(%arg17 : memref<72x128xf32, #tpu.memory_space<vmem>>) offsets(%dma_start3A_195 : memref<72xi32, #tpu.memory_space<vmem>>) semaphore(%arg21 : memref<!tpu.dma_semaphore, #tpu.memory_space<semaphore_mem>>)
        %add3A_199 = arith.constant 0 : i32
        %add3A_200 = arith.addi %add3A_92, %add3A_199 : i32
        %add3A_201 = arith.constant 3 : i32
        %add3A_202 = arith.addi %add3A_200, %add3A_201 : i32
        %dma_start3A_203 = arith.constant 0 : i32
        %dma_start3A_204 = tpu.memref_slice %arg5[%add3A, %add3A_202, %dma_start3A_203] : memref<32x140x72xi32, #tpu.memory_space<hbm>> -> memref<1x1x72xi32, #tpu.memory_space<hbm>>
        %dma_start3A_205 = tpu.memref_squeeze %dma_start3A_204 : memref<1x1x72xi32, #tpu.memory_space<hbm>> -> memref<72xi32, #tpu.memory_space<hbm>>
        %dma_start3A_206 = arith.constant 0 : i32
        %dma_start3A_207 = tpu.memref_slice %arg5[%add3A, %add3A_202, %dma_start3A_206] : memref<32x140x72xi32, #tpu.memory_space<hbm>> -> memref<1x1x72xi32, #tpu.memory_space<hbm>>
        %dma_start3A_208 = tpu.memref_squeeze %dma_start3A_207 : memref<1x1x72xi32, #tpu.memory_space<hbm>> -> memref<72xi32, #tpu.memory_space<hbm>>
        tpu.enqueue_dma source(%dma_start3A_208 : memref<72xi32, #tpu.memory_space<hbm>>) target(%arg13 : memref<72xi32, #tpu.memory_space<vmem>>) target_semaphore(%arg25 : memref<!tpu.dma_semaphore, #tpu.memory_space<semaphore_mem>>)
      } else {
      }
      %add3A_99 = arith.constant 0 : i32
      %add3A_100 = arith.addi %add3A_92, %add3A_99 : i32
      %dma_wait3A = arith.constant 0 : i32
      %dma_wait3A_101 = tpu.memref_slice %arg5[%add3A, %add3A_100, %dma_wait3A] : memref<32x140x72xi32, #tpu.memory_space<hbm>> -> memref<1x1x72xi32, #tpu.memory_space<hbm>>
      %dma_wait3A_102 = tpu.memref_squeeze %dma_wait3A_101 : memref<1x1x72xi32, #tpu.memory_space<hbm>> -> memref<72xi32, #tpu.memory_space<hbm>>
      %dma_wait3A_103 = arith.constant 0 : i32
      %dma_wait3A_104 = tpu.memref_slice %arg5[%add3A, %add3A_100, %dma_wait3A_103] : memref<32x140x72xi32, #tpu.memory_space<hbm>> -> memref<1x1x72xi32, #tpu.memory_space<hbm>>
      %dma_wait3A_105 = tpu.memref_squeeze %dma_wait3A_104 : memref<1x1x72xi32, #tpu.memory_space<hbm>> -> memref<72xi32, #tpu.memory_space<hbm>>
      tpu.wait_dma2 semaphore(%arg22 : memref<!tpu.dma_semaphore, #tpu.memory_space<semaphore_mem>>) src(%dma_wait3A_105 : memref<72xi32, #tpu.memory_space<hbm>>) dst(%arg10 : memref<72xi32, #tpu.memory_space<vmem>>)
      %add3A_106 = arith.constant 0 : i32
      %add3A_107 = arith.addi %add3A_92, %add3A_106 : i32
      %mul3A_108 = arith.constant 72 : i32
      %mul3A_109 = arith.muli %add3A_107, %mul3A_108 : i32
      %dma_wait3A_110 = tpu.memref_slice %arg9[%mul3A_109] : memref<10080xi32, #tpu.memory_space<vmem>> -> memref<72xi32, #tpu.memory_space<vmem>>
      %dma_wait3A_111 = arith.constant 0 : i32
      %dma_wait3A_112 = arith.constant 0 : i32
      %dma_wait3A_113 = tpu.memref_slice %arg2[%dma_wait3A_111, %dma_wait3A_112] : memref<10000x128xf32, #tpu.memory_space<hbm>> -> memref<10000x128xf32, #tpu.memory_space<hbm>>
      tpu.wait_indirect_dma semaphore(%arg18 : memref<!tpu.dma_semaphore, #tpu.memory_space<semaphore_mem>>) src(%dma_wait3A_113 : memref<10000x128xf32, #tpu.memory_space<hbm>>) dst(%arg14 : memref<72x128xf32, #tpu.memory_space<vmem>>)
      "tpu.region"() ({
        %run_scoped3A = tpu.sem_alloc : memref<!tpu.dma_semaphore, #tpu.memory_space<semaphore_mem>>
        %dma_start3A_189 = arith.constant 0 : i32
        %dma_start3A_190 = arith.constant 0 : i32
        %dma_start3A_191 = tpu.memref_slice %arg26[%dma_start3A_189, %dma_start3A_190] : memref<10112x128xf32, #tpu.memory_space<vmem_shared>> -> memref<10112x128xf32, #tpu.memory_space<vmem_shared>>
        tpu.enqueue_indirect_dma source(%arg14 : memref<72x128xf32, #tpu.memory_space<vmem>>) target(%dma_start3A_191 : memref<10112x128xf32, #tpu.memory_space<vmem_shared>>) offsets(%arg10 : memref<72xi32, #tpu.memory_space<vmem>>) semaphore(%run_scoped3A : memref<!tpu.dma_semaphore, #tpu.memory_space<semaphore_mem>>) {add = true}
        %dma_wait3A_192 = arith.constant 0 : i32
        %dma_wait3A_193 = arith.constant 0 : i32
        %dma_wait3A_194 = tpu.memref_slice %arg26[%dma_wait3A_192, %dma_wait3A_193] : memref<10112x128xf32, #tpu.memory_space<vmem_shared>> -> memref<10112x128xf32, #tpu.memory_space<vmem_shared>>
        tpu.wait_indirect_dma semaphore(%run_scoped3A : memref<!tpu.dma_semaphore, #tpu.memory_space<semaphore_mem>>) src(%arg14 : memref<72x128xf32, #tpu.memory_space<vmem>>) dst(%dma_wait3A_194 : memref<10112x128xf32, #tpu.memory_space<vmem_shared>>)
        tpu.yield
      }) : () -> ()
      %add3A_114 = arith.constant 1 : i32
      %add3A_115 = arith.addi %add3A_92, %add3A_114 : i32
      %add3A_116 = arith.constant 3 : i32
      %add3A_117 = arith.addi %add3A_115, %add3A_116 : i32
      %lt3A_118 = arith.constant 140 : i32
      %lt3A_119 = arith.cmpi slt, %add3A_117, %lt3A_118 : i32
      %convert_element_type3A_120 = arith.extui %lt3A_119 : i1 to i32
      %cond3A_121 = arith.constant 0 : i32
      %cond3A_122 = arith.cmpi ne, %convert_element_type3A_120, %cond3A_121 : i32
      scf.if %cond3A_122 {
        %add3A_189 = arith.constant 1 : i32
        %add3A_190 = arith.addi %add3A_92, %add3A_189 : i32
        %add3A_191 = arith.constant 3 : i32
        %add3A_192 = arith.addi %add3A_190, %add3A_191 : i32
        %mul3A_193 = arith.constant 72 : i32
        %mul3A_194 = arith.muli %add3A_192, %mul3A_193 : i32
        %dma_start3A_195 = tpu.memref_slice %arg9[%mul3A_194] : memref<10080xi32, #tpu.memory_space<vmem>> -> memref<72xi32, #tpu.memory_space<vmem>>
        %dma_start3A_196 = arith.constant 0 : i32
        %dma_start3A_197 = arith.constant 0 : i32
        %dma_start3A_198 = tpu.memref_slice %arg2[%dma_start3A_196, %dma_start3A_197] : memref<10000x128xf32, #tpu.memory_space<hbm>> -> memref<10000x128xf32, #tpu.memory_space<hbm>>
        tpu.enqueue_indirect_dma source(%dma_start3A_198 : memref<10000x128xf32, #tpu.memory_space<hbm>>) target(%arg14 : memref<72x128xf32, #tpu.memory_space<vmem>>) offsets(%dma_start3A_195 : memref<72xi32, #tpu.memory_space<vmem>>) semaphore(%arg18 : memref<!tpu.dma_semaphore, #tpu.memory_space<semaphore_mem>>)
        %add3A_199 = arith.constant 1 : i32
        %add3A_200 = arith.addi %add3A_92, %add3A_199 : i32
        %add3A_201 = arith.constant 3 : i32
        %add3A_202 = arith.addi %add3A_200, %add3A_201 : i32
        %dma_start3A_203 = arith.constant 0 : i32
        %dma_start3A_204 = tpu.memref_slice %arg5[%add3A, %add3A_202, %dma_start3A_203] : memref<32x140x72xi32, #tpu.memory_space<hbm>> -> memref<1x1x72xi32, #tpu.memory_space<hbm>>
        %dma_start3A_205 = tpu.memref_squeeze %dma_start3A_204 : memref<1x1x72xi32, #tpu.memory_space<hbm>> -> memref<72xi32, #tpu.memory_space<hbm>>
        %dma_start3A_206 = arith.constant 0 : i32
        %dma_start3A_207 = tpu.memref_slice %arg5[%add3A, %add3A_202, %dma_start3A_206] : memref<32x140x72xi32, #tpu.memory_space<hbm>> -> memref<1x1x72xi32, #tpu.memory_space<hbm>>
        %dma_start3A_208 = tpu.memref_squeeze %dma_start3A_207 : memref<1x1x72xi32, #tpu.memory_space<hbm>> -> memref<72xi32, #tpu.memory_space<hbm>>
        tpu.enqueue_dma source(%dma_start3A_208 : memref<72xi32, #tpu.memory_space<hbm>>) target(%arg10 : memref<72xi32, #tpu.memory_space<vmem>>) target_semaphore(%arg22 : memref<!tpu.dma_semaphore, #tpu.memory_space<semaphore_mem>>)
      } else {
      }
      %add3A_123 = arith.constant 1 : i32
      %add3A_124 = arith.addi %add3A_92, %add3A_123 : i32
      %dma_wait3A_125 = arith.constant 0 : i32
      %dma_wait3A_126 = tpu.memref_slice %arg5[%add3A, %add3A_124, %dma_wait3A_125] : memref<32x140x72xi32, #tpu.memory_space<hbm>> -> memref<1x1x72xi32, #tpu.memory_space<hbm>>
      %dma_wait3A_127 = tpu.memref_squeeze %dma_wait3A_126 : memref<1x1x72xi32, #tpu.memory_space<hbm>> -> memref<72xi32, #tpu.memory_space<hbm>>
      %dma_wait3A_128 = arith.constant 0 : i32
      %dma_wait3A_129 = tpu.memref_slice %arg5[%add3A, %add3A_124, %dma_wait3A_128] : memref<32x140x72xi32, #tpu.memory_space<hbm>> -> memref<1x1x72xi32, #tpu.memory_space<hbm>>
      %dma_wait3A_130 = tpu.memref_squeeze %dma_wait3A_129 : memref<1x1x72xi32, #tpu.memory_space<hbm>> -> memref<72xi32, #tpu.memory_space<hbm>>
      tpu.wait_dma2 semaphore(%arg23 : memref<!tpu.dma_semaphore, #tpu.memory_space<semaphore_mem>>) src(%dma_wait3A_130 : memref<72xi32, #tpu.memory_space<hbm>>) dst(%arg11 : memref<72xi32, #tpu.memory_space<vmem>>)
      %add3A_131 = arith.constant 1 : i32
      %add3A_132 = arith.addi %add3A_92, %add3A_131 : i32
      %mul3A_133 = arith.constant 72 : i32
      %mul3A_134 = arith.muli %add3A_132, %mul3A_133 : i32
      %dma_wait3A_135 = tpu.memref_slice %arg9[%mul3A_134] : memref<10080xi32, #tpu.memory_space<vmem>> -> memref<72xi32, #tpu.memory_space<vmem>>
      %dma_wait3A_136 = arith.constant 0 : i32
      %dma_wait3A_137 = arith.constant 0 : i32
      %dma_wait3A_138 = tpu.memref_slice %arg2[%dma_wait3A_136, %dma_wait3A_137] : memref<10000x128xf32, #tpu.memory_space<hbm>> -> memref<10000x128xf32, #tpu.memory_space<hbm>>
      tpu.wait_indirect_dma semaphore(%arg19 : memref<!tpu.dma_semaphore, #tpu.memory_space<semaphore_mem>>) src(%dma_wait3A_138 : memref<10000x128xf32, #tpu.memory_space<hbm>>) dst(%arg15 : memref<72x128xf32, #tpu.memory_space<vmem>>)
      "tpu.region"() ({
        %run_scoped3A = tpu.sem_alloc : memref<!tpu.dma_semaphore, #tpu.memory_space<semaphore_mem>>
        %dma_start3A_189 = arith.constant 0 : i32
        %dma_start3A_190 = arith.constant 0 : i32
        %dma_start3A_191 = tpu.memref_slice %arg26[%dma_start3A_189, %dma_start3A_190] : memref<10112x128xf32, #tpu.memory_space<vmem_shared>> -> memref<10112x128xf32, #tpu.memory_space<vmem_shared>>
        tpu.enqueue_indirect_dma source(%arg15 : memref<72x128xf32, #tpu.memory_space<vmem>>) target(%dma_start3A_191 : memref<10112x128xf32, #tpu.memory_space<vmem_shared>>) offsets(%arg11 : memref<72xi32, #tpu.memory_space<vmem>>) semaphore(%run_scoped3A : memref<!tpu.dma_semaphore, #tpu.memory_space<semaphore_mem>>) {add = true}
        %dma_wait3A_192 = arith.constant 0 : i32
        %dma_wait3A_193 = arith.constant 0 : i32
        %dma_wait3A_194 = tpu.memref_slice %arg26[%dma_wait3A_192, %dma_wait3A_193] : memref<10112x128xf32, #tpu.memory_space<vmem_shared>> -> memref<10112x128xf32, #tpu.memory_space<vmem_shared>>
        tpu.wait_indirect_dma semaphore(%run_scoped3A : memref<!tpu.dma_semaphore, #tpu.memory_space<semaphore_mem>>) src(%arg15 : memref<72x128xf32, #tpu.memory_space<vmem>>) dst(%dma_wait3A_194 : memref<10112x128xf32, #tpu.memory_space<vmem_shared>>)
        tpu.yield
      }) : () -> ()
      %add3A_139 = arith.constant 2 : i32
      %add3A_140 = arith.addi %add3A_92, %add3A_139 : i32
      %add3A_141 = arith.constant 3 : i32
      %add3A_142 = arith.addi %add3A_140, %add3A_141 : i32
      %lt3A_143 = arith.constant 140 : i32
      %lt3A_144 = arith.cmpi slt, %add3A_142, %lt3A_143 : i32
      %convert_element_type3A_145 = arith.extui %lt3A_144 : i1 to i32
      %cond3A_146 = arith.constant 0 : i32
      %cond3A_147 = arith.cmpi ne, %convert_element_type3A_145, %cond3A_146 : i32
      scf.if %cond3A_147 {
        %add3A_189 = arith.constant 2 : i32
        %add3A_190 = arith.addi %add3A_92, %add3A_189 : i32
        %add3A_191 = arith.constant 3 : i32
        %add3A_192 = arith.addi %add3A_190, %add3A_191 : i32
        %mul3A_193 = arith.constant 72 : i32
        %mul3A_194 = arith.muli %add3A_192, %mul3A_193 : i32
        %dma_start3A_195 = tpu.memref_slice %arg9[%mul3A_194] : memref<10080xi32, #tpu.memory_space<vmem>> -> memref<72xi32, #tpu.memory_space<vmem>>
        %dma_start3A_196 = arith.constant 0 : i32
        %dma_start3A_197 = arith.constant 0 : i32
        %dma_start3A_198 = tpu.memref_slice %arg2[%dma_start3A_196, %dma_start3A_197] : memref<10000x128xf32, #tpu.memory_space<hbm>> -> memref<10000x128xf32, #tpu.memory_space<hbm>>
        tpu.enqueue_indirect_dma source(%dma_start3A_198 : memref<10000x128xf32, #tpu.memory_space<hbm>>) target(%arg15 : memref<72x128xf32, #tpu.memory_space<vmem>>) offsets(%dma_start3A_195 : memref<72xi32, #tpu.memory_space<vmem>>) semaphore(%arg19 : memref<!tpu.dma_semaphore, #tpu.memory_space<semaphore_mem>>)
        %add3A_199 = arith.constant 2 : i32
        %add3A_200 = arith.addi %add3A_92, %add3A_199 : i32
        %add3A_201 = arith.constant 3 : i32
        %add3A_202 = arith.addi %add3A_200, %add3A_201 : i32
        %dma_start3A_203 = arith.constant 0 : i32
        %dma_start3A_204 = tpu.memref_slice %arg5[%add3A, %add3A_202, %dma_start3A_203] : memref<32x140x72xi32, #tpu.memory_space<hbm>> -> memref<1x1x72xi32, #tpu.memory_space<hbm>>
        %dma_start3A_205 = tpu.memref_squeeze %dma_start3A_204 : memref<1x1x72xi32, #tpu.memory_space<hbm>> -> memref<72xi32, #tpu.memory_space<hbm>>
        %dma_start3A_206 = arith.constant 0 : i32
        %dma_start3A_207 = tpu.memref_slice %arg5[%add3A, %add3A_202, %dma_start3A_206] : memref<32x140x72xi32, #tpu.memory_space<hbm>> -> memref<1x1x72xi32, #tpu.memory_space<hbm>>
        %dma_start3A_208 = tpu.memref_squeeze %dma_start3A_207 : memref<1x1x72xi32, #tpu.memory_space<hbm>> -> memref<72xi32, #tpu.memory_space<hbm>>
        tpu.enqueue_dma source(%dma_start3A_208 : memref<72xi32, #tpu.memory_space<hbm>>) target(%arg11 : memref<72xi32, #tpu.memory_space<vmem>>) target_semaphore(%arg23 : memref<!tpu.dma_semaphore, #tpu.memory_space<semaphore_mem>>)
      } else {
      }
      %add3A_148 = arith.constant 2 : i32
      %add3A_149 = arith.addi %add3A_92, %add3A_148 : i32
      %dma_wait3A_150 = arith.constant 0 : i32
      %dma_wait3A_151 = tpu.memref_slice %arg5[%add3A, %add3A_149, %dma_wait3A_150] : memref<32x140x72xi32, #tpu.memory_space<hbm>> -> memref<1x1x72xi32, #tpu.memory_space<hbm>>
      %dma_wait3A_152 = tpu.memref_squeeze %dma_wait3A_151 : memref<1x1x72xi32, #tpu.memory_space<hbm>> -> memref<72xi32, #tpu.memory_space<hbm>>
      %dma_wait3A_153 = arith.constant 0 : i32
      %dma_wait3A_154 = tpu.memref_slice %arg5[%add3A, %add3A_149, %dma_wait3A_153] : memref<32x140x72xi32, #tpu.memory_space<hbm>> -> memref<1x1x72xi32, #tpu.memory_space<hbm>>
      %dma_wait3A_155 = tpu.memref_squeeze %dma_wait3A_154 : memref<1x1x72xi32, #tpu.memory_space<hbm>> -> memref<72xi32, #tpu.memory_space<hbm>>
      tpu.wait_dma2 semaphore(%arg24 : memref<!tpu.dma_semaphore, #tpu.memory_space<semaphore_mem>>) src(%dma_wait3A_155 : memref<72xi32, #tpu.memory_space<hbm>>) dst(%arg12 : memref<72xi32, #tpu.memory_space<vmem>>)
      %add3A_156 = arith.constant 2 : i32
      %add3A_157 = arith.addi %add3A_92, %add3A_156 : i32
      %mul3A_158 = arith.constant 72 : i32
      %mul3A_159 = arith.muli %add3A_157, %mul3A_158 : i32
      %dma_wait3A_160 = tpu.memref_slice %arg9[%mul3A_159] : memref<10080xi32, #tpu.memory_space<vmem>> -> memref<72xi32, #tpu.memory_space<vmem>>
      %dma_wait3A_161 = arith.constant 0 : i32
      %dma_wait3A_162 = arith.constant 0 : i32
      %dma_wait3A_163 = tpu.memref_slice %arg2[%dma_wait3A_161, %dma_wait3A_162] : memref<10000x128xf32, #tpu.memory_space<hbm>> -> memref<10000x128xf32, #tpu.memory_space<hbm>>
      tpu.wait_indirect_dma semaphore(%arg20 : memref<!tpu.dma_semaphore, #tpu.memory_space<semaphore_mem>>) src(%dma_wait3A_163 : memref<10000x128xf32, #tpu.memory_space<hbm>>) dst(%arg16 : memref<72x128xf32, #tpu.memory_space<vmem>>)
      "tpu.region"() ({
        %run_scoped3A = tpu.sem_alloc : memref<!tpu.dma_semaphore, #tpu.memory_space<semaphore_mem>>
        %dma_start3A_189 = arith.constant 0 : i32
        %dma_start3A_190 = arith.constant 0 : i32
        %dma_start3A_191 = tpu.memref_slice %arg26[%dma_start3A_189, %dma_start3A_190] : memref<10112x128xf32, #tpu.memory_space<vmem_shared>> -> memref<10112x128xf32, #tpu.memory_space<vmem_shared>>
        tpu.enqueue_indirect_dma source(%arg16 : memref<72x128xf32, #tpu.memory_space<vmem>>) target(%dma_start3A_191 : memref<10112x128xf32, #tpu.memory_space<vmem_shared>>) offsets(%arg12 : memref<72xi32, #tpu.memory_space<vmem>>) semaphore(%run_scoped3A : memref<!tpu.dma_semaphore, #tpu.memory_space<semaphore_mem>>) {add = true}
        %dma_wait3A_192 = arith.constant 0 : i32
        %dma_wait3A_193 = arith.constant 0 : i32
        %dma_wait3A_194 = tpu.memref_slice %arg26[%dma_wait3A_192, %dma_wait3A_193] : memref<10112x128xf32, #tpu.memory_space<vmem_shared>> -> memref<10112x128xf32, #tpu.memory_space<vmem_shared>>
        tpu.wait_indirect_dma semaphore(%run_scoped3A : memref<!tpu.dma_semaphore, #tpu.memory_space<semaphore_mem>>) src(%arg16 : memref<72x128xf32, #tpu.memory_space<vmem>>) dst(%dma_wait3A_194 : memref<10112x128xf32, #tpu.memory_space<vmem_shared>>)
        tpu.yield
      }) : () -> ()
      %add3A_164 = arith.constant 3 : i32
      %add3A_165 = arith.addi %add3A_92, %add3A_164 : i32
      %add3A_166 = arith.constant 3 : i32
      %add3A_167 = arith.addi %add3A_165, %add3A_166 : i32
      %lt3A_168 = arith.constant 140 : i32
      %lt3A_169 = arith.cmpi slt, %add3A_167, %lt3A_168 : i32
      %convert_element_type3A_170 = arith.extui %lt3A_169 : i1 to i32
      %cond3A_171 = arith.constant 0 : i32
      %cond3A_172 = arith.cmpi ne, %convert_element_type3A_170, %cond3A_171 : i32
      scf.if %cond3A_172 {
        %add3A_189 = arith.constant 3 : i32
        %add3A_190 = arith.addi %add3A_92, %add3A_189 : i32
        %add3A_191 = arith.constant 3 : i32
        %add3A_192 = arith.addi %add3A_190, %add3A_191 : i32
        %mul3A_193 = arith.constant 72 : i32
        %mul3A_194 = arith.muli %add3A_192, %mul3A_193 : i32
        %dma_start3A_195 = tpu.memref_slice %arg9[%mul3A_194] : memref<10080xi32, #tpu.memory_space<vmem>> -> memref<72xi32, #tpu.memory_space<vmem>>
        %dma_start3A_196 = arith.constant 0 : i32
        %dma_start3A_197 = arith.constant 0 : i32
        %dma_start3A_198 = tpu.memref_slice %arg2[%dma_start3A_196, %dma_start3A_197] : memref<10000x128xf32, #tpu.memory_space<hbm>> -> memref<10000x128xf32, #tpu.memory_space<hbm>>
        tpu.enqueue_indirect_dma source(%dma_start3A_198 : memref<10000x128xf32, #tpu.memory_space<hbm>>) target(%arg16 : memref<72x128xf32, #tpu.memory_space<vmem>>) offsets(%dma_start3A_195 : memref<72xi32, #tpu.memory_space<vmem>>) semaphore(%arg20 : memref<!tpu.dma_semaphore, #tpu.memory_space<semaphore_mem>>)
        %add3A_199 = arith.constant 3 : i32
        %add3A_200 = arith.addi %add3A_92, %add3A_199 : i32
        %add3A_201 = arith.constant 3 : i32
        %add3A_202 = arith.addi %add3A_200, %add3A_201 : i32
        %dma_start3A_203 = arith.constant 0 : i32
        %dma_start3A_204 = tpu.memref_slice %arg5[%add3A, %add3A_202, %dma_start3A_203] : memref<32x140x72xi32, #tpu.memory_space<hbm>> -> memref<1x1x72xi32, #tpu.memory_space<hbm>>
        %dma_start3A_205 = tpu.memref_squeeze %dma_start3A_204 : memref<1x1x72xi32, #tpu.memory_space<hbm>> -> memref<72xi32, #tpu.memory_space<hbm>>
        %dma_start3A_206 = arith.constant 0 : i32
        %dma_start3A_207 = tpu.memref_slice %arg5[%add3A, %add3A_202, %dma_start3A_206] : memref<32x140x72xi32, #tpu.memory_space<hbm>> -> memref<1x1x72xi32, #tpu.memory_space<hbm>>
        %dma_start3A_208 = tpu.memref_squeeze %dma_start3A_207 : memref<1x1x72xi32, #tpu.memory_space<hbm>> -> memref<72xi32, #tpu.memory_space<hbm>>
        tpu.enqueue_dma source(%dma_start3A_208 : memref<72xi32, #tpu.memory_space<hbm>>) target(%arg12 : memref<72xi32, #tpu.memory_space<vmem>>) target_semaphore(%arg24 : memref<!tpu.dma_semaphore, #tpu.memory_space<semaphore_mem>>)
      } else {
      }
      %add3A_173 = arith.constant 3 : i32
      %add3A_174 = arith.addi %add3A_92, %add3A_173 : i32
      %dma_wait3A_175 = arith.constant 0 : i32
      %dma_wait3A_176 = tpu.memref_slice %arg5[%add3A, %add3A_174, %dma_wait3A_175] : memref<32x140x72xi32, #tpu.memory_space<hbm>> -> memref<1x1x72xi32, #tpu.memory_space<hbm>>
      %dma_wait3A_177 = tpu.memref_squeeze %dma_wait3A_176 : memref<1x1x72xi32, #tpu.memory_space<hbm>> -> memref<72xi32, #tpu.memory_space<hbm>>
      %dma_wait3A_178 = arith.constant 0 : i32
      %dma_wait3A_179 = tpu.memref_slice %arg5[%add3A, %add3A_174, %dma_wait3A_178] : memref<32x140x72xi32, #tpu.memory_space<hbm>> -> memref<1x1x72xi32, #tpu.memory_space<hbm>>
      %dma_wait3A_180 = tpu.memref_squeeze %dma_wait3A_179 : memref<1x1x72xi32, #tpu.memory_space<hbm>> -> memref<72xi32, #tpu.memory_space<hbm>>
      tpu.wait_dma2 semaphore(%arg25 : memref<!tpu.dma_semaphore, #tpu.memory_space<semaphore_mem>>) src(%dma_wait3A_180 : memref<72xi32, #tpu.memory_space<hbm>>) dst(%arg13 : memref<72xi32, #tpu.memory_space<vmem>>)
      %add3A_181 = arith.constant 3 : i32
      %add3A_182 = arith.addi %add3A_92, %add3A_181 : i32
      %mul3A_183 = arith.constant 72 : i32
      %mul3A_184 = arith.muli %add3A_182, %mul3A_183 : i32
      %dma_wait3A_185 = tpu.memref_slice %arg9[%mul3A_184] : memref<10080xi32, #tpu.memory_space<vmem>> -> memref<72xi32, #tpu.memory_space<vmem>>
      %dma_wait3A_186 = arith.constant 0 : i32
      %dma_wait3A_187 = arith.constant 0 : i32
      %dma_wait3A_188 = tpu.memref_slice %arg2[%dma_wait3A_186, %dma_wait3A_187] : memref<10000x128xf32, #tpu.memory_space<hbm>> -> memref<10000x128xf32, #tpu.memory_space<hbm>>
      tpu.wait_indirect_dma semaphore(%arg21 : memref<!tpu.dma_semaphore, #tpu.memory_space<semaphore_mem>>) src(%dma_wait3A_188 : memref<10000x128xf32, #tpu.memory_space<hbm>>) dst(%arg17 : memref<72x128xf32, #tpu.memory_space<vmem>>)
      "tpu.region"() ({
        %run_scoped3A = tpu.sem_alloc : memref<!tpu.dma_semaphore, #tpu.memory_space<semaphore_mem>>
        %dma_start3A_189 = arith.constant 0 : i32
        %dma_start3A_190 = arith.constant 0 : i32
        %dma_start3A_191 = tpu.memref_slice %arg26[%dma_start3A_189, %dma_start3A_190] : memref<10112x128xf32, #tpu.memory_space<vmem_shared>> -> memref<10112x128xf32, #tpu.memory_space<vmem_shared>>
        tpu.enqueue_indirect_dma source(%arg17 : memref<72x128xf32, #tpu.memory_space<vmem>>) target(%dma_start3A_191 : memref<10112x128xf32, #tpu.memory_space<vmem_shared>>) offsets(%arg13 : memref<72xi32, #tpu.memory_space<vmem>>) semaphore(%run_scoped3A : memref<!tpu.dma_semaphore, #tpu.memory_space<semaphore_mem>>) {add = true}
        %dma_wait3A_192 = arith.constant 0 : i32
        %dma_wait3A_193 = arith.constant 0 : i32
        %dma_wait3A_194 = tpu.memref_slice %arg26[%dma_wait3A_192, %dma_wait3A_193] : memref<10112x128xf32, #tpu.memory_space<vmem_shared>> -> memref<10112x128xf32, #tpu.memory_space<vmem_shared>>
        tpu.wait_indirect_dma semaphore(%run_scoped3A : memref<!tpu.dma_semaphore, #tpu.memory_space<semaphore_mem>>) src(%arg17 : memref<72x128xf32, #tpu.memory_space<vmem>>) dst(%dma_wait3A_194 : memref<10112x128xf32, #tpu.memory_space<vmem_shared>>)
        tpu.yield
      }) : () -> ()
    }
    %scan3A_41 = arith.constant 35 : i32
    %barrier3A_42 = arith.constant 0 : index
    tpu.barrier barrier_id(%barrier3A_42)
    "tpu.region"() ({
      %run_scoped3A = tpu.sem_alloc : memref<!tpu.dma_semaphore, #tpu.memory_space<semaphore_mem>>
      %dma_start3A_88 = arith.constant 0 : i32
      %dma_start3A_89 = tpu.memref_slice %arg7[%arg0, %mul3A_2, %dma_start3A_88] : memref<2x10112x128xf32, #tpu.memory_space<hbm>> -> memref<1x632x128xf32, #tpu.memory_space<hbm>>
      %dma_start3A_90 = tpu.memref_squeeze %dma_start3A_89 : memref<1x632x128xf32, #tpu.memory_space<hbm>> -> memref<632x128xf32, #tpu.memory_space<hbm>>
      %dma_start3A_91 = arith.constant 0 : i32
      %dma_start3A_92 = tpu.memref_slice %arg26[%mul3A_2, %dma_start3A_91] : memref<10112x128xf32, #tpu.memory_space<vmem_shared>> -> memref<632x128xf32, #tpu.memory_space<vmem_shared>>
      tpu.enqueue_dma source(%dma_start3A_92 : memref<632x128xf32, #tpu.memory_space<vmem_shared>>) target(%dma_start3A_90 : memref<632x128xf32, #tpu.memory_space<hbm>>) target_semaphore(%run_scoped3A : memref<!tpu.dma_semaphore, #tpu.memory_space<semaphore_mem>>)
      %dma_wait3A = arith.constant 0 : i32
      %dma_wait3A_93 = tpu.memref_slice %arg7[%arg0, %mul3A_2, %dma_wait3A] : memref<2x10112x128xf32, #tpu.memory_space<hbm>> -> memref<1x632x128xf32, #tpu.memory_space<hbm>>
      %dma_wait3A_94 = tpu.memref_squeeze %dma_wait3A_93 : memref<1x632x128xf32, #tpu.memory_space<hbm>> -> memref<632x128xf32, #tpu.memory_space<hbm>>
      %dma_wait3A_95 = arith.constant 0 : i32
      %dma_wait3A_96 = tpu.memref_slice %arg26[%mul3A_2, %dma_wait3A_95] : memref<10112x128xf32, #tpu.memory_space<vmem_shared>> -> memref<632x128xf32, #tpu.memory_space<vmem_shared>>
      tpu.wait_dma2 semaphore(%run_scoped3A : memref<!tpu.dma_semaphore, #tpu.memory_space<semaphore_mem>>) src(%dma_wait3A_96 : memref<632x128xf32, #tpu.memory_space<vmem_shared>>) dst(%dma_wait3A_94 : memref<632x128xf32, #tpu.memory_space<hbm>>)
      tpu.yield
    }) : () -> ()
    %barrier3A_43 = arith.constant 0 : index
    tpu.barrier barrier_id(%barrier3A_43)
    "tpu.region"() ({
      %run_scoped3A = tpu.sem_alloc : memref<!tpu.dma_semaphore, #tpu.memory_space<semaphore_mem>>
      %dma_start3A_88 = arith.constant 0 : i32
      %dma_start3A_89 = tpu.memref_slice %arg26[%mul3A_2, %dma_start3A_88] : memref<10112x128xf32, #tpu.memory_space<vmem_shared>> -> memref<632x128xf32, #tpu.memory_space<vmem_shared>>
      %dma_start3A_90 = arith.constant 0 : i32
      %dma_start3A_91 = tpu.memref_slice %arg6[%mul3A_2, %dma_start3A_90] : memref<10112x128xf32, #tpu.memory_space<hbm>> -> memref<632x128xf32, #tpu.memory_space<hbm>>
      tpu.enqueue_dma source(%dma_start3A_91 : memref<632x128xf32, #tpu.memory_space<hbm>>) target(%dma_start3A_89 : memref<632x128xf32, #tpu.memory_space<vmem_shared>>) target_semaphore(%run_scoped3A : memref<!tpu.dma_semaphore, #tpu.memory_space<semaphore_mem>>)
      %dma_wait3A = arith.constant 0 : i32
      %dma_wait3A_92 = tpu.memref_slice %arg26[%mul3A_2, %dma_wait3A] : memref<10112x128xf32, #tpu.memory_space<vmem_shared>> -> memref<632x128xf32, #tpu.memory_space<vmem_shared>>
      %dma_wait3A_93 = arith.constant 0 : i32
      %dma_wait3A_94 = tpu.memref_slice %arg6[%mul3A_2, %dma_wait3A_93] : memref<10112x128xf32, #tpu.memory_space<hbm>> -> memref<632x128xf32, #tpu.memory_space<hbm>>
      tpu.wait_dma2 semaphore(%run_scoped3A : memref<!tpu.dma_semaphore, #tpu.memory_space<semaphore_mem>>) src(%dma_wait3A_94 : memref<632x128xf32, #tpu.memory_space<hbm>>) dst(%dma_wait3A_92 : memref<632x128xf32, #tpu.memory_space<vmem_shared>>)
      tpu.yield
    }) : () -> ()
    %barrier3A_44 = arith.constant 0 : index
    tpu.barrier barrier_id(%barrier3A_44)
    %dma_start3A_45 = arith.constant 0 : i32
    %dma_start3A_46 = tpu.memref_slice %arg9[%dma_start3A_45] : memref<10080xi32, #tpu.memory_space<vmem>> -> memref<72xi32, #tpu.memory_space<vmem>>
    %dma_start3A_47 = arith.constant 0 : i32
    %dma_start3A_48 = arith.constant 0 : i32
    %dma_start3A_49 = tpu.memref_slice %arg3[%dma_start3A_47, %dma_start3A_48] : memref<10000x128xf32, #tpu.memory_space<hbm>> -> memref<10000x128xf32, #tpu.memory_space<hbm>>
    tpu.enqueue_indirect_dma source(%dma_start3A_49 : memref<10000x128xf32, #tpu.memory_space<hbm>>) target(%arg14 : memref<72x128xf32, #tpu.memory_space<vmem>>) offsets(%dma_start3A_46 : memref<72xi32, #tpu.memory_space<vmem>>) semaphore(%arg18 : memref<!tpu.dma_semaphore, #tpu.memory_space<semaphore_mem>>)
    %dma_start3A_50 = arith.constant 0 : i32
    %dma_start3A_51 = arith.constant 0 : i32
    %dma_start3A_52 = tpu.memref_slice %arg5[%add3A, %dma_start3A_50, %dma_start3A_51] : memref<32x140x72xi32, #tpu.memory_space<hbm>> -> memref<1x1x72xi32, #tpu.memory_space<hbm>>
    %dma_start3A_53 = tpu.memref_squeeze %dma_start3A_52 : memref<1x1x72xi32, #tpu.memory_space<hbm>> -> memref<72xi32, #tpu.memory_space<hbm>>
    %dma_start3A_54 = arith.constant 0 : i32
    %dma_start3A_55 = tpu.memref_slice %arg5[%add3A, %dma_start3A_50, %dma_start3A_54] : memref<32x140x72xi32, #tpu.memory_space<hbm>> -> memref<1x1x72xi32, #tpu.memory_space<hbm>>
    %dma_start3A_56 = tpu.memref_squeeze %dma_start3A_55 : memref<1x1x72xi32, #tpu.memory_space<hbm>> -> memref<72xi32, #tpu.memory_space<hbm>>
    tpu.enqueue_dma source(%dma_start3A_56 : memref<72xi32, #tpu.memory_space<hbm>>) target(%arg10 : memref<72xi32, #tpu.memory_space<vmem>>) target_semaphore(%arg22 : memref<!tpu.dma_semaphore, #tpu.memory_space<semaphore_mem>>)
    %dma_start3A_57 = arith.constant 72 : i32
    %dma_start3A_58 = tpu.memref_slice %arg9[%dma_start3A_57] : memref<10080xi32, #tpu.memory_space<vmem>> -> memref<72xi32, #tpu.memory_space<vmem>>
    %dma_start3A_59 = arith.constant 0 : i32
    %dma_start3A_60 = arith.constant 0 : i32
    %dma_start3A_61 = tpu.memref_slice %arg3[%dma_start3A_59, %dma_start3A_60] : memref<10000x128xf32, #tpu.memory_space<hbm>> -> memref<10000x128xf32, #tpu.memory_space<hbm>>
    tpu.enqueue_indirect_dma source(%dma_start3A_61 : memref<10000x128xf32, #tpu.memory_space<hbm>>) target(%arg15 : memref<72x128xf32, #tpu.memory_space<vmem>>) offsets(%dma_start3A_58 : memref<72xi32, #tpu.memory_space<vmem>>) semaphore(%arg19 : memref<!tpu.dma_semaphore, #tpu.memory_space<semaphore_mem>>)
    %dma_start3A_62 = arith.constant 1 : i32
    %dma_start3A_63 = arith.constant 0 : i32
    %dma_start3A_64 = tpu.memref_slice %arg5[%add3A, %dma_start3A_62, %dma_start3A_63] : memref<32x140x72xi32, #tpu.memory_space<hbm>> -> memref<1x1x72xi32, #tpu.memory_space<hbm>>
    %dma_start3A_65 = tpu.memref_squeeze %dma_start3A_64 : memref<1x1x72xi32, #tpu.memory_space<hbm>> -> memref<72xi32, #tpu.memory_space<hbm>>
    %dma_start3A_66 = arith.constant 0 : i32
    %dma_start3A_67 = tpu.memref_slice %arg5[%add3A, %dma_start3A_62, %dma_start3A_66] : memref<32x140x72xi32, #tpu.memory_space<hbm>> -> memref<1x1x72xi32, #tpu.memory_space<hbm>>
    %dma_start3A_68 = tpu.memref_squeeze %dma_start3A_67 : memref<1x1x72xi32, #tpu.memory_space<hbm>> -> memref<72xi32, #tpu.memory_space<hbm>>
    tpu.enqueue_dma source(%dma_start3A_68 : memref<72xi32, #tpu.memory_space<hbm>>) target(%arg11 : memref<72xi32, #tpu.memory_space<vmem>>) target_semaphore(%arg23 : memref<!tpu.dma_semaphore, #tpu.memory_space<semaphore_mem>>)
    %dma_start3A_69 = arith.constant 144 : i32
    %dma_start3A_70 = tpu.memref_slice %arg9[%dma_start3A_69] : memref<10080xi32, #tpu.memory_space<vmem>> -> memref<72xi32, #tpu.memory_space<vmem>>
    %dma_start3A_71 = arith.constant 0 : i32
    %dma_start3A_72 = arith.constant 0 : i32
    %dma_start3A_73 = tpu.memref_slice %arg3[%dma_start3A_71, %dma_start3A_72] : memref<10000x128xf32, #tpu.memory_space<hbm>> -> memref<10000x128xf32, #tpu.memory_space<hbm>>
    tpu.enqueue_indirect_dma source(%dma_start3A_73 : memref<10000x128xf32, #tpu.memory_space<hbm>>) target(%arg16 : memref<72x128xf32, #tpu.memory_space<vmem>>) offsets(%dma_start3A_70 : memref<72xi32, #tpu.memory_space<vmem>>) semaphore(%arg20 : memref<!tpu.dma_semaphore, #tpu.memory_space<semaphore_mem>>)
    %dma_start3A_74 = arith.constant 2 : i32
    %dma_start3A_75 = arith.constant 0 : i32
    %dma_start3A_76 = tpu.memref_slice %arg5[%add3A, %dma_start3A_74, %dma_start3A_75] : memref<32x140x72xi32, #tpu.memory_space<hbm>> -> memref<1x1x72xi32, #tpu.memory_space<hbm>>
    %dma_start3A_77 = tpu.memref_squeeze %dma_start3A_76 : memref<1x1x72xi32, #tpu.memory_space<hbm>> -> memref<72xi32, #tpu.memory_space<hbm>>
    %dma_start3A_78 = arith.constant 0 : i32
    %dma_start3A_79 = tpu.memref_slice %arg5[%add3A, %dma_start3A_74, %dma_start3A_78] : memref<32x140x72xi32, #tpu.memory_space<hbm>> -> memref<1x1x72xi32, #tpu.memory_space<hbm>>
    %dma_start3A_80 = tpu.memref_squeeze %dma_start3A_79 : memref<1x1x72xi32, #tpu.memory_space<hbm>> -> memref<72xi32, #tpu.memory_space<hbm>>
    tpu.enqueue_dma source(%dma_start3A_80 : memref<72xi32, #tpu.memory_space<hbm>>) target(%arg12 : memref<72xi32, #tpu.memory_space<vmem>>) target_semaphore(%arg24 : memref<!tpu.dma_semaphore, #tpu.memory_space<semaphore_mem>>)
    %scan3A_81 = arith.constant 0 : i32
    %scan3A_82 = arith.constant 35 : i32
    %scan3A_83 = arith.addi %scan3A_81, %scan3A_82 : i32
    %scan3A_84 = arith.constant 1 : i32
    scf.for %scan3A_88 = %scan3A_81 to %scan3A_83 step %scan3A_84  : i32 {
      %mul3A_89 = arith.constant 4 : i32
      %mul3A_90 = arith.muli %scan3A_88, %mul3A_89 : i32
      %add3A_91 = arith.constant 0 : i32
      %add3A_92 = arith.addi %add3A_91, %mul3A_90 : i32
      %add3A_93 = arith.constant 0 : i32
      %add3A_94 = arith.addi %add3A_92, %add3A_93 : i32
      %add3A_95 = arith.constant 3 : i32
      %add3A_96 = arith.addi %add3A_94, %add3A_95 : i32
      %lt3A = arith.constant 140 : i32
      %lt3A_97 = arith.cmpi slt, %add3A_96, %lt3A : i32
      %convert_element_type3A = arith.extui %lt3A_97 : i1 to i32
      %cond3A = arith.constant 0 : i32
      %cond3A_98 = arith.cmpi ne, %convert_element_type3A, %cond3A : i32
      scf.if %cond3A_98 {
        %add3A_189 = arith.constant 0 : i32
        %add3A_190 = arith.addi %add3A_92, %add3A_189 : i32
        %add3A_191 = arith.constant 3 : i32
        %add3A_192 = arith.addi %add3A_190, %add3A_191 : i32
        %mul3A_193 = arith.constant 72 : i32
        %mul3A_194 = arith.muli %add3A_192, %mul3A_193 : i32
        %dma_start3A_195 = tpu.memref_slice %arg9[%mul3A_194] : memref<10080xi32, #tpu.memory_space<vmem>> -> memref<72xi32, #tpu.memory_space<vmem>>
        %dma_start3A_196 = arith.constant 0 : i32
        %dma_start3A_197 = arith.constant 0 : i32
        %dma_start3A_198 = tpu.memref_slice %arg3[%dma_start3A_196, %dma_start3A_197] : memref<10000x128xf32, #tpu.memory_space<hbm>> -> memref<10000x128xf32, #tpu.memory_space<hbm>>
        tpu.enqueue_indirect_dma source(%dma_start3A_198 : memref<10000x128xf32, #tpu.memory_space<hbm>>) target(%arg17 : memref<72x128xf32, #tpu.memory_space<vmem>>) offsets(%dma_start3A_195 : memref<72xi32, #tpu.memory_space<vmem>>) semaphore(%arg21 : memref<!tpu.dma_semaphore, #tpu.memory_space<semaphore_mem>>)
        %add3A_199 = arith.constant 0 : i32
        %add3A_200 = arith.addi %add3A_92, %add3A_199 : i32
        %add3A_201 = arith.constant 3 : i32
        %add3A_202 = arith.addi %add3A_200, %add3A_201 : i32
        %dma_start3A_203 = arith.constant 0 : i32
        %dma_start3A_204 = tpu.memref_slice %arg5[%add3A, %add3A_202, %dma_start3A_203] : memref<32x140x72xi32, #tpu.memory_space<hbm>> -> memref<1x1x72xi32, #tpu.memory_space<hbm>>
        %dma_start3A_205 = tpu.memref_squeeze %dma_start3A_204 : memref<1x1x72xi32, #tpu.memory_space<hbm>> -> memref<72xi32, #tpu.memory_space<hbm>>
        %dma_start3A_206 = arith.constant 0 : i32
        %dma_start3A_207 = tpu.memref_slice %arg5[%add3A, %add3A_202, %dma_start3A_206] : memref<32x140x72xi32, #tpu.memory_space<hbm>> -> memref<1x1x72xi32, #tpu.memory_space<hbm>>
        %dma_start3A_208 = tpu.memref_squeeze %dma_start3A_207 : memref<1x1x72xi32, #tpu.memory_space<hbm>> -> memref<72xi32, #tpu.memory_space<hbm>>
        tpu.enqueue_dma source(%dma_start3A_208 : memref<72xi32, #tpu.memory_space<hbm>>) target(%arg13 : memref<72xi32, #tpu.memory_space<vmem>>) target_semaphore(%arg25 : memref<!tpu.dma_semaphore, #tpu.memory_space<semaphore_mem>>)
      } else {
      }
      %add3A_99 = arith.constant 0 : i32
      %add3A_100 = arith.addi %add3A_92, %add3A_99 : i32
      %dma_wait3A = arith.constant 0 : i32
      %dma_wait3A_101 = tpu.memref_slice %arg5[%add3A, %add3A_100, %dma_wait3A] : memref<32x140x72xi32, #tpu.memory_space<hbm>> -> memref<1x1x72xi32, #tpu.memory_space<hbm>>
      %dma_wait3A_102 = tpu.memref_squeeze %dma_wait3A_101 : memref<1x1x72xi32, #tpu.memory_space<hbm>> -> memref<72xi32, #tpu.memory_space<hbm>>
      %dma_wait3A_103 = arith.constant 0 : i32
      %dma_wait3A_104 = tpu.memref_slice %arg5[%add3A, %add3A_100, %dma_wait3A_103] : memref<32x140x72xi32, #tpu.memory_space<hbm>> -> memref<1x1x72xi32, #tpu.memory_space<hbm>>
      %dma_wait3A_105 = tpu.memref_squeeze %dma_wait3A_104 : memref<1x1x72xi32, #tpu.memory_space<hbm>> -> memref<72xi32, #tpu.memory_space<hbm>>
      tpu.wait_dma2 semaphore(%arg22 : memref<!tpu.dma_semaphore, #tpu.memory_space<semaphore_mem>>) src(%dma_wait3A_105 : memref<72xi32, #tpu.memory_space<hbm>>) dst(%arg10 : memref<72xi32, #tpu.memory_space<vmem>>)
      %add3A_106 = arith.constant 0 : i32
      %add3A_107 = arith.addi %add3A_92, %add3A_106 : i32
      %mul3A_108 = arith.constant 72 : i32
      %mul3A_109 = arith.muli %add3A_107, %mul3A_108 : i32
      %dma_wait3A_110 = tpu.memref_slice %arg9[%mul3A_109] : memref<10080xi32, #tpu.memory_space<vmem>> -> memref<72xi32, #tpu.memory_space<vmem>>
      %dma_wait3A_111 = arith.constant 0 : i32
      %dma_wait3A_112 = arith.constant 0 : i32
      %dma_wait3A_113 = tpu.memref_slice %arg3[%dma_wait3A_111, %dma_wait3A_112] : memref<10000x128xf32, #tpu.memory_space<hbm>> -> memref<10000x128xf32, #tpu.memory_space<hbm>>
      tpu.wait_indirect_dma semaphore(%arg18 : memref<!tpu.dma_semaphore, #tpu.memory_space<semaphore_mem>>) src(%dma_wait3A_113 : memref<10000x128xf32, #tpu.memory_space<hbm>>) dst(%arg14 : memref<72x128xf32, #tpu.memory_space<vmem>>)
      "tpu.region"() ({
        %run_scoped3A = tpu.sem_alloc : memref<!tpu.dma_semaphore, #tpu.memory_space<semaphore_mem>>
        %dma_start3A_189 = arith.constant 0 : i32
        %dma_start3A_190 = arith.constant 0 : i32
        %dma_start3A_191 = tpu.memref_slice %arg26[%dma_start3A_189, %dma_start3A_190] : memref<10112x128xf32, #tpu.memory_space<vmem_shared>> -> memref<10112x128xf32, #tpu.memory_space<vmem_shared>>
        tpu.enqueue_indirect_dma source(%arg14 : memref<72x128xf32, #tpu.memory_space<vmem>>) target(%dma_start3A_191 : memref<10112x128xf32, #tpu.memory_space<vmem_shared>>) offsets(%arg10 : memref<72xi32, #tpu.memory_space<vmem>>) semaphore(%run_scoped3A : memref<!tpu.dma_semaphore, #tpu.memory_space<semaphore_mem>>) {add = true}
        %dma_wait3A_192 = arith.constant 0 : i32
        %dma_wait3A_193 = arith.constant 0 : i32
        %dma_wait3A_194 = tpu.memref_slice %arg26[%dma_wait3A_192, %dma_wait3A_193] : memref<10112x128xf32, #tpu.memory_space<vmem_shared>> -> memref<10112x128xf32, #tpu.memory_space<vmem_shared>>
        tpu.wait_indirect_dma semaphore(%run_scoped3A : memref<!tpu.dma_semaphore, #tpu.memory_space<semaphore_mem>>) src(%arg14 : memref<72x128xf32, #tpu.memory_space<vmem>>) dst(%dma_wait3A_194 : memref<10112x128xf32, #tpu.memory_space<vmem_shared>>)
        tpu.yield
      }) : () -> ()
      %add3A_114 = arith.constant 1 : i32
      %add3A_115 = arith.addi %add3A_92, %add3A_114 : i32
      %add3A_116 = arith.constant 3 : i32
      %add3A_117 = arith.addi %add3A_115, %add3A_116 : i32
      %lt3A_118 = arith.constant 140 : i32
      %lt3A_119 = arith.cmpi slt, %add3A_117, %lt3A_118 : i32
      %convert_element_type3A_120 = arith.extui %lt3A_119 : i1 to i32
      %cond3A_121 = arith.constant 0 : i32
      %cond3A_122 = arith.cmpi ne, %convert_element_type3A_120, %cond3A_121 : i32
      scf.if %cond3A_122 {
        %add3A_189 = arith.constant 1 : i32
        %add3A_190 = arith.addi %add3A_92, %add3A_189 : i32
        %add3A_191 = arith.constant 3 : i32
        %add3A_192 = arith.addi %add3A_190, %add3A_191 : i32
        %mul3A_193 = arith.constant 72 : i32
        %mul3A_194 = arith.muli %add3A_192, %mul3A_193 : i32
        %dma_start3A_195 = tpu.memref_slice %arg9[%mul3A_194] : memref<10080xi32, #tpu.memory_space<vmem>> -> memref<72xi32, #tpu.memory_space<vmem>>
        %dma_start3A_196 = arith.constant 0 : i32
        %dma_start3A_197 = arith.constant 0 : i32
        %dma_start3A_198 = tpu.memref_slice %arg3[%dma_start3A_196, %dma_start3A_197] : memref<10000x128xf32, #tpu.memory_space<hbm>> -> memref<10000x128xf32, #tpu.memory_space<hbm>>
        tpu.enqueue_indirect_dma source(%dma_start3A_198 : memref<10000x128xf32, #tpu.memory_space<hbm>>) target(%arg14 : memref<72x128xf32, #tpu.memory_space<vmem>>) offsets(%dma_start3A_195 : memref<72xi32, #tpu.memory_space<vmem>>) semaphore(%arg18 : memref<!tpu.dma_semaphore, #tpu.memory_space<semaphore_mem>>)
        %add3A_199 = arith.constant 1 : i32
        %add3A_200 = arith.addi %add3A_92, %add3A_199 : i32
        %add3A_201 = arith.constant 3 : i32
        %add3A_202 = arith.addi %add3A_200, %add3A_201 : i32
        %dma_start3A_203 = arith.constant 0 : i32
        %dma_start3A_204 = tpu.memref_slice %arg5[%add3A, %add3A_202, %dma_start3A_203] : memref<32x140x72xi32, #tpu.memory_space<hbm>> -> memref<1x1x72xi32, #tpu.memory_space<hbm>>
        %dma_start3A_205 = tpu.memref_squeeze %dma_start3A_204 : memref<1x1x72xi32, #tpu.memory_space<hbm>> -> memref<72xi32, #tpu.memory_space<hbm>>
        %dma_start3A_206 = arith.constant 0 : i32
        %dma_start3A_207 = tpu.memref_slice %arg5[%add3A, %add3A_202, %dma_start3A_206] : memref<32x140x72xi32, #tpu.memory_space<hbm>> -> memref<1x1x72xi32, #tpu.memory_space<hbm>>
        %dma_start3A_208 = tpu.memref_squeeze %dma_start3A_207 : memref<1x1x72xi32, #tpu.memory_space<hbm>> -> memref<72xi32, #tpu.memory_space<hbm>>
        tpu.enqueue_dma source(%dma_start3A_208 : memref<72xi32, #tpu.memory_space<hbm>>) target(%arg10 : memref<72xi32, #tpu.memory_space<vmem>>) target_semaphore(%arg22 : memref<!tpu.dma_semaphore, #tpu.memory_space<semaphore_mem>>)
      } else {
      }
      %add3A_123 = arith.constant 1 : i32
      %add3A_124 = arith.addi %add3A_92, %add3A_123 : i32
      %dma_wait3A_125 = arith.constant 0 : i32
      %dma_wait3A_126 = tpu.memref_slice %arg5[%add3A, %add3A_124, %dma_wait3A_125] : memref<32x140x72xi32, #tpu.memory_space<hbm>> -> memref<1x1x72xi32, #tpu.memory_space<hbm>>
      %dma_wait3A_127 = tpu.memref_squeeze %dma_wait3A_126 : memref<1x1x72xi32, #tpu.memory_space<hbm>> -> memref<72xi32, #tpu.memory_space<hbm>>
      %dma_wait3A_128 = arith.constant 0 : i32
      %dma_wait3A_129 = tpu.memref_slice %arg5[%add3A, %add3A_124, %dma_wait3A_128] : memref<32x140x72xi32, #tpu.memory_space<hbm>> -> memref<1x1x72xi32, #tpu.memory_space<hbm>>
      %dma_wait3A_130 = tpu.memref_squeeze %dma_wait3A_129 : memref<1x1x72xi32, #tpu.memory_space<hbm>> -> memref<72xi32, #tpu.memory_space<hbm>>
      tpu.wait_dma2 semaphore(%arg23 : memref<!tpu.dma_semaphore, #tpu.memory_space<semaphore_mem>>) src(%dma_wait3A_130 : memref<72xi32, #tpu.memory_space<hbm>>) dst(%arg11 : memref<72xi32, #tpu.memory_space<vmem>>)
      %add3A_131 = arith.constant 1 : i32
      %add3A_132 = arith.addi %add3A_92, %add3A_131 : i32
      %mul3A_133 = arith.constant 72 : i32
      %mul3A_134 = arith.muli %add3A_132, %mul3A_133 : i32
      %dma_wait3A_135 = tpu.memref_slice %arg9[%mul3A_134] : memref<10080xi32, #tpu.memory_space<vmem>> -> memref<72xi32, #tpu.memory_space<vmem>>
      %dma_wait3A_136 = arith.constant 0 : i32
      %dma_wait3A_137 = arith.constant 0 : i32
      %dma_wait3A_138 = tpu.memref_slice %arg3[%dma_wait3A_136, %dma_wait3A_137] : memref<10000x128xf32, #tpu.memory_space<hbm>> -> memref<10000x128xf32, #tpu.memory_space<hbm>>
      tpu.wait_indirect_dma semaphore(%arg19 : memref<!tpu.dma_semaphore, #tpu.memory_space<semaphore_mem>>) src(%dma_wait3A_138 : memref<10000x128xf32, #tpu.memory_space<hbm>>) dst(%arg15 : memref<72x128xf32, #tpu.memory_space<vmem>>)
      "tpu.region"() ({
        %run_scoped3A = tpu.sem_alloc : memref<!tpu.dma_semaphore, #tpu.memory_space<semaphore_mem>>
        %dma_start3A_189 = arith.constant 0 : i32
        %dma_start3A_190 = arith.constant 0 : i32
        %dma_start3A_191 = tpu.memref_slice %arg26[%dma_start3A_189, %dma_start3A_190] : memref<10112x128xf32, #tpu.memory_space<vmem_shared>> -> memref<10112x128xf32, #tpu.memory_space<vmem_shared>>
        tpu.enqueue_indirect_dma source(%arg15 : memref<72x128xf32, #tpu.memory_space<vmem>>) target(%dma_start3A_191 : memref<10112x128xf32, #tpu.memory_space<vmem_shared>>) offsets(%arg11 : memref<72xi32, #tpu.memory_space<vmem>>) semaphore(%run_scoped3A : memref<!tpu.dma_semaphore, #tpu.memory_space<semaphore_mem>>) {add = true}
        %dma_wait3A_192 = arith.constant 0 : i32
        %dma_wait3A_193 = arith.constant 0 : i32
        %dma_wait3A_194 = tpu.memref_slice %arg26[%dma_wait3A_192, %dma_wait3A_193] : memref<10112x128xf32, #tpu.memory_space<vmem_shared>> -> memref<10112x128xf32, #tpu.memory_space<vmem_shared>>
        tpu.wait_indirect_dma semaphore(%run_scoped3A : memref<!tpu.dma_semaphore, #tpu.memory_space<semaphore_mem>>) src(%arg15 : memref<72x128xf32, #tpu.memory_space<vmem>>) dst(%dma_wait3A_194 : memref<10112x128xf32, #tpu.memory_space<vmem_shared>>)
        tpu.yield
      }) : () -> ()
      %add3A_139 = arith.constant 2 : i32
      %add3A_140 = arith.addi %add3A_92, %add3A_139 : i32
      %add3A_141 = arith.constant 3 : i32
      %add3A_142 = arith.addi %add3A_140, %add3A_141 : i32
      %lt3A_143 = arith.constant 140 : i32
      %lt3A_144 = arith.cmpi slt, %add3A_142, %lt3A_143 : i32
      %convert_element_type3A_145 = arith.extui %lt3A_144 : i1 to i32
      %cond3A_146 = arith.constant 0 : i32
      %cond3A_147 = arith.cmpi ne, %convert_element_type3A_145, %cond3A_146 : i32
      scf.if %cond3A_147 {
        %add3A_189 = arith.constant 2 : i32
        %add3A_190 = arith.addi %add3A_92, %add3A_189 : i32
        %add3A_191 = arith.constant 3 : i32
        %add3A_192 = arith.addi %add3A_190, %add3A_191 : i32
        %mul3A_193 = arith.constant 72 : i32
        %mul3A_194 = arith.muli %add3A_192, %mul3A_193 : i32
        %dma_start3A_195 = tpu.memref_slice %arg9[%mul3A_194] : memref<10080xi32, #tpu.memory_space<vmem>> -> memref<72xi32, #tpu.memory_space<vmem>>
        %dma_start3A_196 = arith.constant 0 : i32
        %dma_start3A_197 = arith.constant 0 : i32
        %dma_start3A_198 = tpu.memref_slice %arg3[%dma_start3A_196, %dma_start3A_197] : memref<10000x128xf32, #tpu.memory_space<hbm>> -> memref<10000x128xf32, #tpu.memory_space<hbm>>
        tpu.enqueue_indirect_dma source(%dma_start3A_198 : memref<10000x128xf32, #tpu.memory_space<hbm>>) target(%arg15 : memref<72x128xf32, #tpu.memory_space<vmem>>) offsets(%dma_start3A_195 : memref<72xi32, #tpu.memory_space<vmem>>) semaphore(%arg19 : memref<!tpu.dma_semaphore, #tpu.memory_space<semaphore_mem>>)
        %add3A_199 = arith.constant 2 : i32
        %add3A_200 = arith.addi %add3A_92, %add3A_199 : i32
        %add3A_201 = arith.constant 3 : i32
        %add3A_202 = arith.addi %add3A_200, %add3A_201 : i32
        %dma_start3A_203 = arith.constant 0 : i32
        %dma_start3A_204 = tpu.memref_slice %arg5[%add3A, %add3A_202, %dma_start3A_203] : memref<32x140x72xi32, #tpu.memory_space<hbm>> -> memref<1x1x72xi32, #tpu.memory_space<hbm>>
        %dma_start3A_205 = tpu.memref_squeeze %dma_start3A_204 : memref<1x1x72xi32, #tpu.memory_space<hbm>> -> memref<72xi32, #tpu.memory_space<hbm>>
        %dma_start3A_206 = arith.constant 0 : i32
        %dma_start3A_207 = tpu.memref_slice %arg5[%add3A, %add3A_202, %dma_start3A_206] : memref<32x140x72xi32, #tpu.memory_space<hbm>> -> memref<1x1x72xi32, #tpu.memory_space<hbm>>
        %dma_start3A_208 = tpu.memref_squeeze %dma_start3A_207 : memref<1x1x72xi32, #tpu.memory_space<hbm>> -> memref<72xi32, #tpu.memory_space<hbm>>
        tpu.enqueue_dma source(%dma_start3A_208 : memref<72xi32, #tpu.memory_space<hbm>>) target(%arg11 : memref<72xi32, #tpu.memory_space<vmem>>) target_semaphore(%arg23 : memref<!tpu.dma_semaphore, #tpu.memory_space<semaphore_mem>>)
      } else {
      }
      %add3A_148 = arith.constant 2 : i32
      %add3A_149 = arith.addi %add3A_92, %add3A_148 : i32
      %dma_wait3A_150 = arith.constant 0 : i32
      %dma_wait3A_151 = tpu.memref_slice %arg5[%add3A, %add3A_149, %dma_wait3A_150] : memref<32x140x72xi32, #tpu.memory_space<hbm>> -> memref<1x1x72xi32, #tpu.memory_space<hbm>>
      %dma_wait3A_152 = tpu.memref_squeeze %dma_wait3A_151 : memref<1x1x72xi32, #tpu.memory_space<hbm>> -> memref<72xi32, #tpu.memory_space<hbm>>
      %dma_wait3A_153 = arith.constant 0 : i32
      %dma_wait3A_154 = tpu.memref_slice %arg5[%add3A, %add3A_149, %dma_wait3A_153] : memref<32x140x72xi32, #tpu.memory_space<hbm>> -> memref<1x1x72xi32, #tpu.memory_space<hbm>>
      %dma_wait3A_155 = tpu.memref_squeeze %dma_wait3A_154 : memref<1x1x72xi32, #tpu.memory_space<hbm>> -> memref<72xi32, #tpu.memory_space<hbm>>
      tpu.wait_dma2 semaphore(%arg24 : memref<!tpu.dma_semaphore, #tpu.memory_space<semaphore_mem>>) src(%dma_wait3A_155 : memref<72xi32, #tpu.memory_space<hbm>>) dst(%arg12 : memref<72xi32, #tpu.memory_space<vmem>>)
      %add3A_156 = arith.constant 2 : i32
      %add3A_157 = arith.addi %add3A_92, %add3A_156 : i32
      %mul3A_158 = arith.constant 72 : i32
      %mul3A_159 = arith.muli %add3A_157, %mul3A_158 : i32
      %dma_wait3A_160 = tpu.memref_slice %arg9[%mul3A_159] : memref<10080xi32, #tpu.memory_space<vmem>> -> memref<72xi32, #tpu.memory_space<vmem>>
      %dma_wait3A_161 = arith.constant 0 : i32
      %dma_wait3A_162 = arith.constant 0 : i32
      %dma_wait3A_163 = tpu.memref_slice %arg3[%dma_wait3A_161, %dma_wait3A_162] : memref<10000x128xf32, #tpu.memory_space<hbm>> -> memref<10000x128xf32, #tpu.memory_space<hbm>>
      tpu.wait_indirect_dma semaphore(%arg20 : memref<!tpu.dma_semaphore, #tpu.memory_space<semaphore_mem>>) src(%dma_wait3A_163 : memref<10000x128xf32, #tpu.memory_space<hbm>>) dst(%arg16 : memref<72x128xf32, #tpu.memory_space<vmem>>)
      "tpu.region"() ({
        %run_scoped3A = tpu.sem_alloc : memref<!tpu.dma_semaphore, #tpu.memory_space<semaphore_mem>>
        %dma_start3A_189 = arith.constant 0 : i32
        %dma_start3A_190 = arith.constant 0 : i32
        %dma_start3A_191 = tpu.memref_slice %arg26[%dma_start3A_189, %dma_start3A_190] : memref<10112x128xf32, #tpu.memory_space<vmem_shared>> -> memref<10112x128xf32, #tpu.memory_space<vmem_shared>>
        tpu.enqueue_indirect_dma source(%arg16 : memref<72x128xf32, #tpu.memory_space<vmem>>) target(%dma_start3A_191 : memref<10112x128xf32, #tpu.memory_space<vmem_shared>>) offsets(%arg12 : memref<72xi32, #tpu.memory_space<vmem>>) semaphore(%run_scoped3A : memref<!tpu.dma_semaphore, #tpu.memory_space<semaphore_mem>>) {add = true}
        %dma_wait3A_192 = arith.constant 0 : i32
        %dma_wait3A_193 = arith.constant 0 : i32
        %dma_wait3A_194 = tpu.memref_slice %arg26[%dma_wait3A_192, %dma_wait3A_193] : memref<10112x128xf32, #tpu.memory_space<vmem_shared>> -> memref<10112x128xf32, #tpu.memory_space<vmem_shared>>
        tpu.wait_indirect_dma semaphore(%run_scoped3A : memref<!tpu.dma_semaphore, #tpu.memory_space<semaphore_mem>>) src(%arg16 : memref<72x128xf32, #tpu.memory_space<vmem>>) dst(%dma_wait3A_194 : memref<10112x128xf32, #tpu.memory_space<vmem_shared>>)
        tpu.yield
      }) : () -> ()
      %add3A_164 = arith.constant 3 : i32
      %add3A_165 = arith.addi %add3A_92, %add3A_164 : i32
      %add3A_166 = arith.constant 3 : i32
      %add3A_167 = arith.addi %add3A_165, %add3A_166 : i32
      %lt3A_168 = arith.constant 140 : i32
      %lt3A_169 = arith.cmpi slt, %add3A_167, %lt3A_168 : i32
      %convert_element_type3A_170 = arith.extui %lt3A_169 : i1 to i32
      %cond3A_171 = arith.constant 0 : i32
      %cond3A_172 = arith.cmpi ne, %convert_element_type3A_170, %cond3A_171 : i32
      scf.if %cond3A_172 {
        %add3A_189 = arith.constant 3 : i32
        %add3A_190 = arith.addi %add3A_92, %add3A_189 : i32
        %add3A_191 = arith.constant 3 : i32
        %add3A_192 = arith.addi %add3A_190, %add3A_191 : i32
        %mul3A_193 = arith.constant 72 : i32
        %mul3A_194 = arith.muli %add3A_192, %mul3A_193 : i32
        %dma_start3A_195 = tpu.memref_slice %arg9[%mul3A_194] : memref<10080xi32, #tpu.memory_space<vmem>> -> memref<72xi32, #tpu.memory_space<vmem>>
        %dma_start3A_196 = arith.constant 0 : i32
        %dma_start3A_197 = arith.constant 0 : i32
        %dma_start3A_198 = tpu.memref_slice %arg3[%dma_start3A_196, %dma_start3A_197] : memref<10000x128xf32, #tpu.memory_space<hbm>> -> memref<10000x128xf32, #tpu.memory_space<hbm>>
        tpu.enqueue_indirect_dma source(%dma_start3A_198 : memref<10000x128xf32, #tpu.memory_space<hbm>>) target(%arg16 : memref<72x128xf32, #tpu.memory_space<vmem>>) offsets(%dma_start3A_195 : memref<72xi32, #tpu.memory_space<vmem>>) semaphore(%arg20 : memref<!tpu.dma_semaphore, #tpu.memory_space<semaphore_mem>>)
        %add3A_199 = arith.constant 3 : i32
        %add3A_200 = arith.addi %add3A_92, %add3A_199 : i32
        %add3A_201 = arith.constant 3 : i32
        %add3A_202 = arith.addi %add3A_200, %add3A_201 : i32
        %dma_start3A_203 = arith.constant 0 : i32
        %dma_start3A_204 = tpu.memref_slice %arg5[%add3A, %add3A_202, %dma_start3A_203] : memref<32x140x72xi32, #tpu.memory_space<hbm>> -> memref<1x1x72xi32, #tpu.memory_space<hbm>>
        %dma_start3A_205 = tpu.memref_squeeze %dma_start3A_204 : memref<1x1x72xi32, #tpu.memory_space<hbm>> -> memref<72xi32, #tpu.memory_space<hbm>>
        %dma_start3A_206 = arith.constant 0 : i32
        %dma_start3A_207 = tpu.memref_slice %arg5[%add3A, %add3A_202, %dma_start3A_206] : memref<32x140x72xi32, #tpu.memory_space<hbm>> -> memref<1x1x72xi32, #tpu.memory_space<hbm>>
        %dma_start3A_208 = tpu.memref_squeeze %dma_start3A_207 : memref<1x1x72xi32, #tpu.memory_space<hbm>> -> memref<72xi32, #tpu.memory_space<hbm>>
        tpu.enqueue_dma source(%dma_start3A_208 : memref<72xi32, #tpu.memory_space<hbm>>) target(%arg12 : memref<72xi32, #tpu.memory_space<vmem>>) target_semaphore(%arg24 : memref<!tpu.dma_semaphore, #tpu.memory_space<semaphore_mem>>)
      } else {
      }
      %add3A_173 = arith.constant 3 : i32
      %add3A_174 = arith.addi %add3A_92, %add3A_173 : i32
      %dma_wait3A_175 = arith.constant 0 : i32
      %dma_wait3A_176 = tpu.memref_slice %arg5[%add3A, %add3A_174, %dma_wait3A_175] : memref<32x140x72xi32, #tpu.memory_space<hbm>> -> memref<1x1x72xi32, #tpu.memory_space<hbm>>
      %dma_wait3A_177 = tpu.memref_squeeze %dma_wait3A_176 : memref<1x1x72xi32, #tpu.memory_space<hbm>> -> memref<72xi32, #tpu.memory_space<hbm>>
      %dma_wait3A_178 = arith.constant 0 : i32
      %dma_wait3A_179 = tpu.memref_slice %arg5[%add3A, %add3A_174, %dma_wait3A_178] : memref<32x140x72xi32, #tpu.memory_space<hbm>> -> memref<1x1x72xi32, #tpu.memory_space<hbm>>
      %dma_wait3A_180 = tpu.memref_squeeze %dma_wait3A_179 : memref<1x1x72xi32, #tpu.memory_space<hbm>> -> memref<72xi32, #tpu.memory_space<hbm>>
      tpu.wait_dma2 semaphore(%arg25 : memref<!tpu.dma_semaphore, #tpu.memory_space<semaphore_mem>>) src(%dma_wait3A_180 : memref<72xi32, #tpu.memory_space<hbm>>) dst(%arg13 : memref<72xi32, #tpu.memory_space<vmem>>)
      %add3A_181 = arith.constant 3 : i32
      %add3A_182 = arith.addi %add3A_92, %add3A_181 : i32
      %mul3A_183 = arith.constant 72 : i32
      %mul3A_184 = arith.muli %add3A_182, %mul3A_183 : i32
      %dma_wait3A_185 = tpu.memref_slice %arg9[%mul3A_184] : memref<10080xi32, #tpu.memory_space<vmem>> -> memref<72xi32, #tpu.memory_space<vmem>>
      %dma_wait3A_186 = arith.constant 0 : i32
      %dma_wait3A_187 = arith.constant 0 : i32
      %dma_wait3A_188 = tpu.memref_slice %arg3[%dma_wait3A_186, %dma_wait3A_187] : memref<10000x128xf32, #tpu.memory_space<hbm>> -> memref<10000x128xf32, #tpu.memory_space<hbm>>
      tpu.wait_indirect_dma semaphore(%arg21 : memref<!tpu.dma_semaphore, #tpu.memory_space<semaphore_mem>>) src(%dma_wait3A_188 : memref<10000x128xf32, #tpu.memory_space<hbm>>) dst(%arg17 : memref<72x128xf32, #tpu.memory_space<vmem>>)
      "tpu.region"() ({
        %run_scoped3A = tpu.sem_alloc : memref<!tpu.dma_semaphore, #tpu.memory_space<semaphore_mem>>
        %dma_start3A_189 = arith.constant 0 : i32
        %dma_start3A_190 = arith.constant 0 : i32
        %dma_start3A_191 = tpu.memref_slice %arg26[%dma_start3A_189, %dma_start3A_190] : memref<10112x128xf32, #tpu.memory_space<vmem_shared>> -> memref<10112x128xf32, #tpu.memory_space<vmem_shared>>
        tpu.enqueue_indirect_dma source(%arg17 : memref<72x128xf32, #tpu.memory_space<vmem>>) target(%dma_start3A_191 : memref<10112x128xf32, #tpu.memory_space<vmem_shared>>) offsets(%arg13 : memref<72xi32, #tpu.memory_space<vmem>>) semaphore(%run_scoped3A : memref<!tpu.dma_semaphore, #tpu.memory_space<semaphore_mem>>) {add = true}
        %dma_wait3A_192 = arith.constant 0 : i32
        %dma_wait3A_193 = arith.constant 0 : i32
        %dma_wait3A_194 = tpu.memref_slice %arg26[%dma_wait3A_192, %dma_wait3A_193] : memref<10112x128xf32, #tpu.memory_space<vmem_shared>> -> memref<10112x128xf32, #tpu.memory_space<vmem_shared>>
        tpu.wait_indirect_dma semaphore(%run_scoped3A : memref<!tpu.dma_semaphore, #tpu.memory_space<semaphore_mem>>) src(%arg17 : memref<72x128xf32, #tpu.memory_space<vmem>>) dst(%dma_wait3A_194 : memref<10112x128xf32, #tpu.memory_space<vmem_shared>>)
        tpu.yield
      }) : () -> ()
    }
    %scan3A_85 = arith.constant 35 : i32
    %barrier3A_86 = arith.constant 0 : index
    tpu.barrier barrier_id(%barrier3A_86)
    "tpu.region"() ({
      %run_scoped3A = tpu.sem_alloc : memref<!tpu.dma_semaphore, #tpu.memory_space<semaphore_mem>>
      %dma_start3A_88 = arith.constant 0 : i32
      %dma_start3A_89 = tpu.memref_slice %arg8[%arg0, %mul3A_2, %dma_start3A_88] : memref<2x10112x128xf32, #tpu.memory_space<hbm>> -> memref<1x632x128xf32, #tpu.memory_space<hbm>>
      %dma_start3A_90 = tpu.memref_squeeze %dma_start3A_89 : memref<1x632x128xf32, #tpu.memory_space<hbm>> -> memref<632x128xf32, #tpu.memory_space<hbm>>
      %dma_start3A_91 = arith.constant 0 : i32
      %dma_start3A_92 = tpu.memref_slice %arg26[%mul3A_2, %dma_start3A_91] : memref<10112x128xf32, #tpu.memory_space<vmem_shared>> -> memref<632x128xf32, #tpu.memory_space<vmem_shared>>
      tpu.enqueue_dma source(%dma_start3A_92 : memref<632x128xf32, #tpu.memory_space<vmem_shared>>) target(%dma_start3A_90 : memref<632x128xf32, #tpu.memory_space<hbm>>) target_semaphore(%run_scoped3A : memref<!tpu.dma_semaphore, #tpu.memory_space<semaphore_mem>>)
      %dma_wait3A = arith.constant 0 : i32
      %dma_wait3A_93 = tpu.memref_slice %arg8[%arg0, %mul3A_2, %dma_wait3A] : memref<2x10112x128xf32, #tpu.memory_space<hbm>> -> memref<1x632x128xf32, #tpu.memory_space<hbm>>
      %dma_wait3A_94 = tpu.memref_squeeze %dma_wait3A_93 : memref<1x632x128xf32, #tpu.memory_space<hbm>> -> memref<632x128xf32, #tpu.memory_space<hbm>>
      %dma_wait3A_95 = arith.constant 0 : i32
      %dma_wait3A_96 = tpu.memref_slice %arg26[%mul3A_2, %dma_wait3A_95] : memref<10112x128xf32, #tpu.memory_space<vmem_shared>> -> memref<632x128xf32, #tpu.memory_space<vmem_shared>>
      tpu.wait_dma2 semaphore(%run_scoped3A : memref<!tpu.dma_semaphore, #tpu.memory_space<semaphore_mem>>) src(%dma_wait3A_96 : memref<632x128xf32, #tpu.memory_space<vmem_shared>>) dst(%dma_wait3A_94 : memref<632x128xf32, #tpu.memory_space<hbm>>)
      tpu.yield
    }) : () -> ()
    %barrier3A_87 = arith.constant 0 : index
    tpu.barrier barrier_id(%barrier3A_87)
    return
  }
}

#map = affine_map<(d0, d1) -> (0, 0)>
#map1 = affine_map<(d0, d1) -> (0, 0, 0)>
module attributes {stable_mosaic.version = 14 : i64} {
  func.func @body(%arg0: i32, %arg1: i32, %arg2: memref<10000x128xf32, #tpu.memory_space<hbm>>, %arg3: memref<32x10080xi32, #tpu.memory_space<hbm>>, %arg4: memref<32x140x72xi32, #tpu.memory_space<hbm>>, %arg5: memref<10112x128xf32, #tpu.memory_space<hbm>>, %arg6: memref<72x128xf32, #tpu.memory_space<hbm>>, %arg7: memref<2x10112x128xf32, #tpu.memory_space<hbm>>, %arg8: memref<2x10112x128xf32, #tpu.memory_space<hbm>>, %arg9: memref<10080xi32, #tpu.memory_space<vmem>>, %arg10: memref<72xi32, #tpu.memory_space<vmem>>, %arg11: memref<72xi32, #tpu.memory_space<vmem>>, %arg12: memref<72xi32, #tpu.memory_space<vmem>>, %arg13: memref<72xi32, #tpu.memory_space<vmem>>, %arg14: memref<72x128xf32, #tpu.memory_space<vmem>>, %arg15: memref<72x128xf32, #tpu.memory_space<vmem>>, %arg16: memref<72x128xf32, #tpu.memory_space<vmem>>, %arg17: memref<72x128xf32, #tpu.memory_space<vmem>>, %arg18: memref<!tpu.dma_semaphore, #tpu.memory_space<semaphore_mem>>, %arg19: memref<!tpu.dma_semaphore, #tpu.memory_space<semaphore_mem>>, %arg20: memref<!tpu.dma_semaphore, #tpu.memory_space<semaphore_mem>>, %arg21: memref<!tpu.dma_semaphore, #tpu.memory_space<semaphore_mem>>, %arg22: memref<!tpu.dma_semaphore, #tpu.memory_space<semaphore_mem>>, %arg23: memref<!tpu.dma_semaphore, #tpu.memory_space<semaphore_mem>>, %arg24: memref<!tpu.dma_semaphore, #tpu.memory_space<semaphore_mem>>, %arg25: memref<!tpu.dma_semaphore, #tpu.memory_space<semaphore_mem>>, %arg26: memref<10112x128xf32, #tpu.memory_space<vmem_shared>>) attributes {dimension_semantics = [#tpu.dimension_semantics<core_parallel>, #tpu.dimension_semantics<subcore_parallel>], iteration_bounds = array<i64: 2, 16>, scalar_prefetch = 0 : i64, scratch_operands = 18 : i64, tpu.core_type = #tpu.core_type<sc_vector_subcore>, window_params = [{transform_indices = #map}, {transform_indices = #map}, {transform_indices = #map1}, {transform_indices = #map}, {transform_indices = #map}, {transform_indices = #map1}, {transform_indices = #map1}]} {
    %mul3A = arith.constant 2 : i32
    %mul3A_0 = arith.muli %arg1, %mul3A : i32
    %add3A = arith.addi %mul3A_0, %arg0 : i32
    %mul3A_1 = arith.constant 632 : i32
    %mul3A_2 = arith.muli %arg1, %mul3A_1 : i32
    "tpu.region"() ({
      %run_scoped3A = tpu.sem_alloc : memref<!tpu.dma_semaphore, #tpu.memory_space<semaphore_mem>>
      %dma_start3A_73 = arith.constant 0 : i32
      %dma_start3A_74 = tpu.memref_slice %arg3[%add3A, %dma_start3A_73] : memref<32x10080xi32, #tpu.memory_space<hbm>> -> memref<1x10080xi32, #tpu.memory_space<hbm>>
      %dma_start3A_75 = tpu.memref_squeeze %dma_start3A_74 : memref<1x10080xi32, #tpu.memory_space<hbm>> -> memref<10080xi32, #tpu.memory_space<hbm>>
      %dma_start3A_76 = arith.constant 0 : i32
      %dma_start3A_77 = tpu.memref_slice %arg3[%add3A, %dma_start3A_76] : memref<32x10080xi32, #tpu.memory_space<hbm>> -> memref<1x10080xi32, #tpu.memory_space<hbm>>
      %dma_start3A_78 = tpu.memref_squeeze %dma_start3A_77 : memref<1x10080xi32, #tpu.memory_space<hbm>> -> memref<10080xi32, #tpu.memory_space<hbm>>
      tpu.enqueue_dma source(%dma_start3A_78 : memref<10080xi32, #tpu.memory_space<hbm>>) target(%arg9 : memref<10080xi32, #tpu.memory_space<vmem>>) target_semaphore(%run_scoped3A : memref<!tpu.dma_semaphore, #tpu.memory_space<semaphore_mem>>)
      %dma_wait3A = arith.constant 0 : i32
      %dma_wait3A_79 = tpu.memref_slice %arg3[%add3A, %dma_wait3A] : memref<32x10080xi32, #tpu.memory_space<hbm>> -> memref<1x10080xi32, #tpu.memory_space<hbm>>
      %dma_wait3A_80 = tpu.memref_squeeze %dma_wait3A_79 : memref<1x10080xi32, #tpu.memory_space<hbm>> -> memref<10080xi32, #tpu.memory_space<hbm>>
      %dma_wait3A_81 = arith.constant 0 : i32
      %dma_wait3A_82 = tpu.memref_slice %arg3[%add3A, %dma_wait3A_81] : memref<32x10080xi32, #tpu.memory_space<hbm>> -> memref<1x10080xi32, #tpu.memory_space<hbm>>
      %dma_wait3A_83 = tpu.memref_squeeze %dma_wait3A_82 : memref<1x10080xi32, #tpu.memory_space<hbm>> -> memref<10080xi32, #tpu.memory_space<hbm>>
      tpu.wait_dma2 semaphore(%run_scoped3A : memref<!tpu.dma_semaphore, #tpu.memory_space<semaphore_mem>>) src(%dma_wait3A_83 : memref<10080xi32, #tpu.memory_space<hbm>>) dst(%arg9 : memref<10080xi32, #tpu.memory_space<vmem>>)
      tpu.yield
    }) : () -> ()
    "tpu.region"() ({
      %run_scoped3A = tpu.sem_alloc : memref<!tpu.dma_semaphore, #tpu.memory_space<semaphore_mem>>
      %dma_start3A_73 = arith.constant 0 : i32
      %dma_start3A_74 = tpu.memref_slice %arg26[%mul3A_2, %dma_start3A_73] : memref<10112x128xf32, #tpu.memory_space<vmem_shared>> -> memref<632x128xf32, #tpu.memory_space<vmem_shared>>
      %dma_start3A_75 = arith.constant 0 : i32
      %dma_start3A_76 = tpu.memref_slice %arg5[%mul3A_2, %dma_start3A_75] : memref<10112x128xf32, #tpu.memory_space<hbm>> -> memref<632x128xf32, #tpu.memory_space<hbm>>
      tpu.enqueue_dma source(%dma_start3A_76 : memref<632x128xf32, #tpu.memory_space<hbm>>) target(%dma_start3A_74 : memref<632x128xf32, #tpu.memory_space<vmem_shared>>) target_semaphore(%run_scoped3A : memref<!tpu.dma_semaphore, #tpu.memory_space<semaphore_mem>>)
      %dma_wait3A = arith.constant 0 : i32
      %dma_wait3A_77 = tpu.memref_slice %arg26[%mul3A_2, %dma_wait3A] : memref<10112x128xf32, #tpu.memory_space<vmem_shared>> -> memref<632x128xf32, #tpu.memory_space<vmem_shared>>
      %dma_wait3A_78 = arith.constant 0 : i32
      %dma_wait3A_79 = tpu.memref_slice %arg5[%mul3A_2, %dma_wait3A_78] : memref<10112x128xf32, #tpu.memory_space<hbm>> -> memref<632x128xf32, #tpu.memory_space<hbm>>
      tpu.wait_dma2 semaphore(%run_scoped3A : memref<!tpu.dma_semaphore, #tpu.memory_space<semaphore_mem>>) src(%dma_wait3A_79 : memref<632x128xf32, #tpu.memory_space<hbm>>) dst(%dma_wait3A_77 : memref<632x128xf32, #tpu.memory_space<vmem_shared>>)
      tpu.yield
    }) : () -> ()
    %barrier3A = arith.constant 0 : index
    tpu.barrier barrier_id(%barrier3A)
    %dma_start3A = arith.constant 0 : i32
    %dma_start3A_3 = tpu.memref_slice %arg9[%dma_start3A] : memref<10080xi32, #tpu.memory_space<vmem>> -> memref<72xi32, #tpu.memory_space<vmem>>
    %dma_start3A_4 = arith.constant 0 : i32
    %dma_start3A_5 = arith.constant 0 : i32
    %dma_start3A_6 = tpu.memref_slice %arg2[%dma_start3A_4, %dma_start3A_5] : memref<10000x128xf32, #tpu.memory_space<hbm>> -> memref<10000x128xf32, #tpu.memory_space<hbm>>
    tpu.enqueue_indirect_dma source(%dma_start3A_6 : memref<10000x128xf32, #tpu.memory_space<hbm>>) target(%arg14 : memref<72x128xf32, #tpu.memory_space<vmem>>) offsets(%dma_start3A_3 : memref<72xi32, #tpu.memory_space<vmem>>) semaphore(%arg18 : memref<!tpu.dma_semaphore, #tpu.memory_space<semaphore_mem>>)
    %dma_start3A_7 = arith.constant 0 : i32
    %dma_start3A_8 = arith.constant 0 : i32
    %dma_start3A_9 = tpu.memref_slice %arg4[%add3A, %dma_start3A_7, %dma_start3A_8] : memref<32x140x72xi32, #tpu.memory_space<hbm>> -> memref<1x1x72xi32, #tpu.memory_space<hbm>>
    %dma_start3A_10 = tpu.memref_squeeze %dma_start3A_9 : memref<1x1x72xi32, #tpu.memory_space<hbm>> -> memref<72xi32, #tpu.memory_space<hbm>>
    %dma_start3A_11 = arith.constant 0 : i32
    %dma_start3A_12 = tpu.memref_slice %arg4[%add3A, %dma_start3A_7, %dma_start3A_11] : memref<32x140x72xi32, #tpu.memory_space<hbm>> -> memref<1x1x72xi32, #tpu.memory_space<hbm>>
    %dma_start3A_13 = tpu.memref_squeeze %dma_start3A_12 : memref<1x1x72xi32, #tpu.memory_space<hbm>> -> memref<72xi32, #tpu.memory_space<hbm>>
    tpu.enqueue_dma source(%dma_start3A_13 : memref<72xi32, #tpu.memory_space<hbm>>) target(%arg10 : memref<72xi32, #tpu.memory_space<vmem>>) target_semaphore(%arg22 : memref<!tpu.dma_semaphore, #tpu.memory_space<semaphore_mem>>)
    %dma_start3A_14 = arith.constant 72 : i32
    %dma_start3A_15 = tpu.memref_slice %arg9[%dma_start3A_14] : memref<10080xi32, #tpu.memory_space<vmem>> -> memref<72xi32, #tpu.memory_space<vmem>>
    %dma_start3A_16 = arith.constant 0 : i32
    %dma_start3A_17 = arith.constant 0 : i32
    %dma_start3A_18 = tpu.memref_slice %arg2[%dma_start3A_16, %dma_start3A_17] : memref<10000x128xf32, #tpu.memory_space<hbm>> -> memref<10000x128xf32, #tpu.memory_space<hbm>>
    tpu.enqueue_indirect_dma source(%dma_start3A_18 : memref<10000x128xf32, #tpu.memory_space<hbm>>) target(%arg15 : memref<72x128xf32, #tpu.memory_space<vmem>>) offsets(%dma_start3A_15 : memref<72xi32, #tpu.memory_space<vmem>>) semaphore(%arg19 : memref<!tpu.dma_semaphore, #tpu.memory_space<semaphore_mem>>)
    %dma_start3A_19 = arith.constant 1 : i32
    %dma_start3A_20 = arith.constant 0 : i32
    %dma_start3A_21 = tpu.memref_slice %arg4[%add3A, %dma_start3A_19, %dma_start3A_20] : memref<32x140x72xi32, #tpu.memory_space<hbm>> -> memref<1x1x72xi32, #tpu.memory_space<hbm>>
    %dma_start3A_22 = tpu.memref_squeeze %dma_start3A_21 : memref<1x1x72xi32, #tpu.memory_space<hbm>> -> memref<72xi32, #tpu.memory_space<hbm>>
    %dma_start3A_23 = arith.constant 0 : i32
    %dma_start3A_24 = tpu.memref_slice %arg4[%add3A, %dma_start3A_19, %dma_start3A_23] : memref<32x140x72xi32, #tpu.memory_space<hbm>> -> memref<1x1x72xi32, #tpu.memory_space<hbm>>
    %dma_start3A_25 = tpu.memref_squeeze %dma_start3A_24 : memref<1x1x72xi32, #tpu.memory_space<hbm>> -> memref<72xi32, #tpu.memory_space<hbm>>
    tpu.enqueue_dma source(%dma_start3A_25 : memref<72xi32, #tpu.memory_space<hbm>>) target(%arg11 : memref<72xi32, #tpu.memory_space<vmem>>) target_semaphore(%arg23 : memref<!tpu.dma_semaphore, #tpu.memory_space<semaphore_mem>>)
    %dma_start3A_26 = arith.constant 144 : i32
    %dma_start3A_27 = tpu.memref_slice %arg9[%dma_start3A_26] : memref<10080xi32, #tpu.memory_space<vmem>> -> memref<72xi32, #tpu.memory_space<vmem>>
    %dma_start3A_28 = arith.constant 0 : i32
    %dma_start3A_29 = arith.constant 0 : i32
    %dma_start3A_30 = tpu.memref_slice %arg2[%dma_start3A_28, %dma_start3A_29] : memref<10000x128xf32, #tpu.memory_space<hbm>> -> memref<10000x128xf32, #tpu.memory_space<hbm>>
    tpu.enqueue_indirect_dma source(%dma_start3A_30 : memref<10000x128xf32, #tpu.memory_space<hbm>>) target(%arg16 : memref<72x128xf32, #tpu.memory_space<vmem>>) offsets(%dma_start3A_27 : memref<72xi32, #tpu.memory_space<vmem>>) semaphore(%arg20 : memref<!tpu.dma_semaphore, #tpu.memory_space<semaphore_mem>>)
    %dma_start3A_31 = arith.constant 2 : i32
    %dma_start3A_32 = arith.constant 0 : i32
    %dma_start3A_33 = tpu.memref_slice %arg4[%add3A, %dma_start3A_31, %dma_start3A_32] : memref<32x140x72xi32, #tpu.memory_space<hbm>> -> memref<1x1x72xi32, #tpu.memory_space<hbm>>
    %dma_start3A_34 = tpu.memref_squeeze %dma_start3A_33 : memref<1x1x72xi32, #tpu.memory_space<hbm>> -> memref<72xi32, #tpu.memory_space<hbm>>
    %dma_start3A_35 = arith.constant 0 : i32
    %dma_start3A_36 = tpu.memref_slice %arg4[%add3A, %dma_start3A_31, %dma_start3A_35] : memref<32x140x72xi32, #tpu.memory_space<hbm>> -> memref<1x1x72xi32, #tpu.memory_space<hbm>>
    %dma_start3A_37 = tpu.memref_squeeze %dma_start3A_36 : memref<1x1x72xi32, #tpu.memory_space<hbm>> -> memref<72xi32, #tpu.memory_space<hbm>>
    tpu.enqueue_dma source(%dma_start3A_37 : memref<72xi32, #tpu.memory_space<hbm>>) target(%arg12 : memref<72xi32, #tpu.memory_space<vmem>>) target_semaphore(%arg24 : memref<!tpu.dma_semaphore, #tpu.memory_space<semaphore_mem>>)
    %scan3A = arith.constant 0 : i32
    %scan3A_38 = arith.constant 35 : i32
    %scan3A_39 = arith.addi %scan3A, %scan3A_38 : i32
    %scan3A_40 = arith.constant 1 : i32
    scf.for %scan3A_73 = %scan3A to %scan3A_39 step %scan3A_40  : i32 {
      %mul3A_74 = arith.constant 4 : i32
      %mul3A_75 = arith.muli %scan3A_73, %mul3A_74 : i32
      %add3A_76 = arith.constant 0 : i32
      %add3A_77 = arith.addi %add3A_76, %mul3A_75 : i32
      %add3A_78 = arith.constant 0 : i32
      %add3A_79 = arith.addi %add3A_77, %add3A_78 : i32
      %add3A_80 = arith.constant 3 : i32
      %add3A_81 = arith.addi %add3A_79, %add3A_80 : i32
      %lt3A = arith.constant 140 : i32
      %lt3A_82 = arith.cmpi slt, %add3A_81, %lt3A : i32
      %convert_element_type3A = arith.extui %lt3A_82 : i1 to i32
      %cond3A = arith.constant 0 : i32
      %cond3A_83 = arith.cmpi ne, %convert_element_type3A, %cond3A : i32
      scf.if %cond3A_83 {
        %add3A_174 = arith.constant 0 : i32
        %add3A_175 = arith.addi %add3A_77, %add3A_174 : i32
        %add3A_176 = arith.constant 3 : i32
        %add3A_177 = arith.addi %add3A_175, %add3A_176 : i32
        %mul3A_178 = arith.constant 72 : i32
        %mul3A_179 = arith.muli %add3A_177, %mul3A_178 : i32
        %dma_start3A_180 = tpu.memref_slice %arg9[%mul3A_179] : memref<10080xi32, #tpu.memory_space<vmem>> -> memref<72xi32, #tpu.memory_space<vmem>>
        %dma_start3A_181 = arith.constant 0 : i32
        %dma_start3A_182 = arith.constant 0 : i32
        %dma_start3A_183 = tpu.memref_slice %arg2[%dma_start3A_181, %dma_start3A_182] : memref<10000x128xf32, #tpu.memory_space<hbm>> -> memref<10000x128xf32, #tpu.memory_space<hbm>>
        tpu.enqueue_indirect_dma source(%dma_start3A_183 : memref<10000x128xf32, #tpu.memory_space<hbm>>) target(%arg17 : memref<72x128xf32, #tpu.memory_space<vmem>>) offsets(%dma_start3A_180 : memref<72xi32, #tpu.memory_space<vmem>>) semaphore(%arg21 : memref<!tpu.dma_semaphore, #tpu.memory_space<semaphore_mem>>)
        %add3A_184 = arith.constant 0 : i32
        %add3A_185 = arith.addi %add3A_77, %add3A_184 : i32
        %add3A_186 = arith.constant 3 : i32
        %add3A_187 = arith.addi %add3A_185, %add3A_186 : i32
        %dma_start3A_188 = arith.constant 0 : i32
        %dma_start3A_189 = tpu.memref_slice %arg4[%add3A, %add3A_187, %dma_start3A_188] : memref<32x140x72xi32, #tpu.memory_space<hbm>> -> memref<1x1x72xi32, #tpu.memory_space<hbm>>
        %dma_start3A_190 = tpu.memref_squeeze %dma_start3A_189 : memref<1x1x72xi32, #tpu.memory_space<hbm>> -> memref<72xi32, #tpu.memory_space<hbm>>
        %dma_start3A_191 = arith.constant 0 : i32
        %dma_start3A_192 = tpu.memref_slice %arg4[%add3A, %add3A_187, %dma_start3A_191] : memref<32x140x72xi32, #tpu.memory_space<hbm>> -> memref<1x1x72xi32, #tpu.memory_space<hbm>>
        %dma_start3A_193 = tpu.memref_squeeze %dma_start3A_192 : memref<1x1x72xi32, #tpu.memory_space<hbm>> -> memref<72xi32, #tpu.memory_space<hbm>>
        tpu.enqueue_dma source(%dma_start3A_193 : memref<72xi32, #tpu.memory_space<hbm>>) target(%arg13 : memref<72xi32, #tpu.memory_space<vmem>>) target_semaphore(%arg25 : memref<!tpu.dma_semaphore, #tpu.memory_space<semaphore_mem>>)
      } else {
      }
      %add3A_84 = arith.constant 0 : i32
      %add3A_85 = arith.addi %add3A_77, %add3A_84 : i32
      %dma_wait3A = arith.constant 0 : i32
      %dma_wait3A_86 = tpu.memref_slice %arg4[%add3A, %add3A_85, %dma_wait3A] : memref<32x140x72xi32, #tpu.memory_space<hbm>> -> memref<1x1x72xi32, #tpu.memory_space<hbm>>
      %dma_wait3A_87 = tpu.memref_squeeze %dma_wait3A_86 : memref<1x1x72xi32, #tpu.memory_space<hbm>> -> memref<72xi32, #tpu.memory_space<hbm>>
      %dma_wait3A_88 = arith.constant 0 : i32
      %dma_wait3A_89 = tpu.memref_slice %arg4[%add3A, %add3A_85, %dma_wait3A_88] : memref<32x140x72xi32, #tpu.memory_space<hbm>> -> memref<1x1x72xi32, #tpu.memory_space<hbm>>
      %dma_wait3A_90 = tpu.memref_squeeze %dma_wait3A_89 : memref<1x1x72xi32, #tpu.memory_space<hbm>> -> memref<72xi32, #tpu.memory_space<hbm>>
      tpu.wait_dma2 semaphore(%arg22 : memref<!tpu.dma_semaphore, #tpu.memory_space<semaphore_mem>>) src(%dma_wait3A_90 : memref<72xi32, #tpu.memory_space<hbm>>) dst(%arg10 : memref<72xi32, #tpu.memory_space<vmem>>)
      %add3A_91 = arith.constant 0 : i32
      %add3A_92 = arith.addi %add3A_77, %add3A_91 : i32
      %mul3A_93 = arith.constant 72 : i32
      %mul3A_94 = arith.muli %add3A_92, %mul3A_93 : i32
      %dma_wait3A_95 = tpu.memref_slice %arg9[%mul3A_94] : memref<10080xi32, #tpu.memory_space<vmem>> -> memref<72xi32, #tpu.memory_space<vmem>>
      %dma_wait3A_96 = arith.constant 0 : i32
      %dma_wait3A_97 = arith.constant 0 : i32
      %dma_wait3A_98 = tpu.memref_slice %arg2[%dma_wait3A_96, %dma_wait3A_97] : memref<10000x128xf32, #tpu.memory_space<hbm>> -> memref<10000x128xf32, #tpu.memory_space<hbm>>
      tpu.wait_indirect_dma semaphore(%arg18 : memref<!tpu.dma_semaphore, #tpu.memory_space<semaphore_mem>>) src(%dma_wait3A_98 : memref<10000x128xf32, #tpu.memory_space<hbm>>) dst(%arg14 : memref<72x128xf32, #tpu.memory_space<vmem>>)
      "tpu.region"() ({
        %run_scoped3A = tpu.sem_alloc : memref<!tpu.dma_semaphore, #tpu.memory_space<semaphore_mem>>
        %dma_start3A_174 = arith.constant 0 : i32
        %dma_start3A_175 = arith.constant 0 : i32
        %dma_start3A_176 = tpu.memref_slice %arg26[%dma_start3A_174, %dma_start3A_175] : memref<10112x128xf32, #tpu.memory_space<vmem_shared>> -> memref<10112x128xf32, #tpu.memory_space<vmem_shared>>
        tpu.enqueue_indirect_dma source(%arg14 : memref<72x128xf32, #tpu.memory_space<vmem>>) target(%dma_start3A_176 : memref<10112x128xf32, #tpu.memory_space<vmem_shared>>) offsets(%arg10 : memref<72xi32, #tpu.memory_space<vmem>>) semaphore(%run_scoped3A : memref<!tpu.dma_semaphore, #tpu.memory_space<semaphore_mem>>) {add = true}
        %dma_wait3A_177 = arith.constant 0 : i32
        %dma_wait3A_178 = arith.constant 0 : i32
        %dma_wait3A_179 = tpu.memref_slice %arg26[%dma_wait3A_177, %dma_wait3A_178] : memref<10112x128xf32, #tpu.memory_space<vmem_shared>> -> memref<10112x128xf32, #tpu.memory_space<vmem_shared>>
        tpu.wait_indirect_dma semaphore(%run_scoped3A : memref<!tpu.dma_semaphore, #tpu.memory_space<semaphore_mem>>) src(%arg14 : memref<72x128xf32, #tpu.memory_space<vmem>>) dst(%dma_wait3A_179 : memref<10112x128xf32, #tpu.memory_space<vmem_shared>>)
        tpu.yield
      }) : () -> ()
      %add3A_99 = arith.constant 1 : i32
      %add3A_100 = arith.addi %add3A_77, %add3A_99 : i32
      %add3A_101 = arith.constant 3 : i32
      %add3A_102 = arith.addi %add3A_100, %add3A_101 : i32
      %lt3A_103 = arith.constant 140 : i32
      %lt3A_104 = arith.cmpi slt, %add3A_102, %lt3A_103 : i32
      %convert_element_type3A_105 = arith.extui %lt3A_104 : i1 to i32
      %cond3A_106 = arith.constant 0 : i32
      %cond3A_107 = arith.cmpi ne, %convert_element_type3A_105, %cond3A_106 : i32
      scf.if %cond3A_107 {
        %add3A_174 = arith.constant 1 : i32
        %add3A_175 = arith.addi %add3A_77, %add3A_174 : i32
        %add3A_176 = arith.constant 3 : i32
        %add3A_177 = arith.addi %add3A_175, %add3A_176 : i32
        %mul3A_178 = arith.constant 72 : i32
        %mul3A_179 = arith.muli %add3A_177, %mul3A_178 : i32
        %dma_start3A_180 = tpu.memref_slice %arg9[%mul3A_179] : memref<10080xi32, #tpu.memory_space<vmem>> -> memref<72xi32, #tpu.memory_space<vmem>>
        %dma_start3A_181 = arith.constant 0 : i32
        %dma_start3A_182 = arith.constant 0 : i32
        %dma_start3A_183 = tpu.memref_slice %arg2[%dma_start3A_181, %dma_start3A_182] : memref<10000x128xf32, #tpu.memory_space<hbm>> -> memref<10000x128xf32, #tpu.memory_space<hbm>>
        tpu.enqueue_indirect_dma source(%dma_start3A_183 : memref<10000x128xf32, #tpu.memory_space<hbm>>) target(%arg14 : memref<72x128xf32, #tpu.memory_space<vmem>>) offsets(%dma_start3A_180 : memref<72xi32, #tpu.memory_space<vmem>>) semaphore(%arg18 : memref<!tpu.dma_semaphore, #tpu.memory_space<semaphore_mem>>)
        %add3A_184 = arith.constant 1 : i32
        %add3A_185 = arith.addi %add3A_77, %add3A_184 : i32
        %add3A_186 = arith.constant 3 : i32
        %add3A_187 = arith.addi %add3A_185, %add3A_186 : i32
        %dma_start3A_188 = arith.constant 0 : i32
        %dma_start3A_189 = tpu.memref_slice %arg4[%add3A, %add3A_187, %dma_start3A_188] : memref<32x140x72xi32, #tpu.memory_space<hbm>> -> memref<1x1x72xi32, #tpu.memory_space<hbm>>
        %dma_start3A_190 = tpu.memref_squeeze %dma_start3A_189 : memref<1x1x72xi32, #tpu.memory_space<hbm>> -> memref<72xi32, #tpu.memory_space<hbm>>
        %dma_start3A_191 = arith.constant 0 : i32
        %dma_start3A_192 = tpu.memref_slice %arg4[%add3A, %add3A_187, %dma_start3A_191] : memref<32x140x72xi32, #tpu.memory_space<hbm>> -> memref<1x1x72xi32, #tpu.memory_space<hbm>>
        %dma_start3A_193 = tpu.memref_squeeze %dma_start3A_192 : memref<1x1x72xi32, #tpu.memory_space<hbm>> -> memref<72xi32, #tpu.memory_space<hbm>>
        tpu.enqueue_dma source(%dma_start3A_193 : memref<72xi32, #tpu.memory_space<hbm>>) target(%arg10 : memref<72xi32, #tpu.memory_space<vmem>>) target_semaphore(%arg22 : memref<!tpu.dma_semaphore, #tpu.memory_space<semaphore_mem>>)
      } else {
      }
      %add3A_108 = arith.constant 1 : i32
      %add3A_109 = arith.addi %add3A_77, %add3A_108 : i32
      %dma_wait3A_110 = arith.constant 0 : i32
      %dma_wait3A_111 = tpu.memref_slice %arg4[%add3A, %add3A_109, %dma_wait3A_110] : memref<32x140x72xi32, #tpu.memory_space<hbm>> -> memref<1x1x72xi32, #tpu.memory_space<hbm>>
      %dma_wait3A_112 = tpu.memref_squeeze %dma_wait3A_111 : memref<1x1x72xi32, #tpu.memory_space<hbm>> -> memref<72xi32, #tpu.memory_space<hbm>>
      %dma_wait3A_113 = arith.constant 0 : i32
      %dma_wait3A_114 = tpu.memref_slice %arg4[%add3A, %add3A_109, %dma_wait3A_113] : memref<32x140x72xi32, #tpu.memory_space<hbm>> -> memref<1x1x72xi32, #tpu.memory_space<hbm>>
      %dma_wait3A_115 = tpu.memref_squeeze %dma_wait3A_114 : memref<1x1x72xi32, #tpu.memory_space<hbm>> -> memref<72xi32, #tpu.memory_space<hbm>>
      tpu.wait_dma2 semaphore(%arg23 : memref<!tpu.dma_semaphore, #tpu.memory_space<semaphore_mem>>) src(%dma_wait3A_115 : memref<72xi32, #tpu.memory_space<hbm>>) dst(%arg11 : memref<72xi32, #tpu.memory_space<vmem>>)
      %add3A_116 = arith.constant 1 : i32
      %add3A_117 = arith.addi %add3A_77, %add3A_116 : i32
      %mul3A_118 = arith.constant 72 : i32
      %mul3A_119 = arith.muli %add3A_117, %mul3A_118 : i32
      %dma_wait3A_120 = tpu.memref_slice %arg9[%mul3A_119] : memref<10080xi32, #tpu.memory_space<vmem>> -> memref<72xi32, #tpu.memory_space<vmem>>
      %dma_wait3A_121 = arith.constant 0 : i32
      %dma_wait3A_122 = arith.constant 0 : i32
      %dma_wait3A_123 = tpu.memref_slice %arg2[%dma_wait3A_121, %dma_wait3A_122] : memref<10000x128xf32, #tpu.memory_space<hbm>> -> memref<10000x128xf32, #tpu.memory_space<hbm>>
      tpu.wait_indirect_dma semaphore(%arg19 : memref<!tpu.dma_semaphore, #tpu.memory_space<semaphore_mem>>) src(%dma_wait3A_123 : memref<10000x128xf32, #tpu.memory_space<hbm>>) dst(%arg15 : memref<72x128xf32, #tpu.memory_space<vmem>>)
      "tpu.region"() ({
        %run_scoped3A = tpu.sem_alloc : memref<!tpu.dma_semaphore, #tpu.memory_space<semaphore_mem>>
        %dma_start3A_174 = arith.constant 0 : i32
        %dma_start3A_175 = arith.constant 0 : i32
        %dma_start3A_176 = tpu.memref_slice %arg26[%dma_start3A_174, %dma_start3A_175] : memref<10112x128xf32, #tpu.memory_space<vmem_shared>> -> memref<10112x128xf32, #tpu.memory_space<vmem_shared>>
        tpu.enqueue_indirect_dma source(%arg15 : memref<72x128xf32, #tpu.memory_space<vmem>>) target(%dma_start3A_176 : memref<10112x128xf32, #tpu.memory_space<vmem_shared>>) offsets(%arg11 : memref<72xi32, #tpu.memory_space<vmem>>) semaphore(%run_scoped3A : memref<!tpu.dma_semaphore, #tpu.memory_space<semaphore_mem>>) {add = true}
        %dma_wait3A_177 = arith.constant 0 : i32
        %dma_wait3A_178 = arith.constant 0 : i32
        %dma_wait3A_179 = tpu.memref_slice %arg26[%dma_wait3A_177, %dma_wait3A_178] : memref<10112x128xf32, #tpu.memory_space<vmem_shared>> -> memref<10112x128xf32, #tpu.memory_space<vmem_shared>>
        tpu.wait_indirect_dma semaphore(%run_scoped3A : memref<!tpu.dma_semaphore, #tpu.memory_space<semaphore_mem>>) src(%arg15 : memref<72x128xf32, #tpu.memory_space<vmem>>) dst(%dma_wait3A_179 : memref<10112x128xf32, #tpu.memory_space<vmem_shared>>)
        tpu.yield
      }) : () -> ()
      %add3A_124 = arith.constant 2 : i32
      %add3A_125 = arith.addi %add3A_77, %add3A_124 : i32
      %add3A_126 = arith.constant 3 : i32
      %add3A_127 = arith.addi %add3A_125, %add3A_126 : i32
      %lt3A_128 = arith.constant 140 : i32
      %lt3A_129 = arith.cmpi slt, %add3A_127, %lt3A_128 : i32
      %convert_element_type3A_130 = arith.extui %lt3A_129 : i1 to i32
      %cond3A_131 = arith.constant 0 : i32
      %cond3A_132 = arith.cmpi ne, %convert_element_type3A_130, %cond3A_131 : i32
      scf.if %cond3A_132 {
        %add3A_174 = arith.constant 2 : i32
        %add3A_175 = arith.addi %add3A_77, %add3A_174 : i32
        %add3A_176 = arith.constant 3 : i32
        %add3A_177 = arith.addi %add3A_175, %add3A_176 : i32
        %mul3A_178 = arith.constant 72 : i32
        %mul3A_179 = arith.muli %add3A_177, %mul3A_178 : i32
        %dma_start3A_180 = tpu.memref_slice %arg9[%mul3A_179] : memref<10080xi32, #tpu.memory_space<vmem>> -> memref<72xi32, #tpu.memory_space<vmem>>
        %dma_start3A_181 = arith.constant 0 : i32
        %dma_start3A_182 = arith.constant 0 : i32
        %dma_start3A_183 = tpu.memref_slice %arg2[%dma_start3A_181, %dma_start3A_182] : memref<10000x128xf32, #tpu.memory_space<hbm>> -> memref<10000x128xf32, #tpu.memory_space<hbm>>
        tpu.enqueue_indirect_dma source(%dma_start3A_183 : memref<10000x128xf32, #tpu.memory_space<hbm>>) target(%arg15 : memref<72x128xf32, #tpu.memory_space<vmem>>) offsets(%dma_start3A_180 : memref<72xi32, #tpu.memory_space<vmem>>) semaphore(%arg19 : memref<!tpu.dma_semaphore, #tpu.memory_space<semaphore_mem>>)
        %add3A_184 = arith.constant 2 : i32
        %add3A_185 = arith.addi %add3A_77, %add3A_184 : i32
        %add3A_186 = arith.constant 3 : i32
        %add3A_187 = arith.addi %add3A_185, %add3A_186 : i32
        %dma_start3A_188 = arith.constant 0 : i32
        %dma_start3A_189 = tpu.memref_slice %arg4[%add3A, %add3A_187, %dma_start3A_188] : memref<32x140x72xi32, #tpu.memory_space<hbm>> -> memref<1x1x72xi32, #tpu.memory_space<hbm>>
        %dma_start3A_190 = tpu.memref_squeeze %dma_start3A_189 : memref<1x1x72xi32, #tpu.memory_space<hbm>> -> memref<72xi32, #tpu.memory_space<hbm>>
        %dma_start3A_191 = arith.constant 0 : i32
        %dma_start3A_192 = tpu.memref_slice %arg4[%add3A, %add3A_187, %dma_start3A_191] : memref<32x140x72xi32, #tpu.memory_space<hbm>> -> memref<1x1x72xi32, #tpu.memory_space<hbm>>
        %dma_start3A_193 = tpu.memref_squeeze %dma_start3A_192 : memref<1x1x72xi32, #tpu.memory_space<hbm>> -> memref<72xi32, #tpu.memory_space<hbm>>
        tpu.enqueue_dma source(%dma_start3A_193 : memref<72xi32, #tpu.memory_space<hbm>>) target(%arg11 : memref<72xi32, #tpu.memory_space<vmem>>) target_semaphore(%arg23 : memref<!tpu.dma_semaphore, #tpu.memory_space<semaphore_mem>>)
      } else {
      }
      %add3A_133 = arith.constant 2 : i32
      %add3A_134 = arith.addi %add3A_77, %add3A_133 : i32
      %dma_wait3A_135 = arith.constant 0 : i32
      %dma_wait3A_136 = tpu.memref_slice %arg4[%add3A, %add3A_134, %dma_wait3A_135] : memref<32x140x72xi32, #tpu.memory_space<hbm>> -> memref<1x1x72xi32, #tpu.memory_space<hbm>>
      %dma_wait3A_137 = tpu.memref_squeeze %dma_wait3A_136 : memref<1x1x72xi32, #tpu.memory_space<hbm>> -> memref<72xi32, #tpu.memory_space<hbm>>
      %dma_wait3A_138 = arith.constant 0 : i32
      %dma_wait3A_139 = tpu.memref_slice %arg4[%add3A, %add3A_134, %dma_wait3A_138] : memref<32x140x72xi32, #tpu.memory_space<hbm>> -> memref<1x1x72xi32, #tpu.memory_space<hbm>>
      %dma_wait3A_140 = tpu.memref_squeeze %dma_wait3A_139 : memref<1x1x72xi32, #tpu.memory_space<hbm>> -> memref<72xi32, #tpu.memory_space<hbm>>
      tpu.wait_dma2 semaphore(%arg24 : memref<!tpu.dma_semaphore, #tpu.memory_space<semaphore_mem>>) src(%dma_wait3A_140 : memref<72xi32, #tpu.memory_space<hbm>>) dst(%arg12 : memref<72xi32, #tpu.memory_space<vmem>>)
      %add3A_141 = arith.constant 2 : i32
      %add3A_142 = arith.addi %add3A_77, %add3A_141 : i32
      %mul3A_143 = arith.constant 72 : i32
      %mul3A_144 = arith.muli %add3A_142, %mul3A_143 : i32
      %dma_wait3A_145 = tpu.memref_slice %arg9[%mul3A_144] : memref<10080xi32, #tpu.memory_space<vmem>> -> memref<72xi32, #tpu.memory_space<vmem>>
      %dma_wait3A_146 = arith.constant 0 : i32
      %dma_wait3A_147 = arith.constant 0 : i32
      %dma_wait3A_148 = tpu.memref_slice %arg2[%dma_wait3A_146, %dma_wait3A_147] : memref<10000x128xf32, #tpu.memory_space<hbm>> -> memref<10000x128xf32, #tpu.memory_space<hbm>>
      tpu.wait_indirect_dma semaphore(%arg20 : memref<!tpu.dma_semaphore, #tpu.memory_space<semaphore_mem>>) src(%dma_wait3A_148 : memref<10000x128xf32, #tpu.memory_space<hbm>>) dst(%arg16 : memref<72x128xf32, #tpu.memory_space<vmem>>)
      "tpu.region"() ({
        %run_scoped3A = tpu.sem_alloc : memref<!tpu.dma_semaphore, #tpu.memory_space<semaphore_mem>>
        %dma_start3A_174 = arith.constant 0 : i32
        %dma_start3A_175 = arith.constant 0 : i32
        %dma_start3A_176 = tpu.memref_slice %arg26[%dma_start3A_174, %dma_start3A_175] : memref<10112x128xf32, #tpu.memory_space<vmem_shared>> -> memref<10112x128xf32, #tpu.memory_space<vmem_shared>>
        tpu.enqueue_indirect_dma source(%arg16 : memref<72x128xf32, #tpu.memory_space<vmem>>) target(%dma_start3A_176 : memref<10112x128xf32, #tpu.memory_space<vmem_shared>>) offsets(%arg12 : memref<72xi32, #tpu.memory_space<vmem>>) semaphore(%run_scoped3A : memref<!tpu.dma_semaphore, #tpu.memory_space<semaphore_mem>>) {add = true}
        %dma_wait3A_177 = arith.constant 0 : i32
        %dma_wait3A_178 = arith.constant 0 : i32
        %dma_wait3A_179 = tpu.memref_slice %arg26[%dma_wait3A_177, %dma_wait3A_178] : memref<10112x128xf32, #tpu.memory_space<vmem_shared>> -> memref<10112x128xf32, #tpu.memory_space<vmem_shared>>
        tpu.wait_indirect_dma semaphore(%run_scoped3A : memref<!tpu.dma_semaphore, #tpu.memory_space<semaphore_mem>>) src(%arg16 : memref<72x128xf32, #tpu.memory_space<vmem>>) dst(%dma_wait3A_179 : memref<10112x128xf32, #tpu.memory_space<vmem_shared>>)
        tpu.yield
      }) : () -> ()
      %add3A_149 = arith.constant 3 : i32
      %add3A_150 = arith.addi %add3A_77, %add3A_149 : i32
      %add3A_151 = arith.constant 3 : i32
      %add3A_152 = arith.addi %add3A_150, %add3A_151 : i32
      %lt3A_153 = arith.constant 140 : i32
      %lt3A_154 = arith.cmpi slt, %add3A_152, %lt3A_153 : i32
      %convert_element_type3A_155 = arith.extui %lt3A_154 : i1 to i32
      %cond3A_156 = arith.constant 0 : i32
      %cond3A_157 = arith.cmpi ne, %convert_element_type3A_155, %cond3A_156 : i32
      scf.if %cond3A_157 {
        %add3A_174 = arith.constant 3 : i32
        %add3A_175 = arith.addi %add3A_77, %add3A_174 : i32
        %add3A_176 = arith.constant 3 : i32
        %add3A_177 = arith.addi %add3A_175, %add3A_176 : i32
        %mul3A_178 = arith.constant 72 : i32
        %mul3A_179 = arith.muli %add3A_177, %mul3A_178 : i32
        %dma_start3A_180 = tpu.memref_slice %arg9[%mul3A_179] : memref<10080xi32, #tpu.memory_space<vmem>> -> memref<72xi32, #tpu.memory_space<vmem>>
        %dma_start3A_181 = arith.constant 0 : i32
        %dma_start3A_182 = arith.constant 0 : i32
        %dma_start3A_183 = tpu.memref_slice %arg2[%dma_start3A_181, %dma_start3A_182] : memref<10000x128xf32, #tpu.memory_space<hbm>> -> memref<10000x128xf32, #tpu.memory_space<hbm>>
        tpu.enqueue_indirect_dma source(%dma_start3A_183 : memref<10000x128xf32, #tpu.memory_space<hbm>>) target(%arg16 : memref<72x128xf32, #tpu.memory_space<vmem>>) offsets(%dma_start3A_180 : memref<72xi32, #tpu.memory_space<vmem>>) semaphore(%arg20 : memref<!tpu.dma_semaphore, #tpu.memory_space<semaphore_mem>>)
        %add3A_184 = arith.constant 3 : i32
        %add3A_185 = arith.addi %add3A_77, %add3A_184 : i32
        %add3A_186 = arith.constant 3 : i32
        %add3A_187 = arith.addi %add3A_185, %add3A_186 : i32
        %dma_start3A_188 = arith.constant 0 : i32
        %dma_start3A_189 = tpu.memref_slice %arg4[%add3A, %add3A_187, %dma_start3A_188] : memref<32x140x72xi32, #tpu.memory_space<hbm>> -> memref<1x1x72xi32, #tpu.memory_space<hbm>>
        %dma_start3A_190 = tpu.memref_squeeze %dma_start3A_189 : memref<1x1x72xi32, #tpu.memory_space<hbm>> -> memref<72xi32, #tpu.memory_space<hbm>>
        %dma_start3A_191 = arith.constant 0 : i32
        %dma_start3A_192 = tpu.memref_slice %arg4[%add3A, %add3A_187, %dma_start3A_191] : memref<32x140x72xi32, #tpu.memory_space<hbm>> -> memref<1x1x72xi32, #tpu.memory_space<hbm>>
        %dma_start3A_193 = tpu.memref_squeeze %dma_start3A_192 : memref<1x1x72xi32, #tpu.memory_space<hbm>> -> memref<72xi32, #tpu.memory_space<hbm>>
        tpu.enqueue_dma source(%dma_start3A_193 : memref<72xi32, #tpu.memory_space<hbm>>) target(%arg12 : memref<72xi32, #tpu.memory_space<vmem>>) target_semaphore(%arg24 : memref<!tpu.dma_semaphore, #tpu.memory_space<semaphore_mem>>)
      } else {
      }
      %add3A_158 = arith.constant 3 : i32
      %add3A_159 = arith.addi %add3A_77, %add3A_158 : i32
      %dma_wait3A_160 = arith.constant 0 : i32
      %dma_wait3A_161 = tpu.memref_slice %arg4[%add3A, %add3A_159, %dma_wait3A_160] : memref<32x140x72xi32, #tpu.memory_space<hbm>> -> memref<1x1x72xi32, #tpu.memory_space<hbm>>
      %dma_wait3A_162 = tpu.memref_squeeze %dma_wait3A_161 : memref<1x1x72xi32, #tpu.memory_space<hbm>> -> memref<72xi32, #tpu.memory_space<hbm>>
      %dma_wait3A_163 = arith.constant 0 : i32
      %dma_wait3A_164 = tpu.memref_slice %arg4[%add3A, %add3A_159, %dma_wait3A_163] : memref<32x140x72xi32, #tpu.memory_space<hbm>> -> memref<1x1x72xi32, #tpu.memory_space<hbm>>
      %dma_wait3A_165 = tpu.memref_squeeze %dma_wait3A_164 : memref<1x1x72xi32, #tpu.memory_space<hbm>> -> memref<72xi32, #tpu.memory_space<hbm>>
      tpu.wait_dma2 semaphore(%arg25 : memref<!tpu.dma_semaphore, #tpu.memory_space<semaphore_mem>>) src(%dma_wait3A_165 : memref<72xi32, #tpu.memory_space<hbm>>) dst(%arg13 : memref<72xi32, #tpu.memory_space<vmem>>)
      %add3A_166 = arith.constant 3 : i32
      %add3A_167 = arith.addi %add3A_77, %add3A_166 : i32
      %mul3A_168 = arith.constant 72 : i32
      %mul3A_169 = arith.muli %add3A_167, %mul3A_168 : i32
      %dma_wait3A_170 = tpu.memref_slice %arg9[%mul3A_169] : memref<10080xi32, #tpu.memory_space<vmem>> -> memref<72xi32, #tpu.memory_space<vmem>>
      %dma_wait3A_171 = arith.constant 0 : i32
      %dma_wait3A_172 = arith.constant 0 : i32
      %dma_wait3A_173 = tpu.memref_slice %arg2[%dma_wait3A_171, %dma_wait3A_172] : memref<10000x128xf32, #tpu.memory_space<hbm>> -> memref<10000x128xf32, #tpu.memory_space<hbm>>
      tpu.wait_indirect_dma semaphore(%arg21 : memref<!tpu.dma_semaphore, #tpu.memory_space<semaphore_mem>>) src(%dma_wait3A_173 : memref<10000x128xf32, #tpu.memory_space<hbm>>) dst(%arg17 : memref<72x128xf32, #tpu.memory_space<vmem>>)
      "tpu.region"() ({
        %run_scoped3A = tpu.sem_alloc : memref<!tpu.dma_semaphore, #tpu.memory_space<semaphore_mem>>
        %dma_start3A_174 = arith.constant 0 : i32
        %dma_start3A_175 = arith.constant 0 : i32
        %dma_start3A_176 = tpu.memref_slice %arg26[%dma_start3A_174, %dma_start3A_175] : memref<10112x128xf32, #tpu.memory_space<vmem_shared>> -> memref<10112x128xf32, #tpu.memory_space<vmem_shared>>
        tpu.enqueue_indirect_dma source(%arg17 : memref<72x128xf32, #tpu.memory_space<vmem>>) target(%dma_start3A_176 : memref<10112x128xf32, #tpu.memory_space<vmem_shared>>) offsets(%arg13 : memref<72xi32, #tpu.memory_space<vmem>>) semaphore(%run_scoped3A : memref<!tpu.dma_semaphore, #tpu.memory_space<semaphore_mem>>) {add = true}
        %dma_wait3A_177 = arith.constant 0 : i32
        %dma_wait3A_178 = arith.constant 0 : i32
        %dma_wait3A_179 = tpu.memref_slice %arg26[%dma_wait3A_177, %dma_wait3A_178] : memref<10112x128xf32, #tpu.memory_space<vmem_shared>> -> memref<10112x128xf32, #tpu.memory_space<vmem_shared>>
        tpu.wait_indirect_dma semaphore(%run_scoped3A : memref<!tpu.dma_semaphore, #tpu.memory_space<semaphore_mem>>) src(%arg17 : memref<72x128xf32, #tpu.memory_space<vmem>>) dst(%dma_wait3A_179 : memref<10112x128xf32, #tpu.memory_space<vmem_shared>>)
        tpu.yield
      }) : () -> ()
    }
    %scan3A_41 = arith.constant 35 : i32
    %barrier3A_42 = arith.constant 0 : index
    tpu.barrier barrier_id(%barrier3A_42)
    "tpu.region"() ({
      %run_scoped3A = tpu.sem_alloc : memref<!tpu.dma_semaphore, #tpu.memory_space<semaphore_mem>>
      %dma_start3A_73 = arith.constant 0 : i32
      %dma_start3A_74 = tpu.memref_slice %arg7[%arg0, %mul3A_2, %dma_start3A_73] : memref<2x10112x128xf32, #tpu.memory_space<hbm>> -> memref<1x632x128xf32, #tpu.memory_space<hbm>>
      %dma_start3A_75 = tpu.memref_squeeze %dma_start3A_74 : memref<1x632x128xf32, #tpu.memory_space<hbm>> -> memref<632x128xf32, #tpu.memory_space<hbm>>
      %dma_start3A_76 = arith.constant 0 : i32
      %dma_start3A_77 = tpu.memref_slice %arg26[%mul3A_2, %dma_start3A_76] : memref<10112x128xf32, #tpu.memory_space<vmem_shared>> -> memref<632x128xf32, #tpu.memory_space<vmem_shared>>
      tpu.enqueue_dma source(%dma_start3A_77 : memref<632x128xf32, #tpu.memory_space<vmem_shared>>) target(%dma_start3A_75 : memref<632x128xf32, #tpu.memory_space<hbm>>) target_semaphore(%run_scoped3A : memref<!tpu.dma_semaphore, #tpu.memory_space<semaphore_mem>>)
      %dma_wait3A = arith.constant 0 : i32
      %dma_wait3A_78 = tpu.memref_slice %arg7[%arg0, %mul3A_2, %dma_wait3A] : memref<2x10112x128xf32, #tpu.memory_space<hbm>> -> memref<1x632x128xf32, #tpu.memory_space<hbm>>
      %dma_wait3A_79 = tpu.memref_squeeze %dma_wait3A_78 : memref<1x632x128xf32, #tpu.memory_space<hbm>> -> memref<632x128xf32, #tpu.memory_space<hbm>>
      %dma_wait3A_80 = arith.constant 0 : i32
      %dma_wait3A_81 = tpu.memref_slice %arg26[%mul3A_2, %dma_wait3A_80] : memref<10112x128xf32, #tpu.memory_space<vmem_shared>> -> memref<632x128xf32, #tpu.memory_space<vmem_shared>>
      tpu.wait_dma2 semaphore(%run_scoped3A : memref<!tpu.dma_semaphore, #tpu.memory_space<semaphore_mem>>) src(%dma_wait3A_81 : memref<632x128xf32, #tpu.memory_space<vmem_shared>>) dst(%dma_wait3A_79 : memref<632x128xf32, #tpu.memory_space<hbm>>)
      tpu.yield
    }) : () -> ()
    %barrier3A_43 = arith.constant 0 : index
    tpu.barrier barrier_id(%barrier3A_43)
    "tpu.region"() ({
      %run_scoped3A = tpu.sem_alloc : memref<!tpu.dma_semaphore, #tpu.memory_space<semaphore_mem>>
      tpu.enqueue_dma source(%arg6 : memref<72x128xf32, #tpu.memory_space<hbm>>) target(%arg14 : memref<72x128xf32, #tpu.memory_space<vmem>>) target_semaphore(%run_scoped3A : memref<!tpu.dma_semaphore, #tpu.memory_space<semaphore_mem>>)
      tpu.wait_dma2 semaphore(%run_scoped3A : memref<!tpu.dma_semaphore, #tpu.memory_space<semaphore_mem>>) src(%arg6 : memref<72x128xf32, #tpu.memory_space<hbm>>) dst(%arg14 : memref<72x128xf32, #tpu.memory_space<vmem>>)
      tpu.yield
    }) : () -> ()
    "tpu.region"() ({
      %run_scoped3A = tpu.sem_alloc : memref<!tpu.dma_semaphore, #tpu.memory_space<semaphore_mem>>
      %dma_start3A_73 = arith.constant 0 : i32
      %dma_start3A_74 = tpu.memref_slice %arg26[%mul3A_2, %dma_start3A_73] : memref<10112x128xf32, #tpu.memory_space<vmem_shared>> -> memref<632x128xf32, #tpu.memory_space<vmem_shared>>
      %dma_start3A_75 = arith.constant 0 : i32
      %dma_start3A_76 = tpu.memref_slice %arg5[%mul3A_2, %dma_start3A_75] : memref<10112x128xf32, #tpu.memory_space<hbm>> -> memref<632x128xf32, #tpu.memory_space<hbm>>
      tpu.enqueue_dma source(%dma_start3A_76 : memref<632x128xf32, #tpu.memory_space<hbm>>) target(%dma_start3A_74 : memref<632x128xf32, #tpu.memory_space<vmem_shared>>) target_semaphore(%run_scoped3A : memref<!tpu.dma_semaphore, #tpu.memory_space<semaphore_mem>>)
      %dma_wait3A = arith.constant 0 : i32
      %dma_wait3A_77 = tpu.memref_slice %arg26[%mul3A_2, %dma_wait3A] : memref<10112x128xf32, #tpu.memory_space<vmem_shared>> -> memref<632x128xf32, #tpu.memory_space<vmem_shared>>
      %dma_wait3A_78 = arith.constant 0 : i32
      %dma_wait3A_79 = tpu.memref_slice %arg5[%mul3A_2, %dma_wait3A_78] : memref<10112x128xf32, #tpu.memory_space<hbm>> -> memref<632x128xf32, #tpu.memory_space<hbm>>
      tpu.wait_dma2 semaphore(%run_scoped3A : memref<!tpu.dma_semaphore, #tpu.memory_space<semaphore_mem>>) src(%dma_wait3A_79 : memref<632x128xf32, #tpu.memory_space<hbm>>) dst(%dma_wait3A_77 : memref<632x128xf32, #tpu.memory_space<vmem_shared>>)
      tpu.yield
    }) : () -> ()
    %barrier3A_44 = arith.constant 0 : index
    tpu.barrier barrier_id(%barrier3A_44)
    %dma_start3A_45 = arith.constant 0 : i32
    %dma_start3A_46 = arith.constant 0 : i32
    %dma_start3A_47 = tpu.memref_slice %arg4[%add3A, %dma_start3A_45, %dma_start3A_46] : memref<32x140x72xi32, #tpu.memory_space<hbm>> -> memref<1x1x72xi32, #tpu.memory_space<hbm>>
    %dma_start3A_48 = tpu.memref_squeeze %dma_start3A_47 : memref<1x1x72xi32, #tpu.memory_space<hbm>> -> memref<72xi32, #tpu.memory_space<hbm>>
    %dma_start3A_49 = arith.constant 0 : i32
    %dma_start3A_50 = tpu.memref_slice %arg4[%add3A, %dma_start3A_45, %dma_start3A_49] : memref<32x140x72xi32, #tpu.memory_space<hbm>> -> memref<1x1x72xi32, #tpu.memory_space<hbm>>
    %dma_start3A_51 = tpu.memref_squeeze %dma_start3A_50 : memref<1x1x72xi32, #tpu.memory_space<hbm>> -> memref<72xi32, #tpu.memory_space<hbm>>
    tpu.enqueue_dma source(%dma_start3A_51 : memref<72xi32, #tpu.memory_space<hbm>>) target(%arg10 : memref<72xi32, #tpu.memory_space<vmem>>) target_semaphore(%arg22 : memref<!tpu.dma_semaphore, #tpu.memory_space<semaphore_mem>>)
    %dma_start3A_52 = arith.constant 1 : i32
    %dma_start3A_53 = arith.constant 0 : i32
    %dma_start3A_54 = tpu.memref_slice %arg4[%add3A, %dma_start3A_52, %dma_start3A_53] : memref<32x140x72xi32, #tpu.memory_space<hbm>> -> memref<1x1x72xi32, #tpu.memory_space<hbm>>
    %dma_start3A_55 = tpu.memref_squeeze %dma_start3A_54 : memref<1x1x72xi32, #tpu.memory_space<hbm>> -> memref<72xi32, #tpu.memory_space<hbm>>
    %dma_start3A_56 = arith.constant 0 : i32
    %dma_start3A_57 = tpu.memref_slice %arg4[%add3A, %dma_start3A_52, %dma_start3A_56] : memref<32x140x72xi32, #tpu.memory_space<hbm>> -> memref<1x1x72xi32, #tpu.memory_space<hbm>>
    %dma_start3A_58 = tpu.memref_squeeze %dma_start3A_57 : memref<1x1x72xi32, #tpu.memory_space<hbm>> -> memref<72xi32, #tpu.memory_space<hbm>>
    tpu.enqueue_dma source(%dma_start3A_58 : memref<72xi32, #tpu.memory_space<hbm>>) target(%arg11 : memref<72xi32, #tpu.memory_space<vmem>>) target_semaphore(%arg23 : memref<!tpu.dma_semaphore, #tpu.memory_space<semaphore_mem>>)
    %dma_start3A_59 = arith.constant 2 : i32
    %dma_start3A_60 = arith.constant 0 : i32
    %dma_start3A_61 = tpu.memref_slice %arg4[%add3A, %dma_start3A_59, %dma_start3A_60] : memref<32x140x72xi32, #tpu.memory_space<hbm>> -> memref<1x1x72xi32, #tpu.memory_space<hbm>>
    %dma_start3A_62 = tpu.memref_squeeze %dma_start3A_61 : memref<1x1x72xi32, #tpu.memory_space<hbm>> -> memref<72xi32, #tpu.memory_space<hbm>>
    %dma_start3A_63 = arith.constant 0 : i32
    %dma_start3A_64 = tpu.memref_slice %arg4[%add3A, %dma_start3A_59, %dma_start3A_63] : memref<32x140x72xi32, #tpu.memory_space<hbm>> -> memref<1x1x72xi32, #tpu.memory_space<hbm>>
    %dma_start3A_65 = tpu.memref_squeeze %dma_start3A_64 : memref<1x1x72xi32, #tpu.memory_space<hbm>> -> memref<72xi32, #tpu.memory_space<hbm>>
    tpu.enqueue_dma source(%dma_start3A_65 : memref<72xi32, #tpu.memory_space<hbm>>) target(%arg12 : memref<72xi32, #tpu.memory_space<vmem>>) target_semaphore(%arg24 : memref<!tpu.dma_semaphore, #tpu.memory_space<semaphore_mem>>)
    %scan3A_66 = arith.constant 0 : i32
    %scan3A_67 = arith.constant 35 : i32
    %scan3A_68 = arith.addi %scan3A_66, %scan3A_67 : i32
    %scan3A_69 = arith.constant 1 : i32
    scf.for %scan3A_73 = %scan3A_66 to %scan3A_68 step %scan3A_69  : i32 {
      %mul3A_74 = arith.constant 4 : i32
      %mul3A_75 = arith.muli %scan3A_73, %mul3A_74 : i32
      %add3A_76 = arith.constant 0 : i32
      %add3A_77 = arith.addi %add3A_76, %mul3A_75 : i32
      %add3A_78 = arith.constant 0 : i32
      %add3A_79 = arith.addi %add3A_77, %add3A_78 : i32
      %add3A_80 = arith.constant 3 : i32
      %add3A_81 = arith.addi %add3A_79, %add3A_80 : i32
      %lt3A = arith.constant 140 : i32
      %lt3A_82 = arith.cmpi slt, %add3A_81, %lt3A : i32
      %convert_element_type3A = arith.extui %lt3A_82 : i1 to i32
      %cond3A = arith.constant 0 : i32
      %cond3A_83 = arith.cmpi ne, %convert_element_type3A, %cond3A : i32
      scf.if %cond3A_83 {
        %add3A_142 = arith.constant 0 : i32
        %add3A_143 = arith.addi %add3A_77, %add3A_142 : i32
        %add3A_144 = arith.constant 3 : i32
        %add3A_145 = arith.addi %add3A_143, %add3A_144 : i32
        %dma_start3A_146 = arith.constant 0 : i32
        %dma_start3A_147 = tpu.memref_slice %arg4[%add3A, %add3A_145, %dma_start3A_146] : memref<32x140x72xi32, #tpu.memory_space<hbm>> -> memref<1x1x72xi32, #tpu.memory_space<hbm>>
        %dma_start3A_148 = tpu.memref_squeeze %dma_start3A_147 : memref<1x1x72xi32, #tpu.memory_space<hbm>> -> memref<72xi32, #tpu.memory_space<hbm>>
        %dma_start3A_149 = arith.constant 0 : i32
        %dma_start3A_150 = tpu.memref_slice %arg4[%add3A, %add3A_145, %dma_start3A_149] : memref<32x140x72xi32, #tpu.memory_space<hbm>> -> memref<1x1x72xi32, #tpu.memory_space<hbm>>
        %dma_start3A_151 = tpu.memref_squeeze %dma_start3A_150 : memref<1x1x72xi32, #tpu.memory_space<hbm>> -> memref<72xi32, #tpu.memory_space<hbm>>
        tpu.enqueue_dma source(%dma_start3A_151 : memref<72xi32, #tpu.memory_space<hbm>>) target(%arg13 : memref<72xi32, #tpu.memory_space<vmem>>) target_semaphore(%arg25 : memref<!tpu.dma_semaphore, #tpu.memory_space<semaphore_mem>>)
      } else {
      }
      %add3A_84 = arith.constant 0 : i32
      %add3A_85 = arith.addi %add3A_77, %add3A_84 : i32
      %dma_wait3A = arith.constant 0 : i32
      %dma_wait3A_86 = tpu.memref_slice %arg4[%add3A, %add3A_85, %dma_wait3A] : memref<32x140x72xi32, #tpu.memory_space<hbm>> -> memref<1x1x72xi32, #tpu.memory_space<hbm>>
      %dma_wait3A_87 = tpu.memref_squeeze %dma_wait3A_86 : memref<1x1x72xi32, #tpu.memory_space<hbm>> -> memref<72xi32, #tpu.memory_space<hbm>>
      %dma_wait3A_88 = arith.constant 0 : i32
      %dma_wait3A_89 = tpu.memref_slice %arg4[%add3A, %add3A_85, %dma_wait3A_88] : memref<32x140x72xi32, #tpu.memory_space<hbm>> -> memref<1x1x72xi32, #tpu.memory_space<hbm>>
      %dma_wait3A_90 = tpu.memref_squeeze %dma_wait3A_89 : memref<1x1x72xi32, #tpu.memory_space<hbm>> -> memref<72xi32, #tpu.memory_space<hbm>>
      tpu.wait_dma2 semaphore(%arg22 : memref<!tpu.dma_semaphore, #tpu.memory_space<semaphore_mem>>) src(%dma_wait3A_90 : memref<72xi32, #tpu.memory_space<hbm>>) dst(%arg10 : memref<72xi32, #tpu.memory_space<vmem>>)
      "tpu.region"() ({
        %run_scoped3A = tpu.sem_alloc : memref<!tpu.dma_semaphore, #tpu.memory_space<semaphore_mem>>
        %dma_start3A_142 = arith.constant 0 : i32
        %dma_start3A_143 = arith.constant 0 : i32
        %dma_start3A_144 = tpu.memref_slice %arg26[%dma_start3A_142, %dma_start3A_143] : memref<10112x128xf32, #tpu.memory_space<vmem_shared>> -> memref<10112x128xf32, #tpu.memory_space<vmem_shared>>
        tpu.enqueue_indirect_dma source(%arg14 : memref<72x128xf32, #tpu.memory_space<vmem>>) target(%dma_start3A_144 : memref<10112x128xf32, #tpu.memory_space<vmem_shared>>) offsets(%arg10 : memref<72xi32, #tpu.memory_space<vmem>>) semaphore(%run_scoped3A : memref<!tpu.dma_semaphore, #tpu.memory_space<semaphore_mem>>) {add = true}
        %dma_wait3A_145 = arith.constant 0 : i32
        %dma_wait3A_146 = arith.constant 0 : i32
        %dma_wait3A_147 = tpu.memref_slice %arg26[%dma_wait3A_145, %dma_wait3A_146] : memref<10112x128xf32, #tpu.memory_space<vmem_shared>> -> memref<10112x128xf32, #tpu.memory_space<vmem_shared>>
        tpu.wait_indirect_dma semaphore(%run_scoped3A : memref<!tpu.dma_semaphore, #tpu.memory_space<semaphore_mem>>) src(%arg14 : memref<72x128xf32, #tpu.memory_space<vmem>>) dst(%dma_wait3A_147 : memref<10112x128xf32, #tpu.memory_space<vmem_shared>>)
        tpu.yield
      }) : () -> ()
      %add3A_91 = arith.constant 1 : i32
      %add3A_92 = arith.addi %add3A_77, %add3A_91 : i32
      %add3A_93 = arith.constant 3 : i32
      %add3A_94 = arith.addi %add3A_92, %add3A_93 : i32
      %lt3A_95 = arith.constant 140 : i32
      %lt3A_96 = arith.cmpi slt, %add3A_94, %lt3A_95 : i32
      %convert_element_type3A_97 = arith.extui %lt3A_96 : i1 to i32
      %cond3A_98 = arith.constant 0 : i32
      %cond3A_99 = arith.cmpi ne, %convert_element_type3A_97, %cond3A_98 : i32
      scf.if %cond3A_99 {
        %add3A_142 = arith.constant 1 : i32
        %add3A_143 = arith.addi %add3A_77, %add3A_142 : i32
        %add3A_144 = arith.constant 3 : i32
        %add3A_145 = arith.addi %add3A_143, %add3A_144 : i32
        %dma_start3A_146 = arith.constant 0 : i32
        %dma_start3A_147 = tpu.memref_slice %arg4[%add3A, %add3A_145, %dma_start3A_146] : memref<32x140x72xi32, #tpu.memory_space<hbm>> -> memref<1x1x72xi32, #tpu.memory_space<hbm>>
        %dma_start3A_148 = tpu.memref_squeeze %dma_start3A_147 : memref<1x1x72xi32, #tpu.memory_space<hbm>> -> memref<72xi32, #tpu.memory_space<hbm>>
        %dma_start3A_149 = arith.constant 0 : i32
        %dma_start3A_150 = tpu.memref_slice %arg4[%add3A, %add3A_145, %dma_start3A_149] : memref<32x140x72xi32, #tpu.memory_space<hbm>> -> memref<1x1x72xi32, #tpu.memory_space<hbm>>
        %dma_start3A_151 = tpu.memref_squeeze %dma_start3A_150 : memref<1x1x72xi32, #tpu.memory_space<hbm>> -> memref<72xi32, #tpu.memory_space<hbm>>
        tpu.enqueue_dma source(%dma_start3A_151 : memref<72xi32, #tpu.memory_space<hbm>>) target(%arg10 : memref<72xi32, #tpu.memory_space<vmem>>) target_semaphore(%arg22 : memref<!tpu.dma_semaphore, #tpu.memory_space<semaphore_mem>>)
      } else {
      }
      %add3A_100 = arith.constant 1 : i32
      %add3A_101 = arith.addi %add3A_77, %add3A_100 : i32
      %dma_wait3A_102 = arith.constant 0 : i32
      %dma_wait3A_103 = tpu.memref_slice %arg4[%add3A, %add3A_101, %dma_wait3A_102] : memref<32x140x72xi32, #tpu.memory_space<hbm>> -> memref<1x1x72xi32, #tpu.memory_space<hbm>>
      %dma_wait3A_104 = tpu.memref_squeeze %dma_wait3A_103 : memref<1x1x72xi32, #tpu.memory_space<hbm>> -> memref<72xi32, #tpu.memory_space<hbm>>
      %dma_wait3A_105 = arith.constant 0 : i32
      %dma_wait3A_106 = tpu.memref_slice %arg4[%add3A, %add3A_101, %dma_wait3A_105] : memref<32x140x72xi32, #tpu.memory_space<hbm>> -> memref<1x1x72xi32, #tpu.memory_space<hbm>>
      %dma_wait3A_107 = tpu.memref_squeeze %dma_wait3A_106 : memref<1x1x72xi32, #tpu.memory_space<hbm>> -> memref<72xi32, #tpu.memory_space<hbm>>
      tpu.wait_dma2 semaphore(%arg23 : memref<!tpu.dma_semaphore, #tpu.memory_space<semaphore_mem>>) src(%dma_wait3A_107 : memref<72xi32, #tpu.memory_space<hbm>>) dst(%arg11 : memref<72xi32, #tpu.memory_space<vmem>>)
      "tpu.region"() ({
        %run_scoped3A = tpu.sem_alloc : memref<!tpu.dma_semaphore, #tpu.memory_space<semaphore_mem>>
        %dma_start3A_142 = arith.constant 0 : i32
        %dma_start3A_143 = arith.constant 0 : i32
        %dma_start3A_144 = tpu.memref_slice %arg26[%dma_start3A_142, %dma_start3A_143] : memref<10112x128xf32, #tpu.memory_space<vmem_shared>> -> memref<10112x128xf32, #tpu.memory_space<vmem_shared>>
        tpu.enqueue_indirect_dma source(%arg14 : memref<72x128xf32, #tpu.memory_space<vmem>>) target(%dma_start3A_144 : memref<10112x128xf32, #tpu.memory_space<vmem_shared>>) offsets(%arg11 : memref<72xi32, #tpu.memory_space<vmem>>) semaphore(%run_scoped3A : memref<!tpu.dma_semaphore, #tpu.memory_space<semaphore_mem>>) {add = true}
        %dma_wait3A_145 = arith.constant 0 : i32
        %dma_wait3A_146 = arith.constant 0 : i32
        %dma_wait3A_147 = tpu.memref_slice %arg26[%dma_wait3A_145, %dma_wait3A_146] : memref<10112x128xf32, #tpu.memory_space<vmem_shared>> -> memref<10112x128xf32, #tpu.memory_space<vmem_shared>>
        tpu.wait_indirect_dma semaphore(%run_scoped3A : memref<!tpu.dma_semaphore, #tpu.memory_space<semaphore_mem>>) src(%arg14 : memref<72x128xf32, #tpu.memory_space<vmem>>) dst(%dma_wait3A_147 : memref<10112x128xf32, #tpu.memory_space<vmem_shared>>)
        tpu.yield
      }) : () -> ()
      %add3A_108 = arith.constant 2 : i32
      %add3A_109 = arith.addi %add3A_77, %add3A_108 : i32
      %add3A_110 = arith.constant 3 : i32
      %add3A_111 = arith.addi %add3A_109, %add3A_110 : i32
      %lt3A_112 = arith.constant 140 : i32
      %lt3A_113 = arith.cmpi slt, %add3A_111, %lt3A_112 : i32
      %convert_element_type3A_114 = arith.extui %lt3A_113 : i1 to i32
      %cond3A_115 = arith.constant 0 : i32
      %cond3A_116 = arith.cmpi ne, %convert_element_type3A_114, %cond3A_115 : i32
      scf.if %cond3A_116 {
        %add3A_142 = arith.constant 2 : i32
        %add3A_143 = arith.addi %add3A_77, %add3A_142 : i32
        %add3A_144 = arith.constant 3 : i32
        %add3A_145 = arith.addi %add3A_143, %add3A_144 : i32
        %dma_start3A_146 = arith.constant 0 : i32
        %dma_start3A_147 = tpu.memref_slice %arg4[%add3A, %add3A_145, %dma_start3A_146] : memref<32x140x72xi32, #tpu.memory_space<hbm>> -> memref<1x1x72xi32, #tpu.memory_space<hbm>>
        %dma_start3A_148 = tpu.memref_squeeze %dma_start3A_147 : memref<1x1x72xi32, #tpu.memory_space<hbm>> -> memref<72xi32, #tpu.memory_space<hbm>>
        %dma_start3A_149 = arith.constant 0 : i32
        %dma_start3A_150 = tpu.memref_slice %arg4[%add3A, %add3A_145, %dma_start3A_149] : memref<32x140x72xi32, #tpu.memory_space<hbm>> -> memref<1x1x72xi32, #tpu.memory_space<hbm>>
        %dma_start3A_151 = tpu.memref_squeeze %dma_start3A_150 : memref<1x1x72xi32, #tpu.memory_space<hbm>> -> memref<72xi32, #tpu.memory_space<hbm>>
        tpu.enqueue_dma source(%dma_start3A_151 : memref<72xi32, #tpu.memory_space<hbm>>) target(%arg11 : memref<72xi32, #tpu.memory_space<vmem>>) target_semaphore(%arg23 : memref<!tpu.dma_semaphore, #tpu.memory_space<semaphore_mem>>)
      } else {
      }
      %add3A_117 = arith.constant 2 : i32
      %add3A_118 = arith.addi %add3A_77, %add3A_117 : i32
      %dma_wait3A_119 = arith.constant 0 : i32
      %dma_wait3A_120 = tpu.memref_slice %arg4[%add3A, %add3A_118, %dma_wait3A_119] : memref<32x140x72xi32, #tpu.memory_space<hbm>> -> memref<1x1x72xi32, #tpu.memory_space<hbm>>
      %dma_wait3A_121 = tpu.memref_squeeze %dma_wait3A_120 : memref<1x1x72xi32, #tpu.memory_space<hbm>> -> memref<72xi32, #tpu.memory_space<hbm>>
      %dma_wait3A_122 = arith.constant 0 : i32
      %dma_wait3A_123 = tpu.memref_slice %arg4[%add3A, %add3A_118, %dma_wait3A_122] : memref<32x140x72xi32, #tpu.memory_space<hbm>> -> memref<1x1x72xi32, #tpu.memory_space<hbm>>
      %dma_wait3A_124 = tpu.memref_squeeze %dma_wait3A_123 : memref<1x1x72xi32, #tpu.memory_space<hbm>> -> memref<72xi32, #tpu.memory_space<hbm>>
      tpu.wait_dma2 semaphore(%arg24 : memref<!tpu.dma_semaphore, #tpu.memory_space<semaphore_mem>>) src(%dma_wait3A_124 : memref<72xi32, #tpu.memory_space<hbm>>) dst(%arg12 : memref<72xi32, #tpu.memory_space<vmem>>)
      "tpu.region"() ({
        %run_scoped3A = tpu.sem_alloc : memref<!tpu.dma_semaphore, #tpu.memory_space<semaphore_mem>>
        %dma_start3A_142 = arith.constant 0 : i32
        %dma_start3A_143 = arith.constant 0 : i32
        %dma_start3A_144 = tpu.memref_slice %arg26[%dma_start3A_142, %dma_start3A_143] : memref<10112x128xf32, #tpu.memory_space<vmem_shared>> -> memref<10112x128xf32, #tpu.memory_space<vmem_shared>>
        tpu.enqueue_indirect_dma source(%arg14 : memref<72x128xf32, #tpu.memory_space<vmem>>) target(%dma_start3A_144 : memref<10112x128xf32, #tpu.memory_space<vmem_shared>>) offsets(%arg12 : memref<72xi32, #tpu.memory_space<vmem>>) semaphore(%run_scoped3A : memref<!tpu.dma_semaphore, #tpu.memory_space<semaphore_mem>>) {add = true}
        %dma_wait3A_145 = arith.constant 0 : i32
        %dma_wait3A_146 = arith.constant 0 : i32
        %dma_wait3A_147 = tpu.memref_slice %arg26[%dma_wait3A_145, %dma_wait3A_146] : memref<10112x128xf32, #tpu.memory_space<vmem_shared>> -> memref<10112x128xf32, #tpu.memory_space<vmem_shared>>
        tpu.wait_indirect_dma semaphore(%run_scoped3A : memref<!tpu.dma_semaphore, #tpu.memory_space<semaphore_mem>>) src(%arg14 : memref<72x128xf32, #tpu.memory_space<vmem>>) dst(%dma_wait3A_147 : memref<10112x128xf32, #tpu.memory_space<vmem_shared>>)
        tpu.yield
      }) : () -> ()
      %add3A_125 = arith.constant 3 : i32
      %add3A_126 = arith.addi %add3A_77, %add3A_125 : i32
      %add3A_127 = arith.constant 3 : i32
      %add3A_128 = arith.addi %add3A_126, %add3A_127 : i32
      %lt3A_129 = arith.constant 140 : i32
      %lt3A_130 = arith.cmpi slt, %add3A_128, %lt3A_129 : i32
      %convert_element_type3A_131 = arith.extui %lt3A_130 : i1 to i32
      %cond3A_132 = arith.constant 0 : i32
      %cond3A_133 = arith.cmpi ne, %convert_element_type3A_131, %cond3A_132 : i32
      scf.if %cond3A_133 {
        %add3A_142 = arith.constant 3 : i32
        %add3A_143 = arith.addi %add3A_77, %add3A_142 : i32
        %add3A_144 = arith.constant 3 : i32
        %add3A_145 = arith.addi %add3A_143, %add3A_144 : i32
        %dma_start3A_146 = arith.constant 0 : i32
        %dma_start3A_147 = tpu.memref_slice %arg4[%add3A, %add3A_145, %dma_start3A_146] : memref<32x140x72xi32, #tpu.memory_space<hbm>> -> memref<1x1x72xi32, #tpu.memory_space<hbm>>
        %dma_start3A_148 = tpu.memref_squeeze %dma_start3A_147 : memref<1x1x72xi32, #tpu.memory_space<hbm>> -> memref<72xi32, #tpu.memory_space<hbm>>
        %dma_start3A_149 = arith.constant 0 : i32
        %dma_start3A_150 = tpu.memref_slice %arg4[%add3A, %add3A_145, %dma_start3A_149] : memref<32x140x72xi32, #tpu.memory_space<hbm>> -> memref<1x1x72xi32, #tpu.memory_space<hbm>>
        %dma_start3A_151 = tpu.memref_squeeze %dma_start3A_150 : memref<1x1x72xi32, #tpu.memory_space<hbm>> -> memref<72xi32, #tpu.memory_space<hbm>>
        tpu.enqueue_dma source(%dma_start3A_151 : memref<72xi32, #tpu.memory_space<hbm>>) target(%arg12 : memref<72xi32, #tpu.memory_space<vmem>>) target_semaphore(%arg24 : memref<!tpu.dma_semaphore, #tpu.memory_space<semaphore_mem>>)
      } else {
      }
      %add3A_134 = arith.constant 3 : i32
      %add3A_135 = arith.addi %add3A_77, %add3A_134 : i32
      %dma_wait3A_136 = arith.constant 0 : i32
      %dma_wait3A_137 = tpu.memref_slice %arg4[%add3A, %add3A_135, %dma_wait3A_136] : memref<32x140x72xi32, #tpu.memory_space<hbm>> -> memref<1x1x72xi32, #tpu.memory_space<hbm>>
      %dma_wait3A_138 = tpu.memref_squeeze %dma_wait3A_137 : memref<1x1x72xi32, #tpu.memory_space<hbm>> -> memref<72xi32, #tpu.memory_space<hbm>>
      %dma_wait3A_139 = arith.constant 0 : i32
      %dma_wait3A_140 = tpu.memref_slice %arg4[%add3A, %add3A_135, %dma_wait3A_139] : memref<32x140x72xi32, #tpu.memory_space<hbm>> -> memref<1x1x72xi32, #tpu.memory_space<hbm>>
      %dma_wait3A_141 = tpu.memref_squeeze %dma_wait3A_140 : memref<1x1x72xi32, #tpu.memory_space<hbm>> -> memref<72xi32, #tpu.memory_space<hbm>>
      tpu.wait_dma2 semaphore(%arg25 : memref<!tpu.dma_semaphore, #tpu.memory_space<semaphore_mem>>) src(%dma_wait3A_141 : memref<72xi32, #tpu.memory_space<hbm>>) dst(%arg13 : memref<72xi32, #tpu.memory_space<vmem>>)
      "tpu.region"() ({
        %run_scoped3A = tpu.sem_alloc : memref<!tpu.dma_semaphore, #tpu.memory_space<semaphore_mem>>
        %dma_start3A_142 = arith.constant 0 : i32
        %dma_start3A_143 = arith.constant 0 : i32
        %dma_start3A_144 = tpu.memref_slice %arg26[%dma_start3A_142, %dma_start3A_143] : memref<10112x128xf32, #tpu.memory_space<vmem_shared>> -> memref<10112x128xf32, #tpu.memory_space<vmem_shared>>
        tpu.enqueue_indirect_dma source(%arg14 : memref<72x128xf32, #tpu.memory_space<vmem>>) target(%dma_start3A_144 : memref<10112x128xf32, #tpu.memory_space<vmem_shared>>) offsets(%arg13 : memref<72xi32, #tpu.memory_space<vmem>>) semaphore(%run_scoped3A : memref<!tpu.dma_semaphore, #tpu.memory_space<semaphore_mem>>) {add = true}
        %dma_wait3A_145 = arith.constant 0 : i32
        %dma_wait3A_146 = arith.constant 0 : i32
        %dma_wait3A_147 = tpu.memref_slice %arg26[%dma_wait3A_145, %dma_wait3A_146] : memref<10112x128xf32, #tpu.memory_space<vmem_shared>> -> memref<10112x128xf32, #tpu.memory_space<vmem_shared>>
        tpu.wait_indirect_dma semaphore(%run_scoped3A : memref<!tpu.dma_semaphore, #tpu.memory_space<semaphore_mem>>) src(%arg14 : memref<72x128xf32, #tpu.memory_space<vmem>>) dst(%dma_wait3A_147 : memref<10112x128xf32, #tpu.memory_space<vmem_shared>>)
        tpu.yield
      }) : () -> ()
    }
    %scan3A_70 = arith.constant 35 : i32
    %barrier3A_71 = arith.constant 0 : index
    tpu.barrier barrier_id(%barrier3A_71)
    "tpu.region"() ({
      %run_scoped3A = tpu.sem_alloc : memref<!tpu.dma_semaphore, #tpu.memory_space<semaphore_mem>>
      %dma_start3A_73 = arith.constant 0 : i32
      %dma_start3A_74 = tpu.memref_slice %arg8[%arg0, %mul3A_2, %dma_start3A_73] : memref<2x10112x128xf32, #tpu.memory_space<hbm>> -> memref<1x632x128xf32, #tpu.memory_space<hbm>>
      %dma_start3A_75 = tpu.memref_squeeze %dma_start3A_74 : memref<1x632x128xf32, #tpu.memory_space<hbm>> -> memref<632x128xf32, #tpu.memory_space<hbm>>
      %dma_start3A_76 = arith.constant 0 : i32
      %dma_start3A_77 = tpu.memref_slice %arg26[%mul3A_2, %dma_start3A_76] : memref<10112x128xf32, #tpu.memory_space<vmem_shared>> -> memref<632x128xf32, #tpu.memory_space<vmem_shared>>
      tpu.enqueue_dma source(%dma_start3A_77 : memref<632x128xf32, #tpu.memory_space<vmem_shared>>) target(%dma_start3A_75 : memref<632x128xf32, #tpu.memory_space<hbm>>) target_semaphore(%run_scoped3A : memref<!tpu.dma_semaphore, #tpu.memory_space<semaphore_mem>>)
      %dma_wait3A = arith.constant 0 : i32
      %dma_wait3A_78 = tpu.memref_slice %arg8[%arg0, %mul3A_2, %dma_wait3A] : memref<2x10112x128xf32, #tpu.memory_space<hbm>> -> memref<1x632x128xf32, #tpu.memory_space<hbm>>
      %dma_wait3A_79 = tpu.memref_squeeze %dma_wait3A_78 : memref<1x632x128xf32, #tpu.memory_space<hbm>> -> memref<632x128xf32, #tpu.memory_space<hbm>>
      %dma_wait3A_80 = arith.constant 0 : i32
      %dma_wait3A_81 = tpu.memref_slice %arg26[%mul3A_2, %dma_wait3A_80] : memref<10112x128xf32, #tpu.memory_space<vmem_shared>> -> memref<632x128xf32, #tpu.memory_space<vmem_shared>>
      tpu.wait_dma2 semaphore(%run_scoped3A : memref<!tpu.dma_semaphore, #tpu.memory_space<semaphore_mem>>) src(%dma_wait3A_81 : memref<632x128xf32, #tpu.memory_space<vmem_shared>>) dst(%dma_wait3A_79 : memref<632x128xf32, #tpu.memory_space<hbm>>)
      tpu.yield
    }) : () -> ()
    %barrier3A_72 = arith.constant 0 : index
    tpu.barrier barrier_id(%barrier3A_72)
    return
  }
}

#map = affine_map<(d0, d1) -> (0, 0)>
#map1 = affine_map<(d0, d1) -> (0, 0, 0)>
module attributes {stable_mosaic.version = 14 : i64} {
  func.func @body(%arg0: i32, %arg1: i32, %arg2: memref<10000x128xf32, #tpu.memory_space<hbm>>, %arg3: memref<10000x128xf32, #tpu.memory_space<hbm>>, %arg4: memref<32x10080xi32, #tpu.memory_space<hbm>>, %arg5: memref<32x140x72xi32, #tpu.memory_space<hbm>>, %arg6: memref<10112x128xf32, #tpu.memory_space<hbm>>, %arg7: memref<2x10112x128xf32, #tpu.memory_space<hbm>>, %arg8: memref<2x10112x128xf32, #tpu.memory_space<hbm>>, %arg9: memref<10080xi32, #tpu.memory_space<vmem>>, %arg10: memref<72xi32, #tpu.memory_space<vmem>>, %arg11: memref<72xi32, #tpu.memory_space<vmem>>, %arg12: memref<72xi32, #tpu.memory_space<vmem>>, %arg13: memref<72xi32, #tpu.memory_space<vmem>>, %arg14: memref<72x128xf32, #tpu.memory_space<vmem>>, %arg15: memref<72x128xf32, #tpu.memory_space<vmem>>, %arg16: memref<72x128xf32, #tpu.memory_space<vmem>>, %arg17: memref<72x128xf32, #tpu.memory_space<vmem>>, %arg18: memref<!tpu.dma_semaphore, #tpu.memory_space<semaphore_mem>>, %arg19: memref<!tpu.dma_semaphore, #tpu.memory_space<semaphore_mem>>, %arg20: memref<!tpu.dma_semaphore, #tpu.memory_space<semaphore_mem>>, %arg21: memref<!tpu.dma_semaphore, #tpu.memory_space<semaphore_mem>>, %arg22: memref<!tpu.dma_semaphore, #tpu.memory_space<semaphore_mem>>, %arg23: memref<!tpu.dma_semaphore, #tpu.memory_space<semaphore_mem>>, %arg24: memref<!tpu.dma_semaphore, #tpu.memory_space<semaphore_mem>>, %arg25: memref<!tpu.dma_semaphore, #tpu.memory_space<semaphore_mem>>, %arg26: memref<10112x128xf32, #tpu.memory_space<vmem_shared>>) attributes {dimension_semantics = [#tpu.dimension_semantics<core_parallel>, #tpu.dimension_semantics<subcore_parallel>], iteration_bounds = array<i64: 2, 16>, scalar_prefetch = 0 : i64, scratch_operands = 18 : i64, tpu.core_type = #tpu.core_type<sc_vector_subcore>, window_params = [{transform_indices = #map}, {transform_indices = #map}, {transform_indices = #map}, {transform_indices = #map1}, {transform_indices = #map}, {transform_indices = #map1}, {transform_indices = #map1}]} {
    %mul3A = arith.constant 2 : i32
    %mul3A_0 = arith.muli %arg1, %mul3A : i32
    %add3A = arith.addi %mul3A_0, %arg0 : i32
    %mul3A_1 = arith.constant 632 : i32
    %mul3A_2 = arith.muli %arg1, %mul3A_1 : i32
    "tpu.region"() ({
      %run_scoped3A = tpu.sem_alloc : memref<!tpu.dma_semaphore, #tpu.memory_space<semaphore_mem>>
      %dma_start3A_88 = arith.constant 0 : i32
      %dma_start3A_89 = tpu.memref_slice %arg4[%add3A, %dma_start3A_88] : memref<32x10080xi32, #tpu.memory_space<hbm>> -> memref<1x10080xi32, #tpu.memory_space<hbm>>
      %dma_start3A_90 = tpu.memref_squeeze %dma_start3A_89 : memref<1x10080xi32, #tpu.memory_space<hbm>> -> memref<10080xi32, #tpu.memory_space<hbm>>
      %dma_start3A_91 = arith.constant 0 : i32
      %dma_start3A_92 = tpu.memref_slice %arg4[%add3A, %dma_start3A_91] : memref<32x10080xi32, #tpu.memory_space<hbm>> -> memref<1x10080xi32, #tpu.memory_space<hbm>>
      %dma_start3A_93 = tpu.memref_squeeze %dma_start3A_92 : memref<1x10080xi32, #tpu.memory_space<hbm>> -> memref<10080xi32, #tpu.memory_space<hbm>>
      tpu.enqueue_dma source(%dma_start3A_93 : memref<10080xi32, #tpu.memory_space<hbm>>) target(%arg9 : memref<10080xi32, #tpu.memory_space<vmem>>) target_semaphore(%run_scoped3A : memref<!tpu.dma_semaphore, #tpu.memory_space<semaphore_mem>>)
      %dma_wait3A = arith.constant 0 : i32
      %dma_wait3A_94 = tpu.memref_slice %arg4[%add3A, %dma_wait3A] : memref<32x10080xi32, #tpu.memory_space<hbm>> -> memref<1x10080xi32, #tpu.memory_space<hbm>>
      %dma_wait3A_95 = tpu.memref_squeeze %dma_wait3A_94 : memref<1x10080xi32, #tpu.memory_space<hbm>> -> memref<10080xi32, #tpu.memory_space<hbm>>
      %dma_wait3A_96 = arith.constant 0 : i32
      %dma_wait3A_97 = tpu.memref_slice %arg4[%add3A, %dma_wait3A_96] : memref<32x10080xi32, #tpu.memory_space<hbm>> -> memref<1x10080xi32, #tpu.memory_space<hbm>>
      %dma_wait3A_98 = tpu.memref_squeeze %dma_wait3A_97 : memref<1x10080xi32, #tpu.memory_space<hbm>> -> memref<10080xi32, #tpu.memory_space<hbm>>
      tpu.wait_dma2 semaphore(%run_scoped3A : memref<!tpu.dma_semaphore, #tpu.memory_space<semaphore_mem>>) src(%dma_wait3A_98 : memref<10080xi32, #tpu.memory_space<hbm>>) dst(%arg9 : memref<10080xi32, #tpu.memory_space<vmem>>)
      tpu.yield
    }) : () -> ()
    "tpu.region"() ({
      %run_scoped3A = tpu.sem_alloc : memref<!tpu.dma_semaphore, #tpu.memory_space<semaphore_mem>>
      %dma_start3A_88 = arith.constant 0 : i32
      %dma_start3A_89 = tpu.memref_slice %arg26[%mul3A_2, %dma_start3A_88] : memref<10112x128xf32, #tpu.memory_space<vmem_shared>> -> memref<632x128xf32, #tpu.memory_space<vmem_shared>>
      %dma_start3A_90 = arith.constant 0 : i32
      %dma_start3A_91 = tpu.memref_slice %arg6[%mul3A_2, %dma_start3A_90] : memref<10112x128xf32, #tpu.memory_space<hbm>> -> memref<632x128xf32, #tpu.memory_space<hbm>>
      tpu.enqueue_dma source(%dma_start3A_91 : memref<632x128xf32, #tpu.memory_space<hbm>>) target(%dma_start3A_89 : memref<632x128xf32, #tpu.memory_space<vmem_shared>>) target_semaphore(%run_scoped3A : memref<!tpu.dma_semaphore, #tpu.memory_space<semaphore_mem>>)
      %dma_wait3A = arith.constant 0 : i32
      %dma_wait3A_92 = tpu.memref_slice %arg26[%mul3A_2, %dma_wait3A] : memref<10112x128xf32, #tpu.memory_space<vmem_shared>> -> memref<632x128xf32, #tpu.memory_space<vmem_shared>>
      %dma_wait3A_93 = arith.constant 0 : i32
      %dma_wait3A_94 = tpu.memref_slice %arg6[%mul3A_2, %dma_wait3A_93] : memref<10112x128xf32, #tpu.memory_space<hbm>> -> memref<632x128xf32, #tpu.memory_space<hbm>>
      tpu.wait_dma2 semaphore(%run_scoped3A : memref<!tpu.dma_semaphore, #tpu.memory_space<semaphore_mem>>) src(%dma_wait3A_94 : memref<632x128xf32, #tpu.memory_space<hbm>>) dst(%dma_wait3A_92 : memref<632x128xf32, #tpu.memory_space<vmem_shared>>)
      tpu.yield
    }) : () -> ()
    %barrier3A = arith.constant 0 : index
    tpu.barrier barrier_id(%barrier3A)
    %dma_start3A = arith.constant 0 : i32
    %dma_start3A_3 = tpu.memref_slice %arg9[%dma_start3A] : memref<10080xi32, #tpu.memory_space<vmem>> -> memref<72xi32, #tpu.memory_space<vmem>>
    %dma_start3A_4 = arith.constant 0 : i32
    %dma_start3A_5 = arith.constant 0 : i32
    %dma_start3A_6 = tpu.memref_slice %arg2[%dma_start3A_4, %dma_start3A_5] : memref<10000x128xf32, #tpu.memory_space<hbm>> -> memref<10000x128xf32, #tpu.memory_space<hbm>>
    tpu.enqueue_indirect_dma source(%dma_start3A_6 : memref<10000x128xf32, #tpu.memory_space<hbm>>) target(%arg14 : memref<72x128xf32, #tpu.memory_space<vmem>>) offsets(%dma_start3A_3 : memref<72xi32, #tpu.memory_space<vmem>>) semaphore(%arg18 : memref<!tpu.dma_semaphore, #tpu.memory_space<semaphore_mem>>)
    %dma_start3A_7 = arith.constant 0 : i32
    %dma_start3A_8 = arith.constant 0 : i32
    %dma_start3A_9 = tpu.memref_slice %arg5[%add3A, %dma_start3A_7, %dma_start3A_8] : memref<32x140x72xi32, #tpu.memory_space<hbm>> -> memref<1x1x72xi32, #tpu.memory_space<hbm>>
    %dma_start3A_10 = tpu.memref_squeeze %dma_start3A_9 : memref<1x1x72xi32, #tpu.memory_space<hbm>> -> memref<72xi32, #tpu.memory_space<hbm>>
    %dma_start3A_11 = arith.constant 0 : i32
    %dma_start3A_12 = tpu.memref_slice %arg5[%add3A, %dma_start3A_7, %dma_start3A_11] : memref<32x140x72xi32, #tpu.memory_space<hbm>> -> memref<1x1x72xi32, #tpu.memory_space<hbm>>
    %dma_start3A_13 = tpu.memref_squeeze %dma_start3A_12 : memref<1x1x72xi32, #tpu.memory_space<hbm>> -> memref<72xi32, #tpu.memory_space<hbm>>
    tpu.enqueue_dma source(%dma_start3A_13 : memref<72xi32, #tpu.memory_space<hbm>>) target(%arg10 : memref<72xi32, #tpu.memory_space<vmem>>) target_semaphore(%arg22 : memref<!tpu.dma_semaphore, #tpu.memory_space<semaphore_mem>>)
    %dma_start3A_14 = arith.constant 72 : i32
    %dma_start3A_15 = tpu.memref_slice %arg9[%dma_start3A_14] : memref<10080xi32, #tpu.memory_space<vmem>> -> memref<72xi32, #tpu.memory_space<vmem>>
    %dma_start3A_16 = arith.constant 0 : i32
    %dma_start3A_17 = arith.constant 0 : i32
    %dma_start3A_18 = tpu.memref_slice %arg2[%dma_start3A_16, %dma_start3A_17] : memref<10000x128xf32, #tpu.memory_space<hbm>> -> memref<10000x128xf32, #tpu.memory_space<hbm>>
    tpu.enqueue_indirect_dma source(%dma_start3A_18 : memref<10000x128xf32, #tpu.memory_space<hbm>>) target(%arg15 : memref<72x128xf32, #tpu.memory_space<vmem>>) offsets(%dma_start3A_15 : memref<72xi32, #tpu.memory_space<vmem>>) semaphore(%arg19 : memref<!tpu.dma_semaphore, #tpu.memory_space<semaphore_mem>>)
    %dma_start3A_19 = arith.constant 1 : i32
    %dma_start3A_20 = arith.constant 0 : i32
    %dma_start3A_21 = tpu.memref_slice %arg5[%add3A, %dma_start3A_19, %dma_start3A_20] : memref<32x140x72xi32, #tpu.memory_space<hbm>> -> memref<1x1x72xi32, #tpu.memory_space<hbm>>
    %dma_start3A_22 = tpu.memref_squeeze %dma_start3A_21 : memref<1x1x72xi32, #tpu.memory_space<hbm>> -> memref<72xi32, #tpu.memory_space<hbm>>
    %dma_start3A_23 = arith.constant 0 : i32
    %dma_start3A_24 = tpu.memref_slice %arg5[%add3A, %dma_start3A_19, %dma_start3A_23] : memref<32x140x72xi32, #tpu.memory_space<hbm>> -> memref<1x1x72xi32, #tpu.memory_space<hbm>>
    %dma_start3A_25 = tpu.memref_squeeze %dma_start3A_24 : memref<1x1x72xi32, #tpu.memory_space<hbm>> -> memref<72xi32, #tpu.memory_space<hbm>>
    tpu.enqueue_dma source(%dma_start3A_25 : memref<72xi32, #tpu.memory_space<hbm>>) target(%arg11 : memref<72xi32, #tpu.memory_space<vmem>>) target_semaphore(%arg23 : memref<!tpu.dma_semaphore, #tpu.memory_space<semaphore_mem>>)
    %dma_start3A_26 = arith.constant 144 : i32
    %dma_start3A_27 = tpu.memref_slice %arg9[%dma_start3A_26] : memref<10080xi32, #tpu.memory_space<vmem>> -> memref<72xi32, #tpu.memory_space<vmem>>
    %dma_start3A_28 = arith.constant 0 : i32
    %dma_start3A_29 = arith.constant 0 : i32
    %dma_start3A_30 = tpu.memref_slice %arg2[%dma_start3A_28, %dma_start3A_29] : memref<10000x128xf32, #tpu.memory_space<hbm>> -> memref<10000x128xf32, #tpu.memory_space<hbm>>
    tpu.enqueue_indirect_dma source(%dma_start3A_30 : memref<10000x128xf32, #tpu.memory_space<hbm>>) target(%arg16 : memref<72x128xf32, #tpu.memory_space<vmem>>) offsets(%dma_start3A_27 : memref<72xi32, #tpu.memory_space<vmem>>) semaphore(%arg20 : memref<!tpu.dma_semaphore, #tpu.memory_space<semaphore_mem>>)
    %dma_start3A_31 = arith.constant 2 : i32
    %dma_start3A_32 = arith.constant 0 : i32
    %dma_start3A_33 = tpu.memref_slice %arg5[%add3A, %dma_start3A_31, %dma_start3A_32] : memref<32x140x72xi32, #tpu.memory_space<hbm>> -> memref<1x1x72xi32, #tpu.memory_space<hbm>>
    %dma_start3A_34 = tpu.memref_squeeze %dma_start3A_33 : memref<1x1x72xi32, #tpu.memory_space<hbm>> -> memref<72xi32, #tpu.memory_space<hbm>>
    %dma_start3A_35 = arith.constant 0 : i32
    %dma_start3A_36 = tpu.memref_slice %arg5[%add3A, %dma_start3A_31, %dma_start3A_35] : memref<32x140x72xi32, #tpu.memory_space<hbm>> -> memref<1x1x72xi32, #tpu.memory_space<hbm>>
    %dma_start3A_37 = tpu.memref_squeeze %dma_start3A_36 : memref<1x1x72xi32, #tpu.memory_space<hbm>> -> memref<72xi32, #tpu.memory_space<hbm>>
    tpu.enqueue_dma source(%dma_start3A_37 : memref<72xi32, #tpu.memory_space<hbm>>) target(%arg12 : memref<72xi32, #tpu.memory_space<vmem>>) target_semaphore(%arg24 : memref<!tpu.dma_semaphore, #tpu.memory_space<semaphore_mem>>)
    %scan3A = arith.constant 0 : i32
    %scan3A_38 = arith.constant 35 : i32
    %scan3A_39 = arith.addi %scan3A, %scan3A_38 : i32
    %scan3A_40 = arith.constant 1 : i32
    scf.for %scan3A_88 = %scan3A to %scan3A_39 step %scan3A_40  : i32 {
      %mul3A_89 = arith.constant 4 : i32
      %mul3A_90 = arith.muli %scan3A_88, %mul3A_89 : i32
      %add3A_91 = arith.constant 0 : i32
      %add3A_92 = arith.addi %add3A_91, %mul3A_90 : i32
      %add3A_93 = arith.constant 0 : i32
      %add3A_94 = arith.addi %add3A_92, %add3A_93 : i32
      %add3A_95 = arith.constant 3 : i32
      %add3A_96 = arith.addi %add3A_94, %add3A_95 : i32
      %lt3A = arith.constant 140 : i32
      %lt3A_97 = arith.cmpi slt, %add3A_96, %lt3A : i32
      %convert_element_type3A = arith.extui %lt3A_97 : i1 to i32
      %cond3A = arith.constant 0 : i32
      %cond3A_98 = arith.cmpi ne, %convert_element_type3A, %cond3A : i32
      scf.if %cond3A_98 {
        %add3A_189 = arith.constant 0 : i32
        %add3A_190 = arith.addi %add3A_92, %add3A_189 : i32
        %add3A_191 = arith.constant 3 : i32
        %add3A_192 = arith.addi %add3A_190, %add3A_191 : i32
        %mul3A_193 = arith.constant 72 : i32
        %mul3A_194 = arith.muli %add3A_192, %mul3A_193 : i32
        %dma_start3A_195 = tpu.memref_slice %arg9[%mul3A_194] : memref<10080xi32, #tpu.memory_space<vmem>> -> memref<72xi32, #tpu.memory_space<vmem>>
        %dma_start3A_196 = arith.constant 0 : i32
        %dma_start3A_197 = arith.constant 0 : i32
        %dma_start3A_198 = tpu.memref_slice %arg2[%dma_start3A_196, %dma_start3A_197] : memref<10000x128xf32, #tpu.memory_space<hbm>> -> memref<10000x128xf32, #tpu.memory_space<hbm>>
        tpu.enqueue_indirect_dma source(%dma_start3A_198 : memref<10000x128xf32, #tpu.memory_space<hbm>>) target(%arg17 : memref<72x128xf32, #tpu.memory_space<vmem>>) offsets(%dma_start3A_195 : memref<72xi32, #tpu.memory_space<vmem>>) semaphore(%arg21 : memref<!tpu.dma_semaphore, #tpu.memory_space<semaphore_mem>>)
        %add3A_199 = arith.constant 0 : i32
        %add3A_200 = arith.addi %add3A_92, %add3A_199 : i32
        %add3A_201 = arith.constant 3 : i32
        %add3A_202 = arith.addi %add3A_200, %add3A_201 : i32
        %dma_start3A_203 = arith.constant 0 : i32
        %dma_start3A_204 = tpu.memref_slice %arg5[%add3A, %add3A_202, %dma_start3A_203] : memref<32x140x72xi32, #tpu.memory_space<hbm>> -> memref<1x1x72xi32, #tpu.memory_space<hbm>>
        %dma_start3A_205 = tpu.memref_squeeze %dma_start3A_204 : memref<1x1x72xi32, #tpu.memory_space<hbm>> -> memref<72xi32, #tpu.memory_space<hbm>>
        %dma_start3A_206 = arith.constant 0 : i32
        %dma_start3A_207 = tpu.memref_slice %arg5[%add3A, %add3A_202, %dma_start3A_206] : memref<32x140x72xi32, #tpu.memory_space<hbm>> -> memref<1x1x72xi32, #tpu.memory_space<hbm>>
        %dma_start3A_208 = tpu.memref_squeeze %dma_start3A_207 : memref<1x1x72xi32, #tpu.memory_space<hbm>> -> memref<72xi32, #tpu.memory_space<hbm>>
        tpu.enqueue_dma source(%dma_start3A_208 : memref<72xi32, #tpu.memory_space<hbm>>) target(%arg13 : memref<72xi32, #tpu.memory_space<vmem>>) target_semaphore(%arg25 : memref<!tpu.dma_semaphore, #tpu.memory_space<semaphore_mem>>)
      } else {
      }
      %add3A_99 = arith.constant 0 : i32
      %add3A_100 = arith.addi %add3A_92, %add3A_99 : i32
      %dma_wait3A = arith.constant 0 : i32
      %dma_wait3A_101 = tpu.memref_slice %arg5[%add3A, %add3A_100, %dma_wait3A] : memref<32x140x72xi32, #tpu.memory_space<hbm>> -> memref<1x1x72xi32, #tpu.memory_space<hbm>>
      %dma_wait3A_102 = tpu.memref_squeeze %dma_wait3A_101 : memref<1x1x72xi32, #tpu.memory_space<hbm>> -> memref<72xi32, #tpu.memory_space<hbm>>
      %dma_wait3A_103 = arith.constant 0 : i32
      %dma_wait3A_104 = tpu.memref_slice %arg5[%add3A, %add3A_100, %dma_wait3A_103] : memref<32x140x72xi32, #tpu.memory_space<hbm>> -> memref<1x1x72xi32, #tpu.memory_space<hbm>>
      %dma_wait3A_105 = tpu.memref_squeeze %dma_wait3A_104 : memref<1x1x72xi32, #tpu.memory_space<hbm>> -> memref<72xi32, #tpu.memory_space<hbm>>
      tpu.wait_dma2 semaphore(%arg22 : memref<!tpu.dma_semaphore, #tpu.memory_space<semaphore_mem>>) src(%dma_wait3A_105 : memref<72xi32, #tpu.memory_space<hbm>>) dst(%arg10 : memref<72xi32, #tpu.memory_space<vmem>>)
      %add3A_106 = arith.constant 0 : i32
      %add3A_107 = arith.addi %add3A_92, %add3A_106 : i32
      %mul3A_108 = arith.constant 72 : i32
      %mul3A_109 = arith.muli %add3A_107, %mul3A_108 : i32
      %dma_wait3A_110 = tpu.memref_slice %arg9[%mul3A_109] : memref<10080xi32, #tpu.memory_space<vmem>> -> memref<72xi32, #tpu.memory_space<vmem>>
      %dma_wait3A_111 = arith.constant 0 : i32
      %dma_wait3A_112 = arith.constant 0 : i32
      %dma_wait3A_113 = tpu.memref_slice %arg2[%dma_wait3A_111, %dma_wait3A_112] : memref<10000x128xf32, #tpu.memory_space<hbm>> -> memref<10000x128xf32, #tpu.memory_space<hbm>>
      tpu.wait_indirect_dma semaphore(%arg18 : memref<!tpu.dma_semaphore, #tpu.memory_space<semaphore_mem>>) src(%dma_wait3A_113 : memref<10000x128xf32, #tpu.memory_space<hbm>>) dst(%arg14 : memref<72x128xf32, #tpu.memory_space<vmem>>)
      "tpu.region"() ({
        %run_scoped3A = tpu.sem_alloc : memref<!tpu.dma_semaphore, #tpu.memory_space<semaphore_mem>>
        %dma_start3A_189 = arith.constant 0 : i32
        %dma_start3A_190 = arith.constant 0 : i32
        %dma_start3A_191 = tpu.memref_slice %arg26[%dma_start3A_189, %dma_start3A_190] : memref<10112x128xf32, #tpu.memory_space<vmem_shared>> -> memref<10112x128xf32, #tpu.memory_space<vmem_shared>>
        tpu.enqueue_indirect_dma source(%arg14 : memref<72x128xf32, #tpu.memory_space<vmem>>) target(%dma_start3A_191 : memref<10112x128xf32, #tpu.memory_space<vmem_shared>>) offsets(%arg10 : memref<72xi32, #tpu.memory_space<vmem>>) semaphore(%run_scoped3A : memref<!tpu.dma_semaphore, #tpu.memory_space<semaphore_mem>>) {add = true}
        %dma_wait3A_192 = arith.constant 0 : i32
        %dma_wait3A_193 = arith.constant 0 : i32
        %dma_wait3A_194 = tpu.memref_slice %arg26[%dma_wait3A_192, %dma_wait3A_193] : memref<10112x128xf32, #tpu.memory_space<vmem_shared>> -> memref<10112x128xf32, #tpu.memory_space<vmem_shared>>
        tpu.wait_indirect_dma semaphore(%run_scoped3A : memref<!tpu.dma_semaphore, #tpu.memory_space<semaphore_mem>>) src(%arg14 : memref<72x128xf32, #tpu.memory_space<vmem>>) dst(%dma_wait3A_194 : memref<10112x128xf32, #tpu.memory_space<vmem_shared>>)
        tpu.yield
      }) : () -> ()
      %add3A_114 = arith.constant 1 : i32
      %add3A_115 = arith.addi %add3A_92, %add3A_114 : i32
      %add3A_116 = arith.constant 3 : i32
      %add3A_117 = arith.addi %add3A_115, %add3A_116 : i32
      %lt3A_118 = arith.constant 140 : i32
      %lt3A_119 = arith.cmpi slt, %add3A_117, %lt3A_118 : i32
      %convert_element_type3A_120 = arith.extui %lt3A_119 : i1 to i32
      %cond3A_121 = arith.constant 0 : i32
      %cond3A_122 = arith.cmpi ne, %convert_element_type3A_120, %cond3A_121 : i32
      scf.if %cond3A_122 {
        %add3A_189 = arith.constant 1 : i32
        %add3A_190 = arith.addi %add3A_92, %add3A_189 : i32
        %add3A_191 = arith.constant 3 : i32
        %add3A_192 = arith.addi %add3A_190, %add3A_191 : i32
        %mul3A_193 = arith.constant 72 : i32
        %mul3A_194 = arith.muli %add3A_192, %mul3A_193 : i32
        %dma_start3A_195 = tpu.memref_slice %arg9[%mul3A_194] : memref<10080xi32, #tpu.memory_space<vmem>> -> memref<72xi32, #tpu.memory_space<vmem>>
        %dma_start3A_196 = arith.constant 0 : i32
        %dma_start3A_197 = arith.constant 0 : i32
        %dma_start3A_198 = tpu.memref_slice %arg2[%dma_start3A_196, %dma_start3A_197] : memref<10000x128xf32, #tpu.memory_space<hbm>> -> memref<10000x128xf32, #tpu.memory_space<hbm>>
        tpu.enqueue_indirect_dma source(%dma_start3A_198 : memref<10000x128xf32, #tpu.memory_space<hbm>>) target(%arg14 : memref<72x128xf32, #tpu.memory_space<vmem>>) offsets(%dma_start3A_195 : memref<72xi32, #tpu.memory_space<vmem>>) semaphore(%arg18 : memref<!tpu.dma_semaphore, #tpu.memory_space<semaphore_mem>>)
        %add3A_199 = arith.constant 1 : i32
        %add3A_200 = arith.addi %add3A_92, %add3A_199 : i32
        %add3A_201 = arith.constant 3 : i32
        %add3A_202 = arith.addi %add3A_200, %add3A_201 : i32
        %dma_start3A_203 = arith.constant 0 : i32
        %dma_start3A_204 = tpu.memref_slice %arg5[%add3A, %add3A_202, %dma_start3A_203] : memref<32x140x72xi32, #tpu.memory_space<hbm>> -> memref<1x1x72xi32, #tpu.memory_space<hbm>>
        %dma_start3A_205 = tpu.memref_squeeze %dma_start3A_204 : memref<1x1x72xi32, #tpu.memory_space<hbm>> -> memref<72xi32, #tpu.memory_space<hbm>>
        %dma_start3A_206 = arith.constant 0 : i32
        %dma_start3A_207 = tpu.memref_slice %arg5[%add3A, %add3A_202, %dma_start3A_206] : memref<32x140x72xi32, #tpu.memory_space<hbm>> -> memref<1x1x72xi32, #tpu.memory_space<hbm>>
        %dma_start3A_208 = tpu.memref_squeeze %dma_start3A_207 : memref<1x1x72xi32, #tpu.memory_space<hbm>> -> memref<72xi32, #tpu.memory_space<hbm>>
        tpu.enqueue_dma source(%dma_start3A_208 : memref<72xi32, #tpu.memory_space<hbm>>) target(%arg10 : memref<72xi32, #tpu.memory_space<vmem>>) target_semaphore(%arg22 : memref<!tpu.dma_semaphore, #tpu.memory_space<semaphore_mem>>)
      } else {
      }
      %add3A_123 = arith.constant 1 : i32
      %add3A_124 = arith.addi %add3A_92, %add3A_123 : i32
      %dma_wait3A_125 = arith.constant 0 : i32
      %dma_wait3A_126 = tpu.memref_slice %arg5[%add3A, %add3A_124, %dma_wait3A_125] : memref<32x140x72xi32, #tpu.memory_space<hbm>> -> memref<1x1x72xi32, #tpu.memory_space<hbm>>
      %dma_wait3A_127 = tpu.memref_squeeze %dma_wait3A_126 : memref<1x1x72xi32, #tpu.memory_space<hbm>> -> memref<72xi32, #tpu.memory_space<hbm>>
      %dma_wait3A_128 = arith.constant 0 : i32
      %dma_wait3A_129 = tpu.memref_slice %arg5[%add3A, %add3A_124, %dma_wait3A_128] : memref<32x140x72xi32, #tpu.memory_space<hbm>> -> memref<1x1x72xi32, #tpu.memory_space<hbm>>
      %dma_wait3A_130 = tpu.memref_squeeze %dma_wait3A_129 : memref<1x1x72xi32, #tpu.memory_space<hbm>> -> memref<72xi32, #tpu.memory_space<hbm>>
      tpu.wait_dma2 semaphore(%arg23 : memref<!tpu.dma_semaphore, #tpu.memory_space<semaphore_mem>>) src(%dma_wait3A_130 : memref<72xi32, #tpu.memory_space<hbm>>) dst(%arg11 : memref<72xi32, #tpu.memory_space<vmem>>)
      %add3A_131 = arith.constant 1 : i32
      %add3A_132 = arith.addi %add3A_92, %add3A_131 : i32
      %mul3A_133 = arith.constant 72 : i32
      %mul3A_134 = arith.muli %add3A_132, %mul3A_133 : i32
      %dma_wait3A_135 = tpu.memref_slice %arg9[%mul3A_134] : memref<10080xi32, #tpu.memory_space<vmem>> -> memref<72xi32, #tpu.memory_space<vmem>>
      %dma_wait3A_136 = arith.constant 0 : i32
      %dma_wait3A_137 = arith.constant 0 : i32
      %dma_wait3A_138 = tpu.memref_slice %arg2[%dma_wait3A_136, %dma_wait3A_137] : memref<10000x128xf32, #tpu.memory_space<hbm>> -> memref<10000x128xf32, #tpu.memory_space<hbm>>
      tpu.wait_indirect_dma semaphore(%arg19 : memref<!tpu.dma_semaphore, #tpu.memory_space<semaphore_mem>>) src(%dma_wait3A_138 : memref<10000x128xf32, #tpu.memory_space<hbm>>) dst(%arg15 : memref<72x128xf32, #tpu.memory_space<vmem>>)
      "tpu.region"() ({
        %run_scoped3A = tpu.sem_alloc : memref<!tpu.dma_semaphore, #tpu.memory_space<semaphore_mem>>
        %dma_start3A_189 = arith.constant 0 : i32
        %dma_start3A_190 = arith.constant 0 : i32
        %dma_start3A_191 = tpu.memref_slice %arg26[%dma_start3A_189, %dma_start3A_190] : memref<10112x128xf32, #tpu.memory_space<vmem_shared>> -> memref<10112x128xf32, #tpu.memory_space<vmem_shared>>
        tpu.enqueue_indirect_dma source(%arg15 : memref<72x128xf32, #tpu.memory_space<vmem>>) target(%dma_start3A_191 : memref<10112x128xf32, #tpu.memory_space<vmem_shared>>) offsets(%arg11 : memref<72xi32, #tpu.memory_space<vmem>>) semaphore(%run_scoped3A : memref<!tpu.dma_semaphore, #tpu.memory_space<semaphore_mem>>) {add = true}
        %dma_wait3A_192 = arith.constant 0 : i32
        %dma_wait3A_193 = arith.constant 0 : i32
        %dma_wait3A_194 = tpu.memref_slice %arg26[%dma_wait3A_192, %dma_wait3A_193] : memref<10112x128xf32, #tpu.memory_space<vmem_shared>> -> memref<10112x128xf32, #tpu.memory_space<vmem_shared>>
        tpu.wait_indirect_dma semaphore(%run_scoped3A : memref<!tpu.dma_semaphore, #tpu.memory_space<semaphore_mem>>) src(%arg15 : memref<72x128xf32, #tpu.memory_space<vmem>>) dst(%dma_wait3A_194 : memref<10112x128xf32, #tpu.memory_space<vmem_shared>>)
        tpu.yield
      }) : () -> ()
      %add3A_139 = arith.constant 2 : i32
      %add3A_140 = arith.addi %add3A_92, %add3A_139 : i32
      %add3A_141 = arith.constant 3 : i32
      %add3A_142 = arith.addi %add3A_140, %add3A_141 : i32
      %lt3A_143 = arith.constant 140 : i32
      %lt3A_144 = arith.cmpi slt, %add3A_142, %lt3A_143 : i32
      %convert_element_type3A_145 = arith.extui %lt3A_144 : i1 to i32
      %cond3A_146 = arith.constant 0 : i32
      %cond3A_147 = arith.cmpi ne, %convert_element_type3A_145, %cond3A_146 : i32
      scf.if %cond3A_147 {
        %add3A_189 = arith.constant 2 : i32
        %add3A_190 = arith.addi %add3A_92, %add3A_189 : i32
        %add3A_191 = arith.constant 3 : i32
        %add3A_192 = arith.addi %add3A_190, %add3A_191 : i32
        %mul3A_193 = arith.constant 72 : i32
        %mul3A_194 = arith.muli %add3A_192, %mul3A_193 : i32
        %dma_start3A_195 = tpu.memref_slice %arg9[%mul3A_194] : memref<10080xi32, #tpu.memory_space<vmem>> -> memref<72xi32, #tpu.memory_space<vmem>>
        %dma_start3A_196 = arith.constant 0 : i32
        %dma_start3A_197 = arith.constant 0 : i32
        %dma_start3A_198 = tpu.memref_slice %arg2[%dma_start3A_196, %dma_start3A_197] : memref<10000x128xf32, #tpu.memory_space<hbm>> -> memref<10000x128xf32, #tpu.memory_space<hbm>>
        tpu.enqueue_indirect_dma source(%dma_start3A_198 : memref<10000x128xf32, #tpu.memory_space<hbm>>) target(%arg15 : memref<72x128xf32, #tpu.memory_space<vmem>>) offsets(%dma_start3A_195 : memref<72xi32, #tpu.memory_space<vmem>>) semaphore(%arg19 : memref<!tpu.dma_semaphore, #tpu.memory_space<semaphore_mem>>)
        %add3A_199 = arith.constant 2 : i32
        %add3A_200 = arith.addi %add3A_92, %add3A_199 : i32
        %add3A_201 = arith.constant 3 : i32
        %add3A_202 = arith.addi %add3A_200, %add3A_201 : i32
        %dma_start3A_203 = arith.constant 0 : i32
        %dma_start3A_204 = tpu.memref_slice %arg5[%add3A, %add3A_202, %dma_start3A_203] : memref<32x140x72xi32, #tpu.memory_space<hbm>> -> memref<1x1x72xi32, #tpu.memory_space<hbm>>
        %dma_start3A_205 = tpu.memref_squeeze %dma_start3A_204 : memref<1x1x72xi32, #tpu.memory_space<hbm>> -> memref<72xi32, #tpu.memory_space<hbm>>
        %dma_start3A_206 = arith.constant 0 : i32
        %dma_start3A_207 = tpu.memref_slice %arg5[%add3A, %add3A_202, %dma_start3A_206] : memref<32x140x72xi32, #tpu.memory_space<hbm>> -> memref<1x1x72xi32, #tpu.memory_space<hbm>>
        %dma_start3A_208 = tpu.memref_squeeze %dma_start3A_207 : memref<1x1x72xi32, #tpu.memory_space<hbm>> -> memref<72xi32, #tpu.memory_space<hbm>>
        tpu.enqueue_dma source(%dma_start3A_208 : memref<72xi32, #tpu.memory_space<hbm>>) target(%arg11 : memref<72xi32, #tpu.memory_space<vmem>>) target_semaphore(%arg23 : memref<!tpu.dma_semaphore, #tpu.memory_space<semaphore_mem>>)
      } else {
      }
      %add3A_148 = arith.constant 2 : i32
      %add3A_149 = arith.addi %add3A_92, %add3A_148 : i32
      %dma_wait3A_150 = arith.constant 0 : i32
      %dma_wait3A_151 = tpu.memref_slice %arg5[%add3A, %add3A_149, %dma_wait3A_150] : memref<32x140x72xi32, #tpu.memory_space<hbm>> -> memref<1x1x72xi32, #tpu.memory_space<hbm>>
      %dma_wait3A_152 = tpu.memref_squeeze %dma_wait3A_151 : memref<1x1x72xi32, #tpu.memory_space<hbm>> -> memref<72xi32, #tpu.memory_space<hbm>>
      %dma_wait3A_153 = arith.constant 0 : i32
      %dma_wait3A_154 = tpu.memref_slice %arg5[%add3A, %add3A_149, %dma_wait3A_153] : memref<32x140x72xi32, #tpu.memory_space<hbm>> -> memref<1x1x72xi32, #tpu.memory_space<hbm>>
      %dma_wait3A_155 = tpu.memref_squeeze %dma_wait3A_154 : memref<1x1x72xi32, #tpu.memory_space<hbm>> -> memref<72xi32, #tpu.memory_space<hbm>>
      tpu.wait_dma2 semaphore(%arg24 : memref<!tpu.dma_semaphore, #tpu.memory_space<semaphore_mem>>) src(%dma_wait3A_155 : memref<72xi32, #tpu.memory_space<hbm>>) dst(%arg12 : memref<72xi32, #tpu.memory_space<vmem>>)
      %add3A_156 = arith.constant 2 : i32
      %add3A_157 = arith.addi %add3A_92, %add3A_156 : i32
      %mul3A_158 = arith.constant 72 : i32
      %mul3A_159 = arith.muli %add3A_157, %mul3A_158 : i32
      %dma_wait3A_160 = tpu.memref_slice %arg9[%mul3A_159] : memref<10080xi32, #tpu.memory_space<vmem>> -> memref<72xi32, #tpu.memory_space<vmem>>
      %dma_wait3A_161 = arith.constant 0 : i32
      %dma_wait3A_162 = arith.constant 0 : i32
      %dma_wait3A_163 = tpu.memref_slice %arg2[%dma_wait3A_161, %dma_wait3A_162] : memref<10000x128xf32, #tpu.memory_space<hbm>> -> memref<10000x128xf32, #tpu.memory_space<hbm>>
      tpu.wait_indirect_dma semaphore(%arg20 : memref<!tpu.dma_semaphore, #tpu.memory_space<semaphore_mem>>) src(%dma_wait3A_163 : memref<10000x128xf32, #tpu.memory_space<hbm>>) dst(%arg16 : memref<72x128xf32, #tpu.memory_space<vmem>>)
      "tpu.region"() ({
        %run_scoped3A = tpu.sem_alloc : memref<!tpu.dma_semaphore, #tpu.memory_space<semaphore_mem>>
        %dma_start3A_189 = arith.constant 0 : i32
        %dma_start3A_190 = arith.constant 0 : i32
        %dma_start3A_191 = tpu.memref_slice %arg26[%dma_start3A_189, %dma_start3A_190] : memref<10112x128xf32, #tpu.memory_space<vmem_shared>> -> memref<10112x128xf32, #tpu.memory_space<vmem_shared>>
        tpu.enqueue_indirect_dma source(%arg16 : memref<72x128xf32, #tpu.memory_space<vmem>>) target(%dma_start3A_191 : memref<10112x128xf32, #tpu.memory_space<vmem_shared>>) offsets(%arg12 : memref<72xi32, #tpu.memory_space<vmem>>) semaphore(%run_scoped3A : memref<!tpu.dma_semaphore, #tpu.memory_space<semaphore_mem>>) {add = true}
        %dma_wait3A_192 = arith.constant 0 : i32
        %dma_wait3A_193 = arith.constant 0 : i32
        %dma_wait3A_194 = tpu.memref_slice %arg26[%dma_wait3A_192, %dma_wait3A_193] : memref<10112x128xf32, #tpu.memory_space<vmem_shared>> -> memref<10112x128xf32, #tpu.memory_space<vmem_shared>>
        tpu.wait_indirect_dma semaphore(%run_scoped3A : memref<!tpu.dma_semaphore, #tpu.memory_space<semaphore_mem>>) src(%arg16 : memref<72x128xf32, #tpu.memory_space<vmem>>) dst(%dma_wait3A_194 : memref<10112x128xf32, #tpu.memory_space<vmem_shared>>)
        tpu.yield
      }) : () -> ()
      %add3A_164 = arith.constant 3 : i32
      %add3A_165 = arith.addi %add3A_92, %add3A_164 : i32
      %add3A_166 = arith.constant 3 : i32
      %add3A_167 = arith.addi %add3A_165, %add3A_166 : i32
      %lt3A_168 = arith.constant 140 : i32
      %lt3A_169 = arith.cmpi slt, %add3A_167, %lt3A_168 : i32
      %convert_element_type3A_170 = arith.extui %lt3A_169 : i1 to i32
      %cond3A_171 = arith.constant 0 : i32
      %cond3A_172 = arith.cmpi ne, %convert_element_type3A_170, %cond3A_171 : i32
      scf.if %cond3A_172 {
        %add3A_189 = arith.constant 3 : i32
        %add3A_190 = arith.addi %add3A_92, %add3A_189 : i32
        %add3A_191 = arith.constant 3 : i32
        %add3A_192 = arith.addi %add3A_190, %add3A_191 : i32
        %mul3A_193 = arith.constant 72 : i32
        %mul3A_194 = arith.muli %add3A_192, %mul3A_193 : i32
        %dma_start3A_195 = tpu.memref_slice %arg9[%mul3A_194] : memref<10080xi32, #tpu.memory_space<vmem>> -> memref<72xi32, #tpu.memory_space<vmem>>
        %dma_start3A_196 = arith.constant 0 : i32
        %dma_start3A_197 = arith.constant 0 : i32
        %dma_start3A_198 = tpu.memref_slice %arg2[%dma_start3A_196, %dma_start3A_197] : memref<10000x128xf32, #tpu.memory_space<hbm>> -> memref<10000x128xf32, #tpu.memory_space<hbm>>
        tpu.enqueue_indirect_dma source(%dma_start3A_198 : memref<10000x128xf32, #tpu.memory_space<hbm>>) target(%arg16 : memref<72x128xf32, #tpu.memory_space<vmem>>) offsets(%dma_start3A_195 : memref<72xi32, #tpu.memory_space<vmem>>) semaphore(%arg20 : memref<!tpu.dma_semaphore, #tpu.memory_space<semaphore_mem>>)
        %add3A_199 = arith.constant 3 : i32
        %add3A_200 = arith.addi %add3A_92, %add3A_199 : i32
        %add3A_201 = arith.constant 3 : i32
        %add3A_202 = arith.addi %add3A_200, %add3A_201 : i32
        %dma_start3A_203 = arith.constant 0 : i32
        %dma_start3A_204 = tpu.memref_slice %arg5[%add3A, %add3A_202, %dma_start3A_203] : memref<32x140x72xi32, #tpu.memory_space<hbm>> -> memref<1x1x72xi32, #tpu.memory_space<hbm>>
        %dma_start3A_205 = tpu.memref_squeeze %dma_start3A_204 : memref<1x1x72xi32, #tpu.memory_space<hbm>> -> memref<72xi32, #tpu.memory_space<hbm>>
        %dma_start3A_206 = arith.constant 0 : i32
        %dma_start3A_207 = tpu.memref_slice %arg5[%add3A, %add3A_202, %dma_start3A_206] : memref<32x140x72xi32, #tpu.memory_space<hbm>> -> memref<1x1x72xi32, #tpu.memory_space<hbm>>
        %dma_start3A_208 = tpu.memref_squeeze %dma_start3A_207 : memref<1x1x72xi32, #tpu.memory_space<hbm>> -> memref<72xi32, #tpu.memory_space<hbm>>
        tpu.enqueue_dma source(%dma_start3A_208 : memref<72xi32, #tpu.memory_space<hbm>>) target(%arg12 : memref<72xi32, #tpu.memory_space<vmem>>) target_semaphore(%arg24 : memref<!tpu.dma_semaphore, #tpu.memory_space<semaphore_mem>>)
      } else {
      }
      %add3A_173 = arith.constant 3 : i32
      %add3A_174 = arith.addi %add3A_92, %add3A_173 : i32
      %dma_wait3A_175 = arith.constant 0 : i32
      %dma_wait3A_176 = tpu.memref_slice %arg5[%add3A, %add3A_174, %dma_wait3A_175] : memref<32x140x72xi32, #tpu.memory_space<hbm>> -> memref<1x1x72xi32, #tpu.memory_space<hbm>>
      %dma_wait3A_177 = tpu.memref_squeeze %dma_wait3A_176 : memref<1x1x72xi32, #tpu.memory_space<hbm>> -> memref<72xi32, #tpu.memory_space<hbm>>
      %dma_wait3A_178 = arith.constant 0 : i32
      %dma_wait3A_179 = tpu.memref_slice %arg5[%add3A, %add3A_174, %dma_wait3A_178] : memref<32x140x72xi32, #tpu.memory_space<hbm>> -> memref<1x1x72xi32, #tpu.memory_space<hbm>>
      %dma_wait3A_180 = tpu.memref_squeeze %dma_wait3A_179 : memref<1x1x72xi32, #tpu.memory_space<hbm>> -> memref<72xi32, #tpu.memory_space<hbm>>
      tpu.wait_dma2 semaphore(%arg25 : memref<!tpu.dma_semaphore, #tpu.memory_space<semaphore_mem>>) src(%dma_wait3A_180 : memref<72xi32, #tpu.memory_space<hbm>>) dst(%arg13 : memref<72xi32, #tpu.memory_space<vmem>>)
      %add3A_181 = arith.constant 3 : i32
      %add3A_182 = arith.addi %add3A_92, %add3A_181 : i32
      %mul3A_183 = arith.constant 72 : i32
      %mul3A_184 = arith.muli %add3A_182, %mul3A_183 : i32
      %dma_wait3A_185 = tpu.memref_slice %arg9[%mul3A_184] : memref<10080xi32, #tpu.memory_space<vmem>> -> memref<72xi32, #tpu.memory_space<vmem>>
      %dma_wait3A_186 = arith.constant 0 : i32
      %dma_wait3A_187 = arith.constant 0 : i32
      %dma_wait3A_188 = tpu.memref_slice %arg2[%dma_wait3A_186, %dma_wait3A_187] : memref<10000x128xf32, #tpu.memory_space<hbm>> -> memref<10000x128xf32, #tpu.memory_space<hbm>>
      tpu.wait_indirect_dma semaphore(%arg21 : memref<!tpu.dma_semaphore, #tpu.memory_space<semaphore_mem>>) src(%dma_wait3A_188 : memref<10000x128xf32, #tpu.memory_space<hbm>>) dst(%arg17 : memref<72x128xf32, #tpu.memory_space<vmem>>)
      "tpu.region"() ({
        %run_scoped3A = tpu.sem_alloc : memref<!tpu.dma_semaphore, #tpu.memory_space<semaphore_mem>>
        %dma_start3A_189 = arith.constant 0 : i32
        %dma_start3A_190 = arith.constant 0 : i32
        %dma_start3A_191 = tpu.memref_slice %arg26[%dma_start3A_189, %dma_start3A_190] : memref<10112x128xf32, #tpu.memory_space<vmem_shared>> -> memref<10112x128xf32, #tpu.memory_space<vmem_shared>>
        tpu.enqueue_indirect_dma source(%arg17 : memref<72x128xf32, #tpu.memory_space<vmem>>) target(%dma_start3A_191 : memref<10112x128xf32, #tpu.memory_space<vmem_shared>>) offsets(%arg13 : memref<72xi32, #tpu.memory_space<vmem>>) semaphore(%run_scoped3A : memref<!tpu.dma_semaphore, #tpu.memory_space<semaphore_mem>>) {add = true}
        %dma_wait3A_192 = arith.constant 0 : i32
        %dma_wait3A_193 = arith.constant 0 : i32
        %dma_wait3A_194 = tpu.memref_slice %arg26[%dma_wait3A_192, %dma_wait3A_193] : memref<10112x128xf32, #tpu.memory_space<vmem_shared>> -> memref<10112x128xf32, #tpu.memory_space<vmem_shared>>
        tpu.wait_indirect_dma semaphore(%run_scoped3A : memref<!tpu.dma_semaphore, #tpu.memory_space<semaphore_mem>>) src(%arg17 : memref<72x128xf32, #tpu.memory_space<vmem>>) dst(%dma_wait3A_194 : memref<10112x128xf32, #tpu.memory_space<vmem_shared>>)
        tpu.yield
      }) : () -> ()
    }
    %scan3A_41 = arith.constant 35 : i32
    %barrier3A_42 = arith.constant 0 : index
    tpu.barrier barrier_id(%barrier3A_42)
    "tpu.region"() ({
      %run_scoped3A = tpu.sem_alloc : memref<!tpu.dma_semaphore, #tpu.memory_space<semaphore_mem>>
      %dma_start3A_88 = arith.constant 0 : i32
      %dma_start3A_89 = tpu.memref_slice %arg7[%arg0, %mul3A_2, %dma_start3A_88] : memref<2x10112x128xf32, #tpu.memory_space<hbm>> -> memref<1x632x128xf32, #tpu.memory_space<hbm>>
      %dma_start3A_90 = tpu.memref_squeeze %dma_start3A_89 : memref<1x632x128xf32, #tpu.memory_space<hbm>> -> memref<632x128xf32, #tpu.memory_space<hbm>>
      %dma_start3A_91 = arith.constant 0 : i32
      %dma_start3A_92 = tpu.memref_slice %arg26[%mul3A_2, %dma_start3A_91] : memref<10112x128xf32, #tpu.memory_space<vmem_shared>> -> memref<632x128xf32, #tpu.memory_space<vmem_shared>>
      tpu.enqueue_dma source(%dma_start3A_92 : memref<632x128xf32, #tpu.memory_space<vmem_shared>>) target(%dma_start3A_90 : memref<632x128xf32, #tpu.memory_space<hbm>>) target_semaphore(%run_scoped3A : memref<!tpu.dma_semaphore, #tpu.memory_space<semaphore_mem>>)
      %dma_wait3A = arith.constant 0 : i32
      %dma_wait3A_93 = tpu.memref_slice %arg7[%arg0, %mul3A_2, %dma_wait3A] : memref<2x10112x128xf32, #tpu.memory_space<hbm>> -> memref<1x632x128xf32, #tpu.memory_space<hbm>>
      %dma_wait3A_94 = tpu.memref_squeeze %dma_wait3A_93 : memref<1x632x128xf32, #tpu.memory_space<hbm>> -> memref<632x128xf32, #tpu.memory_space<hbm>>
      %dma_wait3A_95 = arith.constant 0 : i32
      %dma_wait3A_96 = tpu.memref_slice %arg26[%mul3A_2, %dma_wait3A_95] : memref<10112x128xf32, #tpu.memory_space<vmem_shared>> -> memref<632x128xf32, #tpu.memory_space<vmem_shared>>
      tpu.wait_dma2 semaphore(%run_scoped3A : memref<!tpu.dma_semaphore, #tpu.memory_space<semaphore_mem>>) src(%dma_wait3A_96 : memref<632x128xf32, #tpu.memory_space<vmem_shared>>) dst(%dma_wait3A_94 : memref<632x128xf32, #tpu.memory_space<hbm>>)
      tpu.yield
    }) : () -> ()
    %barrier3A_43 = arith.constant 0 : index
    tpu.barrier barrier_id(%barrier3A_43)
    "tpu.region"() ({
      %run_scoped3A = tpu.sem_alloc : memref<!tpu.dma_semaphore, #tpu.memory_space<semaphore_mem>>
      %dma_start3A_88 = arith.constant 0 : i32
      %dma_start3A_89 = tpu.memref_slice %arg26[%mul3A_2, %dma_start3A_88] : memref<10112x128xf32, #tpu.memory_space<vmem_shared>> -> memref<632x128xf32, #tpu.memory_space<vmem_shared>>
      %dma_start3A_90 = arith.constant 0 : i32
      %dma_start3A_91 = tpu.memref_slice %arg6[%mul3A_2, %dma_start3A_90] : memref<10112x128xf32, #tpu.memory_space<hbm>> -> memref<632x128xf32, #tpu.memory_space<hbm>>
      tpu.enqueue_dma source(%dma_start3A_91 : memref<632x128xf32, #tpu.memory_space<hbm>>) target(%dma_start3A_89 : memref<632x128xf32, #tpu.memory_space<vmem_shared>>) target_semaphore(%run_scoped3A : memref<!tpu.dma_semaphore, #tpu.memory_space<semaphore_mem>>)
      %dma_wait3A = arith.constant 0 : i32
      %dma_wait3A_92 = tpu.memref_slice %arg26[%mul3A_2, %dma_wait3A] : memref<10112x128xf32, #tpu.memory_space<vmem_shared>> -> memref<632x128xf32, #tpu.memory_space<vmem_shared>>
      %dma_wait3A_93 = arith.constant 0 : i32
      %dma_wait3A_94 = tpu.memref_slice %arg6[%mul3A_2, %dma_wait3A_93] : memref<10112x128xf32, #tpu.memory_space<hbm>> -> memref<632x128xf32, #tpu.memory_space<hbm>>
      tpu.wait_dma2 semaphore(%run_scoped3A : memref<!tpu.dma_semaphore, #tpu.memory_space<semaphore_mem>>) src(%dma_wait3A_94 : memref<632x128xf32, #tpu.memory_space<hbm>>) dst(%dma_wait3A_92 : memref<632x128xf32, #tpu.memory_space<vmem_shared>>)
      tpu.yield
    }) : () -> ()
    %barrier3A_44 = arith.constant 0 : index
    tpu.barrier barrier_id(%barrier3A_44)
    %dma_start3A_45 = arith.constant 0 : i32
    %dma_start3A_46 = tpu.memref_slice %arg9[%dma_start3A_45] : memref<10080xi32, #tpu.memory_space<vmem>> -> memref<72xi32, #tpu.memory_space<vmem>>
    %dma_start3A_47 = arith.constant 0 : i32
    %dma_start3A_48 = arith.constant 0 : i32
    %dma_start3A_49 = tpu.memref_slice %arg3[%dma_start3A_47, %dma_start3A_48] : memref<10000x128xf32, #tpu.memory_space<hbm>> -> memref<10000x128xf32, #tpu.memory_space<hbm>>
    tpu.enqueue_indirect_dma source(%dma_start3A_49 : memref<10000x128xf32, #tpu.memory_space<hbm>>) target(%arg14 : memref<72x128xf32, #tpu.memory_space<vmem>>) offsets(%dma_start3A_46 : memref<72xi32, #tpu.memory_space<vmem>>) semaphore(%arg18 : memref<!tpu.dma_semaphore, #tpu.memory_space<semaphore_mem>>)
    %dma_start3A_50 = arith.constant 0 : i32
    %dma_start3A_51 = arith.constant 0 : i32
    %dma_start3A_52 = tpu.memref_slice %arg5[%add3A, %dma_start3A_50, %dma_start3A_51] : memref<32x140x72xi32, #tpu.memory_space<hbm>> -> memref<1x1x72xi32, #tpu.memory_space<hbm>>
    %dma_start3A_53 = tpu.memref_squeeze %dma_start3A_52 : memref<1x1x72xi32, #tpu.memory_space<hbm>> -> memref<72xi32, #tpu.memory_space<hbm>>
    %dma_start3A_54 = arith.constant 0 : i32
    %dma_start3A_55 = tpu.memref_slice %arg5[%add3A, %dma_start3A_50, %dma_start3A_54] : memref<32x140x72xi32, #tpu.memory_space<hbm>> -> memref<1x1x72xi32, #tpu.memory_space<hbm>>
    %dma_start3A_56 = tpu.memref_squeeze %dma_start3A_55 : memref<1x1x72xi32, #tpu.memory_space<hbm>> -> memref<72xi32, #tpu.memory_space<hbm>>
    tpu.enqueue_dma source(%dma_start3A_56 : memref<72xi32, #tpu.memory_space<hbm>>) target(%arg10 : memref<72xi32, #tpu.memory_space<vmem>>) target_semaphore(%arg22 : memref<!tpu.dma_semaphore, #tpu.memory_space<semaphore_mem>>)
    %dma_start3A_57 = arith.constant 72 : i32
    %dma_start3A_58 = tpu.memref_slice %arg9[%dma_start3A_57] : memref<10080xi32, #tpu.memory_space<vmem>> -> memref<72xi32, #tpu.memory_space<vmem>>
    %dma_start3A_59 = arith.constant 0 : i32
    %dma_start3A_60 = arith.constant 0 : i32
    %dma_start3A_61 = tpu.memref_slice %arg3[%dma_start3A_59, %dma_start3A_60] : memref<10000x128xf32, #tpu.memory_space<hbm>> -> memref<10000x128xf32, #tpu.memory_space<hbm>>
    tpu.enqueue_indirect_dma source(%dma_start3A_61 : memref<10000x128xf32, #tpu.memory_space<hbm>>) target(%arg15 : memref<72x128xf32, #tpu.memory_space<vmem>>) offsets(%dma_start3A_58 : memref<72xi32, #tpu.memory_space<vmem>>) semaphore(%arg19 : memref<!tpu.dma_semaphore, #tpu.memory_space<semaphore_mem>>)
    %dma_start3A_62 = arith.constant 1 : i32
    %dma_start3A_63 = arith.constant 0 : i32
    %dma_start3A_64 = tpu.memref_slice %arg5[%add3A, %dma_start3A_62, %dma_start3A_63] : memref<32x140x72xi32, #tpu.memory_space<hbm>> -> memref<1x1x72xi32, #tpu.memory_space<hbm>>
    %dma_start3A_65 = tpu.memref_squeeze %dma_start3A_64 : memref<1x1x72xi32, #tpu.memory_space<hbm>> -> memref<72xi32, #tpu.memory_space<hbm>>
    %dma_start3A_66 = arith.constant 0 : i32
    %dma_start3A_67 = tpu.memref_slice %arg5[%add3A, %dma_start3A_62, %dma_start3A_66] : memref<32x140x72xi32, #tpu.memory_space<hbm>> -> memref<1x1x72xi32, #tpu.memory_space<hbm>>
    %dma_start3A_68 = tpu.memref_squeeze %dma_start3A_67 : memref<1x1x72xi32, #tpu.memory_space<hbm>> -> memref<72xi32, #tpu.memory_space<hbm>>
    tpu.enqueue_dma source(%dma_start3A_68 : memref<72xi32, #tpu.memory_space<hbm>>) target(%arg11 : memref<72xi32, #tpu.memory_space<vmem>>) target_semaphore(%arg23 : memref<!tpu.dma_semaphore, #tpu.memory_space<semaphore_mem>>)
    %dma_start3A_69 = arith.constant 144 : i32
    %dma_start3A_70 = tpu.memref_slice %arg9[%dma_start3A_69] : memref<10080xi32, #tpu.memory_space<vmem>> -> memref<72xi32, #tpu.memory_space<vmem>>
    %dma_start3A_71 = arith.constant 0 : i32
    %dma_start3A_72 = arith.constant 0 : i32
    %dma_start3A_73 = tpu.memref_slice %arg3[%dma_start3A_71, %dma_start3A_72] : memref<10000x128xf32, #tpu.memory_space<hbm>> -> memref<10000x128xf32, #tpu.memory_space<hbm>>
    tpu.enqueue_indirect_dma source(%dma_start3A_73 : memref<10000x128xf32, #tpu.memory_space<hbm>>) target(%arg16 : memref<72x128xf32, #tpu.memory_space<vmem>>) offsets(%dma_start3A_70 : memref<72xi32, #tpu.memory_space<vmem>>) semaphore(%arg20 : memref<!tpu.dma_semaphore, #tpu.memory_space<semaphore_mem>>)
    %dma_start3A_74 = arith.constant 2 : i32
    %dma_start3A_75 = arith.constant 0 : i32
    %dma_start3A_76 = tpu.memref_slice %arg5[%add3A, %dma_start3A_74, %dma_start3A_75] : memref<32x140x72xi32, #tpu.memory_space<hbm>> -> memref<1x1x72xi32, #tpu.memory_space<hbm>>
    %dma_start3A_77 = tpu.memref_squeeze %dma_start3A_76 : memref<1x1x72xi32, #tpu.memory_space<hbm>> -> memref<72xi32, #tpu.memory_space<hbm>>
    %dma_start3A_78 = arith.constant 0 : i32
    %dma_start3A_79 = tpu.memref_slice %arg5[%add3A, %dma_start3A_74, %dma_start3A_78] : memref<32x140x72xi32, #tpu.memory_space<hbm>> -> memref<1x1x72xi32, #tpu.memory_space<hbm>>
    %dma_start3A_80 = tpu.memref_squeeze %dma_start3A_79 : memref<1x1x72xi32, #tpu.memory_space<hbm>> -> memref<72xi32, #tpu.memory_space<hbm>>
    tpu.enqueue_dma source(%dma_start3A_80 : memref<72xi32, #tpu.memory_space<hbm>>) target(%arg12 : memref<72xi32, #tpu.memory_space<vmem>>) target_semaphore(%arg24 : memref<!tpu.dma_semaphore, #tpu.memory_space<semaphore_mem>>)
    %scan3A_81 = arith.constant 0 : i32
    %scan3A_82 = arith.constant 35 : i32
    %scan3A_83 = arith.addi %scan3A_81, %scan3A_82 : i32
    %scan3A_84 = arith.constant 1 : i32
    scf.for %scan3A_88 = %scan3A_81 to %scan3A_83 step %scan3A_84  : i32 {
      %mul3A_89 = arith.constant 4 : i32
      %mul3A_90 = arith.muli %scan3A_88, %mul3A_89 : i32
      %add3A_91 = arith.constant 0 : i32
      %add3A_92 = arith.addi %add3A_91, %mul3A_90 : i32
      %add3A_93 = arith.constant 0 : i32
      %add3A_94 = arith.addi %add3A_92, %add3A_93 : i32
      %add3A_95 = arith.constant 3 : i32
      %add3A_96 = arith.addi %add3A_94, %add3A_95 : i32
      %lt3A = arith.constant 140 : i32
      %lt3A_97 = arith.cmpi slt, %add3A_96, %lt3A : i32
      %convert_element_type3A = arith.extui %lt3A_97 : i1 to i32
      %cond3A = arith.constant 0 : i32
      %cond3A_98 = arith.cmpi ne, %convert_element_type3A, %cond3A : i32
      scf.if %cond3A_98 {
        %add3A_189 = arith.constant 0 : i32
        %add3A_190 = arith.addi %add3A_92, %add3A_189 : i32
        %add3A_191 = arith.constant 3 : i32
        %add3A_192 = arith.addi %add3A_190, %add3A_191 : i32
        %mul3A_193 = arith.constant 72 : i32
        %mul3A_194 = arith.muli %add3A_192, %mul3A_193 : i32
        %dma_start3A_195 = tpu.memref_slice %arg9[%mul3A_194] : memref<10080xi32, #tpu.memory_space<vmem>> -> memref<72xi32, #tpu.memory_space<vmem>>
        %dma_start3A_196 = arith.constant 0 : i32
        %dma_start3A_197 = arith.constant 0 : i32
        %dma_start3A_198 = tpu.memref_slice %arg3[%dma_start3A_196, %dma_start3A_197] : memref<10000x128xf32, #tpu.memory_space<hbm>> -> memref<10000x128xf32, #tpu.memory_space<hbm>>
        tpu.enqueue_indirect_dma source(%dma_start3A_198 : memref<10000x128xf32, #tpu.memory_space<hbm>>) target(%arg17 : memref<72x128xf32, #tpu.memory_space<vmem>>) offsets(%dma_start3A_195 : memref<72xi32, #tpu.memory_space<vmem>>) semaphore(%arg21 : memref<!tpu.dma_semaphore, #tpu.memory_space<semaphore_mem>>)
        %add3A_199 = arith.constant 0 : i32
        %add3A_200 = arith.addi %add3A_92, %add3A_199 : i32
        %add3A_201 = arith.constant 3 : i32
        %add3A_202 = arith.addi %add3A_200, %add3A_201 : i32
        %dma_start3A_203 = arith.constant 0 : i32
        %dma_start3A_204 = tpu.memref_slice %arg5[%add3A, %add3A_202, %dma_start3A_203] : memref<32x140x72xi32, #tpu.memory_space<hbm>> -> memref<1x1x72xi32, #tpu.memory_space<hbm>>
        %dma_start3A_205 = tpu.memref_squeeze %dma_start3A_204 : memref<1x1x72xi32, #tpu.memory_space<hbm>> -> memref<72xi32, #tpu.memory_space<hbm>>
        %dma_start3A_206 = arith.constant 0 : i32
        %dma_start3A_207 = tpu.memref_slice %arg5[%add3A, %add3A_202, %dma_start3A_206] : memref<32x140x72xi32, #tpu.memory_space<hbm>> -> memref<1x1x72xi32, #tpu.memory_space<hbm>>
        %dma_start3A_208 = tpu.memref_squeeze %dma_start3A_207 : memref<1x1x72xi32, #tpu.memory_space<hbm>> -> memref<72xi32, #tpu.memory_space<hbm>>
        tpu.enqueue_dma source(%dma_start3A_208 : memref<72xi32, #tpu.memory_space<hbm>>) target(%arg13 : memref<72xi32, #tpu.memory_space<vmem>>) target_semaphore(%arg25 : memref<!tpu.dma_semaphore, #tpu.memory_space<semaphore_mem>>)
      } else {
      }
      %add3A_99 = arith.constant 0 : i32
      %add3A_100 = arith.addi %add3A_92, %add3A_99 : i32
      %dma_wait3A = arith.constant 0 : i32
      %dma_wait3A_101 = tpu.memref_slice %arg5[%add3A, %add3A_100, %dma_wait3A] : memref<32x140x72xi32, #tpu.memory_space<hbm>> -> memref<1x1x72xi32, #tpu.memory_space<hbm>>
      %dma_wait3A_102 = tpu.memref_squeeze %dma_wait3A_101 : memref<1x1x72xi32, #tpu.memory_space<hbm>> -> memref<72xi32, #tpu.memory_space<hbm>>
      %dma_wait3A_103 = arith.constant 0 : i32
      %dma_wait3A_104 = tpu.memref_slice %arg5[%add3A, %add3A_100, %dma_wait3A_103] : memref<32x140x72xi32, #tpu.memory_space<hbm>> -> memref<1x1x72xi32, #tpu.memory_space<hbm>>
      %dma_wait3A_105 = tpu.memref_squeeze %dma_wait3A_104 : memref<1x1x72xi32, #tpu.memory_space<hbm>> -> memref<72xi32, #tpu.memory_space<hbm>>
      tpu.wait_dma2 semaphore(%arg22 : memref<!tpu.dma_semaphore, #tpu.memory_space<semaphore_mem>>) src(%dma_wait3A_105 : memref<72xi32, #tpu.memory_space<hbm>>) dst(%arg10 : memref<72xi32, #tpu.memory_space<vmem>>)
      %add3A_106 = arith.constant 0 : i32
      %add3A_107 = arith.addi %add3A_92, %add3A_106 : i32
      %mul3A_108 = arith.constant 72 : i32
      %mul3A_109 = arith.muli %add3A_107, %mul3A_108 : i32
      %dma_wait3A_110 = tpu.memref_slice %arg9[%mul3A_109] : memref<10080xi32, #tpu.memory_space<vmem>> -> memref<72xi32, #tpu.memory_space<vmem>>
      %dma_wait3A_111 = arith.constant 0 : i32
      %dma_wait3A_112 = arith.constant 0 : i32
      %dma_wait3A_113 = tpu.memref_slice %arg3[%dma_wait3A_111, %dma_wait3A_112] : memref<10000x128xf32, #tpu.memory_space<hbm>> -> memref<10000x128xf32, #tpu.memory_space<hbm>>
      tpu.wait_indirect_dma semaphore(%arg18 : memref<!tpu.dma_semaphore, #tpu.memory_space<semaphore_mem>>) src(%dma_wait3A_113 : memref<10000x128xf32, #tpu.memory_space<hbm>>) dst(%arg14 : memref<72x128xf32, #tpu.memory_space<vmem>>)
      "tpu.region"() ({
        %run_scoped3A = tpu.sem_alloc : memref<!tpu.dma_semaphore, #tpu.memory_space<semaphore_mem>>
        %dma_start3A_189 = arith.constant 0 : i32
        %dma_start3A_190 = arith.constant 0 : i32
        %dma_start3A_191 = tpu.memref_slice %arg26[%dma_start3A_189, %dma_start3A_190] : memref<10112x128xf32, #tpu.memory_space<vmem_shared>> -> memref<10112x128xf32, #tpu.memory_space<vmem_shared>>
        tpu.enqueue_indirect_dma source(%arg14 : memref<72x128xf32, #tpu.memory_space<vmem>>) target(%dma_start3A_191 : memref<10112x128xf32, #tpu.memory_space<vmem_shared>>) offsets(%arg10 : memref<72xi32, #tpu.memory_space<vmem>>) semaphore(%run_scoped3A : memref<!tpu.dma_semaphore, #tpu.memory_space<semaphore_mem>>) {add = true}
        %dma_wait3A_192 = arith.constant 0 : i32
        %dma_wait3A_193 = arith.constant 0 : i32
        %dma_wait3A_194 = tpu.memref_slice %arg26[%dma_wait3A_192, %dma_wait3A_193] : memref<10112x128xf32, #tpu.memory_space<vmem_shared>> -> memref<10112x128xf32, #tpu.memory_space<vmem_shared>>
        tpu.wait_indirect_dma semaphore(%run_scoped3A : memref<!tpu.dma_semaphore, #tpu.memory_space<semaphore_mem>>) src(%arg14 : memref<72x128xf32, #tpu.memory_space<vmem>>) dst(%dma_wait3A_194 : memref<10112x128xf32, #tpu.memory_space<vmem_shared>>)
        tpu.yield
      }) : () -> ()
      %add3A_114 = arith.constant 1 : i32
      %add3A_115 = arith.addi %add3A_92, %add3A_114 : i32
      %add3A_116 = arith.constant 3 : i32
      %add3A_117 = arith.addi %add3A_115, %add3A_116 : i32
      %lt3A_118 = arith.constant 140 : i32
      %lt3A_119 = arith.cmpi slt, %add3A_117, %lt3A_118 : i32
      %convert_element_type3A_120 = arith.extui %lt3A_119 : i1 to i32
      %cond3A_121 = arith.constant 0 : i32
      %cond3A_122 = arith.cmpi ne, %convert_element_type3A_120, %cond3A_121 : i32
      scf.if %cond3A_122 {
        %add3A_189 = arith.constant 1 : i32
        %add3A_190 = arith.addi %add3A_92, %add3A_189 : i32
        %add3A_191 = arith.constant 3 : i32
        %add3A_192 = arith.addi %add3A_190, %add3A_191 : i32
        %mul3A_193 = arith.constant 72 : i32
        %mul3A_194 = arith.muli %add3A_192, %mul3A_193 : i32
        %dma_start3A_195 = tpu.memref_slice %arg9[%mul3A_194] : memref<10080xi32, #tpu.memory_space<vmem>> -> memref<72xi32, #tpu.memory_space<vmem>>
        %dma_start3A_196 = arith.constant 0 : i32
        %dma_start3A_197 = arith.constant 0 : i32
        %dma_start3A_198 = tpu.memref_slice %arg3[%dma_start3A_196, %dma_start3A_197] : memref<10000x128xf32, #tpu.memory_space<hbm>> -> memref<10000x128xf32, #tpu.memory_space<hbm>>
        tpu.enqueue_indirect_dma source(%dma_start3A_198 : memref<10000x128xf32, #tpu.memory_space<hbm>>) target(%arg14 : memref<72x128xf32, #tpu.memory_space<vmem>>) offsets(%dma_start3A_195 : memref<72xi32, #tpu.memory_space<vmem>>) semaphore(%arg18 : memref<!tpu.dma_semaphore, #tpu.memory_space<semaphore_mem>>)
        %add3A_199 = arith.constant 1 : i32
        %add3A_200 = arith.addi %add3A_92, %add3A_199 : i32
        %add3A_201 = arith.constant 3 : i32
        %add3A_202 = arith.addi %add3A_200, %add3A_201 : i32
        %dma_start3A_203 = arith.constant 0 : i32
        %dma_start3A_204 = tpu.memref_slice %arg5[%add3A, %add3A_202, %dma_start3A_203] : memref<32x140x72xi32, #tpu.memory_space<hbm>> -> memref<1x1x72xi32, #tpu.memory_space<hbm>>
        %dma_start3A_205 = tpu.memref_squeeze %dma_start3A_204 : memref<1x1x72xi32, #tpu.memory_space<hbm>> -> memref<72xi32, #tpu.memory_space<hbm>>
        %dma_start3A_206 = arith.constant 0 : i32
        %dma_start3A_207 = tpu.memref_slice %arg5[%add3A, %add3A_202, %dma_start3A_206] : memref<32x140x72xi32, #tpu.memory_space<hbm>> -> memref<1x1x72xi32, #tpu.memory_space<hbm>>
        %dma_start3A_208 = tpu.memref_squeeze %dma_start3A_207 : memref<1x1x72xi32, #tpu.memory_space<hbm>> -> memref<72xi32, #tpu.memory_space<hbm>>
        tpu.enqueue_dma source(%dma_start3A_208 : memref<72xi32, #tpu.memory_space<hbm>>) target(%arg10 : memref<72xi32, #tpu.memory_space<vmem>>) target_semaphore(%arg22 : memref<!tpu.dma_semaphore, #tpu.memory_space<semaphore_mem>>)
      } else {
      }
      %add3A_123 = arith.constant 1 : i32
      %add3A_124 = arith.addi %add3A_92, %add3A_123 : i32
      %dma_wait3A_125 = arith.constant 0 : i32
      %dma_wait3A_126 = tpu.memref_slice %arg5[%add3A, %add3A_124, %dma_wait3A_125] : memref<32x140x72xi32, #tpu.memory_space<hbm>> -> memref<1x1x72xi32, #tpu.memory_space<hbm>>
      %dma_wait3A_127 = tpu.memref_squeeze %dma_wait3A_126 : memref<1x1x72xi32, #tpu.memory_space<hbm>> -> memref<72xi32, #tpu.memory_space<hbm>>
      %dma_wait3A_128 = arith.constant 0 : i32
      %dma_wait3A_129 = tpu.memref_slice %arg5[%add3A, %add3A_124, %dma_wait3A_128] : memref<32x140x72xi32, #tpu.memory_space<hbm>> -> memref<1x1x72xi32, #tpu.memory_space<hbm>>
      %dma_wait3A_130 = tpu.memref_squeeze %dma_wait3A_129 : memref<1x1x72xi32, #tpu.memory_space<hbm>> -> memref<72xi32, #tpu.memory_space<hbm>>
      tpu.wait_dma2 semaphore(%arg23 : memref<!tpu.dma_semaphore, #tpu.memory_space<semaphore_mem>>) src(%dma_wait3A_130 : memref<72xi32, #tpu.memory_space<hbm>>) dst(%arg11 : memref<72xi32, #tpu.memory_space<vmem>>)
      %add3A_131 = arith.constant 1 : i32
      %add3A_132 = arith.addi %add3A_92, %add3A_131 : i32
      %mul3A_133 = arith.constant 72 : i32
      %mul3A_134 = arith.muli %add3A_132, %mul3A_133 : i32
      %dma_wait3A_135 = tpu.memref_slice %arg9[%mul3A_134] : memref<10080xi32, #tpu.memory_space<vmem>> -> memref<72xi32, #tpu.memory_space<vmem>>
      %dma_wait3A_136 = arith.constant 0 : i32
      %dma_wait3A_137 = arith.constant 0 : i32
      %dma_wait3A_138 = tpu.memref_slice %arg3[%dma_wait3A_136, %dma_wait3A_137] : memref<10000x128xf32, #tpu.memory_space<hbm>> -> memref<10000x128xf32, #tpu.memory_space<hbm>>
      tpu.wait_indirect_dma semaphore(%arg19 : memref<!tpu.dma_semaphore, #tpu.memory_space<semaphore_mem>>) src(%dma_wait3A_138 : memref<10000x128xf32, #tpu.memory_space<hbm>>) dst(%arg15 : memref<72x128xf32, #tpu.memory_space<vmem>>)
      "tpu.region"() ({
        %run_scoped3A = tpu.sem_alloc : memref<!tpu.dma_semaphore, #tpu.memory_space<semaphore_mem>>
        %dma_start3A_189 = arith.constant 0 : i32
        %dma_start3A_190 = arith.constant 0 : i32
        %dma_start3A_191 = tpu.memref_slice %arg26[%dma_start3A_189, %dma_start3A_190] : memref<10112x128xf32, #tpu.memory_space<vmem_shared>> -> memref<10112x128xf32, #tpu.memory_space<vmem_shared>>
        tpu.enqueue_indirect_dma source(%arg15 : memref<72x128xf32, #tpu.memory_space<vmem>>) target(%dma_start3A_191 : memref<10112x128xf32, #tpu.memory_space<vmem_shared>>) offsets(%arg11 : memref<72xi32, #tpu.memory_space<vmem>>) semaphore(%run_scoped3A : memref<!tpu.dma_semaphore, #tpu.memory_space<semaphore_mem>>) {add = true}
        %dma_wait3A_192 = arith.constant 0 : i32
        %dma_wait3A_193 = arith.constant 0 : i32
        %dma_wait3A_194 = tpu.memref_slice %arg26[%dma_wait3A_192, %dma_wait3A_193] : memref<10112x128xf32, #tpu.memory_space<vmem_shared>> -> memref<10112x128xf32, #tpu.memory_space<vmem_shared>>
        tpu.wait_indirect_dma semaphore(%run_scoped3A : memref<!tpu.dma_semaphore, #tpu.memory_space<semaphore_mem>>) src(%arg15 : memref<72x128xf32, #tpu.memory_space<vmem>>) dst(%dma_wait3A_194 : memref<10112x128xf32, #tpu.memory_space<vmem_shared>>)
        tpu.yield
      }) : () -> ()
      %add3A_139 = arith.constant 2 : i32
      %add3A_140 = arith.addi %add3A_92, %add3A_139 : i32
      %add3A_141 = arith.constant 3 : i32
      %add3A_142 = arith.addi %add3A_140, %add3A_141 : i32
      %lt3A_143 = arith.constant 140 : i32
      %lt3A_144 = arith.cmpi slt, %add3A_142, %lt3A_143 : i32
      %convert_element_type3A_145 = arith.extui %lt3A_144 : i1 to i32
      %cond3A_146 = arith.constant 0 : i32
      %cond3A_147 = arith.cmpi ne, %convert_element_type3A_145, %cond3A_146 : i32
      scf.if %cond3A_147 {
        %add3A_189 = arith.constant 2 : i32
        %add3A_190 = arith.addi %add3A_92, %add3A_189 : i32
        %add3A_191 = arith.constant 3 : i32
        %add3A_192 = arith.addi %add3A_190, %add3A_191 : i32
        %mul3A_193 = arith.constant 72 : i32
        %mul3A_194 = arith.muli %add3A_192, %mul3A_193 : i32
        %dma_start3A_195 = tpu.memref_slice %arg9[%mul3A_194] : memref<10080xi32, #tpu.memory_space<vmem>> -> memref<72xi32, #tpu.memory_space<vmem>>
        %dma_start3A_196 = arith.constant 0 : i32
        %dma_start3A_197 = arith.constant 0 : i32
        %dma_start3A_198 = tpu.memref_slice %arg3[%dma_start3A_196, %dma_start3A_197] : memref<10000x128xf32, #tpu.memory_space<hbm>> -> memref<10000x128xf32, #tpu.memory_space<hbm>>
        tpu.enqueue_indirect_dma source(%dma_start3A_198 : memref<10000x128xf32, #tpu.memory_space<hbm>>) target(%arg15 : memref<72x128xf32, #tpu.memory_space<vmem>>) offsets(%dma_start3A_195 : memref<72xi32, #tpu.memory_space<vmem>>) semaphore(%arg19 : memref<!tpu.dma_semaphore, #tpu.memory_space<semaphore_mem>>)
        %add3A_199 = arith.constant 2 : i32
        %add3A_200 = arith.addi %add3A_92, %add3A_199 : i32
        %add3A_201 = arith.constant 3 : i32
        %add3A_202 = arith.addi %add3A_200, %add3A_201 : i32
        %dma_start3A_203 = arith.constant 0 : i32
        %dma_start3A_204 = tpu.memref_slice %arg5[%add3A, %add3A_202, %dma_start3A_203] : memref<32x140x72xi32, #tpu.memory_space<hbm>> -> memref<1x1x72xi32, #tpu.memory_space<hbm>>
        %dma_start3A_205 = tpu.memref_squeeze %dma_start3A_204 : memref<1x1x72xi32, #tpu.memory_space<hbm>> -> memref<72xi32, #tpu.memory_space<hbm>>
        %dma_start3A_206 = arith.constant 0 : i32
        %dma_start3A_207 = tpu.memref_slice %arg5[%add3A, %add3A_202, %dma_start3A_206] : memref<32x140x72xi32, #tpu.memory_space<hbm>> -> memref<1x1x72xi32, #tpu.memory_space<hbm>>
        %dma_start3A_208 = tpu.memref_squeeze %dma_start3A_207 : memref<1x1x72xi32, #tpu.memory_space<hbm>> -> memref<72xi32, #tpu.memory_space<hbm>>
        tpu.enqueue_dma source(%dma_start3A_208 : memref<72xi32, #tpu.memory_space<hbm>>) target(%arg11 : memref<72xi32, #tpu.memory_space<vmem>>) target_semaphore(%arg23 : memref<!tpu.dma_semaphore, #tpu.memory_space<semaphore_mem>>)
      } else {
      }
      %add3A_148 = arith.constant 2 : i32
      %add3A_149 = arith.addi %add3A_92, %add3A_148 : i32
      %dma_wait3A_150 = arith.constant 0 : i32
      %dma_wait3A_151 = tpu.memref_slice %arg5[%add3A, %add3A_149, %dma_wait3A_150] : memref<32x140x72xi32, #tpu.memory_space<hbm>> -> memref<1x1x72xi32, #tpu.memory_space<hbm>>
      %dma_wait3A_152 = tpu.memref_squeeze %dma_wait3A_151 : memref<1x1x72xi32, #tpu.memory_space<hbm>> -> memref<72xi32, #tpu.memory_space<hbm>>
      %dma_wait3A_153 = arith.constant 0 : i32
      %dma_wait3A_154 = tpu.memref_slice %arg5[%add3A, %add3A_149, %dma_wait3A_153] : memref<32x140x72xi32, #tpu.memory_space<hbm>> -> memref<1x1x72xi32, #tpu.memory_space<hbm>>
      %dma_wait3A_155 = tpu.memref_squeeze %dma_wait3A_154 : memref<1x1x72xi32, #tpu.memory_space<hbm>> -> memref<72xi32, #tpu.memory_space<hbm>>
      tpu.wait_dma2 semaphore(%arg24 : memref<!tpu.dma_semaphore, #tpu.memory_space<semaphore_mem>>) src(%dma_wait3A_155 : memref<72xi32, #tpu.memory_space<hbm>>) dst(%arg12 : memref<72xi32, #tpu.memory_space<vmem>>)
      %add3A_156 = arith.constant 2 : i32
      %add3A_157 = arith.addi %add3A_92, %add3A_156 : i32
      %mul3A_158 = arith.constant 72 : i32
      %mul3A_159 = arith.muli %add3A_157, %mul3A_158 : i32
      %dma_wait3A_160 = tpu.memref_slice %arg9[%mul3A_159] : memref<10080xi32, #tpu.memory_space<vmem>> -> memref<72xi32, #tpu.memory_space<vmem>>
      %dma_wait3A_161 = arith.constant 0 : i32
      %dma_wait3A_162 = arith.constant 0 : i32
      %dma_wait3A_163 = tpu.memref_slice %arg3[%dma_wait3A_161, %dma_wait3A_162] : memref<10000x128xf32, #tpu.memory_space<hbm>> -> memref<10000x128xf32, #tpu.memory_space<hbm>>
      tpu.wait_indirect_dma semaphore(%arg20 : memref<!tpu.dma_semaphore, #tpu.memory_space<semaphore_mem>>) src(%dma_wait3A_163 : memref<10000x128xf32, #tpu.memory_space<hbm>>) dst(%arg16 : memref<72x128xf32, #tpu.memory_space<vmem>>)
      "tpu.region"() ({
        %run_scoped3A = tpu.sem_alloc : memref<!tpu.dma_semaphore, #tpu.memory_space<semaphore_mem>>
        %dma_start3A_189 = arith.constant 0 : i32
        %dma_start3A_190 = arith.constant 0 : i32
        %dma_start3A_191 = tpu.memref_slice %arg26[%dma_start3A_189, %dma_start3A_190] : memref<10112x128xf32, #tpu.memory_space<vmem_shared>> -> memref<10112x128xf32, #tpu.memory_space<vmem_shared>>
        tpu.enqueue_indirect_dma source(%arg16 : memref<72x128xf32, #tpu.memory_space<vmem>>) target(%dma_start3A_191 : memref<10112x128xf32, #tpu.memory_space<vmem_shared>>) offsets(%arg12 : memref<72xi32, #tpu.memory_space<vmem>>) semaphore(%run_scoped3A : memref<!tpu.dma_semaphore, #tpu.memory_space<semaphore_mem>>) {add = true}
        %dma_wait3A_192 = arith.constant 0 : i32
        %dma_wait3A_193 = arith.constant 0 : i32
        %dma_wait3A_194 = tpu.memref_slice %arg26[%dma_wait3A_192, %dma_wait3A_193] : memref<10112x128xf32, #tpu.memory_space<vmem_shared>> -> memref<10112x128xf32, #tpu.memory_space<vmem_shared>>
        tpu.wait_indirect_dma semaphore(%run_scoped3A : memref<!tpu.dma_semaphore, #tpu.memory_space<semaphore_mem>>) src(%arg16 : memref<72x128xf32, #tpu.memory_space<vmem>>) dst(%dma_wait3A_194 : memref<10112x128xf32, #tpu.memory_space<vmem_shared>>)
        tpu.yield
      }) : () -> ()
      %add3A_164 = arith.constant 3 : i32
      %add3A_165 = arith.addi %add3A_92, %add3A_164 : i32
      %add3A_166 = arith.constant 3 : i32
      %add3A_167 = arith.addi %add3A_165, %add3A_166 : i32
      %lt3A_168 = arith.constant 140 : i32
      %lt3A_169 = arith.cmpi slt, %add3A_167, %lt3A_168 : i32
      %convert_element_type3A_170 = arith.extui %lt3A_169 : i1 to i32
      %cond3A_171 = arith.constant 0 : i32
      %cond3A_172 = arith.cmpi ne, %convert_element_type3A_170, %cond3A_171 : i32
      scf.if %cond3A_172 {
        %add3A_189 = arith.constant 3 : i32
        %add3A_190 = arith.addi %add3A_92, %add3A_189 : i32
        %add3A_191 = arith.constant 3 : i32
        %add3A_192 = arith.addi %add3A_190, %add3A_191 : i32
        %mul3A_193 = arith.constant 72 : i32
        %mul3A_194 = arith.muli %add3A_192, %mul3A_193 : i32
        %dma_start3A_195 = tpu.memref_slice %arg9[%mul3A_194] : memref<10080xi32, #tpu.memory_space<vmem>> -> memref<72xi32, #tpu.memory_space<vmem>>
        %dma_start3A_196 = arith.constant 0 : i32
        %dma_start3A_197 = arith.constant 0 : i32
        %dma_start3A_198 = tpu.memref_slice %arg3[%dma_start3A_196, %dma_start3A_197] : memref<10000x128xf32, #tpu.memory_space<hbm>> -> memref<10000x128xf32, #tpu.memory_space<hbm>>
        tpu.enqueue_indirect_dma source(%dma_start3A_198 : memref<10000x128xf32, #tpu.memory_space<hbm>>) target(%arg16 : memref<72x128xf32, #tpu.memory_space<vmem>>) offsets(%dma_start3A_195 : memref<72xi32, #tpu.memory_space<vmem>>) semaphore(%arg20 : memref<!tpu.dma_semaphore, #tpu.memory_space<semaphore_mem>>)
        %add3A_199 = arith.constant 3 : i32
        %add3A_200 = arith.addi %add3A_92, %add3A_199 : i32
        %add3A_201 = arith.constant 3 : i32
        %add3A_202 = arith.addi %add3A_200, %add3A_201 : i32
        %dma_start3A_203 = arith.constant 0 : i32
        %dma_start3A_204 = tpu.memref_slice %arg5[%add3A, %add3A_202, %dma_start3A_203] : memref<32x140x72xi32, #tpu.memory_space<hbm>> -> memref<1x1x72xi32, #tpu.memory_space<hbm>>
        %dma_start3A_205 = tpu.memref_squeeze %dma_start3A_204 : memref<1x1x72xi32, #tpu.memory_space<hbm>> -> memref<72xi32, #tpu.memory_space<hbm>>
        %dma_start3A_206 = arith.constant 0 : i32
        %dma_start3A_207 = tpu.memref_slice %arg5[%add3A, %add3A_202, %dma_start3A_206] : memref<32x140x72xi32, #tpu.memory_space<hbm>> -> memref<1x1x72xi32, #tpu.memory_space<hbm>>
        %dma_start3A_208 = tpu.memref_squeeze %dma_start3A_207 : memref<1x1x72xi32, #tpu.memory_space<hbm>> -> memref<72xi32, #tpu.memory_space<hbm>>
        tpu.enqueue_dma source(%dma_start3A_208 : memref<72xi32, #tpu.memory_space<hbm>>) target(%arg12 : memref<72xi32, #tpu.memory_space<vmem>>) target_semaphore(%arg24 : memref<!tpu.dma_semaphore, #tpu.memory_space<semaphore_mem>>)
      } else {
      }
      %add3A_173 = arith.constant 3 : i32
      %add3A_174 = arith.addi %add3A_92, %add3A_173 : i32
      %dma_wait3A_175 = arith.constant 0 : i32
      %dma_wait3A_176 = tpu.memref_slice %arg5[%add3A, %add3A_174, %dma_wait3A_175] : memref<32x140x72xi32, #tpu.memory_space<hbm>> -> memref<1x1x72xi32, #tpu.memory_space<hbm>>
      %dma_wait3A_177 = tpu.memref_squeeze %dma_wait3A_176 : memref<1x1x72xi32, #tpu.memory_space<hbm>> -> memref<72xi32, #tpu.memory_space<hbm>>
      %dma_wait3A_178 = arith.constant 0 : i32
      %dma_wait3A_179 = tpu.memref_slice %arg5[%add3A, %add3A_174, %dma_wait3A_178] : memref<32x140x72xi32, #tpu.memory_space<hbm>> -> memref<1x1x72xi32, #tpu.memory_space<hbm>>
      %dma_wait3A_180 = tpu.memref_squeeze %dma_wait3A_179 : memref<1x1x72xi32, #tpu.memory_space<hbm>> -> memref<72xi32, #tpu.memory_space<hbm>>
      tpu.wait_dma2 semaphore(%arg25 : memref<!tpu.dma_semaphore, #tpu.memory_space<semaphore_mem>>) src(%dma_wait3A_180 : memref<72xi32, #tpu.memory_space<hbm>>) dst(%arg13 : memref<72xi32, #tpu.memory_space<vmem>>)
      %add3A_181 = arith.constant 3 : i32
      %add3A_182 = arith.addi %add3A_92, %add3A_181 : i32
      %mul3A_183 = arith.constant 72 : i32
      %mul3A_184 = arith.muli %add3A_182, %mul3A_183 : i32
      %dma_wait3A_185 = tpu.memref_slice %arg9[%mul3A_184] : memref<10080xi32, #tpu.memory_space<vmem>> -> memref<72xi32, #tpu.memory_space<vmem>>
      %dma_wait3A_186 = arith.constant 0 : i32
      %dma_wait3A_187 = arith.constant 0 : i32
      %dma_wait3A_188 = tpu.memref_slice %arg3[%dma_wait3A_186, %dma_wait3A_187] : memref<10000x128xf32, #tpu.memory_space<hbm>> -> memref<10000x128xf32, #tpu.memory_space<hbm>>
      tpu.wait_indirect_dma semaphore(%arg21 : memref<!tpu.dma_semaphore, #tpu.memory_space<semaphore_mem>>) src(%dma_wait3A_188 : memref<10000x128xf32, #tpu.memory_space<hbm>>) dst(%arg17 : memref<72x128xf32, #tpu.memory_space<vmem>>)
      "tpu.region"() ({
        %run_scoped3A = tpu.sem_alloc : memref<!tpu.dma_semaphore, #tpu.memory_space<semaphore_mem>>
        %dma_start3A_189 = arith.constant 0 : i32
        %dma_start3A_190 = arith.constant 0 : i32
        %dma_start3A_191 = tpu.memref_slice %arg26[%dma_start3A_189, %dma_start3A_190] : memref<10112x128xf32, #tpu.memory_space<vmem_shared>> -> memref<10112x128xf32, #tpu.memory_space<vmem_shared>>
        tpu.enqueue_indirect_dma source(%arg17 : memref<72x128xf32, #tpu.memory_space<vmem>>) target(%dma_start3A_191 : memref<10112x128xf32, #tpu.memory_space<vmem_shared>>) offsets(%arg13 : memref<72xi32, #tpu.memory_space<vmem>>) semaphore(%run_scoped3A : memref<!tpu.dma_semaphore, #tpu.memory_space<semaphore_mem>>) {add = true}
        %dma_wait3A_192 = arith.constant 0 : i32
        %dma_wait3A_193 = arith.constant 0 : i32
        %dma_wait3A_194 = tpu.memref_slice %arg26[%dma_wait3A_192, %dma_wait3A_193] : memref<10112x128xf32, #tpu.memory_space<vmem_shared>> -> memref<10112x128xf32, #tpu.memory_space<vmem_shared>>
        tpu.wait_indirect_dma semaphore(%run_scoped3A : memref<!tpu.dma_semaphore, #tpu.memory_space<semaphore_mem>>) src(%arg17 : memref<72x128xf32, #tpu.memory_space<vmem>>) dst(%dma_wait3A_194 : memref<10112x128xf32, #tpu.memory_space<vmem_shared>>)
        tpu.yield
      }) : () -> ()
    }
    %scan3A_85 = arith.constant 35 : i32
    %barrier3A_86 = arith.constant 0 : index
    tpu.barrier barrier_id(%barrier3A_86)
    "tpu.region"() ({
      %run_scoped3A = tpu.sem_alloc : memref<!tpu.dma_semaphore, #tpu.memory_space<semaphore_mem>>
      %dma_start3A_88 = arith.constant 0 : i32
      %dma_start3A_89 = tpu.memref_slice %arg8[%arg0, %mul3A_2, %dma_start3A_88] : memref<2x10112x128xf32, #tpu.memory_space<hbm>> -> memref<1x632x128xf32, #tpu.memory_space<hbm>>
      %dma_start3A_90 = tpu.memref_squeeze %dma_start3A_89 : memref<1x632x128xf32, #tpu.memory_space<hbm>> -> memref<632x128xf32, #tpu.memory_space<hbm>>
      %dma_start3A_91 = arith.constant 0 : i32
      %dma_start3A_92 = tpu.memref_slice %arg26[%mul3A_2, %dma_start3A_91] : memref<10112x128xf32, #tpu.memory_space<vmem_shared>> -> memref<632x128xf32, #tpu.memory_space<vmem_shared>>
      tpu.enqueue_dma source(%dma_start3A_92 : memref<632x128xf32, #tpu.memory_space<vmem_shared>>) target(%dma_start3A_90 : memref<632x128xf32, #tpu.memory_space<hbm>>) target_semaphore(%run_scoped3A : memref<!tpu.dma_semaphore, #tpu.memory_space<semaphore_mem>>)
      %dma_wait3A = arith.constant 0 : i32
      %dma_wait3A_93 = tpu.memref_slice %arg8[%arg0, %mul3A_2, %dma_wait3A] : memref<2x10112x128xf32, #tpu.memory_space<hbm>> -> memref<1x632x128xf32, #tpu.memory_space<hbm>>
      %dma_wait3A_94 = tpu.memref_squeeze %dma_wait3A_93 : memref<1x632x128xf32, #tpu.memory_space<hbm>> -> memref<632x128xf32, #tpu.memory_space<hbm>>
      %dma_wait3A_95 = arith.constant 0 : i32
      %dma_wait3A_96 = tpu.memref_slice %arg26[%mul3A_2, %dma_wait3A_95] : memref<10112x128xf32, #tpu.memory_space<vmem_shared>> -> memref<632x128xf32, #tpu.memory_space<vmem_shared>>
      tpu.wait_dma2 semaphore(%run_scoped3A : memref<!tpu.dma_semaphore, #tpu.memory_space<semaphore_mem>>) src(%dma_wait3A_96 : memref<632x128xf32, #tpu.memory_space<vmem_shared>>) dst(%dma_wait3A_94 : memref<632x128xf32, #tpu.memory_space<hbm>>)
      tpu.yield
    }) : () -> ()
    %barrier3A_87 = arith.constant 0 : index
    tpu.barrier barrier_id(%barrier3A_87)
    return
  }
}

module attributes {stable_mosaic.version = 14 : i64} {
  func.func @body(%arg0: i32, %arg1: memref<2000x128xf32, #tpu.memory_space<vmem>>, %arg2: memref<2x2000x128xf32, #tpu.memory_space<vmem>>, %arg3: memref<2x2000x8xf32, #tpu.memory_space<vmem>>, %arg4: memref<128x128xf32, #tpu.memory_space<vmem>>, %arg5: memref<128x128xf32, #tpu.memory_space<vmem>>, %arg6: memref<1x128xf32, #tpu.memory_space<vmem>>, %arg7: memref<2000x128xf32, #tpu.memory_space<vmem>>) attributes {dimension_semantics = [#tpu.dimension_semantics<arbitrary>], iteration_bounds = array<i64: 5>, scalar_prefetch = 0 : i64, scratch_operands = 0 : i64, tpu.core_type = #tpu.core_type<tc>, window_params = [{transform_indices = @transform_0, window_bounds = array<i64: 2000, 128>}, {transform_indices = @transform_1, window_bounds = array<i64: 2, 2000, 128>}, {transform_indices = @transform_2, window_bounds = array<i64: 2, 2000, 8>}, {pipeline_mode = #tpu.pipeline_mode<synchronous>, transform_indices = @transform_3, window_bounds = array<i64: 128, 128>}, {pipeline_mode = #tpu.pipeline_mode<synchronous>, transform_indices = @transform_4, window_bounds = array<i64: 128, 128>}, {pipeline_mode = #tpu.pipeline_mode<synchronous>, transform_indices = @transform_5, window_bounds = array<i64: 1, 128>}, {transform_indices = @transform_6, window_bounds = array<i64: 2000, 128>}]} {
    %get3A = arith.constant 0 : index
    %get3A_0 = arith.constant 0 : index
    %get3A_1 = arith.constant 0 : index
    %get3A_2 = vector.load %arg3[%get3A, %get3A_0, %get3A_1] : memref<2x2000x8xf32, #tpu.memory_space<vmem>>, vector<2x2000x8xf32>
    %slice3A = vector.extract_strided_slice %get3A_2 {offsets = [0, 0, 0], sizes = [1, 2000, 1], strides = [1, 1, 1]} : vector<2x2000x8xf32> to vector<1x2000x1xf32>
    %squeeze3A = vector.shape_cast %slice3A : vector<1x2000x1xf32> to vector<2000x1xf32>
    %slice3A_3 = vector.extract_strided_slice %get3A_2 {offsets = [1, 0, 0], sizes = [1, 2000, 1], strides = [1, 1, 1]} : vector<2x2000x8xf32> to vector<1x2000x1xf32>
    %squeeze3A_4 = vector.shape_cast %slice3A_3 : vector<1x2000x1xf32> to vector<2000x1xf32>
    %add3A = arith.addf %squeeze3A, %squeeze3A_4 : vector<2000x1xf32>
    %max3A = arith.constant 1.000000e+00 : f32
    %max3A_5 = vector.broadcast %max3A : f32 to vector<2000x1xf32>
    %max3A_6 = arith.maximumf %add3A, %max3A_5 : vector<2000x1xf32>
    %div3A = arith.constant 1.000000e+00 : f32
    %div3A_7 = vector.broadcast %div3A : f32 to vector<2000x1xf32>
    %div3A_8 = arith.divf %div3A_7, %max3A_6 : vector<2000x1xf32>
    %get3A_9 = arith.constant 0 : index
    %get3A_10 = arith.constant 0 : index
    %get3A_11 = vector.load %arg6[%get3A_9, %get3A_10] : memref<1x128xf32, #tpu.memory_space<vmem>>, vector<1x128xf32>
    %broadcast_in_dim3A = vector.shape_cast %get3A_11 : vector<1x128xf32> to vector<1x128xf32>
    %broadcast_in_dim3A_12 = vector.broadcast %broadcast_in_dim3A : vector<1x128xf32> to vector<2000x128xf32>
    %get3A_13 = arith.constant 0 : index
    %get3A_14 = arith.constant 0 : index
    %get3A_15 = arith.constant 0 : index
    %get3A_16 = vector.load %arg2[%get3A_13, %get3A_14, %get3A_15] : memref<2x2000x128xf32, #tpu.memory_space<vmem>>, vector<2x2000x128xf32>
    %slice3A_17 = vector.extract_strided_slice %get3A_16 {offsets = [0, 0, 0], sizes = [1, 2000, 128], strides = [1, 1, 1]} : vector<2x2000x128xf32> to vector<1x2000x128xf32>
    %squeeze3A_18 = vector.shape_cast %slice3A_17 : vector<1x2000x128xf32> to vector<2000x128xf32>
    %slice3A_19 = vector.extract_strided_slice %get3A_16 {offsets = [1, 0, 0], sizes = [1, 2000, 128], strides = [1, 1, 1]} : vector<2x2000x128xf32> to vector<1x2000x128xf32>
    %squeeze3A_20 = vector.shape_cast %slice3A_19 : vector<1x2000x128xf32> to vector<2000x128xf32>
    %add3A_21 = arith.addf %squeeze3A_18, %squeeze3A_20 : vector<2000x128xf32>
    %mul3A = vector.broadcast %div3A_8 : vector<2000x1xf32> to vector<2000x128xf32>
    %mul3A_22 = arith.mulf %add3A_21, %mul3A : vector<2000x128xf32>
    %get3A_23 = arith.constant 0 : index
    %get3A_24 = arith.constant 0 : index
    %get3A_25 = vector.load %arg4[%get3A_23, %get3A_24] : memref<128x128xf32, #tpu.memory_space<vmem>>, vector<128x128xf32>
    %dot_general3A = arith.constant dense<0.000000e+00> : vector<2000x128xf32>
    %dot_general3A_26 = tpu.matmul %mul3A_22, %get3A_25, %dot_general3A {dimension_numbers = #tpu.dot_dimension_numbers<[1], [0], [0], [1], [0, 0, 1, 1], [], []>, transpose_lhs_hint = false} : vector<2000x128xf32>, vector<128x128xf32>, vector<2000x128xf32> -> vector<2000x128xf32>
    %add3A_27 = arith.addf %broadcast_in_dim3A_12, %dot_general3A_26 : vector<2000x128xf32>
    %get3A_28 = arith.constant 0 : index
    %get3A_29 = arith.constant 0 : index
    %get3A_30 = vector.load %arg1[%get3A_28, %get3A_29] : memref<2000x128xf32, #tpu.memory_space<vmem>>, vector<2000x128xf32>
    %get3A_31 = arith.constant 0 : index
    %get3A_32 = arith.constant 0 : index
    %get3A_33 = vector.load %arg5[%get3A_31, %get3A_32] : memref<128x128xf32, #tpu.memory_space<vmem>>, vector<128x128xf32>
    %dot_general3A_34 = arith.constant dense<0.000000e+00> : vector<2000x128xf32>
    %dot_general3A_35 = tpu.matmul %get3A_30, %get3A_33, %dot_general3A_34 {dimension_numbers = #tpu.dot_dimension_numbers<[1], [0], [0], [1], [0, 0, 1, 1], [], []>, transpose_lhs_hint = false} : vector<2000x128xf32>, vector<128x128xf32>, vector<2000x128xf32> -> vector<2000x128xf32>
    %add3A_36 = arith.addf %add3A_27, %dot_general3A_35 : vector<2000x128xf32>
    %max3A_37 = arith.constant 0.000000e+00 : f32
    %max3A_38 = vector.broadcast %max3A_37 : f32 to vector<2000x128xf32>
    %max3A_39 = arith.maximumf %add3A_36, %max3A_38 : vector<2000x128xf32>
    %swap3A = arith.constant 0 : index
    %swap3A_40 = arith.constant 0 : index
    %swap3A_41 = vector.load %arg7[%swap3A, %swap3A_40] : memref<2000x128xf32, #tpu.memory_space<vmem>>, vector<2000x128xf32>
    tpu.vector_store %arg7[%swap3A, %swap3A_40], %max3A_39 {strides = array<i32>} : memref<2000x128xf32, #tpu.memory_space<vmem>>, vector<2000x128xf32>,
    return
  }
  func.func @transform_0(%arg0: i32) -> (i32, i32) {
    %c0_i32 = arith.constant 0 : i32
    %c0_i32_0 = arith.constant 0 : i32
    return %arg0, %c0_i32 : i32, i32
  }
  func.func @transform_1(%arg0: i32) -> (i32, i32, i32) {
    %c0_i32 = arith.constant 0 : i32
    %c0_i32_0 = arith.constant 0 : i32
    %c0_i32_1 = arith.constant 0 : i32
    return %c0_i32, %arg0, %c0_i32_0 : i32, i32, i32
  }
  func.func @transform_2(%arg0: i32) -> (i32, i32, i32) {
    %c0_i32 = arith.constant 0 : i32
    %c0_i32_0 = arith.constant 0 : i32
    %c0_i32_1 = arith.constant 0 : i32
    return %c0_i32, %arg0, %c0_i32_0 : i32, i32, i32
  }
  func.func @transform_3(%arg0: i32) -> (i32, i32) {
    %c0_i32 = arith.constant 0 : i32
    %c0_i32_0 = arith.constant 0 : i32
    %c0_i32_1 = arith.constant 0 : i32
    return %c0_i32, %c0_i32_0 : i32, i32
  }
  func.func @transform_4(%arg0: i32) -> (i32, i32) {
    %c0_i32 = arith.constant 0 : i32
    %c0_i32_0 = arith.constant 0 : i32
    %c0_i32_1 = arith.constant 0 : i32
    return %c0_i32, %c0_i32_0 : i32, i32
  }
  func.func @transform_5(%arg0: i32) -> (i32, i32) {
    %c0_i32 = arith.constant 0 : i32
    %c0_i32_0 = arith.constant 0 : i32
    %c0_i32_1 = arith.constant 0 : i32
    return %c0_i32, %c0_i32_0 : i32, i32
  }
  func.func @transform_6(%arg0: i32) -> (i32, i32) {
    %c0_i32 = arith.constant 0 : i32
    %c0_i32_0 = arith.constant 0 : i32
    return %arg0, %c0_i32 : i32, i32
  }
}

module attributes {stable_mosaic.version = 14 : i64} {
  func.func @body(%arg0: i32, %arg1: memref<2000x128xf32, #tpu.memory_space<vmem>>, %arg2: memref<2x2000x128xf32, #tpu.memory_space<vmem>>, %arg3: memref<2x2000x8xf32, #tpu.memory_space<vmem>>, %arg4: memref<128x256xf32, #tpu.memory_space<vmem>>, %arg5: memref<128x256xf32, #tpu.memory_space<vmem>>, %arg6: memref<1x256xf32, #tpu.memory_space<vmem>>, %arg7: memref<2000x128xf32, #tpu.memory_space<vmem>>, %arg8: memref<2000x128xf32, #tpu.memory_space<vmem>>) attributes {dimension_semantics = [#tpu.dimension_semantics<arbitrary>], iteration_bounds = array<i64: 5>, scalar_prefetch = 0 : i64, scratch_operands = 0 : i64, tpu.core_type = #tpu.core_type<tc>, window_params = [{transform_indices = @transform_0, window_bounds = array<i64: 2000, 128>}, {transform_indices = @transform_1, window_bounds = array<i64: 2, 2000, 128>}, {transform_indices = @transform_2, window_bounds = array<i64: 2, 2000, 8>}, {pipeline_mode = #tpu.pipeline_mode<synchronous>, transform_indices = @transform_3, window_bounds = array<i64: 128, 256>}, {pipeline_mode = #tpu.pipeline_mode<synchronous>, transform_indices = @transform_4, window_bounds = array<i64: 128, 256>}, {pipeline_mode = #tpu.pipeline_mode<synchronous>, transform_indices = @transform_5, window_bounds = array<i64: 1, 256>}, {transform_indices = @transform_6, window_bounds = array<i64: 2000, 128>}, {transform_indices = @transform_7, window_bounds = array<i64: 2000, 128>}]} {
    %get3A = arith.constant 0 : index
    %get3A_0 = arith.constant 0 : index
    %get3A_1 = arith.constant 0 : index
    %get3A_2 = vector.load %arg3[%get3A, %get3A_0, %get3A_1] : memref<2x2000x8xf32, #tpu.memory_space<vmem>>, vector<2x2000x8xf32>
    %slice3A = vector.extract_strided_slice %get3A_2 {offsets = [0, 0, 0], sizes = [1, 2000, 1], strides = [1, 1, 1]} : vector<2x2000x8xf32> to vector<1x2000x1xf32>
    %squeeze3A = vector.shape_cast %slice3A : vector<1x2000x1xf32> to vector<2000x1xf32>
    %slice3A_3 = vector.extract_strided_slice %get3A_2 {offsets = [1, 0, 0], sizes = [1, 2000, 1], strides = [1, 1, 1]} : vector<2x2000x8xf32> to vector<1x2000x1xf32>
    %squeeze3A_4 = vector.shape_cast %slice3A_3 : vector<1x2000x1xf32> to vector<2000x1xf32>
    %add3A = arith.addf %squeeze3A, %squeeze3A_4 : vector<2000x1xf32>
    %max3A = arith.constant 1.000000e+00 : f32
    %max3A_5 = vector.broadcast %max3A : f32 to vector<2000x1xf32>
    %max3A_6 = arith.maximumf %add3A, %max3A_5 : vector<2000x1xf32>
    %div3A = arith.constant 1.000000e+00 : f32
    %div3A_7 = vector.broadcast %div3A : f32 to vector<2000x1xf32>
    %div3A_8 = arith.divf %div3A_7, %max3A_6 : vector<2000x1xf32>
    %get3A_9 = arith.constant 0 : index
    %get3A_10 = arith.constant 0 : index
    %get3A_11 = vector.load %arg6[%get3A_9, %get3A_10] : memref<1x256xf32, #tpu.memory_space<vmem>>, vector<1x256xf32>
    %broadcast_in_dim3A = vector.shape_cast %get3A_11 : vector<1x256xf32> to vector<1x256xf32>
    %broadcast_in_dim3A_12 = vector.broadcast %broadcast_in_dim3A : vector<1x256xf32> to vector<2000x256xf32>
    %get3A_13 = arith.constant 0 : index
    %get3A_14 = arith.constant 0 : index
    %get3A_15 = arith.constant 0 : index
    %get3A_16 = vector.load %arg2[%get3A_13, %get3A_14, %get3A_15] : memref<2x2000x128xf32, #tpu.memory_space<vmem>>, vector<2x2000x128xf32>
    %slice3A_17 = vector.extract_strided_slice %get3A_16 {offsets = [0, 0, 0], sizes = [1, 2000, 128], strides = [1, 1, 1]} : vector<2x2000x128xf32> to vector<1x2000x128xf32>
    %squeeze3A_18 = vector.shape_cast %slice3A_17 : vector<1x2000x128xf32> to vector<2000x128xf32>
    %slice3A_19 = vector.extract_strided_slice %get3A_16 {offsets = [1, 0, 0], sizes = [1, 2000, 128], strides = [1, 1, 1]} : vector<2x2000x128xf32> to vector<1x2000x128xf32>
    %squeeze3A_20 = vector.shape_cast %slice3A_19 : vector<1x2000x128xf32> to vector<2000x128xf32>
    %add3A_21 = arith.addf %squeeze3A_18, %squeeze3A_20 : vector<2000x128xf32>
    %mul3A = vector.broadcast %div3A_8 : vector<2000x1xf32> to vector<2000x128xf32>
    %mul3A_22 = arith.mulf %add3A_21, %mul3A : vector<2000x128xf32>
    %get3A_23 = arith.constant 0 : index
    %get3A_24 = arith.constant 0 : index
    %get3A_25 = vector.load %arg4[%get3A_23, %get3A_24] : memref<128x256xf32, #tpu.memory_space<vmem>>, vector<128x256xf32>
    %dot_general3A = arith.constant dense<0.000000e+00> : vector<2000x256xf32>
    %dot_general3A_26 = tpu.matmul %mul3A_22, %get3A_25, %dot_general3A {dimension_numbers = #tpu.dot_dimension_numbers<[1], [0], [0], [1], [0, 0, 1, 1], [], []>, transpose_lhs_hint = false} : vector<2000x128xf32>, vector<128x256xf32>, vector<2000x256xf32> -> vector<2000x256xf32>
    %add3A_27 = arith.addf %broadcast_in_dim3A_12, %dot_general3A_26 : vector<2000x256xf32>
    %get3A_28 = arith.constant 0 : index
    %get3A_29 = arith.constant 0 : index
    %get3A_30 = vector.load %arg1[%get3A_28, %get3A_29] : memref<2000x128xf32, #tpu.memory_space<vmem>>, vector<2000x128xf32>
    %get3A_31 = arith.constant 0 : index
    %get3A_32 = arith.constant 0 : index
    %get3A_33 = vector.load %arg5[%get3A_31, %get3A_32] : memref<128x256xf32, #tpu.memory_space<vmem>>, vector<128x256xf32>
    %dot_general3A_34 = arith.constant dense<0.000000e+00> : vector<2000x256xf32>
    %dot_general3A_35 = tpu.matmul %get3A_30, %get3A_33, %dot_general3A_34 {dimension_numbers = #tpu.dot_dimension_numbers<[1], [0], [0], [1], [0, 0, 1, 1], [], []>, transpose_lhs_hint = false} : vector<2000x128xf32>, vector<128x256xf32>, vector<2000x256xf32> -> vector<2000x256xf32>
    %add3A_36 = arith.addf %add3A_27, %dot_general3A_35 : vector<2000x256xf32>
    %max3A_37 = arith.constant 0.000000e+00 : f32
    %max3A_38 = vector.broadcast %max3A_37 : f32 to vector<2000x256xf32>
    %max3A_39 = arith.maximumf %add3A_36, %max3A_38 : vector<2000x256xf32>
    %slice3A_40 = vector.extract_strided_slice %max3A_39 {offsets = [0, 0], sizes = [2000, 128], strides = [1, 1]} : vector<2000x256xf32> to vector<2000x128xf32>
    %swap3A = arith.constant 0 : index
    %swap3A_41 = arith.constant 0 : index
    %swap3A_42 = vector.load %arg7[%swap3A, %swap3A_41] : memref<2000x128xf32, #tpu.memory_space<vmem>>, vector<2000x128xf32>
    tpu.vector_store %arg7[%swap3A, %swap3A_41], %slice3A_40 {strides = array<i32>} : memref<2000x128xf32, #tpu.memory_space<vmem>>, vector<2000x128xf32>,
    %slice3A_43 = vector.extract_strided_slice %max3A_39 {offsets = [0, 128], sizes = [2000, 128], strides = [1, 1]} : vector<2000x256xf32> to vector<2000x128xf32>
    %swap3A_44 = arith.constant 0 : index
    %swap3A_45 = arith.constant 0 : index
    %swap3A_46 = vector.load %arg8[%swap3A_44, %swap3A_45] : memref<2000x128xf32, #tpu.memory_space<vmem>>, vector<2000x128xf32>
    tpu.vector_store %arg8[%swap3A_44, %swap3A_45], %slice3A_43 {strides = array<i32>} : memref<2000x128xf32, #tpu.memory_space<vmem>>, vector<2000x128xf32>,
    return
  }
  func.func @transform_0(%arg0: i32) -> (i32, i32) {
    %c0_i32 = arith.constant 0 : i32
    %c0_i32_0 = arith.constant 0 : i32
    return %arg0, %c0_i32 : i32, i32
  }
  func.func @transform_1(%arg0: i32) -> (i32, i32, i32) {
    %c0_i32 = arith.constant 0 : i32
    %c0_i32_0 = arith.constant 0 : i32
    %c0_i32_1 = arith.constant 0 : i32
    return %c0_i32, %arg0, %c0_i32_0 : i32, i32, i32
  }
  func.func @transform_2(%arg0: i32) -> (i32, i32, i32) {
    %c0_i32 = arith.constant 0 : i32
    %c0_i32_0 = arith.constant 0 : i32
    %c0_i32_1 = arith.constant 0 : i32
    return %c0_i32, %arg0, %c0_i32_0 : i32, i32, i32
  }
  func.func @transform_3(%arg0: i32) -> (i32, i32) {
    %c0_i32 = arith.constant 0 : i32
    %c0_i32_0 = arith.constant 0 : i32
    %c0_i32_1 = arith.constant 0 : i32
    return %c0_i32, %c0_i32_0 : i32, i32
  }
  func.func @transform_4(%arg0: i32) -> (i32, i32) {
    %c0_i32 = arith.constant 0 : i32
    %c0_i32_0 = arith.constant 0 : i32
    %c0_i32_1 = arith.constant 0 : i32
    return %c0_i32, %c0_i32_0 : i32, i32
  }
  func.func @transform_5(%arg0: i32) -> (i32, i32) {
    %c0_i32 = arith.constant 0 : i32
    %c0_i32_0 = arith.constant 0 : i32
    %c0_i32_1 = arith.constant 0 : i32
    return %c0_i32, %c0_i32_0 : i32, i32
  }
  func.func @transform_6(%arg0: i32) -> (i32, i32) {
    %c0_i32 = arith.constant 0 : i32
    %c0_i32_0 = arith.constant 0 : i32
    return %arg0, %c0_i32 : i32, i32
  }
  func.func @transform_7(%arg0: i32) -> (i32, i32) {
    %c0_i32 = arith.constant 0 : i32
    %c0_i32_0 = arith.constant 0 : i32
    return %arg0, %c0_i32 : i32, i32
  }
}

module attributes {stable_mosaic.version = 14 : i64} {
  func.func @body(%arg0: i32, %arg1: memref<2000x128xf32, #tpu.memory_space<vmem>>, %arg2: memref<2000x128xf32, #tpu.memory_space<vmem>>, %arg3: memref<2x2000x128xf32, #tpu.memory_space<vmem>>, %arg4: memref<2x2000x128xf32, #tpu.memory_space<vmem>>, %arg5: memref<2x2000x8xf32, #tpu.memory_space<vmem>>, %arg6: memref<256x256xf32, #tpu.memory_space<vmem>>, %arg7: memref<256x256xf32, #tpu.memory_space<vmem>>, %arg8: memref<1x256xf32, #tpu.memory_space<vmem>>, %arg9: memref<2000x128xf32, #tpu.memory_space<vmem>>, %arg10: memref<2000x128xf32, #tpu.memory_space<vmem>>) attributes {dimension_semantics = [#tpu.dimension_semantics<arbitrary>], iteration_bounds = array<i64: 5>, scalar_prefetch = 0 : i64, scratch_operands = 0 : i64, tpu.core_type = #tpu.core_type<tc>, window_params = [{transform_indices = @transform_0, window_bounds = array<i64: 2000, 128>}, {transform_indices = @transform_1, window_bounds = array<i64: 2000, 128>}, {transform_indices = @transform_2, window_bounds = array<i64: 2, 2000, 128>}, {transform_indices = @transform_3, window_bounds = array<i64: 2, 2000, 128>}, {transform_indices = @transform_4, window_bounds = array<i64: 2, 2000, 8>}, {pipeline_mode = #tpu.pipeline_mode<synchronous>, transform_indices = @transform_5, window_bounds = array<i64: 256, 256>}, {pipeline_mode = #tpu.pipeline_mode<synchronous>, transform_indices = @transform_6, window_bounds = array<i64: 256, 256>}, {pipeline_mode = #tpu.pipeline_mode<synchronous>, transform_indices = @transform_7, window_bounds = array<i64: 1, 256>}, {transform_indices = @transform_8, window_bounds = array<i64: 2000, 128>}, {transform_indices = @transform_9, window_bounds = array<i64: 2000, 128>}]} {
    %get3A = arith.constant 0 : index
    %get3A_0 = arith.constant 0 : index
    %get3A_1 = arith.constant 0 : index
    %get3A_2 = vector.load %arg5[%get3A, %get3A_0, %get3A_1] : memref<2x2000x8xf32, #tpu.memory_space<vmem>>, vector<2x2000x8xf32>
    %slice3A = vector.extract_strided_slice %get3A_2 {offsets = [0, 0, 0], sizes = [1, 2000, 1], strides = [1, 1, 1]} : vector<2x2000x8xf32> to vector<1x2000x1xf32>
    %squeeze3A = vector.shape_cast %slice3A : vector<1x2000x1xf32> to vector<2000x1xf32>
    %slice3A_3 = vector.extract_strided_slice %get3A_2 {offsets = [1, 0, 0], sizes = [1, 2000, 1], strides = [1, 1, 1]} : vector<2x2000x8xf32> to vector<1x2000x1xf32>
    %squeeze3A_4 = vector.shape_cast %slice3A_3 : vector<1x2000x1xf32> to vector<2000x1xf32>
    %add3A = arith.addf %squeeze3A, %squeeze3A_4 : vector<2000x1xf32>
    %max3A = arith.constant 1.000000e+00 : f32
    %max3A_5 = vector.broadcast %max3A : f32 to vector<2000x1xf32>
    %max3A_6 = arith.maximumf %add3A, %max3A_5 : vector<2000x1xf32>
    %div3A = arith.constant 1.000000e+00 : f32
    %div3A_7 = vector.broadcast %div3A : f32 to vector<2000x1xf32>
    %div3A_8 = arith.divf %div3A_7, %max3A_6 : vector<2000x1xf32>
    %get3A_9 = arith.constant 0 : index
    %get3A_10 = arith.constant 0 : index
    %get3A_11 = vector.load %arg8[%get3A_9, %get3A_10] : memref<1x256xf32, #tpu.memory_space<vmem>>, vector<1x256xf32>
    %broadcast_in_dim3A = vector.shape_cast %get3A_11 : vector<1x256xf32> to vector<1x256xf32>
    %broadcast_in_dim3A_12 = vector.broadcast %broadcast_in_dim3A : vector<1x256xf32> to vector<2000x256xf32>
    %get3A_13 = arith.constant 0 : index
    %get3A_14 = arith.constant 0 : index
    %get3A_15 = arith.constant 0 : index
    %get3A_16 = vector.load %arg3[%get3A_13, %get3A_14, %get3A_15] : memref<2x2000x128xf32, #tpu.memory_space<vmem>>, vector<2x2000x128xf32>
    %slice3A_17 = vector.extract_strided_slice %get3A_16 {offsets = [0, 0, 0], sizes = [1, 2000, 128], strides = [1, 1, 1]} : vector<2x2000x128xf32> to vector<1x2000x128xf32>
    %squeeze3A_18 = vector.shape_cast %slice3A_17 : vector<1x2000x128xf32> to vector<2000x128xf32>
    %slice3A_19 = vector.extract_strided_slice %get3A_16 {offsets = [1, 0, 0], sizes = [1, 2000, 128], strides = [1, 1, 1]} : vector<2x2000x128xf32> to vector<1x2000x128xf32>
    %squeeze3A_20 = vector.shape_cast %slice3A_19 : vector<1x2000x128xf32> to vector<2000x128xf32>
    %add3A_21 = arith.addf %squeeze3A_18, %squeeze3A_20 : vector<2000x128xf32>
    %mul3A = vector.broadcast %div3A_8 : vector<2000x1xf32> to vector<2000x128xf32>
    %mul3A_22 = arith.mulf %add3A_21, %mul3A : vector<2000x128xf32>
    %get3A_23 = arith.constant 0 : index
    %get3A_24 = arith.constant 0 : index
    %get3A_25 = vector.load %arg6[%get3A_23, %get3A_24] : memref<256x256xf32, #tpu.memory_space<vmem>>, vector<128x256xf32>
    %dot_general3A = arith.constant dense<0.000000e+00> : vector<2000x256xf32>
    %dot_general3A_26 = tpu.matmul %mul3A_22, %get3A_25, %dot_general3A {dimension_numbers = #tpu.dot_dimension_numbers<[1], [0], [0], [1], [0, 0, 1, 1], [], []>, transpose_lhs_hint = false} : vector<2000x128xf32>, vector<128x256xf32>, vector<2000x256xf32> -> vector<2000x256xf32>
    %add3A_27 = arith.addf %broadcast_in_dim3A_12, %dot_general3A_26 : vector<2000x256xf32>
    %get3A_28 = arith.constant 0 : index
    %get3A_29 = arith.constant 0 : index
    %get3A_30 = vector.load %arg1[%get3A_28, %get3A_29] : memref<2000x128xf32, #tpu.memory_space<vmem>>, vector<2000x128xf32>
    %get3A_31 = arith.constant 0 : index
    %get3A_32 = arith.constant 0 : index
    %get3A_33 = vector.load %arg7[%get3A_31, %get3A_32] : memref<256x256xf32, #tpu.memory_space<vmem>>, vector<128x256xf32>
    %dot_general3A_34 = arith.constant dense<0.000000e+00> : vector<2000x256xf32>
    %dot_general3A_35 = tpu.matmul %get3A_30, %get3A_33, %dot_general3A_34 {dimension_numbers = #tpu.dot_dimension_numbers<[1], [0], [0], [1], [0, 0, 1, 1], [], []>, transpose_lhs_hint = false} : vector<2000x128xf32>, vector<128x256xf32>, vector<2000x256xf32> -> vector<2000x256xf32>
    %add3A_36 = arith.addf %add3A_27, %dot_general3A_35 : vector<2000x256xf32>
    %get3A_37 = arith.constant 0 : index
    %get3A_38 = arith.constant 0 : index
    %get3A_39 = arith.constant 0 : index
    %get3A_40 = vector.load %arg4[%get3A_37, %get3A_38, %get3A_39] : memref<2x2000x128xf32, #tpu.memory_space<vmem>>, vector<2x2000x128xf32>
    %slice3A_41 = vector.extract_strided_slice %get3A_40 {offsets = [0, 0, 0], sizes = [1, 2000, 128], strides = [1, 1, 1]} : vector<2x2000x128xf32> to vector<1x2000x128xf32>
    %squeeze3A_42 = vector.shape_cast %slice3A_41 : vector<1x2000x128xf32> to vector<2000x128xf32>
    %slice3A_43 = vector.extract_strided_slice %get3A_40 {offsets = [1, 0, 0], sizes = [1, 2000, 128], strides = [1, 1, 1]} : vector<2x2000x128xf32> to vector<1x2000x128xf32>
    %squeeze3A_44 = vector.shape_cast %slice3A_43 : vector<1x2000x128xf32> to vector<2000x128xf32>
    %add3A_45 = arith.addf %squeeze3A_42, %squeeze3A_44 : vector<2000x128xf32>
    %mul3A_46 = vector.broadcast %div3A_8 : vector<2000x1xf32> to vector<2000x128xf32>
    %mul3A_47 = arith.mulf %add3A_45, %mul3A_46 : vector<2000x128xf32>
    %get3A_48 = arith.constant 128 : index
    %get3A_49 = arith.constant 0 : index
    %get3A_50 = vector.load %arg6[%get3A_48, %get3A_49] : memref<256x256xf32, #tpu.memory_space<vmem>>, vector<128x256xf32>
    %dot_general3A_51 = arith.constant dense<0.000000e+00> : vector<2000x256xf32>
    %dot_general3A_52 = tpu.matmul %mul3A_47, %get3A_50, %dot_general3A_51 {dimension_numbers = #tpu.dot_dimension_numbers<[1], [0], [0], [1], [0, 0, 1, 1], [], []>, transpose_lhs_hint = false} : vector<2000x128xf32>, vector<128x256xf32>, vector<2000x256xf32> -> vector<2000x256xf32>
    %add3A_53 = arith.addf %add3A_36, %dot_general3A_52 : vector<2000x256xf32>
    %get3A_54 = arith.constant 0 : index
    %get3A_55 = arith.constant 0 : index
    %get3A_56 = vector.load %arg2[%get3A_54, %get3A_55] : memref<2000x128xf32, #tpu.memory_space<vmem>>, vector<2000x128xf32>
    %get3A_57 = arith.constant 128 : index
    %get3A_58 = arith.constant 0 : index
    %get3A_59 = vector.load %arg7[%get3A_57, %get3A_58] : memref<256x256xf32, #tpu.memory_space<vmem>>, vector<128x256xf32>
    %dot_general3A_60 = arith.constant dense<0.000000e+00> : vector<2000x256xf32>
    %dot_general3A_61 = tpu.matmul %get3A_56, %get3A_59, %dot_general3A_60 {dimension_numbers = #tpu.dot_dimension_numbers<[1], [0], [0], [1], [0, 0, 1, 1], [], []>, transpose_lhs_hint = false} : vector<2000x128xf32>, vector<128x256xf32>, vector<2000x256xf32> -> vector<2000x256xf32>
    %add3A_62 = arith.addf %add3A_53, %dot_general3A_61 : vector<2000x256xf32>
    %max3A_63 = arith.constant 0.000000e+00 : f32
    %max3A_64 = vector.broadcast %max3A_63 : f32 to vector<2000x256xf32>
    %max3A_65 = arith.maximumf %add3A_62, %max3A_64 : vector<2000x256xf32>
    %slice3A_66 = vector.extract_strided_slice %max3A_65 {offsets = [0, 0], sizes = [2000, 128], strides = [1, 1]} : vector<2000x256xf32> to vector<2000x128xf32>
    %swap3A = arith.constant 0 : index
    %swap3A_67 = arith.constant 0 : index
    %swap3A_68 = vector.load %arg9[%swap3A, %swap3A_67] : memref<2000x128xf32, #tpu.memory_space<vmem>>, vector<2000x128xf32>
    tpu.vector_store %arg9[%swap3A, %swap3A_67], %slice3A_66 {strides = array<i32>} : memref<2000x128xf32, #tpu.memory_space<vmem>>, vector<2000x128xf32>,
    %slice3A_69 = vector.extract_strided_slice %max3A_65 {offsets = [0, 128], sizes = [2000, 128], strides = [1, 1]} : vector<2000x256xf32> to vector<2000x128xf32>
    %swap3A_70 = arith.constant 0 : index
    %swap3A_71 = arith.constant 0 : index
    %swap3A_72 = vector.load %arg10[%swap3A_70, %swap3A_71] : memref<2000x128xf32, #tpu.memory_space<vmem>>, vector<2000x128xf32>
    tpu.vector_store %arg10[%swap3A_70, %swap3A_71], %slice3A_69 {strides = array<i32>} : memref<2000x128xf32, #tpu.memory_space<vmem>>, vector<2000x128xf32>,
    return
  }
  func.func @transform_0(%arg0: i32) -> (i32, i32) {
    %c0_i32 = arith.constant 0 : i32
    %c0_i32_0 = arith.constant 0 : i32
    return %arg0, %c0_i32 : i32, i32
  }
  func.func @transform_1(%arg0: i32) -> (i32, i32) {
    %c0_i32 = arith.constant 0 : i32
    %c0_i32_0 = arith.constant 0 : i32
    return %arg0, %c0_i32 : i32, i32
  }
  func.func @transform_2(%arg0: i32) -> (i32, i32, i32) {
    %c0_i32 = arith.constant 0 : i32
    %c0_i32_0 = arith.constant 0 : i32
    %c0_i32_1 = arith.constant 0 : i32
    return %c0_i32, %arg0, %c0_i32_0 : i32, i32, i32
  }
  func.func @transform_3(%arg0: i32) -> (i32, i32, i32) {
    %c0_i32 = arith.constant 0 : i32
    %c0_i32_0 = arith.constant 0 : i32
    %c0_i32_1 = arith.constant 0 : i32
    return %c0_i32, %arg0, %c0_i32_0 : i32, i32, i32
  }
  func.func @transform_4(%arg0: i32) -> (i32, i32, i32) {
    %c0_i32 = arith.constant 0 : i32
    %c0_i32_0 = arith.constant 0 : i32
    %c0_i32_1 = arith.constant 0 : i32
    return %c0_i32, %arg0, %c0_i32_0 : i32, i32, i32
  }
  func.func @transform_5(%arg0: i32) -> (i32, i32) {
    %c0_i32 = arith.constant 0 : i32
    %c0_i32_0 = arith.constant 0 : i32
    %c0_i32_1 = arith.constant 0 : i32
    return %c0_i32, %c0_i32_0 : i32, i32
  }
  func.func @transform_6(%arg0: i32) -> (i32, i32) {
    %c0_i32 = arith.constant 0 : i32
    %c0_i32_0 = arith.constant 0 : i32
    %c0_i32_1 = arith.constant 0 : i32
    return %c0_i32, %c0_i32_0 : i32, i32
  }
  func.func @transform_7(%arg0: i32) -> (i32, i32) {
    %c0_i32 = arith.constant 0 : i32
    %c0_i32_0 = arith.constant 0 : i32
    %c0_i32_1 = arith.constant 0 : i32
    return %c0_i32, %c0_i32_0 : i32, i32
  }
  func.func @transform_8(%arg0: i32) -> (i32, i32) {
    %c0_i32 = arith.constant 0 : i32
    %c0_i32_0 = arith.constant 0 : i32
    return %arg0, %c0_i32 : i32, i32
  }
  func.func @transform_9(%arg0: i32) -> (i32, i32) {
    %c0_i32 = arith.constant 0 : i32
    %c0_i32_0 = arith.constant 0 : i32
    return %arg0, %c0_i32 : i32, i32
  }
}

module attributes {stable_mosaic.version = 14 : i64} {
  func.func @body(%arg0: i32, %arg1: memref<2000x128xf32, #tpu.memory_space<vmem>>, %arg2: memref<2000x128xf32, #tpu.memory_space<vmem>>, %arg3: memref<2x2000x128xf32, #tpu.memory_space<vmem>>, %arg4: memref<2x2000x128xf32, #tpu.memory_space<vmem>>, %arg5: memref<2x2000x8xf32, #tpu.memory_space<vmem>>, %arg6: memref<256x128xf32, #tpu.memory_space<vmem>>, %arg7: memref<256x128xf32, #tpu.memory_space<vmem>>, %arg8: memref<1x128xf32, #tpu.memory_space<vmem>>, %arg9: memref<2000x128xf32, #tpu.memory_space<vmem>>) attributes {dimension_semantics = [#tpu.dimension_semantics<arbitrary>], iteration_bounds = array<i64: 5>, scalar_prefetch = 0 : i64, scratch_operands = 0 : i64, tpu.core_type = #tpu.core_type<tc>, window_params = [{transform_indices = @transform_0, window_bounds = array<i64: 2000, 128>}, {transform_indices = @transform_1, window_bounds = array<i64: 2000, 128>}, {transform_indices = @transform_2, window_bounds = array<i64: 2, 2000, 128>}, {transform_indices = @transform_3, window_bounds = array<i64: 2, 2000, 128>}, {transform_indices = @transform_4, window_bounds = array<i64: 2, 2000, 8>}, {pipeline_mode = #tpu.pipeline_mode<synchronous>, transform_indices = @transform_5, window_bounds = array<i64: 256, 128>}, {pipeline_mode = #tpu.pipeline_mode<synchronous>, transform_indices = @transform_6, window_bounds = array<i64: 256, 128>}, {pipeline_mode = #tpu.pipeline_mode<synchronous>, transform_indices = @transform_7, window_bounds = array<i64: 1, 128>}, {transform_indices = @transform_8, window_bounds = array<i64: 2000, 128>}]} {
    %get3A = arith.constant 0 : index
    %get3A_0 = arith.constant 0 : index
    %get3A_1 = arith.constant 0 : index
    %get3A_2 = vector.load %arg5[%get3A, %get3A_0, %get3A_1] : memref<2x2000x8xf32, #tpu.memory_space<vmem>>, vector<2x2000x8xf32>
    %slice3A = vector.extract_strided_slice %get3A_2 {offsets = [0, 0, 0], sizes = [1, 2000, 1], strides = [1, 1, 1]} : vector<2x2000x8xf32> to vector<1x2000x1xf32>
    %squeeze3A = vector.shape_cast %slice3A : vector<1x2000x1xf32> to vector<2000x1xf32>
    %slice3A_3 = vector.extract_strided_slice %get3A_2 {offsets = [1, 0, 0], sizes = [1, 2000, 1], strides = [1, 1, 1]} : vector<2x2000x8xf32> to vector<1x2000x1xf32>
    %squeeze3A_4 = vector.shape_cast %slice3A_3 : vector<1x2000x1xf32> to vector<2000x1xf32>
    %add3A = arith.addf %squeeze3A, %squeeze3A_4 : vector<2000x1xf32>
    %max3A = arith.constant 1.000000e+00 : f32
    %max3A_5 = vector.broadcast %max3A : f32 to vector<2000x1xf32>
    %max3A_6 = arith.maximumf %add3A, %max3A_5 : vector<2000x1xf32>
    %div3A = arith.constant 1.000000e+00 : f32
    %div3A_7 = vector.broadcast %div3A : f32 to vector<2000x1xf32>
    %div3A_8 = arith.divf %div3A_7, %max3A_6 : vector<2000x1xf32>
    %get3A_9 = arith.constant 0 : index
    %get3A_10 = arith.constant 0 : index
    %get3A_11 = vector.load %arg8[%get3A_9, %get3A_10] : memref<1x128xf32, #tpu.memory_space<vmem>>, vector<1x128xf32>
    %broadcast_in_dim3A = vector.shape_cast %get3A_11 : vector<1x128xf32> to vector<1x128xf32>
    %broadcast_in_dim3A_12 = vector.broadcast %broadcast_in_dim3A : vector<1x128xf32> to vector<2000x128xf32>
    %get3A_13 = arith.constant 0 : index
    %get3A_14 = arith.constant 0 : index
    %get3A_15 = arith.constant 0 : index
    %get3A_16 = vector.load %arg3[%get3A_13, %get3A_14, %get3A_15] : memref<2x2000x128xf32, #tpu.memory_space<vmem>>, vector<2x2000x128xf32>
    %slice3A_17 = vector.extract_strided_slice %get3A_16 {offsets = [0, 0, 0], sizes = [1, 2000, 128], strides = [1, 1, 1]} : vector<2x2000x128xf32> to vector<1x2000x128xf32>
    %squeeze3A_18 = vector.shape_cast %slice3A_17 : vector<1x2000x128xf32> to vector<2000x128xf32>
    %slice3A_19 = vector.extract_strided_slice %get3A_16 {offsets = [1, 0, 0], sizes = [1, 2000, 128], strides = [1, 1, 1]} : vector<2x2000x128xf32> to vector<1x2000x128xf32>
    %squeeze3A_20 = vector.shape_cast %slice3A_19 : vector<1x2000x128xf32> to vector<2000x128xf32>
    %add3A_21 = arith.addf %squeeze3A_18, %squeeze3A_20 : vector<2000x128xf32>
    %mul3A = vector.broadcast %div3A_8 : vector<2000x1xf32> to vector<2000x128xf32>
    %mul3A_22 = arith.mulf %add3A_21, %mul3A : vector<2000x128xf32>
    %get3A_23 = arith.constant 0 : index
    %get3A_24 = arith.constant 0 : index
    %get3A_25 = vector.load %arg6[%get3A_23, %get3A_24] : memref<256x128xf32, #tpu.memory_space<vmem>>, vector<128x128xf32>
    %dot_general3A = arith.constant dense<0.000000e+00> : vector<2000x128xf32>
    %dot_general3A_26 = tpu.matmul %mul3A_22, %get3A_25, %dot_general3A {dimension_numbers = #tpu.dot_dimension_numbers<[1], [0], [0], [1], [0, 0, 1, 1], [], []>, transpose_lhs_hint = false} : vector<2000x128xf32>, vector<128x128xf32>, vector<2000x128xf32> -> vector<2000x128xf32>
    %add3A_27 = arith.addf %broadcast_in_dim3A_12, %dot_general3A_26 : vector<2000x128xf32>
    %get3A_28 = arith.constant 0 : index
    %get3A_29 = arith.constant 0 : index
    %get3A_30 = vector.load %arg1[%get3A_28, %get3A_29] : memref<2000x128xf32, #tpu.memory_space<vmem>>, vector<2000x128xf32>
    %get3A_31 = arith.constant 0 : index
    %get3A_32 = arith.constant 0 : index
    %get3A_33 = vector.load %arg7[%get3A_31, %get3A_32] : memref<256x128xf32, #tpu.memory_space<vmem>>, vector<128x128xf32>
    %dot_general3A_34 = arith.constant dense<0.000000e+00> : vector<2000x128xf32>
    %dot_general3A_35 = tpu.matmul %get3A_30, %get3A_33, %dot_general3A_34 {dimension_numbers = #tpu.dot_dimension_numbers<[1], [0], [0], [1], [0, 0, 1, 1], [], []>, transpose_lhs_hint = false} : vector<2000x128xf32>, vector<128x128xf32>, vector<2000x128xf32> -> vector<2000x128xf32>
    %add3A_36 = arith.addf %add3A_27, %dot_general3A_35 : vector<2000x128xf32>
    %get3A_37 = arith.constant 0 : index
    %get3A_38 = arith.constant 0 : index
    %get3A_39 = arith.constant 0 : index
    %get3A_40 = vector.load %arg4[%get3A_37, %get3A_38, %get3A_39] : memref<2x2000x128xf32, #tpu.memory_space<vmem>>, vector<2x2000x128xf32>
    %slice3A_41 = vector.extract_strided_slice %get3A_40 {offsets = [0, 0, 0], sizes = [1, 2000, 128], strides = [1, 1, 1]} : vector<2x2000x128xf32> to vector<1x2000x128xf32>
    %squeeze3A_42 = vector.shape_cast %slice3A_41 : vector<1x2000x128xf32> to vector<2000x128xf32>
    %slice3A_43 = vector.extract_strided_slice %get3A_40 {offsets = [1, 0, 0], sizes = [1, 2000, 128], strides = [1, 1, 1]} : vector<2x2000x128xf32> to vector<1x2000x128xf32>
    %squeeze3A_44 = vector.shape_cast %slice3A_43 : vector<1x2000x128xf32> to vector<2000x128xf32>
    %add3A_45 = arith.addf %squeeze3A_42, %squeeze3A_44 : vector<2000x128xf32>
    %mul3A_46 = vector.broadcast %div3A_8 : vector<2000x1xf32> to vector<2000x128xf32>
    %mul3A_47 = arith.mulf %add3A_45, %mul3A_46 : vector<2000x128xf32>
    %get3A_48 = arith.constant 128 : index
    %get3A_49 = arith.constant 0 : index
    %get3A_50 = vector.load %arg6[%get3A_48, %get3A_49] : memref<256x128xf32, #tpu.memory_space<vmem>>, vector<128x128xf32>
    %dot_general3A_51 = arith.constant dense<0.000000e+00> : vector<2000x128xf32>
    %dot_general3A_52 = tpu.matmul %mul3A_47, %get3A_50, %dot_general3A_51 {dimension_numbers = #tpu.dot_dimension_numbers<[1], [0], [0], [1], [0, 0, 1, 1], [], []>, transpose_lhs_hint = false} : vector<2000x128xf32>, vector<128x128xf32>, vector<2000x128xf32> -> vector<2000x128xf32>
    %add3A_53 = arith.addf %add3A_36, %dot_general3A_52 : vector<2000x128xf32>
    %get3A_54 = arith.constant 0 : index
    %get3A_55 = arith.constant 0 : index
    %get3A_56 = vector.load %arg2[%get3A_54, %get3A_55] : memref<2000x128xf32, #tpu.memory_space<vmem>>, vector<2000x128xf32>
    %get3A_57 = arith.constant 128 : index
    %get3A_58 = arith.constant 0 : index
    %get3A_59 = vector.load %arg7[%get3A_57, %get3A_58] : memref<256x128xf32, #tpu.memory_space<vmem>>, vector<128x128xf32>
    %dot_general3A_60 = arith.constant dense<0.000000e+00> : vector<2000x128xf32>
    %dot_general3A_61 = tpu.matmul %get3A_56, %get3A_59, %dot_general3A_60 {dimension_numbers = #tpu.dot_dimension_numbers<[1], [0], [0], [1], [0, 0, 1, 1], [], []>, transpose_lhs_hint = false} : vector<2000x128xf32>, vector<128x128xf32>, vector<2000x128xf32> -> vector<2000x128xf32>
    %add3A_62 = arith.addf %add3A_53, %dot_general3A_61 : vector<2000x128xf32>
    %swap3A = arith.constant 0 : index
    %swap3A_63 = arith.constant 0 : index
    %swap3A_64 = vector.load %arg9[%swap3A, %swap3A_63] : memref<2000x128xf32, #tpu.memory_space<vmem>>, vector<2000x128xf32>
    tpu.vector_store %arg9[%swap3A, %swap3A_63], %add3A_62 {strides = array<i32>} : memref<2000x128xf32, #tpu.memory_space<vmem>>, vector<2000x128xf32>,
    return
  }
  func.func @transform_0(%arg0: i32) -> (i32, i32) {
    %c0_i32 = arith.constant 0 : i32
    %c0_i32_0 = arith.constant 0 : i32
    return %arg0, %c0_i32 : i32, i32
  }
  func.func @transform_1(%arg0: i32) -> (i32, i32) {
    %c0_i32 = arith.constant 0 : i32
    %c0_i32_0 = arith.constant 0 : i32
    return %arg0, %c0_i32 : i32, i32
  }
  func.func @transform_2(%arg0: i32) -> (i32, i32, i32) {
    %c0_i32 = arith.constant 0 : i32
    %c0_i32_0 = arith.constant 0 : i32
    %c0_i32_1 = arith.constant 0 : i32
    return %c0_i32, %arg0, %c0_i32_0 : i32, i32, i32
  }
  func.func @transform_3(%arg0: i32) -> (i32, i32, i32) {
    %c0_i32 = arith.constant 0 : i32
    %c0_i32_0 = arith.constant 0 : i32
    %c0_i32_1 = arith.constant 0 : i32
    return %c0_i32, %arg0, %c0_i32_0 : i32, i32, i32
  }
  func.func @transform_4(%arg0: i32) -> (i32, i32, i32) {
    %c0_i32 = arith.constant 0 : i32
    %c0_i32_0 = arith.constant 0 : i32
    %c0_i32_1 = arith.constant 0 : i32
    return %c0_i32, %arg0, %c0_i32_0 : i32, i32, i32
  }
  func.func @transform_5(%arg0: i32) -> (i32, i32) {
    %c0_i32 = arith.constant 0 : i32
    %c0_i32_0 = arith.constant 0 : i32
    %c0_i32_1 = arith.constant 0 : i32
    return %c0_i32, %c0_i32_0 : i32, i32
  }
  func.func @transform_6(%arg0: i32) -> (i32, i32) {
    %c0_i32 = arith.constant 0 : i32
    %c0_i32_0 = arith.constant 0 : i32
    %c0_i32_1 = arith.constant 0 : i32
    return %c0_i32, %c0_i32_0 : i32, i32
  }
  func.func @transform_7(%arg0: i32) -> (i32, i32) {
    %c0_i32 = arith.constant 0 : i32
    %c0_i32_0 = arith.constant 0 : i32
    %c0_i32_1 = arith.constant 0 : i32
    return %c0_i32, %c0_i32_0 : i32, i32
  }
  func.func @transform_8(%arg0: i32) -> (i32, i32) {
    %c0_i32 = arith.constant 0 : i32
    %c0_i32_0 = arith.constant 0 : i32
    return %arg0, %c0_i32 : i32, i32
  }
}

</mosaic_0001>

<sc_bundles>
// kernel: kernel.10.cloned.1.call-start
scs
__scs_entry_jumppad:
0x0: {  	(pc) =	sbr.rel $0x88, $3  }
0x1: {  	(tag) =	ssettag $0x0;
	lr =	simm.s32 $0x1  }
0x2: {  	[smem:$0x3F93] =	sst lr;
	_ =	strace $0xD0000000  }
0x3: {  	_ = 	snop  }
0x4: {  	_ = 	snop  }
0x5: {  	_ = 	snop  }
0x6: {  	_ = 	snop  }
0x7: {  	_ = 	snop  }
__scs_overlays_trampoline_lowered:
0x8: {  	[smem:$0x3FA2] =	sst s0  }
0x9: {  	[smem:$0x3FA3] =	sst s1  }
0xa: {  	[smem:$0x3FA4] =	sst s2  }
0xb: {  	[smem:$0x3FA5] =	sst s3  }
0xc: {  	[smem:$0x3FA6] =	sst s4  }
0xd: {  	[smem:$0x3FA7] =	sst s5  }
0xe: {  	[smem:$0x3FA8] =	sst s6  }
0xf: {  	[smem:$0x3FA9] =	sst s7  }
0x10: {  	[smem:$0x3FAA] =	sst s8  }
0x11: {  	[smem:$0x3FAB] =	sst s9;
	s0 =	simm.s32 @!p0 $0x0  }
0x12: {  	s1 =	sld [smem:$0x3F91];
	s0 =	simm.s32 @p0 $0x1  }
0x13: {  	[smem:$0x3FAC] =	sst s0;
	s0 =	simm.s32 @!p1 $0x0  }
0x14: {  	s2 =	sld [smem:$0x3F90];
	s0 =	simm.s32 @p1 $0x1  }
0x15: {  	[smem:$0x3FAD] =	sst s0;
	s0 =	simm.s32 @!p2 $0x0  }
0x16: {  	s3 =	sld [smem:$0x3FDB];
	s0 =	simm.s32 @p2 $0x1  }
0x17: {  	s4 =	simm.s32 $0x1BF5;
	[smem:$0x3FAF] =	sst s0  }
0x18: {  	s0 =	sld [smem:$0x3F92];
	_ =	swait.ge [sflag:s4], $0x0  }
0x19: {  	s7 =	sld [smem:$0x3F93]  }
0x1a: {  	s8 =	sadd.s32 $0xFFFFE003, lr  }
0x1b: {  	s9 =	sadd.s32 $0xFFFFFEF7, lr;
	s5 =	simm.s32 $0xFFFFFFFF;
	p2 =	slt.u32 s8, $0xFFFFF086  }
0x1c: {  	p1 =	slt.u32 s9, $0xF7A;
	s5 =	simm.s32 @!p2 $0x0  }
0x1d: {  	s5 =	simm.s32 @p1 $0x1;
	p0 =	seq.s32 s7, s2  }
0x1e: {  	s7 =	smul.u32 @!p0 $0xF7A, s2;
	p2 =	seq.s32 @!p0 s5, $0x0  }
0x1f: {  	s9 =	smul.u32 $0xF7A, s1;
	s8 =	simm.s32 @!p0 $0x1BF5;
	p2 =	por !p2, p0  }
0x20: {  	[sflag:s8] =	ssyncset.s32 @!p0 $0xFFFFF086;
	s6 =	sadd.s32 @!p0 s3, s7;
	s7 =	simm.s32 @!p0 $0x108  }
0x21: {  	s3 =	sadd.s32 s3, s9;
	s6 =	sadd.s32 @!p0 $0x88, s6;
	s7 =	simm.s32 @p2 $0x1082  }
0x22: {  	[simem:s7], [sflag:s8] =	dma.local @!p0 [hbm:s6], $0xF7A  }
0x23: {  	s9 =	sor.u32 $0xD0000000, s2;
	s6 =	simm.s32 $0x108;
	_ =	swait.ge @!p0 [sflag:s8], $0x0  }
0x24: {  	s3 =	sadd.s32 $0x88, s3;
	s6 =	simm.s32 @!p1 $0x1082;
	[sflag:s4] =	ssyncset.s32 $0xFFFFF086  }
0x25: {  	[simem:s6], [sflag:s4] =	dma.local [hbm:s3], $0xF7A  }
0x26: {  	[smem:$0x3F93] =	sst s1;
	(tag) =	ssettag s2;
	_ =	strace s9  }
0x27: {  	s1 =	sld [smem:$0x3FA3]  }
0x28: {  	s2 =	sld [smem:$0x3FA4]  }
0x29: {  	s4 =	sld [smem:$0x3FA6]  }
0x2a: {  	p0 =	seq.s32 s5, $0x0;
	s5 =	sld [smem:$0x3FA7]  }
0x2b: {  	s6 =	sld [smem:$0x3FA8]  }
0x2c: {  	s7 =	sld [smem:$0x3FA9]  }
0x2d: {  	s3 =	simm.s32 $0x108;
	s8 =	sld [smem:$0x3FAA]  }
0x2e: {  	s3 =	simm.s32 @!p0 $0x1082;
	s9 =	sld [smem:$0x3FAB]  }
0x2f: {  	lr =	sadd.s32 s0, s3;
	s0 =	sld [smem:$0x3FA2]  }
0x30: {  	s3 =	sld [smem:$0x3FA5]  }
0x31: {  	[smem:$0x3FAE] =	sst s10  }
0x32: {  	s10 =	sld [smem:$0x3FAC];
	_ =	sdelay $0x3  }
0x33: {  	p0 =	seq.s32 s10, $0x1;
	s10 =	sld [smem:$0x3FAE];
	_ =	sdelay $0x3  }
0x34: {  	[smem:$0x3FAE] =	sst s10  }
0x35: {  	s10 =	sld [smem:$0x3FAD];
	_ =	sdelay $0x3  }
0x36: {  	p1 =	seq.s32 s10, $0x1;
	s10 =	sld [smem:$0x3FAE];
	_ =	sdelay $0x3  }
0x37: {  	[smem:$0x3FAE] =	sst s10  }
0x38: {  	s10 =	sld [smem:$0x3FAF]  }
0x39: {  	_ = 	snop;
	(pc) =	sbr.ind lr, $3  }
0x3a: {  	_ = 	snop  }
0x3b: {  	_ = 	snop  }
0x3c: {  	p2 =	seq.s32 s10, $0x1;
	s10 =	sld [smem:$0x3FAE]  }
0x3d: {  	_ =	shalt  }
0x3e: {  	_ =	shalt  }
0x3f: {  	_ =	shalt  }
0x40: {  	_ =	shalt  }
0x41: {  	_ =	shalt  }
0x42: {  	_ =	shalt  }
0x43: {  	_ =	shalt  }
0x44: {  	_ =	shalt  }
0x45: {  	_ =	shalt  }
0x46: {  	_ =	shalt  }
0x47: {  	_ =	shalt  }
0x48: {  	_ =	shalt  }
0x49: {  	_ =	shalt  }
0x4a: {  	_ =	shalt  }
0x4b: {  	_ =	shalt  }
0x4c: {  	_ =	shalt  }
0x4d: {  	_ =	shalt  }
0x4e: {  	_ =	shalt  }
0x4f: {  	_ =	shalt  }
0x50: {  	_ =	shalt  }
0x51: {  	_ =	shalt  }
0x52: {  	_ =	shalt  }
0x53: {  	_ =	shalt  }
0x54: {  	_ =	shalt  }
0x55: {  	_ =	shalt  }
0x56: {  	_ =	shalt  }
0x57: {  	_ =	shalt  }
0x58: {  	_ =	shalt  }
0x59: {  	_ =	shalt  }
0x5a: {  	_ =	shalt  }
0x5b: {  	_ =	shalt  }
0x5c: {  	_ =	shalt  }
0x5d: {  	_ =	shalt  }
0x5e: {  	_ =	shalt  }
0x5f: {  	_ =	shalt  }
0x60: {  	_ =	shalt  }
0x61: {  	_ =	shalt  }
0x62: {  	_ =	shalt  }
0x63: {  	_ =	shalt  }
0x64: {  	_ =	shalt  }
0x65: {  	_ =	shalt  }
0x66: {  	_ =	shalt  }
0x67: {  	_ =	shalt  }
0x68: {  	_ =	shalt  }
0x69: {  	_ =	shalt  }
0x6a: {  	_ =	shalt  }
0x6b: {  	_ =	shalt  }
0x6c: {  	_ =	shalt  }
0x6d: {  	_ =	shalt  }
0x6e: {  	_ =	shalt  }
0x6f: {  	_ =	shalt  }
0x70: {  	_ =	shalt  }
0x71: {  	_ =	shalt  }
0x72: {  	_ =	shalt  }
0x73: {  	_ =	shalt  }
0x74: {  	_ =	shalt  }
0x75: {  	_ =	shalt  }
0x76: {  	_ =	shalt  }
0x77: {  	_ =	shalt  }
0x78: {  	_ =	shalt  }
0x79: {  	_ =	shalt  }
0x7a: {  	_ =	shalt  }
0x7b: {  	_ =	shalt  }
0x7c: {  	_ =	shalt  }
0x7d: {  	_ =	shalt  }
0x7e: {  	_ =	shalt  }
0x7f: {  	_ =	shalt  }
0x80: {  	_ =	shalt  }
0x81: {  	_ =	shalt  }
0x82: {  	_ =	shalt  }
0x83: {  	_ =	shalt  }
0x84: {  	_ =	shalt  }
0x85: {  	_ =	shalt  }
0x86: {  	_ =	shalt  }
0x87: {  	_ =	shalt  }
.Lfunc_end0:
.L_simem_size_0:
called_computation_lowered:
.L_overlay_start_0:
0x88: {  	s2 =	sld [smem:$0x3FD9]  }
0x89: {  	s3 =	sld [smem:$0x3FFE];
	_ =	sdelay $0x1  }
0x8a: {  	s1 =	srdreg.scid  }
0x8b: {  	s0 =	sand.u32 $0x1, s1  }
0x8c: {  	s17 =	sshll.u32 s0, $0xA;
	s2 =	sadd.s32 s3, s2  }
0x8d: {  	s2 =	sadd.s32 s2, s17  }
0x8e: {  	[smem:$0x3FBA] =	sst s2  }
0x8f: {  	_ = 	snop  }
0x90: {  	s2 =	sld [smem:$0x3FC9]  }
0x91: {  	s18 =	sld [smem:$0x3FD0];
	(tm) =	ssettm $0x1  }
0x92: {  	s4 =	sld [smem:$0x3FFB];
	_ =	sdelay $0x3  }
0x93: {  	_ =	strace s4  }
0x94: {  	s4 =	sld [smem:$0x3FFC];
	_ =	sdelay $0x3  }
0x95: {  	_ =	strace s4  }
0x96: {  	s4 =	sld [smem:$0x3FFD];
	_ =	sdelay $0x3  }
0x97: {  	_ =	strace s4  }
0x98: {  	_ =	strace $0x8FFFFFFF  }
0x99: {  	s19 =	sld [smem:$0x3FDB];
	_ =	sdelay $0x1  }
0x9a: {  	s5 =	simm.s32 $_scs_section_size  }
0x9b: {  	s6 =	simm.s32 $_size__tile_overlayer_lowered;
	s7 =	simm.s32 $_tile_overlayer_lowered  }
0x9c: {  	s22 =	simm.s32 $0x1BFF;
	s21 =	sshll.u32 s7, $0x1;
	s4 =	sadd.s32 s5, s19  }
0x9d: {  	s8 =	simm.s32 $0x0;
	s20 =	sshll.u32 s6, $0x1;
	s6 =	sadd.s32 s21, s4  }
0x9e: {  	[timem:s8], [sflag:s22] =	dma.local [hbm:s6], s20  }
0x9f: {  	_ =	swait.ge [sflag:s22], s20  }
0xa0: {  	s5 =	ssub.s32 $0x0, s20;
	[sflag:s22] =	ssyncset.done $0x0  }
0xa1: {  	[sflag:s22] =	ssyncadd.s32 s5;
	_ =	sdelay $0x1  }
0xa2: {  	s23 =	simm.s32 $0x1B8B  }
0xa3: {  	_ =	swait.ge [sflag:s23], $0x1  }
0xa4: {  	[sflag:s23] =	ssyncset.done $0x0  }
0xa5: {  	s25 =	simm.s32 $0x1B8E;
	s24 =	sld [smem:$0x3FFE];
	[sflag:s23] =	ssyncadd.s32 $0xFFFFFFFF  }
0xa6: {  	s26 =	simm.s32 $execute0_lowered;
	[smem:$0x3FD2] =	sst s25  }
0xa7: {  	s6 =	sshll.u32 s26, $0x1;
	_ =	strace $0x80000046;
	[dreg:$0x1] =	wrdreg $0xFFFFFFFF  }
0xa8: {  	s28 =	simm.s32 $_size_execute0_lowered;
	s4 =	sadd.s32 s4, s6;
	[dreg:$0x0] =	wrdreg $0x0  }
0xa9: {  	s6 =	sshll.u32 s28, $0x1;
	[dreg:$0x2] =	wrdreg s4  }
0xaa: {  	[dreg:$0x3] =	wrdreg s6  }
0xab: {  	[dreg:$0x4] =	wrdreg $0xC0  }
0xac: {  	_ =	task [dreg:s8], $0x5FFFF  }
0xad: {  	[dreg:$0x1] =	wrdreg $0xFFFFFFFF  }
0xae: {  	[dreg:$0x0] =	wrdreg $0x60  }
0xaf: {  	[dreg:$0x2] =	wrdreg s2  }
0xb0: {  	[dreg:$0x3] =	wrdreg s24  }
0xb1: {  	[dreg:$0x4] =	wrdreg s18  }
0xb2: {  	[dreg:$0x5] =	wrdreg $0xB9800  }
0xb3: {  	[dreg:$0x6] =	wrdreg $0x9  }
0xb4: {  	_ =	task.clear_ibuf [dreg:s8], $0x7FFFF;
	_ =	strace $0x90000046  }
0xb5: {  	s29 =	simm.s32 $0x9;
	_ =	strace $0x80000048  }
0xb6: {  	_ =	swait.ge [sflag:s29], $0x1  }
0xb7: {  	[sflag:s29] =	ssyncadd.s32 $0xFFFFFFFF  }
0xb8: {  	_ =	strace $0x90000048  }
0xb9: {  	_ =	sfence  }
0xba: {  	s30 =	sld [smem:$0x0];
	_ =	sdelay $0x2  }
0xbb: {  	s31 =	sshll.u32 s1, $0xD;
	s1 =	sshrl.u32 s1, $0x2  }
0xbc: {  	s3 =	sand.u32 $0x4000, s31;
	s1 =	sadd.s32 s1, s30  }
0xbd: {  	s0 =	sor.u32 s3, s0;
	s1 =	sshll.u32 s1, $0x11  }
0xbe: {  	s0 =	sor.u32 s1, s0  }
0xbf: {  	s0 =	sadd.s32 $0x8F2B, s0  }
0xc0: {  	[sflag:s0] =	ssyncadd.remote.s32 $0x1  }
0xc1: {  	_ =	sfence.sel $0xFFFF  }
0xc2: {  	[dreg:$0x0] =	wrdreg $0xFFFFFFFF;
	(pc) =	sbr.abs _section_cstart, $3  }
0xc3: {  	[dreg:$0x1] =	wrdreg $0xFFFFFFFF  }
0xc4: {  	_ =	task.clear_ibuf [dreg:s8], $0x2FFFF;
	_ =	strace $0x9FFFFFFF  }
0xc5: {  	(tm) =	ssettm $0x7FFFFFFF  }
tec
execute0_lowered:
.L_overlay_start_1:
0x0: {  	(tag) =	ssettag $0x1  }
0x1: {  	s1 =	rddreg [dreg:$0x0]  }
0x2: {  	s0 =	rddreg [dreg:$0x1]  }
0x3: {  	s2 =	srdreg.scid;
	s12 =	stileid.u32  }
0x4: {  	s4 =	rddreg [dreg:$0x3];
	s5 =	simm.s32 $0x0;
	s28 =	simm.s32 $0x7180  }
0x5: {  	s29 =	simm.s32 $0x2880;
	s30 =	simm.s32 $0x9580;
	s31 =	simm.s32 $0x2900  }
0x6: {  	s2 =	sand.u32 $0x1, s2;
	s3 =	sshll.u32 s12, $0x1;
	s8 =	smul.u32 $0x13C00, s12  }
0x7: {  	s6 =	sshrl.u32 s12, $0x2;
	[smem:$0x7FF] =	sst s5;
	s15 =	smul.u32 $0x4F000, s12  }
0x8: {  	s25 =	sshll.u32 s12, $0x6;
	s3 =	sor.u32 s2, s3;
	s6 =	smul.u32 $0x13C00, s6  }
0x9: {  	_ =	strace $0x80000047;
	s9 =	smul.u32 $0x13C000, s2;
	s2 =	ssub.s32 $0x2, s2  }
0xa: {  	s7 =	sshll.u32 s3, $0x7;
	s11 =	sshrl.u32 s8, $0x3;
	s14 =	sshrl.u32 s2, $0x1  }
0xb: {  	s18 =	sshrl.u32 s15, $0x2;
	s7 =	sand.u32 $0x380, s7;
	s11 =	sadd.s32 s11, s0  }
0xc: {  	s8 =	sadd.s32 s8, s9;
	s2 =	ssub.s32 s2, s14;
	s19 =	sadd.s32 s18, s4  }
0xd: {  	s18 =	simm.s32 $0x9;
	s9 =	simm.s32 $0x0;
	s6 =	sor.u32 s6, s7  }
0xe: {  	s7 =	smul.u32 $0x4800, s3;
	s13 =	sshrl.u32 s8, $0x3;
	s20 =	sadd.s32 $0x22800, s11  }
0xf: {  	s24 =	smax.u32 s2, $0x1;
	s11 =	sor.u32 $0x1C09, s25;
	[dreg:$0x7] =	wrdreg s20  }
0x10: {  	s12 =	sshrl.u32 s19, $0x3;
	s2 =	simm.s32 $0x5;
	[dreg:$0xc] =	wrdreg s24  }
0x11: {  	s3 =	simm.s32 $0x7;
	s6 =	sshrl.u32 s6, $0x3;
	[dreg:$0xd] =	wrdreg s11  }
0x12: {  	s24 =	simm.s32 $0x4;
	[dreg:$0xe] =	wrdreg s12;
	s10 =	sadd.s32 s6, s0  }
0x13: {  	s6 =	sadd.s32 $0x10800, s0;
	s0 =	sadd.s32 s13, s0;
	s17 =	sadd.s32 $0x6A00, s10  }
0x14: {  	s16 =	sshrl.u32 s7, $0x3;
	s23 =	sadd.s32 $0x4A000, s0;
	[dreg:$0x5] =	wrdreg s17  }
0x15: {  	s26 =	sadd.s32 s6, s16;
	s0 =	sadd.s32 $0x99000, s0;
	[dreg:$0xa] =	wrdreg s23  }
0x16: {  	s16 =	simm.s32 $0x3;
	s21 =	sadd.s32 $0x10, s26;
	[dreg:$0xb] =	wrdreg s0  }
0x17: {  	s22 =	sadd.s32 $0x20, s26;
	s23 =	simm.s32 $0x2780;
	[dreg:$0x6] =	wrdreg s26  }
0x18: {  	s0 =	simm.s32 $0x1;
	s17 =	simm.s32 $0x8;
	[dreg:$0x8] =	wrdreg s21  }
0x19: {  	[dreg:$0x9] =	wrdreg s22;
	s21 =	simm.s32 $0x48;
	s22 =	simm.s32 $0x2980  }
.LBB2_1:
0x1a: {  	[dreg:$0xf] =	wrdreg s9  }
0x1b: {  	s8 =	rddreg [dreg:$0x5];
	s20 =	simm.s32 $0x80;
	s10 =	simm.s32 $0x400  }
0x1c: {  	[tilespmem:s5], [sflag:$0x9] =	stream.strided.gather [hbm4b:s8+s20], $0x2780, s10, s20, $0x38;
	[tilespmem:$0x1F580] =	vst v63  }
0x1d: {  	_ =	swait.ge [sflag:s18], $0x2780  }
0x1e: {  	[sflag:s18] =	ssyncset.done $0x0  }
0x1f: {  	s25 =	rddreg [dreg:$0x7];
	[sflag:s18] =	ssyncadd.s32 $0xFFFFD880  }
0x20: {  	[spmem:s12], [sflag:s11] =	dma.local [hbm:s25], $0x2780  }
0x21: {  	_ =	swait.ge [sflag:s18], $0x2780  }
0x22: {  	[sflag:s18] =	ssyncset.done $0x0  }
0x23: {  	[sflag:s18] =	ssyncadd.s32 $0xFFFFD880  }
0x24: {  	[bflag:$0x0] =	sbarrier.arrive $0xFFFF  }
0x25: {  	[tilespmem:s22], [sflag:$0x1] =	stream.indirect.gather [hbm4b:s1+s21], $0x80, s5, s21, $0xb8;
	[tilespmem:$0x1F580] =	vst v63  }
0x26: {  	_ = 	snop  }
0x27: {  	[tilespmem:s23], [sflag:$0x5] =	stream.linear.gather [hbm4b:s26+s5], $0x80, $0x38;
	[tilespmem:$0x1F580] =	vst v63  }
0x28: {  	s9 =	simm.s32 $0x4D80;
	s14 =	sand.u32 $0x7C00, s5  }
0x29: {  	[tilespmem:s9], [sflag:$0x2] =	stream.indirect.gather [hbm4b:s1+s21], $0x80, s21, s21, $0xb8;
	[tilespmem:$0x1F580] =	vst v63  }
0x2a: {  	s15 =	simm.s32 $0x180;
	s11 =	simm.s32 $0x2800;
	s10 =	rddreg [dreg:$0x8]  }
0x2b: {  	[tilespmem:s11], [sflag:$0x6] =	stream.linear.gather [hbm4b:s10+s5], $0x80, $0x38;
	[tilespmem:$0x1F580] =	vst v63  }
0x2c: {  	s8 =	sadd.s32 s7, s14;
	s12 =	simm.s32 $0x90;
	s10 =	sand.u32 $0x380, s15  }
0x2d: {  	[tilespmem:s28], [sflag:$0x3] =	stream.indirect.gather [hbm4b:s1+s21], $0x80, s12, s21, $0xb8;
	[tilespmem:$0x1F580] =	vst v63  }
0x2e: {  	s13 =	rddreg [dreg:$0x9];
	s8 =	sor.u32 s8, s10  }
0x2f: {  	[tilespmem:s29], [sflag:$0x7] =	stream.linear.gather [hbm4b:s13+s5], $0x80, $0x38;
	[tilespmem:$0x1F580] =	vst v63  }
0x30: {  	s19 =	simm.s32 $0xD8;
	s8 =	sshrl.u32 s8, $0x3  }
0x31: {  	[tilespmem:s30], [sflag:$0x4] =	stream.indirect.gather [hbm4b:s1+s21], $0x80, s19, s21, $0xb8;
	[tilespmem:$0x1F580] =	vst v63  }
0x32: {  	s8 =	sadd.s32 s6, s8  }
0x33: {  	[tilespmem:s31], [sflag:$0x8] =	stream.linear.gather [hbm4b:s8+s5], $0x80, $0x38;
	[tilespmem:$0x1F580] =	vst v63  }
0x34: {  	_ =	swait.ge [sflag:s2], $0x80  }
0x35: {  	[sflag:s2] =	ssyncset.done $0x0  }
0x36: {  	[sflag:s2] =	ssyncadd.s32 $0xFFFFFF80  }
0x37: {  	_ =	swait.ge [sflag:s0], $0x2400  }
0x38: {  	[sflag:s0] =	ssyncset.done $0x0  }
0x39: {  	[sflag:s0] =	ssyncadd.s32 $0xFFFFDC00  }
0x3a: {  	[spmem:s4] =	stream.indirect.scatter.add.f32 [tilespmem:s22], [sflag:$0x9], $0x80, s23, s21, $0xb8;
	[tilespmem:$0x1F580] =	vst v63  }
0x3b: {  	_ =	swait.ge [sflag:s18], $0x2400  }
0x3c: {  	p0 =	por $0x0, $0x0;
	[sflag:s18] =	ssyncset.done $0x0  }
0x3d: {  	s8 =	simm.s32 @p0 $0x6;
	[sflag:s18] =	ssyncadd.s32 $0xFFFFDC00  }
0x3e: {  	_ =	swait.ge @p0 [sflag:s8], $0x80  }
0x3f: {  	s14 =	simm.s32 @p0 $0x9;
	s10 =	simm.s32 @!p0 $0x200;
	[sflag:s8] =	ssyncset.done @p0 $0x0  }
0x40: {  	s13 =	sand.u32 @!p0 $0xFC00, s10;
	[sflag:s8] =	ssyncadd.s32 @p0 $0xFFFFFF80;
	s8 =	simm.s32 @p0 $0x2  }
0x41: {  	s10 =	sand.u32 @!p0 $0x200, s10;
	s13 =	sadd.s32 @!p0 s7, s13;
	_ =	swait.ge @p0 [sflag:s8], $0x2400  }
0x42: {  	s15 =	simm.s32 @p0 $0x2800;
	s10 =	sor.u32 @!p0 s10, s13;
	[sflag:s8] =	ssyncset.done @p0 $0x0  }
0x43: {  	s13 =	simm.s32 @p0 $0x4D80;
	[sflag:s8] =	ssyncadd.s32 @p0 $0xFFFFDC00;
	s8 =	simm.s32 @p0 $0x48  }
0x44: {  	[spmem:s4] =	stream.indirect.scatter.add.f32 @p0 [tilespmem:s13], [sflag:$0x9], $0x80, s15, s8, $0xb8;
	[tilespmem:$0x1F580] =	vst v63  }
0x45: {  	s8 =	sshrl.u32 @!p0 s10, $0x3;
	_ =	swait.ge @p0 [sflag:s14], $0x2400  }
0x46: {  	s10 =	simm.s32 @!p0 $0x2980;
	s13 =	simm.s32 @!p0 $0x120;
	[sflag:s14] =	ssyncset.done @p0 $0x0  }
0x47: {  	s15 =	simm.s32 @!p0 $0x6;
	[sflag:s14] =	ssyncadd.s32 @p0 $0xFFFFDC00;
	s14 =	simm.s32 @!p0 $0x48  }
0x48: {  	[tilespmem:s10], [sflag:$0x1] =	stream.indirect.gather @!p0 [hbm4b:s1+s14], $0x80, s13, s14, $0xb8;
	[tilespmem:$0x1F580] =	vst v63  }
0x49: {  	s8 =	sadd.s32 @!p0 s6, s8;
	s10 =	simm.s32 @!p0 $0x0;
	s13 =	simm.s32 @!p0 $0x2780  }
0x4a: {  	[tilespmem:s13], [sflag:$0x5] =	stream.linear.gather @!p0 [hbm4b:s8+s10], $0x80, $0x38;
	[tilespmem:$0x1F580] =	vst v63  }
0x4b: {  	_ =	swait.ge @!p0 [sflag:s15], $0x80  }
0x4c: {  	[sflag:s15] =	ssyncset.done @!p0 $0x0  }
0x4d: {  	s8 =	simm.s32 @!p0 $0x2;
	[sflag:s15] =	ssyncadd.s32 @!p0 $0xFFFFFF80  }
0x4e: {  	_ =	swait.ge @!p0 [sflag:s8], $0x2400  }
0x4f: {  	s13 =	simm.s32 @!p0 $0x9;
	[sflag:s8] =	ssyncset.done @!p0 $0x0  }
0x50: {  	s15 =	simm.s32 @!p0 $0x4D80;
	[sflag:s8] =	ssyncadd.s32 @!p0 $0xFFFFDC00;
	s8 =	simm.s32 @!p0 $0x2800  }
0x51: {  	[spmem:s4] =	stream.indirect.scatter.add.f32 @!p0 [tilespmem:s15], [sflag:$0x9], $0x80, s8, s14, $0xb8;
	[tilespmem:$0x1F580] =	vst v63  }
0x52: {  	_ =	swait.ge @!p0 [sflag:s13], $0x2400  }
0x53: {  	[sflag:s13] =	ssyncset.done @!p0 $0x0  }
0x54: {  	[sflag:s13] =	ssyncadd.s32 @!p0 $0xFFFFDC00;
	s13 =	simm.s32 @!p0 $0x168  }
0x55: {  	[tilespmem:s15], [sflag:$0x2] =	stream.indirect.gather @!p0 [hbm4b:s1+s14], $0x80, s13, s14, $0xb8;
	[tilespmem:$0x1F580] =	vst v63  }
0x56: {  	s13 =	simm.s32 @!p0 $0x280  }
0x57: {  	s15 =	sand.u32 @!p0 $0xFC00, s13  }
0x58: {  	s13 =	sand.u32 @!p0 $0x280, s13;
	s15 =	sadd.s32 @!p0 s7, s15  }
0x59: {  	s13 =	sor.u32 @!p0 s13, s15  }
0x5a: {  	s13 =	sshrl.u32 @!p0 s13, $0x3  }
0x5b: {  	s13 =	sadd.s32 @!p0 s6, s13  }
0x5c: {  	[tilespmem:s8], [sflag:$0x6] =	stream.linear.gather @!p0 [hbm4b:s13+s10], $0x80, $0x38;
	[tilespmem:$0x1F580] =	vst v63  }
0x5d: {  	_ =	swait.ge [sflag:s3], $0x80  }
0x5e: {  	[sflag:s3] =	ssyncset.done $0x0  }
0x5f: {  	[sflag:s3] =	ssyncadd.s32 $0xFFFFFF80  }
0x60: {  	_ =	swait.ge [sflag:s16], $0x2400  }
0x61: {  	s8 =	simm.s32 @!p0 $0x300;
	[sflag:s16] =	ssyncset.done $0x0  }
0x62: {  	s13 =	sand.u32 @!p0 $0xFC00, s8;
	[sflag:s16] =	ssyncadd.s32 $0xFFFFDC00  }
0x63: {  	[spmem:s4] =	stream.indirect.scatter.add.f32 [tilespmem:s28], [sflag:$0x9], $0x80, s29, s21, $0xb8;
	[tilespmem:$0x1F580] =	vst v63  }
0x64: {  	s8 =	sand.u32 @!p0 $0x300, s8;
	s13 =	sadd.s32 @!p0 s7, s13;
	_ =	swait.ge [sflag:s18], $0x2400  }
0x65: {  	s15 =	simm.s32 @!p0 $0x7180;
	s8 =	sor.u32 @!p0 s8, s13;
	[sflag:s18] =	ssyncset.done $0x0  }
0x66: {  	s13 =	simm.s32 @!p0 $0x1B0;
	s8 =	sshrl.u32 @!p0 s8, $0x3;
	[sflag:s18] =	ssyncadd.s32 $0xFFFFDC00  }
0x67: {  	[tilespmem:s15], [sflag:$0x3] =	stream.indirect.gather @!p0 [hbm4b:s1+s14], $0x80, s13, s14, $0xb8;
	[tilespmem:$0x1F580] =	vst v63  }
0x68: {  	s8 =	sadd.s32 @!p0 s6, s8;
	s13 =	simm.s32 @!p0 $0x2880  }
0x69: {  	[tilespmem:s13], [sflag:$0x7] =	stream.linear.gather @!p0 [hbm4b:s8+s10], $0x80, $0x38;
	[tilespmem:$0x1F580] =	vst v63  }
0x6a: {  	_ =	swait.ge [sflag:s17], $0x80  }
0x6b: {  	s25 =	simm.s32 $0x380;
	[sflag:s17] =	ssyncset.done $0x0  }
0x6c: {  	s14 =	simm.s32 $0x400;
	s13 =	simm.s32 $0x200;
	[sflag:s17] =	ssyncadd.s32 $0xFFFFFF80  }
0x6d: {  	s15 =	sand.u32 $0x380, s25;
	s20 =	sand.u32 $0x7C00, s13;
	_ =	swait.ge [sflag:s24], $0x2400  }
0x6e: {  	s8 =	simm.s32 $0x1F8;
	s10 =	sadd.s32 s7, s20;
	[sflag:s24] =	ssyncset.done $0x0  }
.LBB2_2:
0x6f: {  	s10 =	sor.u32 s10, s15  }
0x70: {  	[sflag:s24] =	ssyncadd.s32 $0xFFFFDC00;
	s25 =	smov.u32 s14;
	s14 =	sadd.s32 $0x200, s14  }
0x71: {  	[spmem:s4] =	stream.indirect.scatter.add.f32 [tilespmem:s30], [sflag:$0x9], $0x80, s31, s21, $0xb8;
	[tilespmem:$0x1F580] =	vst v63  }
0x72: {  	p0 =	sne.s32 s14, $0x4600;
	s10 =	sshrl.u32 s10, $0x3;
	_ =	swait.ge [sflag:s18], $0x2400  }
0x73: {  	[sflag:s18] =	ssyncset.done $0x0  }
0x74: {  	[sflag:s18] =	ssyncadd.s32 $0xFFFFDC00  }
0x75: {  	[tilespmem:s30], [sflag:$0x4] =	stream.indirect.gather [hbm4b:s1+s21], $0x80, s8, s21, $0xb8;
	[tilespmem:$0x1F580] =	vst v63  }
0x76: {  	s10 =	sadd.s32 s6, s10  }
0x77: {  	[tilespmem:s31], [sflag:$0x8] =	stream.linear.gather [hbm4b:s10+s5], $0x80, $0x38;
	[tilespmem:$0x1F580] =	vst v63  }
0x78: {  	_ =	swait.ge [sflag:s2], $0x80  }
0x79: {  	[sflag:s2] =	ssyncset.done $0x0  }
0x7a: {  	[sflag:s2] =	ssyncadd.s32 $0xFFFFFF80  }
0x7b: {  	_ =	swait.ge [sflag:s0], $0x2400  }
0x7c: {  	[sflag:s0] =	ssyncset.done $0x0  }
0x7d: {  	[sflag:s0] =	ssyncadd.s32 $0xFFFFDC00  }
0x7e: {  	[spmem:s4] =	stream.indirect.scatter.add.f32 [tilespmem:s22], [sflag:$0x9], $0x80, s23, s21, $0xb8;
	[tilespmem:$0x1F580] =	vst v63  }
0x7f: {  	_ =	swait.ge [sflag:s18], $0x2400  }
0x80: {  	p1 =	seq.s32 s13, $0x4400;
	[sflag:s18] =	ssyncset.done $0x0  }
0x81: {  	s15 =	sadd.s32 @!p1 $0x200, s13;
	s10 =	simm.s32 @p1 $0x6;
	[sflag:s18] =	ssyncadd.s32 $0xFFFFDC00  }
0x82: {  	s11 =	sand.u32 @!p1 $0xFC00, s15;
	s15 =	sand.u32 @!p1 $0x200, s15;
	_ =	swait.ge @p1 [sflag:s10], $0x80  }
0x83: {  	s12 =	sadd.s32 @!p1 $0x280, s13;
	s11 =	sadd.s32 @!p1 s7, s11;
	[sflag:s10] =	ssyncset.done @p1 $0x0  }
0x84: {  	s9 =	sand.u32 @!p1 $0xFC00, s12;
	[sflag:s10] =	ssyncadd.s32 @p1 $0xFFFFFF80;
	s10 =	simm.s32 @p1 $0x2  }
0x85: {  	s12 =	sand.u32 @!p1 $0x280, s12;
	s11 =	sor.u32 @!p1 s15, s11;
	_ =	swait.ge @p1 [sflag:s10], $0x2400  }
0x86: {  	s19 =	simm.s32 @p1 $0x9;
	s15 =	simm.s32 @p1 $0x4D80;
	[sflag:s10] =	ssyncset.done @p1 $0x0  }
0x87: {  	s20 =	simm.s32 @p1 $0x2800;
	[sflag:s10] =	ssyncadd.s32 @p1 $0xFFFFDC00;
	s10 =	simm.s32 @p1 $0x48  }
0x88: {  	[spmem:s4] =	stream.indirect.scatter.add.f32 @p1 [tilespmem:s15], [sflag:$0x9], $0x80, s20, s10, $0xb8;
	[tilespmem:$0x1F580] =	vst v63  }
0x89: {  	s9 =	sadd.s32 @!p1 s7, s9;
	s10 =	sshrl.u32 @!p1 s11, $0x3;
	_ =	swait.ge @p1 [sflag:s19], $0x2400  }
0x8a: {  	s11 =	simm.s32 @!p1 $0x2980;
	s20 =	sadd.s32 @!p1 s6, s10;
	[sflag:s19] =	ssyncset.done @p1 $0x0  }
0x8b: {  	s15 =	simm.s32 @!p1 $0x48;
	s10 =	sadd.s32 @!p1 $0x48, s8;
	[sflag:s19] =	ssyncadd.s32 @p1 $0xFFFFDC00  }
0x8c: {  	[tilespmem:s11], [sflag:$0x1] =	stream.indirect.gather @!p1 [hbm4b:s1+s15], $0x80, s10, s15, $0xb8;
	[tilespmem:$0x1F580] =	vst v63  }
0x8d: {  	s19 =	simm.s32 @!p1 $0x6;
	s10 =	simm.s32 @!p1 $0x0;
	s11 =	simm.s32 @!p1 $0x2780  }
0x8e: {  	[tilespmem:s11], [sflag:$0x5] =	stream.linear.gather @!p1 [hbm4b:s20+s10], $0x80, $0x38;
	[tilespmem:$0x1F580] =	vst v63  }
0x8f: {  	s9 =	sor.u32 @!p1 s12, s9;
	s11 =	sadd.s32 @!p1 $0x300, s13;
	_ =	swait.ge @!p1 [sflag:s19], $0x80  }
0x90: {  	s9 =	sshrl.u32 @!p1 s9, $0x3;
	s12 =	sand.u32 @!p1 $0xFC00, s11;
	[sflag:s19] =	ssyncset.done @!p1 $0x0  }
0x91: {  	s9 =	sadd.s32 @!p1 s6, s9;
	s13 =	simm.s32 @!p1 $0x2;
	[sflag:s19] =	ssyncadd.s32 @!p1 $0xFFFFFF80  }
0x92: {  	s11 =	sand.u32 @!p1 $0x300, s11;
	s12 =	sadd.s32 @!p1 s7, s12;
	_ =	swait.ge @!p1 [sflag:s13], $0x2400  }
0x93: {  	s19 =	simm.s32 @!p1 $0x9;
	s11 =	sor.u32 @!p1 s11, s12;
	[sflag:s13] =	ssyncset.done @!p1 $0x0  }
0x94: {  	s20 =	simm.s32 @!p1 $0x4D80;
	s12 =	simm.s32 @!p1 $0x2800;
	[sflag:s13] =	ssyncadd.s32 @!p1 $0xFFFFDC00  }
0x95: {  	[spmem:s4] =	stream.indirect.scatter.add.f32 @!p1 [tilespmem:s20], [sflag:$0x9], $0x80, s12, s15, $0xb8;
	[tilespmem:$0x1F580] =	vst v63  }
0x96: {  	s11 =	sshrl.u32 @!p1 s11, $0x3;
	s13 =	smov.u32 s25;
	_ =	swait.ge @!p1 [sflag:s19], $0x2400  }
0x97: {  	s11 =	sadd.s32 @!p1 s6, s11;
	[sflag:s19] =	ssyncset.done @!p1 $0x0  }
0x98: {  	[sflag:s19] =	ssyncadd.s32 @!p1 $0xFFFFDC00;
	s19 =	sadd.s32 @!p1 $0x90, s8  }
0x99: {  	[tilespmem:s20], [sflag:$0x2] =	stream.indirect.gather @!p1 [hbm4b:s1+s15], $0x80, s19, s15, $0xb8;
	[tilespmem:$0x1F580] =	vst v63  }
0x9a: {  	_ = 	snop  }
0x9b: {  	[tilespmem:s12], [sflag:$0x6] =	stream.linear.gather @!p1 [hbm4b:s9+s10], $0x80, $0x38;
	[tilespmem:$0x1F580] =	vst v63  }
0x9c: {  	_ =	swait.ge [sflag:s3], $0x80  }
0x9d: {  	[sflag:s3] =	ssyncset.done $0x0  }
0x9e: {  	[sflag:s3] =	ssyncadd.s32 $0xFFFFFF80  }
0x9f: {  	_ =	swait.ge [sflag:s16], $0x2400  }
0xa0: {  	[sflag:s16] =	ssyncset.done $0x0  }
0xa1: {  	[sflag:s16] =	ssyncadd.s32 $0xFFFFDC00  }
0xa2: {  	[spmem:s4] =	stream.indirect.scatter.add.f32 [tilespmem:s28], [sflag:$0x9], $0x80, s29, s21, $0xb8;
	[tilespmem:$0x1F580] =	vst v63  }
0xa3: {  	_ =	swait.ge [sflag:s18], $0x2400  }
0xa4: {  	[sflag:s18] =	ssyncset.done $0x0  }
0xa5: {  	s9 =	sadd.s32 @!p1 $0xD8, s8;
	s12 =	simm.s32 @!p1 $0x7180;
	[sflag:s18] =	ssyncadd.s32 $0xFFFFDC00  }
0xa6: {  	[tilespmem:s12], [sflag:$0x3] =	stream.indirect.gather @!p1 [hbm4b:s1+s15], $0x80, s9, s15, $0xb8;
	[tilespmem:$0x1F580] =	vst v63  }
0xa7: {  	s9 =	simm.s32 @!p1 $0x2880  }
0xa8: {  	[tilespmem:s9], [sflag:$0x7] =	stream.linear.gather @!p1 [hbm4b:s11+s10], $0x80, $0x38;
	[tilespmem:$0x1F580] =	vst v63  }
.Ltmp0:
0xa9: {  	_ =	swait.ge [sflag:s17], $0x80;
	(pc) =	sbr.rel @p0 .LBB2_2-.Ltmp0, $4  }
0xaa: {  	[sflag:s17] =	ssyncset.done $0x0  }
0xab: {  	s8 =	sadd.s32 $0x120, s8;
	[sflag:s17] =	ssyncadd.s32 $0xFFFFFF80  }
0xac: {  	s9 =	sand.u32 $0x7C00, s13;
	s11 =	sadd.s32 $0x180, s13;
	_ =	swait.ge [sflag:s24], $0x2400  }
0xad: {  	s10 =	sadd.s32 s7, s9;
	s15 =	sand.u32 $0x380, s11;
	[sflag:s24] =	ssyncset.done $0x0  }
0xae: {  	[sflag:s24] =	ssyncadd.s32 $0xFFFFDC00  }
0xaf: {  	[spmem:s4] =	stream.indirect.scatter.add.f32 [tilespmem:s30], [sflag:$0x9], $0x80, s31, s21, $0xb8;
	[tilespmem:$0x1F580] =	vst v63  }
0xb0: {  	_ =	swait.ge [sflag:s18], $0x2400  }
0xb1: {  	s9 =	sor.u32 s10, s15;
	[sflag:s18] =	ssyncset.done $0x0  }
0xb2: {  	s9 =	sshrl.u32 s9, $0x3;
	[sflag:s18] =	ssyncadd.s32 $0xFFFFDC00  }
0xb3: {  	[tilespmem:s30], [sflag:$0x4] =	stream.indirect.gather [hbm4b:s1+s21], $0x80, s8, s21, $0xb8;
	[tilespmem:$0x1F580] =	vst v63  }
0xb4: {  	s9 =	sadd.s32 s6, s9  }
0xb5: {  	[tilespmem:s31], [sflag:$0x8] =	stream.linear.gather [hbm4b:s9+s5], $0x80, $0x38;
	[tilespmem:$0x1F580] =	vst v63  }
0xb6: {  	_ =	swait.ge [sflag:s2], $0x80  }
0xb7: {  	[sflag:s2] =	ssyncset.done $0x0  }
0xb8: {  	[sflag:s2] =	ssyncadd.s32 $0xFFFFFF80  }
0xb9: {  	_ =	swait.ge [sflag:s0], $0x2400  }
0xba: {  	[sflag:s0] =	ssyncset.done $0x0  }
0xbb: {  	[sflag:s0] =	ssyncadd.s32 $0xFFFFDC00  }
0xbc: {  	[spmem:s4] =	stream.indirect.scatter.add.f32 [tilespmem:s22], [sflag:$0x9], $0x80, s23, s21, $0xb8;
	[tilespmem:$0x1F580] =	vst v63  }
0xbd: {  	_ =	swait.ge [sflag:s18], $0x2400  }
0xbe: {  	p0 =	seq.s32 s13, $0x4400;
	[sflag:s18] =	ssyncset.done $0x0  }
0xbf: {  	s9 =	simm.s32 @p0 $0x6;
	[sflag:s18] =	ssyncadd.s32 $0xFFFFDC00  }
0xc0: {  	_ =	swait.ge @p0 [sflag:s9], $0x80  }
0xc1: {  	s10 =	sadd.s32 @!p0 $0x200, s13;
	s12 =	simm.s32 @p0 $0x9;
	[sflag:s9] =	ssyncset.done @p0 $0x0  }
0xc2: {  	s11 =	sand.u32 @!p0 $0xFC00, s10;
	[sflag:s9] =	ssyncadd.s32 @p0 $0xFFFFFF80;
	s9 =	simm.s32 @p0 $0x2  }
0xc3: {  	s10 =	sand.u32 @!p0 $0x200, s10;
	s11 =	sadd.s32 @!p0 s7, s11;
	_ =	swait.ge @p0 [sflag:s9], $0x2400  }
0xc4: {  	s14 =	simm.s32 @p0 $0x2800;
	s10 =	sor.u32 @!p0 s10, s11;
	[sflag:s9] =	ssyncset.done @p0 $0x0  }
0xc5: {  	s11 =	simm.s32 @p0 $0x4D80;
	[sflag:s9] =	ssyncadd.s32 @p0 $0xFFFFDC00;
	s9 =	simm.s32 @p0 $0x48  }
0xc6: {  	[spmem:s4] =	stream.indirect.scatter.add.f32 @p0 [tilespmem:s11], [sflag:$0x9], $0x80, s14, s9, $0xb8;
	[tilespmem:$0x1F580] =	vst v63  }
0xc7: {  	s9 =	sshrl.u32 @!p0 s10, $0x3;
	_ =	swait.ge @p0 [sflag:s12], $0x2400  }
0xc8: {  	s10 =	simm.s32 @!p0 $0x2980;
	s11 =	sadd.s32 @!p0 $0x48, s8;
	[sflag:s12] =	ssyncset.done @p0 $0x0  }
0xc9: {  	s14 =	simm.s32 @!p0 $0x6;
	[sflag:s12] =	ssyncadd.s32 @p0 $0xFFFFDC00;
	s12 =	simm.s32 @!p0 $0x48  }
0xca: {  	[tilespmem:s10], [sflag:$0x1] =	stream.indirect.gather @!p0 [hbm4b:s1+s12], $0x80, s11, s12, $0xb8;
	[tilespmem:$0x1F580] =	vst v63  }
0xcb: {  	s9 =	sadd.s32 @!p0 s6, s9;
	s10 =	simm.s32 @!p0 $0x0;
	s11 =	simm.s32 @!p0 $0x2780  }
0xcc: {  	[tilespmem:s11], [sflag:$0x5] =	stream.linear.gather @!p0 [hbm4b:s9+s10], $0x80, $0x38;
	[tilespmem:$0x1F580] =	vst v63  }
0xcd: {  	_ =	swait.ge @!p0 [sflag:s14], $0x80  }
0xce: {  	[sflag:s14] =	ssyncset.done @!p0 $0x0  }
0xcf: {  	s9 =	simm.s32 @!p0 $0x2;
	[sflag:s14] =	ssyncadd.s32 @!p0 $0xFFFFFF80  }
0xd0: {  	_ =	swait.ge @!p0 [sflag:s9], $0x2400  }
0xd1: {  	s11 =	simm.s32 @!p0 $0x9;
	[sflag:s9] =	ssyncset.done @!p0 $0x0  }
0xd2: {  	s14 =	simm.s32 @!p0 $0x4D80;
	[sflag:s9] =	ssyncadd.s32 @!p0 $0xFFFFDC00;
	s9 =	simm.s32 @!p0 $0x2800  }
0xd3: {  	[spmem:s4] =	stream.indirect.scatter.add.f32 @!p0 [tilespmem:s14], [sflag:$0x9], $0x80, s9, s12, $0xb8;
	[tilespmem:$0x1F580] =	vst v63  }
0xd4: {  	_ =	swait.ge @!p0 [sflag:s11], $0x2400  }
0xd5: {  	[sflag:s11] =	ssyncset.done @!p0 $0x0  }
0xd6: {  	[sflag:s11] =	ssyncadd.s32 @!p0 $0xFFFFDC00;
	s11 =	sadd.s32 @!p0 $0x90, s8  }
0xd7: {  	[tilespmem:s14], [sflag:$0x2] =	stream.indirect.gather @!p0 [hbm4b:s1+s12], $0x80, s11, s12, $0xb8;
	[tilespmem:$0x1F580] =	vst v63  }
0xd8: {  	s11 =	sadd.s32 @!p0 $0x280, s13  }
0xd9: {  	s14 =	sand.u32 @!p0 $0xFC00, s11  }
0xda: {  	s11 =	sand.u32 @!p0 $0x280, s11;
	s14 =	sadd.s32 @!p0 s7, s14  }
0xdb: {  	s11 =	sor.u32 @!p0 s11, s14  }
0xdc: {  	s11 =	sshrl.u32 @!p0 s11, $0x3  }
0xdd: {  	s11 =	sadd.s32 @!p0 s6, s11  }
0xde: {  	[tilespmem:s9], [sflag:$0x6] =	stream.linear.gather @!p0 [hbm4b:s11+s10], $0x80, $0x38;
	[tilespmem:$0x1F580] =	vst v63  }
0xdf: {  	_ =	swait.ge [sflag:s3], $0x80  }
0xe0: {  	[sflag:s3] =	ssyncset.done $0x0  }
0xe1: {  	[sflag:s3] =	ssyncadd.s32 $0xFFFFFF80  }
0xe2: {  	_ =	swait.ge [sflag:s16], $0x2400  }
0xe3: {  	s9 =	sadd.s32 @!p0 $0x300, s13;
	[sflag:s16] =	ssyncset.done $0x0  }
0xe4: {  	s11 =	sand.u32 @!p0 $0xFC00, s9;
	[sflag:s16] =	ssyncadd.s32 $0xFFFFDC00  }
0xe5: {  	[spmem:s4] =	stream.indirect.scatter.add.f32 [tilespmem:s28], [sflag:$0x9], $0x80, s29, s21, $0xb8;
	[tilespmem:$0x1F580] =	vst v63  }
0xe6: {  	s9 =	sand.u32 @!p0 $0x300, s9;
	s11 =	sadd.s32 @!p0 s7, s11;
	_ =	swait.ge [sflag:s18], $0x2400  }
0xe7: {  	s8 =	sadd.s32 @!p0 $0xD8, s8;
	s9 =	sor.u32 @!p0 s9, s11;
	[sflag:s18] =	ssyncset.done $0x0  }
0xe8: {  	s11 =	simm.s32 @!p0 $0x7180;
	s9 =	sshrl.u32 @!p0 s9, $0x3;
	[sflag:s18] =	ssyncadd.s32 $0xFFFFDC00  }
0xe9: {  	[tilespmem:s11], [sflag:$0x3] =	stream.indirect.gather @!p0 [hbm4b:s1+s12], $0x80, s8, s12, $0xb8;
	[tilespmem:$0x1F580] =	vst v63  }
0xea: {  	s8 =	sadd.s32 @!p0 s6, s9;
	s9 =	simm.s32 @!p0 $0x2880  }
0xeb: {  	[tilespmem:s9], [sflag:$0x7] =	stream.linear.gather @!p0 [hbm4b:s8+s10], $0x80, $0x38;
	[tilespmem:$0x1F580] =	vst v63  }
0xec: {  	_ =	swait.ge [sflag:s17], $0x80  }
0xed: {  	[sflag:s17] =	ssyncset.done $0x0  }
0xee: {  	[sflag:s17] =	ssyncadd.s32 $0xFFFFFF80  }
0xef: {  	_ =	swait.ge [sflag:s24], $0x2400  }
0xf0: {  	[sflag:s24] =	ssyncset.done $0x0  }
0xf1: {  	[sflag:s24] =	ssyncadd.s32 $0xFFFFDC00  }
0xf2: {  	[spmem:s4] =	stream.indirect.scatter.add.f32 [tilespmem:s30], [sflag:$0x9], $0x80, s31, s21, $0xb8;
	[tilespmem:$0x1F580] =	vst v63  }
0xf3: {  	_ =	swait.ge [sflag:s18], $0x2400  }
0xf4: {  	[sflag:s18] =	ssyncset.done $0x0  }
0xf5: {  	[sflag:s18] =	ssyncadd.s32 $0xFFFFDC00  }
0xf6: {  	[bflag:$0x0] =	sbarrier.arrive $0xFFFF  }
0xf7: {  	s14 =	rddreg [dreg:$0xa]  }
0xf8: {  	s15 =	rddreg [dreg:$0xd]  }
0xf9: {  	s19 =	rddreg [dreg:$0xe]  }
0xfa: {  	[hbm:s14], [sflag:s15] =	dma.local [spmem:s19], $0x2780  }
0xfb: {  	_ =	swait.ge [sflag:s18], $0x2780  }
0xfc: {  	[sflag:s18] =	ssyncset.done $0x0  }
0xfd: {  	[sflag:s18] =	ssyncadd.s32 $0xFFFFD880  }
0xfe: {  	[bflag:$0x0] =	sbarrier.arrive $0xFFFF  }
0xff: {  	s20 =	simm.s32 $0x0;
	s25 =	rddreg [dreg:$0x2]  }
0x100: {  	[tilespmem:s22], [sflag:$0x9] =	stream.linear.gather [hbm4b:s25+s20], $0x2400, $0x38;
	[tilespmem:$0x1F580] =	vst v63  }
0x101: {  	_ =	swait.ge [sflag:s18], $0x2400  }
0x102: {  	[sflag:s18] =	ssyncset.done $0x0  }
0x103: {  	s12 =	rddreg [dreg:$0x7];
	[sflag:s18] =	ssyncadd.s32 $0xFFFFDC00  }
0x104: {  	[spmem:s19], [sflag:s15] =	dma.local [hbm:s12], $0x2780  }
0x105: {  	_ =	swait.ge [sflag:s18], $0x2780  }
0x106: {  	s19 =	sand.u32 $0x7C00, s20;
	[sflag:s18] =	ssyncset.done $0x0  }
0x107: {  	s8 =	sand.u32 $0x200, s20;
	s9 =	sadd.s32 s7, s19;
	[sflag:s18] =	ssyncadd.s32 $0xFFFFD880  }
0x108: {  	s8 =	sor.u32 s9, s8;
	[bflag:$0x0] =	sbarrier.arrive $0xFFFF  }
0x109: {  	[tilespmem:s23], [sflag:$0x5] =	stream.linear.gather [hbm4b:s26+s20], $0x80, $0x38;
	[tilespmem:$0x1F580] =	vst v63  }
0x10a: {  	s14 =	simm.s32 $0x2800;
	s8 =	sor.u32 $0x180, s8;
	s13 =	rddreg [dreg:$0x8]  }
0x10b: {  	[tilespmem:s14], [sflag:$0x6] =	stream.linear.gather [hbm4b:s13+s20], $0x80, $0x38;
	[tilespmem:$0x1F580] =	vst v63  }
0x10c: {  	s8 =	sshrl.u32 s8, $0x3;
	s15 =	rddreg [dreg:$0x9]  }
0x10d: {  	[tilespmem:s29], [sflag:$0x7] =	stream.linear.gather [hbm4b:s15+s20], $0x80, $0x38;
	[tilespmem:$0x1F580] =	vst v63  }
0x10e: {  	s8 =	sadd.s32 s6, s8  }
0x10f: {  	[tilespmem:s31], [sflag:$0x8] =	stream.linear.gather [hbm4b:s8+s5], $0x80, $0x38;
	[tilespmem:$0x1F580] =	vst v63  }
0x110: {  	_ =	swait.ge [sflag:s2], $0x80  }
0x111: {  	[sflag:s2] =	ssyncset.done $0x0  }
0x112: {  	[sflag:s2] =	ssyncadd.s32 $0xFFFFFF80  }
0x113: {  	[spmem:s4] =	stream.indirect.scatter.add.f32 [tilespmem:s22], [sflag:$0x9], $0x80, s23, s21, $0xb8;
	[tilespmem:$0x1F580] =	vst v63  }
0x114: {  	p0 =	por $0x0, $0x0;
	_ =	swait.ge [sflag:s18], $0x2400  }
0x115: {  	s10 =	simm.s32 @p0 $0x2800;
	[sflag:s18] =	ssyncset.done $0x0  }
0x116: {  	s11 =	simm.s32 @p0 $0x2980;
	s8 =	simm.s32 @p0 $0x6;
	[sflag:s18] =	ssyncadd.s32 $0xFFFFDC00  }
0x117: {  	s12 =	simm.s32 @p0 $0x48;
	s9 =	simm.s32 @!p0 $0x200;
	_ =	swait.ge @p0 [sflag:s8], $0x80  }
0x118: {  	s13 =	sand.u32 @!p0 $0x200, s9;
	s9 =	sand.u32 @!p0 $0xFC00, s9;
	[sflag:s8] =	ssyncset.done @p0 $0x0  }
0x119: {  	s9 =	sadd.s32 @!p0 s7, s9;
	[sflag:s8] =	ssyncadd.s32 @p0 $0xFFFFFF80;
	s8 =	simm.s32 @p0 $0x9  }
0x11a: {  	[spmem:s4] =	stream.indirect.scatter.add.f32 @p0 [tilespmem:s11], [sflag:$0x9], $0x80, s10, s12, $0xb8;
	[tilespmem:$0x1F580] =	vst v63  }
0x11b: {  	s14 =	simm.s32 @!p0 $0x0;
	s9 =	sor.u32 @!p0 s13, s9;
	_ =	swait.ge @p0 [sflag:s8], $0x2400  }
0x11c: {  	s9 =	sshrl.u32 @!p0 s9, $0x3;
	s10 =	simm.s32 @!p0 $0x6;
	[sflag:s8] =	ssyncset.done @p0 $0x0  }
0x11d: {  	s11 =	simm.s32 @!p0 $0x2780;
	[sflag:s8] =	ssyncadd.s32 @p0 $0xFFFFDC00;
	s8 =	sadd.s32 @!p0 s6, s9  }
0x11e: {  	[tilespmem:s11], [sflag:$0x5] =	stream.linear.gather @!p0 [hbm4b:s8+s14], $0x80, $0x38;
	[tilespmem:$0x1F580] =	vst v63  }
0x11f: {  	s12 =	simm.s32 @!p0 $0x2800;
	_ =	swait.ge @!p0 [sflag:s10], $0x80  }
0x120: {  	s8 =	simm.s32 @!p0 $0x280;
	s11 =	simm.s32 @!p0 $0x2980;
	[sflag:s10] =	ssyncset.done @!p0 $0x0  }
0x121: {  	s9 =	sand.u32 @!p0 $0xFC00, s8;
	[sflag:s10] =	ssyncadd.s32 @!p0 $0xFFFFFF80;
	s10 =	simm.s32 @!p0 $0x48  }
0x122: {  	[spmem:s4] =	stream.indirect.scatter.add.f32 @!p0 [tilespmem:s11], [sflag:$0x9], $0x80, s12, s10, $0xb8;
	[tilespmem:$0x1F580] =	vst v63  }
0x123: {  	s9 =	sadd.s32 @!p0 s7, s9;
	s10 =	sand.u32 @!p0 $0x280, s8;
	s11 =	simm.s32 @!p0 $0x9  }
0x124: {  	s13 =	simm.s32 $0x400;
	s9 =	sor.u32 @!p0 s10, s9;
	_ =	swait.ge @!p0 [sflag:s11], $0x2400  }
0x125: {  	s8 =	simm.s32 $0x200;
	s9 =	sshrl.u32 @!p0 s9, $0x3;
	[sflag:s11] =	ssyncset.done @!p0 $0x0  }
0x126: {  	s10 =	simm.s32 @!p0 $0x300;
	s9 =	sadd.s32 @!p0 s6, s9;
	[sflag:s11] =	ssyncadd.s32 @!p0 $0xFFFFDC00  }
0x127: {  	[tilespmem:s12], [sflag:$0x6] =	stream.linear.gather @!p0 [hbm4b:s9+s14], $0x80, $0x38;
	[tilespmem:$0x1F580] =	vst v63  }
0x128: {  	s20 =	sand.u32 $0x7C00, s8;
	s11 =	sand.u32 @!p0 $0xFC00, s10;
	_ =	swait.ge [sflag:s3], $0x80  }
0x129: {  	s9 =	sand.u32 @!p0 $0x300, s10;
	s10 =	sadd.s32 @!p0 s7, s11;
	[sflag:s3] =	ssyncset.done $0x0  }
0x12a: {  	s25 =	sand.u32 $0x200, s8;
	s9 =	sor.u32 @!p0 s9, s10;
	[sflag:s3] =	ssyncadd.s32 $0xFFFFFF80  }
0x12b: {  	[spmem:s4] =	stream.indirect.scatter.add.f32 [tilespmem:s22], [sflag:$0x9], $0x80, s29, s21, $0xb8;
	[tilespmem:$0x1F580] =	vst v63  }
0x12c: {  	s10 =	sadd.s32 s7, s20;
	s9 =	sshrl.u32 @!p0 s9, $0x3;
	_ =	swait.ge [sflag:s18], $0x2400  }
0x12d: {  	s26 =	sor.u32 s10, s25;
	s25 =	simm.s32 @!p0 $0x2880;
	[sflag:s18] =	ssyncset.done $0x0  }
0x12e: {  	s15 =	sadd.s32 @!p0 s6, s9;
	s10 =	sor.u32 $0x180, s26;
	[sflag:s18] =	ssyncadd.s32 $0xFFFFDC00  }
.LBB2_4:
0x12f: {  	[tilespmem:s25], [sflag:$0x7] =	stream.linear.gather @!p0 [hbm4b:s15+s14], $0x80, $0x38;
	[tilespmem:$0x1F580] =	vst v63  }
0x130: {  	s25 =	smov.u32 s13;
	s13 =	sadd.s32 $0x200, s13;
	_ =	swait.ge [sflag:s17], $0x80  }
0x131: {  	p1 =	sne.s32 s13, $0x4600;
	[sflag:s17] =	ssyncset.done $0x0  }
0x132: {  	[sflag:s17] =	ssyncadd.s32 $0xFFFFFF80  }
0x133: {  	[spmem:s4] =	stream.indirect.scatter.add.f32 [tilespmem:s22], [sflag:$0x9], $0x80, s31, s21, $0xb8;
	[tilespmem:$0x1F580] =	vst v63  }
0x134: {  	_ =	swait.ge [sflag:s18], $0x2400  }
0x135: {  	s9 =	sshrl.u32 s10, $0x3;
	[sflag:s18] =	ssyncset.done $0x0  }
0x136: {  	s9 =	sadd.s32 s6, s9;
	[sflag:s18] =	ssyncadd.s32 $0xFFFFDC00  }
0x137: {  	[tilespmem:s31], [sflag:$0x8] =	stream.linear.gather [hbm4b:s9+s5], $0x80, $0x38;
	[tilespmem:$0x1F580] =	vst v63  }
0x138: {  	_ =	swait.ge [sflag:s2], $0x80  }
0x139: {  	[sflag:s2] =	ssyncset.done $0x0  }
0x13a: {  	p0 =	seq.s32 s8, $0x4400;
	[sflag:s2] =	ssyncadd.s32 $0xFFFFFF80  }
0x13b: {  	s10 =	sadd.s32 @!p0 $0x200, s8;
	s11 =	sadd.s32 @!p0 $0x300, s8;
	s9 =	simm.s32 @p0 $0x6  }
0x13c: {  	[spmem:s4] =	stream.indirect.scatter.add.f32 [tilespmem:s22], [sflag:$0x9], $0x80, s23, s21, $0xb8;
	[tilespmem:$0x1F580] =	vst v63  }
0x13d: {  	s12 =	simm.s32 @p0 $0x2800;
	s15 =	simm.s32 @p0 $0x2980;
	_ =	swait.ge [sflag:s18], $0x2400  }
0x13e: {  	s19 =	simm.s32 @p0 $0x48;
	s14 =	sand.u32 @!p0 $0x200, s10;
	[sflag:s18] =	ssyncset.done $0x0  }
0x13f: {  	s20 =	simm.s32 @!p0 $0x6;
	s10 =	sand.u32 @!p0 $0xFC00, s10;
	[sflag:s18] =	ssyncadd.s32 $0xFFFFDC00  }
0x140: {  	s26 =	simm.s32 @!p0 $0x2780;
	s10 =	sadd.s32 @!p0 s7, s10;
	_ =	swait.ge @p0 [sflag:s9], $0x80  }
0x141: {  	s10 =	sor.u32 @!p0 s14, s10;
	s14 =	simm.s32 @!p0 $0x0;
	[sflag:s9] =	ssyncset.done @p0 $0x0  }
0x142: {  	s8 =	sadd.s32 @!p0 $0x280, s8;
	[sflag:s9] =	ssyncadd.s32 @p0 $0xFFFFFF80;
	s9 =	simm.s32 @p0 $0x9  }
0x143: {  	[spmem:s4] =	stream.indirect.scatter.add.f32 @p0 [tilespmem:s15], [sflag:$0x9], $0x80, s12, s19, $0xb8;
	[tilespmem:$0x1F580] =	vst v63  }
0x144: {  	s10 =	sshrl.u32 @!p0 s10, $0x3;
	s12 =	sand.u32 @!p0 $0xFC00, s8;
	_ =	swait.ge @p0 [sflag:s9], $0x2400  }
0x145: {  	s8 =	sand.u32 @!p0 $0x280, s8;
	s12 =	sadd.s32 @!p0 s7, s12;
	[sflag:s9] =	ssyncset.done @p0 $0x0  }
0x146: {  	s8 =	sor.u32 @!p0 s8, s12;
	[sflag:s9] =	ssyncadd.s32 @p0 $0xFFFFDC00;
	s9 =	sadd.s32 @!p0 s6, s10  }
0x147: {  	[tilespmem:s26], [sflag:$0x5] =	stream.linear.gather @!p0 [hbm4b:s9+s14], $0x80, $0x38;
	[tilespmem:$0x1F580] =	vst v63  }
0x148: {  	s8 =	sshrl.u32 @!p0 s8, $0x3;
	s9 =	simm.s32 @!p0 $0x9;
	_ =	swait.ge @!p0 [sflag:s20], $0x80  }
0x149: {  	s10 =	simm.s32 @!p0 $0x2980;
	s12 =	sadd.s32 @!p0 s6, s8;
	[sflag:s20] =	ssyncset.done @!p0 $0x0  }
0x14a: {  	s15 =	simm.s32 @!p0 $0x2800;
	s8 =	simm.s32 @!p0 $0x48;
	[sflag:s20] =	ssyncadd.s32 @!p0 $0xFFFFFF80  }
0x14b: {  	[spmem:s4] =	stream.indirect.scatter.add.f32 @!p0 [tilespmem:s10], [sflag:$0x9], $0x80, s15, s8, $0xb8;
	[tilespmem:$0x1F580] =	vst v63  }
0x14c: {  	s8 =	sand.u32 @!p0 $0xFC00, s11;
	s10 =	sand.u32 @!p0 $0x300, s11;
	_ =	swait.ge @!p0 [sflag:s9], $0x2400  }
0x14d: {  	s11 =	sadd.s32 @!p0 s7, s8;
	s8 =	smov.u32 s25;
	[sflag:s9] =	ssyncset.done @!p0 $0x0  }
0x14e: {  	[sflag:s9] =	ssyncadd.s32 @!p0 $0xFFFFDC00;
	s9 =	sor.u32 @!p0 s10, s11  }
0x14f: {  	[tilespmem:s15], [sflag:$0x6] =	stream.linear.gather @!p0 [hbm4b:s12+s14], $0x80, $0x38;
	[tilespmem:$0x1F580] =	vst v63  }
0x150: {  	s9 =	sshrl.u32 @!p0 s9, $0x3;
	_ =	swait.ge [sflag:s3], $0x80  }
0x151: {  	s15 =	sadd.s32 @!p0 s6, s9;
	[sflag:s3] =	ssyncset.done $0x0  }
.Ltmp1:
0x152: {  	s9 =	sand.u32 $0x7C00, s8;
	[sflag:s3] =	ssyncadd.s32 $0xFFFFFF80;
	(pc) =	sbr.rel @p1 .LBB2_4-.Ltmp1, $4  }
0x153: {  	[spmem:s4] =	stream.indirect.scatter.add.f32 [tilespmem:s22], [sflag:$0x9], $0x80, s29, s21, $0xb8;
	[tilespmem:$0x1F580] =	vst v63  }
0x154: {  	s10 =	sand.u32 $0x200, s8;
	s9 =	sadd.s32 s7, s9;
	_ =	swait.ge [sflag:s18], $0x2400  }
0x155: {  	s9 =	sor.u32 s9, s10;
	[sflag:s18] =	ssyncset.done $0x0  }
0x156: {  	s25 =	simm.s32 @!p0 $0x2880;
	s10 =	sor.u32 $0x180, s9;
	[sflag:s18] =	ssyncadd.s32 $0xFFFFDC00  }
0x157: {  	[tilespmem:s25], [sflag:$0x7] =	stream.linear.gather @!p0 [hbm4b:s15+s14], $0x80, $0x38;
	[tilespmem:$0x1F580] =	vst v63  }
0x158: {  	_ =	swait.ge [sflag:s17], $0x80  }
0x159: {  	[sflag:s17] =	ssyncset.done $0x0  }
0x15a: {  	[sflag:s17] =	ssyncadd.s32 $0xFFFFFF80  }
0x15b: {  	[spmem:s4] =	stream.indirect.scatter.add.f32 [tilespmem:s22], [sflag:$0x9], $0x80, s31, s21, $0xb8;
	[tilespmem:$0x1F580] =	vst v63  }
0x15c: {  	_ =	swait.ge [sflag:s18], $0x2400  }
0x15d: {  	s9 =	sshrl.u32 s10, $0x3;
	[sflag:s18] =	ssyncset.done $0x0  }
0x15e: {  	s9 =	sadd.s32 s6, s9;
	[sflag:s18] =	ssyncadd.s32 $0xFFFFDC00  }
0x15f: {  	[tilespmem:s31], [sflag:$0x8] =	stream.linear.gather [hbm4b:s9+s5], $0x80, $0x38;
	[tilespmem:$0x1F580] =	vst v63  }
0x160: {  	_ =	swait.ge [sflag:s2], $0x80  }
0x161: {  	[sflag:s2] =	ssyncset.done $0x0  }
0x162: {  	[sflag:s2] =	ssyncadd.s32 $0xFFFFFF80  }
0x163: {  	[spmem:s4] =	stream.indirect.scatter.add.f32 [tilespmem:s22], [sflag:$0x9], $0x80, s23, s21, $0xb8;
	[tilespmem:$0x1F580] =	vst v63  }
0x164: {  	_ =	swait.ge [sflag:s18], $0x2400  }
0x165: {  	p0 =	seq.s32 s8, $0x4400;
	[sflag:s18] =	ssyncset.done $0x0  }
0x166: {  	s9 =	simm.s32 @p0 $0x6;
	[sflag:s18] =	ssyncadd.s32 $0xFFFFDC00  }
0x167: {  	s10 =	sadd.s32 @!p0 $0x200, s8;
	_ =	swait.ge @p0 [sflag:s9], $0x80  }
0x168: {  	s11 =	simm.s32 @p0 $0x2800;
	s12 =	simm.s32 @p0 $0x2980;
	[sflag:s9] =	ssyncset.done @p0 $0x0  }
0x169: {  	s13 =	simm.s32 @p0 $0x48;
	[sflag:s9] =	ssyncadd.s32 @p0 $0xFFFFFF80;
	s9 =	sand.u32 @!p0 $0xFC00, s10  }
0x16a: {  	[spmem:s4] =	stream.indirect.scatter.add.f32 @p0 [tilespmem:s12], [sflag:$0x9], $0x80, s11, s13, $0xb8;
	[tilespmem:$0x1F580] =	vst v63  }
0x16b: {  	s10 =	sand.u32 @!p0 $0x200, s10;
	s9 =	sadd.s32 @!p0 s7, s9;
	s11 =	simm.s32 @p0 $0x9  }
0x16c: {  	s12 =	simm.s32 @!p0 $0x6;
	s9 =	sor.u32 @!p0 s10, s9;
	_ =	swait.ge @p0 [sflag:s11], $0x2400  }
0x16d: {  	s13 =	simm.s32 @!p0 $0x0;
	s9 =	sshrl.u32 @!p0 s9, $0x3;
	[sflag:s11] =	ssyncset.done @p0 $0x0  }
0x16e: {  	s10 =	simm.s32 @!p0 $0x2780;
	[sflag:s11] =	ssyncadd.s32 @p0 $0xFFFFDC00;
	s9 =	sadd.s32 @!p0 s6, s9  }
0x16f: {  	[tilespmem:s10], [sflag:$0x5] =	stream.linear.gather @!p0 [hbm4b:s9+s13], $0x80, $0x38;
	[tilespmem:$0x1F580] =	vst v63  }
0x170: {  	_ =	swait.ge @!p0 [sflag:s12], $0x80  }
0x171: {  	s11 =	simm.s32 @!p0 $0x48;
	s9 =	sadd.s32 @!p0 $0x280, s8;
	[sflag:s12] =	ssyncset.done @!p0 $0x0  }
0x172: {  	s10 =	simm.s32 @!p0 $0x2980;
	[sflag:s12] =	ssyncadd.s32 @!p0 $0xFFFFFF80;
	s12 =	simm.s32 @!p0 $0x2800  }
0x173: {  	[spmem:s4] =	stream.indirect.scatter.add.f32 @!p0 [tilespmem:s10], [sflag:$0x9], $0x80, s12, s11, $0xb8;
	[tilespmem:$0x1F580] =	vst v63  }
0x174: {  	s10 =	sand.u32 @!p0 $0xFC00, s9  }
0x175: {  	s9 =	sand.u32 @!p0 $0x280, s9;
	s11 =	simm.s32 @!p0 $0x9;
	s10 =	sadd.s32 @!p0 s7, s10  }
0x176: {  	_ =	swait.ge @!p0 [sflag:s11], $0x2400;
	s9 =	sor.u32 @!p0 s9, s10  }
0x177: {  	[sflag:s11] =	ssyncset.done @!p0 $0x0;
	s9 =	sshrl.u32 @!p0 s9, $0x3  }
0x178: {  	[sflag:s11] =	ssyncadd.s32 @!p0 $0xFFFFDC00;
	s9 =	sadd.s32 @!p0 s6, s9  }
0x179: {  	[tilespmem:s12], [sflag:$0x6] =	stream.linear.gather @!p0 [hbm4b:s9+s13], $0x80, $0x38;
	[tilespmem:$0x1F580] =	vst v63  }
0x17a: {  	s8 =	sadd.s32 @!p0 $0x300, s8;
	_ =	swait.ge [sflag:s3], $0x80  }
0x17b: {  	s9 =	sand.u32 @!p0 $0xFC00, s8;
	[sflag:s3] =	ssyncset.done $0x0  }
0x17c: {  	s8 =	sand.u32 @!p0 $0x300, s8;
	s9 =	sadd.s32 @!p0 s7, s9;
	[sflag:s3] =	ssyncadd.s32 $0xFFFFFF80  }
0x17d: {  	[spmem:s4] =	stream.indirect.scatter.add.f32 [tilespmem:s22], [sflag:$0x9], $0x80, s29, s21, $0xb8;
	[tilespmem:$0x1F580] =	vst v63  }
0x17e: {  	s8 =	sor.u32 @!p0 s8, s9;
	_ =	swait.ge [sflag:s18], $0x2400  }
0x17f: {  	s8 =	sshrl.u32 @!p0 s8, $0x3;
	[sflag:s18] =	ssyncset.done $0x0  }
0x180: {  	s9 =	simm.s32 @!p0 $0x2880;
	s8 =	sadd.s32 @!p0 s6, s8;
	[sflag:s18] =	ssyncadd.s32 $0xFFFFDC00  }
0x181: {  	[tilespmem:s9], [sflag:$0x7] =	stream.linear.gather @!p0 [hbm4b:s8+s13], $0x80, $0x38;
	[tilespmem:$0x1F580] =	vst v63  }
0x182: {  	_ =	swait.ge [sflag:s17], $0x80  }
0x183: {  	[sflag:s17] =	ssyncset.done $0x0  }
0x184: {  	[sflag:s17] =	ssyncadd.s32 $0xFFFFFF80  }
0x185: {  	[spmem:s4] =	stream.indirect.scatter.add.f32 [tilespmem:s22], [sflag:$0x9], $0x80, s31, s21, $0xb8;
	[tilespmem:$0x1F580] =	vst v63  }
0x186: {  	_ =	swait.ge [sflag:s18], $0x2400  }
0x187: {  	[sflag:s18] =	ssyncset.done $0x0  }
0x188: {  	[sflag:s18] =	ssyncadd.s32 $0xFFFFDC00  }
0x189: {  	[bflag:$0x0] =	sbarrier.arrive $0xFFFF  }
0x18a: {  	s20 =	rddreg [dreg:$0xb]  }
0x18b: {  	s11 =	rddreg [dreg:$0xd]  }
0x18c: {  	s12 =	rddreg [dreg:$0xe]  }
0x18d: {  	[hbm:s20], [sflag:s11] =	dma.local [spmem:s12], $0x2780  }
0x18e: {  	_ =	swait.ge [sflag:s18], $0x2780  }
0x18f: {  	s25 =	rddreg [dreg:$0xf]  }
0x190: {  	s26 =	rddreg [dreg:$0xc];
	s9 =	sadd.s32 $0x1, s25  }
0x191: {  	p0 =	sne.s32 s9, s26  }
.Ltmp2:
0x192: {  	_ = 	snop;
	(pc) =	sbr.rel @p0 .LBB2_1-.Ltmp2, $4  }
0x193: {  	[sflag:s18] =	ssyncset.done $0x0  }
0x194: {  	[sflag:s18] =	ssyncadd.s32 $0xFFFFD880  }
0x195: {  	[bflag:$0x0] =	sbarrier.arrive $0xFFFF  }
0x196: {  	s26 =	rddreg [dreg:$0x6]  }
0x197: {  	_ =	sfence.sel $0x180000  }
0x198: {  	[bflag:$0x0] =	sbarrier.arrive $0xFFFF  }
0x199: {  	_ =	strace $0x90000047  }
0x19a: {  	s0 =	stileid.u32;
	[bflag:$0x2] =	sbarrier.arrive $0xFFFF  }
0x19b: {  	p0 =	sne.s32 s0, $0x0;
	s0 =	rddreg [dreg:$0x4]  }
0x19c: {  	s0 =	sadd.s32 @!p0 $0x100000, s0  }
0x19d: {  	[sflag:s0] =	ssyncadd.tile.s32 @!p0 $0x1;
	_ =	shalt  }
.Lfunc_end2:
_tile_overlayer_lowered:
.L_overlay_start_2:
0x19e: {  	(tag) =	ssettag $0x2  }
0x19f: {  	s0 =	rddreg [dreg:$0x0];
	s2 =	stileid.u32  }
0x1a0: {  	s1 =	rddreg [dreg:$0x1];
	p0 =	sne.s32 s2, $0x0  }
0x1a1: {  	s3 =	rddreg [dreg:$0x2];
	[bflag:$0x3] =	sbarrier.arrive $0xFFFF;
	s2 =	simm.s32 @!p0 $0x1C09  }
0x1a2: {  	[timem:s3], [sflag:s2] =	dma.local @!p0 [hbm:s0], s1  }
0x1a3: {  	s0 =	simm.s32 @!p0 $0x9  }
0x1a4: {  	_ =	swait.ge @!p0 [sflag:s0], s1  }
0x1a5: {  	s1 =	ssub.s32 @!p0 $0x0, s1;
	[sflag:s0] =	ssyncset.done @!p0 $0x0  }
0x1a6: {  	[sflag:s0] =	ssyncadd.s32 @!p0 s1  }
0x1a7: {  	[bflag:$0x3] =	sbarrier.arrive $0xFFFF  }
0x1a8: {  	_ =	shalt  }

// kernel: kernel.13.cloned.1.call-start
scs
__scs_entry_jumppad:
0x0: {  	(pc) =	sbr.rel $0x88, $3  }
0x1: {  	(tag) =	ssettag $0x0;
	lr =	simm.s32 $0x1  }
0x2: {  	[smem:$0x3F93] =	sst lr;
	_ =	strace $0xD0000000  }
0x3: {  	_ = 	snop  }
0x4: {  	_ = 	snop  }
0x5: {  	_ = 	snop  }
0x6: {  	_ = 	snop  }
0x7: {  	_ = 	snop  }
__scs_overlays_trampoline_lowered:
0x8: {  	[smem:$0x3FA2] =	sst s0  }
0x9: {  	[smem:$0x3FA3] =	sst s1  }
0xa: {  	[smem:$0x3FA4] =	sst s2  }
0xb: {  	[smem:$0x3FA5] =	sst s3  }
0xc: {  	[smem:$0x3FA6] =	sst s4  }
0xd: {  	[smem:$0x3FA7] =	sst s5  }
0xe: {  	[smem:$0x3FA8] =	sst s6  }
0xf: {  	[smem:$0x3FA9] =	sst s7  }
0x10: {  	[smem:$0x3FAA] =	sst s8  }
0x11: {  	[smem:$0x3FAB] =	sst s9;
	s0 =	simm.s32 @!p0 $0x0  }
0x12: {  	s1 =	sld [smem:$0x3F91];
	s0 =	simm.s32 @p0 $0x1  }
0x13: {  	[smem:$0x3FAC] =	sst s0;
	s0 =	simm.s32 @!p1 $0x0  }
0x14: {  	s2 =	sld [smem:$0x3F90];
	s0 =	simm.s32 @p1 $0x1  }
0x15: {  	[smem:$0x3FAD] =	sst s0;
	s0 =	simm.s32 @!p2 $0x0  }
0x16: {  	s3 =	sld [smem:$0x3FDB];
	s0 =	simm.s32 @p2 $0x1  }
0x17: {  	s4 =	simm.s32 $0x1BF5;
	[smem:$0x3FAF] =	sst s0  }
0x18: {  	s0 =	sld [smem:$0x3F92];
	_ =	swait.ge [sflag:s4], $0x0  }
0x19: {  	s7 =	sld [smem:$0x3F93]  }
0x1a: {  	s8 =	sadd.s32 $0xFFFFE003, lr  }
0x1b: {  	s9 =	sadd.s32 $0xFFFFFEF7, lr;
	s5 =	simm.s32 $0xFFFFFFFF;
	p2 =	slt.u32 s8, $0xFFFFF086  }
0x1c: {  	p1 =	slt.u32 s9, $0xF7A;
	s5 =	simm.s32 @!p2 $0x0  }
0x1d: {  	s5 =	simm.s32 @p1 $0x1;
	p0 =	seq.s32 s7, s2  }
0x1e: {  	s7 =	smul.u32 @!p0 $0xF7A, s2;
	p2 =	seq.s32 @!p0 s5, $0x0  }
0x1f: {  	s9 =	smul.u32 $0xF7A, s1;
	s8 =	simm.s32 @!p0 $0x1BF5;
	p2 =	por !p2, p0  }
0x20: {  	[sflag:s8] =	ssyncset.s32 @!p0 $0xFFFFF086;
	s6 =	sadd.s32 @!p0 s3, s7;
	s7 =	simm.s32 @!p0 $0x108  }
0x21: {  	s3 =	sadd.s32 s3, s9;
	s6 =	sadd.s32 @!p0 $0x88, s6;
	s7 =	simm.s32 @p2 $0x1082  }
0x22: {  	[simem:s7], [sflag:s8] =	dma.local @!p0 [hbm:s6], $0xF7A  }
0x23: {  	s9 =	sor.u32 $0xD0000000, s2;
	s6 =	simm.s32 $0x108;
	_ =	swait.ge @!p0 [sflag:s8], $0x0  }
0x24: {  	s3 =	sadd.s32 $0x88, s3;
	s6 =	simm.s32 @!p1 $0x1082;
	[sflag:s4] =	ssyncset.s32 $0xFFFFF086  }
0x25: {  	[simem:s6], [sflag:s4] =	dma.local [hbm:s3], $0xF7A  }
0x26: {  	[smem:$0x3F93] =	sst s1;
	(tag) =	ssettag s2;
	_ =	strace s9  }
0x27: {  	s1 =	sld [smem:$0x3FA3]  }
0x28: {  	s2 =	sld [smem:$0x3FA4]  }
0x29: {  	s4 =	sld [smem:$0x3FA6]  }
0x2a: {  	p0 =	seq.s32 s5, $0x0;
	s5 =	sld [smem:$0x3FA7]  }
0x2b: {  	s6 =	sld [smem:$0x3FA8]  }
0x2c: {  	s7 =	sld [smem:$0x3FA9]  }
0x2d: {  	s3 =	simm.s32 $0x108;
	s8 =	sld [smem:$0x3FAA]  }
0x2e: {  	s3 =	simm.s32 @!p0 $0x1082;
	s9 =	sld [smem:$0x3FAB]  }
0x2f: {  	lr =	sadd.s32 s0, s3;
	s0 =	sld [smem:$0x3FA2]  }
0x30: {  	s3 =	sld [smem:$0x3FA5]  }
0x31: {  	[smem:$0x3FAE] =	sst s10  }
0x32: {  	s10 =	sld [smem:$0x3FAC];
	_ =	sdelay $0x3  }
0x33: {  	p0 =	seq.s32 s10, $0x1;
	s10 =	sld [smem:$0x3FAE];
	_ =	sdelay $0x3  }
0x34: {  	[smem:$0x3FAE] =	sst s10  }
0x35: {  	s10 =	sld [smem:$0x3FAD];
	_ =	sdelay $0x3  }
0x36: {  	p1 =	seq.s32 s10, $0x1;
	s10 =	sld [smem:$0x3FAE];
	_ =	sdelay $0x3  }
0x37: {  	[smem:$0x3FAE] =	sst s10  }
0x38: {  	s10 =	sld [smem:$0x3FAF]  }
0x39: {  	_ = 	snop;
	(pc) =	sbr.ind lr, $3  }
0x3a: {  	_ = 	snop  }
0x3b: {  	_ = 	snop  }
0x3c: {  	p2 =	seq.s32 s10, $0x1;
	s10 =	sld [smem:$0x3FAE]  }
0x3d: {  	_ =	shalt  }
0x3e: {  	_ =	shalt  }
0x3f: {  	_ =	shalt  }
0x40: {  	_ =	shalt  }
0x41: {  	_ =	shalt  }
0x42: {  	_ =	shalt  }
0x43: {  	_ =	shalt  }
0x44: {  	_ =	shalt  }
0x45: {  	_ =	shalt  }
0x46: {  	_ =	shalt  }
0x47: {  	_ =	shalt  }
0x48: {  	_ =	shalt  }
0x49: {  	_ =	shalt  }
0x4a: {  	_ =	shalt  }
0x4b: {  	_ =	shalt  }
0x4c: {  	_ =	shalt  }
0x4d: {  	_ =	shalt  }
0x4e: {  	_ =	shalt  }
0x4f: {  	_ =	shalt  }
0x50: {  	_ =	shalt  }
0x51: {  	_ =	shalt  }
0x52: {  	_ =	shalt  }
0x53: {  	_ =	shalt  }
0x54: {  	_ =	shalt  }
0x55: {  	_ =	shalt  }
0x56: {  	_ =	shalt  }
0x57: {  	_ =	shalt  }
0x58: {  	_ =	shalt  }
0x59: {  	_ =	shalt  }
0x5a: {  	_ =	shalt  }
0x5b: {  	_ =	shalt  }
0x5c: {  	_ =	shalt  }
0x5d: {  	_ =	shalt  }
0x5e: {  	_ =	shalt  }
0x5f: {  	_ =	shalt  }
0x60: {  	_ =	shalt  }
0x61: {  	_ =	shalt  }
0x62: {  	_ =	shalt  }
0x63: {  	_ =	shalt  }
0x64: {  	_ =	shalt  }
0x65: {  	_ =	shalt  }
0x66: {  	_ =	shalt  }
0x67: {  	_ =	shalt  }
0x68: {  	_ =	shalt  }
0x69: {  	_ =	shalt  }
0x6a: {  	_ =	shalt  }
0x6b: {  	_ =	shalt  }
0x6c: {  	_ =	shalt  }
0x6d: {  	_ =	shalt  }
0x6e: {  	_ =	shalt  }
0x6f: {  	_ =	shalt  }
0x70: {  	_ =	shalt  }
0x71: {  	_ =	shalt  }
0x72: {  	_ =	shalt  }
0x73: {  	_ =	shalt  }
0x74: {  	_ =	shalt  }
0x75: {  	_ =	shalt  }
0x76: {  	_ =	shalt  }
0x77: {  	_ =	shalt  }
0x78: {  	_ =	shalt  }
0x79: {  	_ =	shalt  }
0x7a: {  	_ =	shalt  }
0x7b: {  	_ =	shalt  }
0x7c: {  	_ =	shalt  }
0x7d: {  	_ =	shalt  }
0x7e: {  	_ =	shalt  }
0x7f: {  	_ =	shalt  }
0x80: {  	_ =	shalt  }
0x81: {  	_ =	shalt  }
0x82: {  	_ =	shalt  }
0x83: {  	_ =	shalt  }
0x84: {  	_ =	shalt  }
0x85: {  	_ =	shalt  }
0x86: {  	_ =	shalt  }
0x87: {  	_ =	shalt  }
.Lfunc_end0:
.L_simem_size_0:
called_computation.1_lowered:
.L_overlay_start_0:
0x88: {  	s2 =	sld [smem:$0x3FD9]  }
0x89: {  	s3 =	sld [smem:$0x3FFE];
	_ =	sdelay $0x1  }
0x8a: {  	s1 =	srdreg.scid  }
0x8b: {  	s0 =	sand.u32 $0x1, s1  }
0x8c: {  	s17 =	sshll.u32 s0, $0xA;
	s2 =	sadd.s32 s3, s2  }
0x8d: {  	s2 =	sadd.s32 s2, s17  }
0x8e: {  	[smem:$0x3FBA] =	sst s2  }
0x8f: {  	_ = 	snop  }
0x90: {  	s2 =	sld [smem:$0x3FD0];
	(tm) =	ssettm $0x1  }
0x91: {  	s18 =	sld [smem:$0x3FFB];
	_ =	sdelay $0x3  }
0x92: {  	_ =	strace s18  }
0x93: {  	s3 =	sld [smem:$0x3FFC];
	_ =	sdelay $0x3  }
0x94: {  	_ =	strace s3  }
0x95: {  	s3 =	sld [smem:$0x3FFD];
	_ =	sdelay $0x3  }
0x96: {  	_ =	strace s3  }
0x97: {  	_ =	strace $0x8FFFFFFF  }
0x98: {  	s19 =	sld [smem:$0x3FDB];
	_ =	sdelay $0x1  }
0x99: {  	s4 =	simm.s32 $_scs_section_size  }
0x9a: {  	s5 =	simm.s32 $_size__tile_overlayer_lowered;
	s6 =	simm.s32 $_tile_overlayer_lowered  }
0x9b: {  	s22 =	simm.s32 $0x1BFF;
	s21 =	sshll.u32 s6, $0x1;
	s3 =	sadd.s32 s4, s19  }
0x9c: {  	s7 =	simm.s32 $0x0;
	s20 =	sshll.u32 s5, $0x1;
	s5 =	sadd.s32 s21, s3  }
0x9d: {  	[timem:s7], [sflag:s22] =	dma.local [hbm:s5], s20  }
0x9e: {  	_ =	swait.ge [sflag:s22], s20  }
0x9f: {  	s4 =	ssub.s32 $0x0, s20;
	[sflag:s22] =	ssyncset.done $0x0  }
0xa0: {  	[sflag:s22] =	ssyncadd.s32 s4;
	_ =	sdelay $0x1  }
0xa1: {  	s23 =	simm.s32 $0x1B8B  }
0xa2: {  	_ =	swait.ge [sflag:s23], $0x1  }
0xa3: {  	[sflag:s23] =	ssyncset.done $0x0  }
0xa4: {  	s25 =	simm.s32 $0x1B8E;
	s24 =	sld [smem:$0x3FFE];
	[sflag:s23] =	ssyncadd.s32 $0xFFFFFFFF  }
0xa5: {  	s26 =	simm.s32 $execute0_lowered;
	[smem:$0x3FD2] =	sst s25  }
0xa6: {  	s5 =	sshll.u32 s26, $0x1;
	_ =	strace $0x80000049;
	[dreg:$0x1] =	wrdreg $0xFFFFFFFF  }
0xa7: {  	s28 =	simm.s32 $_size_execute0_lowered;
	s3 =	sadd.s32 s3, s5;
	[dreg:$0x0] =	wrdreg $0x0  }
0xa8: {  	s5 =	sshll.u32 s28, $0x1;
	[dreg:$0x2] =	wrdreg s3  }
0xa9: {  	[dreg:$0x3] =	wrdreg s5  }
0xaa: {  	[dreg:$0x4] =	wrdreg $0xC0  }
0xab: {  	_ =	task [dreg:s7], $0x5FFFF  }
0xac: {  	[dreg:$0x1] =	wrdreg $0xFFFFFFFF  }
0xad: {  	[dreg:$0x0] =	wrdreg $0x60  }
0xae: {  	[dreg:$0x2] =	wrdreg s2  }
0xaf: {  	[dreg:$0x3] =	wrdreg s24  }
0xb0: {  	[dreg:$0x4] =	wrdreg $0xB9800  }
0xb1: {  	[dreg:$0x5] =	wrdreg $0x9  }
0xb2: {  	_ =	task.clear_ibuf [dreg:s7], $0x6FFFF;
	_ =	strace $0x90000049  }
0xb3: {  	s29 =	simm.s32 $0x9;
	_ =	strace $0x8000004B  }
0xb4: {  	_ =	swait.ge [sflag:s29], $0x1  }
0xb5: {  	[sflag:s29] =	ssyncadd.s32 $0xFFFFFFFF  }
0xb6: {  	_ =	strace $0x9000004B  }
0xb7: {  	_ =	sfence  }
0xb8: {  	s30 =	sld [smem:$0x0];
	_ =	sdelay $0x2  }
0xb9: {  	s31 =	sshll.u32 s1, $0xD;
	s1 =	sshrl.u32 s1, $0x2  }
0xba: {  	s3 =	sand.u32 $0x4000, s31;
	s1 =	sadd.s32 s1, s30  }
0xbb: {  	s0 =	sor.u32 s3, s0;
	s1 =	sshll.u32 s1, $0x11  }
0xbc: {  	s0 =	sor.u32 s1, s0  }
0xbd: {  	s0 =	sadd.s32 $0x8F2B, s0  }
0xbe: {  	[sflag:s0] =	ssyncadd.remote.s32 $0x1  }
0xbf: {  	_ =	sfence.sel $0xFFFF  }
0xc0: {  	[dreg:$0x0] =	wrdreg $0xFFFFFFFF;
	(pc) =	sbr.abs _section_cstart, $3  }
0xc1: {  	[dreg:$0x1] =	wrdreg $0xFFFFFFFF  }
0xc2: {  	_ =	task.clear_ibuf [dreg:s7], $0x2FFFF;
	_ =	strace $0x9FFFFFFF  }
0xc3: {  	(tm) =	ssettm $0x7FFFFFFF  }
tec
execute0_lowered:
.L_overlay_start_1:
0x0: {  	(tag) =	ssettag $0x1  }
0x1: {  	s1 =	rddreg [dreg:$0x0]  }
0x2: {  	s0 =	srdreg.scid;
	s7 =	rddreg [dreg:$0x1]  }
0x3: {  	s13 =	stileid.u32;
	s3 =	rddreg [dreg:$0x2]  }
0x4: {  	s16 =	simm.s32 $0x9;
	s19 =	simm.s32 $0x48;
	s28 =	simm.s32 $0x9580  }
0x5: {  	s29 =	simm.s32 $0x2900;
	s30 =	simm.s32 $0x5;
	s31 =	simm.s32 $0x1  }
0x6: {  	s14 =	simm.s32 $0x8;
	s15 =	simm.s32 $0x4;
	s20 =	smul.u32 $0x13C00, s13  }
0x7: {  	s0 =	sand.u32 $0x1, s0;
	s4 =	sshrl.u32 s13, $0x2;
	s21 =	smul.u32 $0x4F000, s13  }
0x8: {  	s2 =	sshll.u32 s13, $0x1;
	s26 =	sshll.u32 s13, $0x6;
	s5 =	smul.u32 $0x13C00, s4  }
0x9: {  	s2 =	sor.u32 s0, s2;
	s4 =	simm.s32 $0x0;
	s8 =	smul.u32 $0x13C000, s0  }
0xa: {  	s0 =	ssub.s32 $0x2, s0;
	s6 =	sshll.u32 s2, $0x7;
	[smem:$0x7FF] =	sst s4  }
0xb: {  	s10 =	sshrl.u32 s20, $0x3;
	s12 =	sshrl.u32 s0, $0x1;
	s6 =	sand.u32 $0x380, s6  }
0xc: {  	_ =	strace $0x8000004A;
	s22 =	sadd.s32 s10, s7;
	s0 =	ssub.s32 s0, s12  }
0xd: {  	s10 =	sor.u32 $0x1C09, s26;
	s26 =	simm.s32 $0x2880;
	s5 =	sor.u32 s5, s6  }
0xe: {  	s6 =	sadd.s32 s20, s8;
	s8 =	sshrl.u32 s21, $0x2;
	s0 =	smax.u32 s0, $0x1  }
0xf: {  	[dreg:$0xb] =	wrdreg s10;
	s5 =	sshrl.u32 s5, $0x3;
	s11 =	sshrl.u32 s6, $0x3  }
0x10: {  	s6 =	smul.u32 $0x4800, s2;
	s8 =	sadd.s32 s8, s3;
	s2 =	sadd.s32 $0x22800, s22  }
0x11: {  	[dreg:$0xa] =	wrdreg s0;
	s9 =	sadd.s32 s5, s7;
	s5 =	sadd.s32 $0x10800, s7  }
0x12: {  	s7 =	sadd.s32 s11, s7;
	[dreg:$0x5] =	wrdreg s2;
	s11 =	sshrl.u32 s8, $0x3  }
0x13: {  	s20 =	simm.s32 $0x2980;
	s9 =	sadd.s32 $0x6A00, s9;
	[dreg:$0xc] =	wrdreg s11  }
0x14: {  	s23 =	sshrl.u32 s6, $0x3;
	s25 =	sadd.s32 $0x4A000, s7;
	[dreg:$0x4] =	wrdreg s9  }
0x15: {  	s21 =	simm.s32 $0x2780;
	s24 =	sadd.s32 s5, s23;
	[dreg:$0x9] =	wrdreg s25  }
0x16: {  	s0 =	simm.s32 $0x3;
	s9 =	sadd.s32 $0x10, s24;
	[dreg:$0x6] =	wrdreg s24  }
0x17: {  	s22 =	simm.s32 $0x0;
	s2 =	sadd.s32 $0x20, s24;
	[dreg:$0x7] =	wrdreg s9  }
0x18: {  	s25 =	simm.s32 $0x7180;
	[dreg:$0x8] =	wrdreg s2;
	s2 =	simm.s32 $0x7  }
.LBB2_1:
0x19: {  	s7 =	rddreg [dreg:$0x4];
	s8 =	simm.s32 $0x80;
	s9 =	simm.s32 $0x400  }
0x1a: {  	[tilespmem:s4], [sflag:$0x9] =	stream.strided.gather [hbm4b:s7+s8], $0x2780, s9, s8, $0x38;
	[tilespmem:$0x1F580] =	vst v63  }
0x1b: {  	_ =	swait.ge [sflag:s16], $0x2780  }
0x1c: {  	[sflag:s16] =	ssyncset.done $0x0  }
0x1d: {  	s13 =	rddreg [dreg:$0x5];
	[sflag:s16] =	ssyncadd.s32 $0xFFFFD880  }
0x1e: {  	[spmem:s11], [sflag:s10] =	dma.local [hbm:s13], $0x2780  }
0x1f: {  	_ =	swait.ge [sflag:s16], $0x2780  }
0x20: {  	[sflag:s16] =	ssyncset.done $0x0  }
0x21: {  	[sflag:s16] =	ssyncadd.s32 $0xFFFFD880  }
0x22: {  	[bflag:$0x0] =	sbarrier.arrive $0xFFFF  }
0x23: {  	[tilespmem:s20], [sflag:$0x1] =	stream.indirect.gather [hbm4b:s1+s19], $0x80, s4, s19, $0xb8;
	[tilespmem:$0x1F580] =	vst v63  }
0x24: {  	s17 =	rddreg [dreg:$0x6]  }
0x25: {  	[tilespmem:s21], [sflag:$0x5] =	stream.linear.gather [hbm4b:s17+s4], $0x80, $0x38;
	[tilespmem:$0x1F580] =	vst v63  }
0x26: {  	s18 =	simm.s32 $0x4D80;
	s24 =	simm.s32 $0x2800  }
0x27: {  	[tilespmem:s18], [sflag:$0x2] =	stream.indirect.gather [hbm4b:s1+s19], $0x80, s19, s19, $0xb8;
	[tilespmem:$0x1F580] =	vst v63  }
0x28: {  	s12 =	simm.s32 $0x180;
	s11 =	sand.u32 $0x7C00, s4;
	s23 =	rddreg [dreg:$0x7]  }
0x29: {  	[tilespmem:s24], [sflag:$0x6] =	stream.linear.gather [hbm4b:s23+s4], $0x80, $0x38;
	[tilespmem:$0x1F580] =	vst v63  }
0x2a: {  	s9 =	simm.s32 $0x90;
	s8 =	sand.u32 $0x380, s12;
	s7 =	sadd.s32 s6, s11  }
0x2b: {  	[tilespmem:s25], [sflag:$0x3] =	stream.indirect.gather [hbm4b:s1+s19], $0x80, s9, s19, $0xb8;
	[tilespmem:$0x1F580] =	vst v63  }
0x2c: {  	s7 =	sor.u32 s7, s8;
	s10 =	rddreg [dreg:$0x8]  }
0x2d: {  	[tilespmem:s26], [sflag:$0x7] =	stream.linear.gather [hbm4b:s10+s4], $0x80, $0x38;
	[tilespmem:$0x1F580] =	vst v63  }
0x2e: {  	s13 =	simm.s32 $0xD8;
	s7 =	sshrl.u32 s7, $0x3  }
0x2f: {  	[tilespmem:s28], [sflag:$0x4] =	stream.indirect.gather [hbm4b:s1+s19], $0x80, s13, s19, $0xb8;
	[tilespmem:$0x1F580] =	vst v63  }
0x30: {  	s7 =	sadd.s32 s5, s7  }
0x31: {  	[tilespmem:s29], [sflag:$0x8] =	stream.linear.gather [hbm4b:s7+s4], $0x80, $0x38;
	[tilespmem:$0x1F580] =	vst v63  }
0x32: {  	_ =	swait.ge [sflag:s30], $0x80  }
0x33: {  	[sflag:s30] =	ssyncset.done $0x0  }
0x34: {  	[sflag:s30] =	ssyncadd.s32 $0xFFFFFF80  }
0x35: {  	_ =	swait.ge [sflag:s31], $0x2400  }
0x36: {  	[sflag:s31] =	ssyncset.done $0x0  }
0x37: {  	[sflag:s31] =	ssyncadd.s32 $0xFFFFDC00  }
0x38: {  	[spmem:s3] =	stream.indirect.scatter.add.f32 [tilespmem:s20], [sflag:$0x9], $0x80, s21, s19, $0xb8;
	[tilespmem:$0x1F580] =	vst v63  }
0x39: {  	_ =	swait.ge [sflag:s16], $0x2400  }
0x3a: {  	p0 =	por $0x0, $0x0;
	[sflag:s16] =	ssyncset.done $0x0  }
0x3b: {  	s7 =	simm.s32 @p0 $0x6;
	[sflag:s16] =	ssyncadd.s32 $0xFFFFDC00  }
0x3c: {  	_ =	swait.ge @p0 [sflag:s7], $0x80  }
0x3d: {  	s11 =	simm.s32 @p0 $0x9;
	s8 =	simm.s32 @!p0 $0x200;
	[sflag:s7] =	ssyncset.done @p0 $0x0  }
0x3e: {  	s10 =	sand.u32 @!p0 $0xFC00, s8;
	[sflag:s7] =	ssyncadd.s32 @p0 $0xFFFFFF80;
	s7 =	simm.s32 @p0 $0x2  }
0x3f: {  	s8 =	sand.u32 @!p0 $0x200, s8;
	s10 =	sadd.s32 @!p0 s6, s10;
	_ =	swait.ge @p0 [sflag:s7], $0x2400  }
0x40: {  	s23 =	simm.s32 @p0 $0x2800;
	s8 =	sor.u32 @!p0 s8, s10;
	[sflag:s7] =	ssyncset.done @p0 $0x0  }
0x41: {  	s10 =	simm.s32 @p0 $0x4D80;
	[sflag:s7] =	ssyncadd.s32 @p0 $0xFFFFDC00;
	s7 =	simm.s32 @p0 $0x48  }
0x42: {  	[spmem:s3] =	stream.indirect.scatter.add.f32 @p0 [tilespmem:s10], [sflag:$0x9], $0x80, s23, s7, $0xb8;
	[tilespmem:$0x1F580] =	vst v63  }
0x43: {  	s7 =	sshrl.u32 @!p0 s8, $0x3;
	_ =	swait.ge @p0 [sflag:s11], $0x2400  }
0x44: {  	s8 =	simm.s32 @!p0 $0x2980;
	s10 =	simm.s32 @!p0 $0x120;
	[sflag:s11] =	ssyncset.done @p0 $0x0  }
0x45: {  	s23 =	simm.s32 @!p0 $0x6;
	[sflag:s11] =	ssyncadd.s32 @p0 $0xFFFFDC00;
	s11 =	simm.s32 @!p0 $0x48  }
0x46: {  	[tilespmem:s8], [sflag:$0x1] =	stream.indirect.gather @!p0 [hbm4b:s1+s11], $0x80, s10, s11, $0xb8;
	[tilespmem:$0x1F580] =	vst v63  }
0x47: {  	s7 =	sadd.s32 @!p0 s5, s7;
	s8 =	simm.s32 @!p0 $0x0;
	s10 =	simm.s32 @!p0 $0x2780  }
0x48: {  	[tilespmem:s10], [sflag:$0x5] =	stream.linear.gather @!p0 [hbm4b:s7+s8], $0x80, $0x38;
	[tilespmem:$0x1F580] =	vst v63  }
0x49: {  	_ =	swait.ge @!p0 [sflag:s23], $0x80  }
0x4a: {  	[sflag:s23] =	ssyncset.done @!p0 $0x0  }
0x4b: {  	s7 =	simm.s32 @!p0 $0x2;
	[sflag:s23] =	ssyncadd.s32 @!p0 $0xFFFFFF80  }
0x4c: {  	_ =	swait.ge @!p0 [sflag:s7], $0x2400  }
0x4d: {  	s10 =	simm.s32 @!p0 $0x9;
	[sflag:s7] =	ssyncset.done @!p0 $0x0  }
0x4e: {  	s23 =	simm.s32 @!p0 $0x4D80;
	[sflag:s7] =	ssyncadd.s32 @!p0 $0xFFFFDC00;
	s7 =	simm.s32 @!p0 $0x2800  }
0x4f: {  	[spmem:s3] =	stream.indirect.scatter.add.f32 @!p0 [tilespmem:s23], [sflag:$0x9], $0x80, s7, s11, $0xb8;
	[tilespmem:$0x1F580] =	vst v63  }
0x50: {  	_ =	swait.ge @!p0 [sflag:s10], $0x2400  }
0x51: {  	[sflag:s10] =	ssyncset.done @!p0 $0x0  }
0x52: {  	[sflag:s10] =	ssyncadd.s32 @!p0 $0xFFFFDC00;
	s10 =	simm.s32 @!p0 $0x168  }
0x53: {  	[tilespmem:s23], [sflag:$0x2] =	stream.indirect.gather @!p0 [hbm4b:s1+s11], $0x80, s10, s11, $0xb8;
	[tilespmem:$0x1F580] =	vst v63  }
0x54: {  	s10 =	simm.s32 @!p0 $0x280  }
0x55: {  	s23 =	sand.u32 @!p0 $0xFC00, s10  }
0x56: {  	s10 =	sand.u32 @!p0 $0x280, s10;
	s23 =	sadd.s32 @!p0 s6, s23  }
0x57: {  	s10 =	sor.u32 @!p0 s10, s23  }
0x58: {  	s10 =	sshrl.u32 @!p0 s10, $0x3  }
0x59: {  	s10 =	sadd.s32 @!p0 s5, s10  }
0x5a: {  	[tilespmem:s7], [sflag:$0x6] =	stream.linear.gather @!p0 [hbm4b:s10+s8], $0x80, $0x38;
	[tilespmem:$0x1F580] =	vst v63  }
0x5b: {  	_ =	swait.ge [sflag:s2], $0x80  }
0x5c: {  	[sflag:s2] =	ssyncset.done $0x0  }
0x5d: {  	[sflag:s2] =	ssyncadd.s32 $0xFFFFFF80  }
0x5e: {  	_ =	swait.ge [sflag:s0], $0x2400  }
0x5f: {  	s7 =	simm.s32 @!p0 $0x300;
	[sflag:s0] =	ssyncset.done $0x0  }
0x60: {  	s10 =	sand.u32 @!p0 $0xFC00, s7;
	[sflag:s0] =	ssyncadd.s32 $0xFFFFDC00  }
0x61: {  	[spmem:s3] =	stream.indirect.scatter.add.f32 [tilespmem:s25], [sflag:$0x9], $0x80, s26, s19, $0xb8;
	[tilespmem:$0x1F580] =	vst v63  }
0x62: {  	s7 =	sand.u32 @!p0 $0x300, s7;
	s10 =	sadd.s32 @!p0 s6, s10;
	_ =	swait.ge [sflag:s16], $0x2400  }
0x63: {  	s23 =	simm.s32 @!p0 $0x7180;
	s7 =	sor.u32 @!p0 s7, s10;
	[sflag:s16] =	ssyncset.done $0x0  }
0x64: {  	s10 =	simm.s32 @!p0 $0x1B0;
	s7 =	sshrl.u32 @!p0 s7, $0x3;
	[sflag:s16] =	ssyncadd.s32 $0xFFFFDC00  }
0x65: {  	[tilespmem:s23], [sflag:$0x3] =	stream.indirect.gather @!p0 [hbm4b:s1+s11], $0x80, s10, s11, $0xb8;
	[tilespmem:$0x1F580] =	vst v63  }
0x66: {  	s7 =	sadd.s32 @!p0 s5, s7;
	s10 =	simm.s32 @!p0 $0x2880  }
0x67: {  	[tilespmem:s10], [sflag:$0x7] =	stream.linear.gather @!p0 [hbm4b:s7+s8], $0x80, $0x38;
	[tilespmem:$0x1F580] =	vst v63  }
0x68: {  	_ =	swait.ge [sflag:s14], $0x80  }
0x69: {  	s24 =	simm.s32 $0x200;
	[sflag:s14] =	ssyncset.done $0x0  }
0x6a: {  	s18 =	simm.s32 $0x380;
	s17 =	sand.u32 $0x7C00, s24;
	[sflag:s14] =	ssyncadd.s32 $0xFFFFFF80  }
0x6b: {  	s23 =	simm.s32 $0x1F8;
	s7 =	simm.s32 $0x400;
	_ =	swait.ge [sflag:s15], $0x2400  }
0x6c: {  	s8 =	sadd.s32 s6, s17;
	s10 =	sand.u32 $0x380, s18;
	[sflag:s15] =	ssyncset.done $0x0  }
.LBB2_2:
0x6d: {  	s10 =	sor.u32 s8, s10  }
0x6e: {  	[sflag:s15] =	ssyncadd.s32 $0xFFFFDC00;
	s8 =	smov.u32 s7;
	s7 =	sadd.s32 $0x200, s7  }
0x6f: {  	[spmem:s3] =	stream.indirect.scatter.add.f32 [tilespmem:s28], [sflag:$0x9], $0x80, s29, s19, $0xb8;
	[tilespmem:$0x1F580] =	vst v63  }
0x70: {  	p0 =	sne.s32 s7, $0x4600;
	s10 =	sshrl.u32 s10, $0x3;
	_ =	swait.ge [sflag:s16], $0x2400  }
0x71: {  	[sflag:s16] =	ssyncset.done $0x0  }
0x72: {  	[sflag:s16] =	ssyncadd.s32 $0xFFFFDC00  }
0x73: {  	[tilespmem:s28], [sflag:$0x4] =	stream.indirect.gather [hbm4b:s1+s19], $0x80, s23, s19, $0xb8;
	[tilespmem:$0x1F580] =	vst v63  }
0x74: {  	s10 =	sadd.s32 s5, s10  }
0x75: {  	[tilespmem:s29], [sflag:$0x8] =	stream.linear.gather [hbm4b:s10+s4], $0x80, $0x38;
	[tilespmem:$0x1F580] =	vst v63  }
0x76: {  	_ =	swait.ge [sflag:s30], $0x80  }
0x77: {  	[sflag:s30] =	ssyncset.done $0x0  }
0x78: {  	[sflag:s30] =	ssyncadd.s32 $0xFFFFFF80  }
0x79: {  	_ =	swait.ge [sflag:s31], $0x2400  }
0x7a: {  	[sflag:s31] =	ssyncset.done $0x0  }
0x7b: {  	[sflag:s31] =	ssyncadd.s32 $0xFFFFDC00  }
0x7c: {  	[spmem:s3] =	stream.indirect.scatter.add.f32 [tilespmem:s20], [sflag:$0x9], $0x80, s21, s19, $0xb8;
	[tilespmem:$0x1F580] =	vst v63  }
0x7d: {  	_ =	swait.ge [sflag:s16], $0x2400  }
0x7e: {  	p1 =	seq.s32 s24, $0x4400;
	[sflag:s16] =	ssyncset.done $0x0  }
0x7f: {  	s11 =	sadd.s32 @!p1 $0x200, s24;
	s10 =	simm.s32 @p1 $0x6;
	[sflag:s16] =	ssyncadd.s32 $0xFFFFDC00  }
0x80: {  	s12 =	sand.u32 @!p1 $0xFC00, s11;
	s11 =	sand.u32 @!p1 $0x200, s11;
	_ =	swait.ge @p1 [sflag:s10], $0x80  }
0x81: {  	s13 =	sadd.s32 @!p1 $0x280, s24;
	s12 =	sadd.s32 @!p1 s6, s12;
	[sflag:s10] =	ssyncset.done @p1 $0x0  }
0x82: {  	s9 =	sand.u32 @!p1 $0xFC00, s13;
	[sflag:s10] =	ssyncadd.s32 @p1 $0xFFFFFF80;
	s10 =	simm.s32 @p1 $0x2  }
0x83: {  	s11 =	sor.u32 @!p1 s11, s12;
	s12 =	sand.u32 @!p1 $0x280, s13;
	_ =	swait.ge @p1 [sflag:s10], $0x2400  }
0x84: {  	s17 =	simm.s32 @p1 $0x9;
	s13 =	simm.s32 @p1 $0x4D80;
	[sflag:s10] =	ssyncset.done @p1 $0x0  }
0x85: {  	s18 =	simm.s32 @p1 $0x2800;
	[sflag:s10] =	ssyncadd.s32 @p1 $0xFFFFDC00;
	s10 =	simm.s32 @p1 $0x48  }
0x86: {  	[spmem:s3] =	stream.indirect.scatter.add.f32 @p1 [tilespmem:s13], [sflag:$0x9], $0x80, s18, s10, $0xb8;
	[tilespmem:$0x1F580] =	vst v63  }
0x87: {  	s9 =	sadd.s32 @!p1 s6, s9;
	s10 =	sshrl.u32 @!p1 s11, $0x3;
	_ =	swait.ge @p1 [sflag:s17], $0x2400  }
0x88: {  	s11 =	simm.s32 @!p1 $0x2980;
	s13 =	sadd.s32 @!p1 s5, s10;
	[sflag:s17] =	ssyncset.done @p1 $0x0  }
0x89: {  	s10 =	simm.s32 @!p1 $0x48;
	[sflag:s17] =	ssyncadd.s32 @p1 $0xFFFFDC00;
	s17 =	sadd.s32 @!p1 $0x48, s23  }
0x8a: {  	[tilespmem:s11], [sflag:$0x1] =	stream.indirect.gather @!p1 [hbm4b:s1+s10], $0x80, s17, s10, $0xb8;
	[tilespmem:$0x1F580] =	vst v63  }
0x8b: {  	s18 =	simm.s32 @!p1 $0x6;
	s11 =	simm.s32 @!p1 $0x0;
	s17 =	simm.s32 @!p1 $0x2780  }
0x8c: {  	[tilespmem:s17], [sflag:$0x5] =	stream.linear.gather @!p1 [hbm4b:s13+s11], $0x80, $0x38;
	[tilespmem:$0x1F580] =	vst v63  }
0x8d: {  	s9 =	sor.u32 @!p1 s12, s9;
	s12 =	sadd.s32 @!p1 $0x300, s24;
	_ =	swait.ge @!p1 [sflag:s18], $0x80  }
0x8e: {  	s9 =	sshrl.u32 @!p1 s9, $0x3;
	s13 =	sand.u32 @!p1 $0xFC00, s12;
	[sflag:s18] =	ssyncset.done @!p1 $0x0  }
0x8f: {  	s9 =	sadd.s32 @!p1 s5, s9;
	s17 =	simm.s32 @!p1 $0x2;
	[sflag:s18] =	ssyncadd.s32 @!p1 $0xFFFFFF80  }
0x90: {  	s12 =	sand.u32 @!p1 $0x300, s12;
	s13 =	sadd.s32 @!p1 s6, s13;
	_ =	swait.ge @!p1 [sflag:s17], $0x2400  }
0x91: {  	s12 =	sor.u32 @!p1 s12, s13;
	s18 =	simm.s32 @!p1 $0x9;
	[sflag:s17] =	ssyncset.done @!p1 $0x0  }
0x92: {  	s13 =	simm.s32 @!p1 $0x2800;
	[sflag:s17] =	ssyncadd.s32 @!p1 $0xFFFFDC00;
	s17 =	simm.s32 @!p1 $0x4D80  }
0x93: {  	[spmem:s3] =	stream.indirect.scatter.add.f32 @!p1 [tilespmem:s17], [sflag:$0x9], $0x80, s13, s10, $0xb8;
	[tilespmem:$0x1F580] =	vst v63  }
0x94: {  	s24 =	smov.u32 s8;
	s12 =	sshrl.u32 @!p1 s12, $0x3;
	_ =	swait.ge @!p1 [sflag:s18], $0x2400  }
0x95: {  	s8 =	sadd.s32 @!p1 s5, s12;
	[sflag:s18] =	ssyncset.done @!p1 $0x0  }
0x96: {  	s12 =	sadd.s32 @!p1 $0x90, s23;
	[sflag:s18] =	ssyncadd.s32 @!p1 $0xFFFFDC00  }
0x97: {  	[tilespmem:s17], [sflag:$0x2] =	stream.indirect.gather @!p1 [hbm4b:s1+s10], $0x80, s12, s10, $0xb8;
	[tilespmem:$0x1F580] =	vst v63  }
0x98: {  	_ = 	snop  }
0x99: {  	[tilespmem:s13], [sflag:$0x6] =	stream.linear.gather @!p1 [hbm4b:s9+s11], $0x80, $0x38;
	[tilespmem:$0x1F580] =	vst v63  }
0x9a: {  	_ =	swait.ge [sflag:s2], $0x80  }
0x9b: {  	[sflag:s2] =	ssyncset.done $0x0  }
0x9c: {  	[sflag:s2] =	ssyncadd.s32 $0xFFFFFF80  }
0x9d: {  	_ =	swait.ge [sflag:s0], $0x2400  }
0x9e: {  	[sflag:s0] =	ssyncset.done $0x0  }
0x9f: {  	[sflag:s0] =	ssyncadd.s32 $0xFFFFDC00  }
0xa0: {  	[spmem:s3] =	stream.indirect.scatter.add.f32 [tilespmem:s25], [sflag:$0x9], $0x80, s26, s19, $0xb8;
	[tilespmem:$0x1F580] =	vst v63  }
0xa1: {  	_ =	swait.ge [sflag:s16], $0x2400  }
0xa2: {  	[sflag:s16] =	ssyncset.done $0x0  }
0xa3: {  	s12 =	simm.s32 @!p1 $0x7180;
	s9 =	sadd.s32 @!p1 $0xD8, s23;
	[sflag:s16] =	ssyncadd.s32 $0xFFFFDC00  }
0xa4: {  	[tilespmem:s12], [sflag:$0x3] =	stream.indirect.gather @!p1 [hbm4b:s1+s10], $0x80, s9, s10, $0xb8;
	[tilespmem:$0x1F580] =	vst v63  }
0xa5: {  	s9 =	simm.s32 @!p1 $0x2880  }
0xa6: {  	[tilespmem:s9], [sflag:$0x7] =	stream.linear.gather @!p1 [hbm4b:s8+s11], $0x80, $0x38;
	[tilespmem:$0x1F580] =	vst v63  }
.Ltmp0:
0xa7: {  	_ =	swait.ge [sflag:s14], $0x80;
	(pc) =	sbr.rel @p0 .LBB2_2-.Ltmp0, $4  }
0xa8: {  	[sflag:s14] =	ssyncset.done $0x0  }
0xa9: {  	s23 =	sadd.s32 $0x120, s23;
	[sflag:s14] =	ssyncadd.s32 $0xFFFFFF80  }
0xaa: {  	s8 =	sand.u32 $0x7C00, s24;
	s9 =	sadd.s32 $0x180, s24;
	_ =	swait.ge [sflag:s15], $0x2400  }
0xab: {  	s8 =	sadd.s32 s6, s8;
	s10 =	sand.u32 $0x380, s9;
	[sflag:s15] =	ssyncset.done $0x0  }
0xac: {  	[sflag:s15] =	ssyncadd.s32 $0xFFFFDC00  }
0xad: {  	[spmem:s3] =	stream.indirect.scatter.add.f32 [tilespmem:s28], [sflag:$0x9], $0x80, s29, s19, $0xb8;
	[tilespmem:$0x1F580] =	vst v63  }
0xae: {  	_ =	swait.ge [sflag:s16], $0x2400  }
0xaf: {  	s7 =	sor.u32 s8, s10;
	[sflag:s16] =	ssyncset.done $0x0  }
0xb0: {  	s7 =	sshrl.u32 s7, $0x3;
	[sflag:s16] =	ssyncadd.s32 $0xFFFFDC00  }
0xb1: {  	[tilespmem:s28], [sflag:$0x4] =	stream.indirect.gather [hbm4b:s1+s19], $0x80, s23, s19, $0xb8;
	[tilespmem:$0x1F580] =	vst v63  }
0xb2: {  	s7 =	sadd.s32 s5, s7  }
0xb3: {  	[tilespmem:s29], [sflag:$0x8] =	stream.linear.gather [hbm4b:s7+s4], $0x80, $0x38;
	[tilespmem:$0x1F580] =	vst v63  }
0xb4: {  	_ =	swait.ge [sflag:s30], $0x80  }
0xb5: {  	[sflag:s30] =	ssyncset.done $0x0  }
0xb6: {  	[sflag:s30] =	ssyncadd.s32 $0xFFFFFF80  }
0xb7: {  	_ =	swait.ge [sflag:s31], $0x2400  }
0xb8: {  	[sflag:s31] =	ssyncset.done $0x0  }
0xb9: {  	[sflag:s31] =	ssyncadd.s32 $0xFFFFDC00  }
0xba: {  	[spmem:s3] =	stream.indirect.scatter.add.f32 [tilespmem:s20], [sflag:$0x9], $0x80, s21, s19, $0xb8;
	[tilespmem:$0x1F580] =	vst v63  }
0xbb: {  	_ =	swait.ge [sflag:s16], $0x2400  }
0xbc: {  	p0 =	seq.s32 s24, $0x4400;
	[sflag:s16] =	ssyncset.done $0x0  }
0xbd: {  	s7 =	simm.s32 @p0 $0x6;
	[sflag:s16] =	ssyncadd.s32 $0xFFFFDC00  }
0xbe: {  	_ =	swait.ge @p0 [sflag:s7], $0x80  }
0xbf: {  	s8 =	sadd.s32 @!p0 $0x200, s24;
	s10 =	simm.s32 @p0 $0x9;
	[sflag:s7] =	ssyncset.done @p0 $0x0  }
0xc0: {  	s9 =	sand.u32 @!p0 $0xFC00, s8;
	[sflag:s7] =	ssyncadd.s32 @p0 $0xFFFFFF80;
	s7 =	simm.s32 @p0 $0x2  }
0xc1: {  	s8 =	sand.u32 @!p0 $0x200, s8;
	s9 =	sadd.s32 @!p0 s6, s9;
	_ =	swait.ge @p0 [sflag:s7], $0x2400  }
0xc2: {  	s11 =	simm.s32 @p0 $0x2800;
	s8 =	sor.u32 @!p0 s8, s9;
	[sflag:s7] =	ssyncset.done @p0 $0x0  }
0xc3: {  	s9 =	simm.s32 @p0 $0x4D80;
	[sflag:s7] =	ssyncadd.s32 @p0 $0xFFFFDC00;
	s7 =	simm.s32 @p0 $0x48  }
0xc4: {  	[spmem:s3] =	stream.indirect.scatter.add.f32 @p0 [tilespmem:s9], [sflag:$0x9], $0x80, s11, s7, $0xb8;
	[tilespmem:$0x1F580] =	vst v63  }
0xc5: {  	s7 =	sshrl.u32 @!p0 s8, $0x3;
	_ =	swait.ge @p0 [sflag:s10], $0x2400  }
0xc6: {  	s8 =	simm.s32 @!p0 $0x2980;
	s9 =	sadd.s32 @!p0 $0x48, s23;
	[sflag:s10] =	ssyncset.done @p0 $0x0  }
0xc7: {  	s11 =	simm.s32 @!p0 $0x6;
	[sflag:s10] =	ssyncadd.s32 @p0 $0xFFFFDC00;
	s10 =	simm.s32 @!p0 $0x48  }
0xc8: {  	[tilespmem:s8], [sflag:$0x1] =	stream.indirect.gather @!p0 [hbm4b:s1+s10], $0x80, s9, s10, $0xb8;
	[tilespmem:$0x1F580] =	vst v63  }
0xc9: {  	s7 =	sadd.s32 @!p0 s5, s7;
	s8 =	simm.s32 @!p0 $0x0;
	s9 =	simm.s32 @!p0 $0x2780  }
0xca: {  	[tilespmem:s9], [sflag:$0x5] =	stream.linear.gather @!p0 [hbm4b:s7+s8], $0x80, $0x38;
	[tilespmem:$0x1F580] =	vst v63  }
0xcb: {  	_ =	swait.ge @!p0 [sflag:s11], $0x80  }
0xcc: {  	[sflag:s11] =	ssyncset.done @!p0 $0x0  }
0xcd: {  	s7 =	simm.s32 @!p0 $0x2;
	[sflag:s11] =	ssyncadd.s32 @!p0 $0xFFFFFF80  }
0xce: {  	_ =	swait.ge @!p0 [sflag:s7], $0x2400  }
0xcf: {  	s9 =	simm.s32 @!p0 $0x9;
	[sflag:s7] =	ssyncset.done @!p0 $0x0  }
0xd0: {  	s11 =	simm.s32 @!p0 $0x4D80;
	[sflag:s7] =	ssyncadd.s32 @!p0 $0xFFFFDC00;
	s7 =	simm.s32 @!p0 $0x2800  }
0xd1: {  	[spmem:s3] =	stream.indirect.scatter.add.f32 @!p0 [tilespmem:s11], [sflag:$0x9], $0x80, s7, s10, $0xb8;
	[tilespmem:$0x1F580] =	vst v63  }
0xd2: {  	_ =	swait.ge @!p0 [sflag:s9], $0x2400  }
0xd3: {  	[sflag:s9] =	ssyncset.done @!p0 $0x0  }
0xd4: {  	[sflag:s9] =	ssyncadd.s32 @!p0 $0xFFFFDC00;
	s9 =	sadd.s32 @!p0 $0x90, s23  }
0xd5: {  	[tilespmem:s11], [sflag:$0x2] =	stream.indirect.gather @!p0 [hbm4b:s1+s10], $0x80, s9, s10, $0xb8;
	[tilespmem:$0x1F580] =	vst v63  }
0xd6: {  	s9 =	sadd.s32 @!p0 $0x280, s24  }
0xd7: {  	s11 =	sand.u32 @!p0 $0xFC00, s9  }
0xd8: {  	s9 =	sand.u32 @!p0 $0x280, s9;
	s11 =	sadd.s32 @!p0 s6, s11  }
0xd9: {  	s9 =	sor.u32 @!p0 s9, s11  }
0xda: {  	s9 =	sshrl.u32 @!p0 s9, $0x3  }
0xdb: {  	s9 =	sadd.s32 @!p0 s5, s9  }
0xdc: {  	[tilespmem:s7], [sflag:$0x6] =	stream.linear.gather @!p0 [hbm4b:s9+s8], $0x80, $0x38;
	[tilespmem:$0x1F580] =	vst v63  }
0xdd: {  	_ =	swait.ge [sflag:s2], $0x80  }
0xde: {  	[sflag:s2] =	ssyncset.done $0x0  }
0xdf: {  	[sflag:s2] =	ssyncadd.s32 $0xFFFFFF80  }
0xe0: {  	_ =	swait.ge [sflag:s0], $0x2400  }
0xe1: {  	[sflag:s0] =	ssyncset.done $0x0  }
0xe2: {  	[sflag:s0] =	ssyncadd.s32 $0xFFFFDC00  }
0xe3: {  	[spmem:s3] =	stream.indirect.scatter.add.f32 [tilespmem:s25], [sflag:$0x9], $0x80, s26, s19, $0xb8;
	[tilespmem:$0x1F580] =	vst v63  }
0xe4: {  	_ =	swait.ge [sflag:s16], $0x2400  }
0xe5: {  	[sflag:s16] =	ssyncset.done $0x0  }
0xe6: {  	s7 =	sadd.s32 @!p0 $0xD8, s23;
	s9 =	simm.s32 @!p0 $0x7180;
	[sflag:s16] =	ssyncadd.s32 $0xFFFFDC00  }
0xe7: {  	[tilespmem:s9], [sflag:$0x3] =	stream.indirect.gather @!p0 [hbm4b:s1+s10], $0x80, s7, s10, $0xb8;
	[tilespmem:$0x1F580] =	vst v63  }
0xe8: {  	s7 =	sadd.s32 @!p0 $0x300, s24  }
0xe9: {  	s9 =	sand.u32 @!p0 $0xFC00, s7  }
0xea: {  	s7 =	sand.u32 @!p0 $0x300, s7;
	s9 =	sadd.s32 @!p0 s6, s9  }
0xeb: {  	s7 =	sor.u32 @!p0 s7, s9  }
0xec: {  	s7 =	sshrl.u32 @!p0 s7, $0x3  }
0xed: {  	s9 =	simm.s32 @!p0 $0x2880;
	s7 =	sadd.s32 @!p0 s5, s7  }
0xee: {  	[tilespmem:s9], [sflag:$0x7] =	stream.linear.gather @!p0 [hbm4b:s7+s8], $0x80, $0x38;
	[tilespmem:$0x1F580] =	vst v63  }
0xef: {  	_ =	swait.ge [sflag:s14], $0x80  }
0xf0: {  	[sflag:s14] =	ssyncset.done $0x0  }
0xf1: {  	[sflag:s14] =	ssyncadd.s32 $0xFFFFFF80  }
0xf2: {  	_ =	swait.ge [sflag:s15], $0x2400  }
0xf3: {  	[sflag:s15] =	ssyncset.done $0x0  }
0xf4: {  	[sflag:s15] =	ssyncadd.s32 $0xFFFFDC00  }
0xf5: {  	[spmem:s3] =	stream.indirect.scatter.add.f32 [tilespmem:s28], [sflag:$0x9], $0x80, s29, s19, $0xb8;
	[tilespmem:$0x1F580] =	vst v63  }
0xf6: {  	_ =	swait.ge [sflag:s16], $0x2400  }
0xf7: {  	[sflag:s16] =	ssyncset.done $0x0  }
0xf8: {  	[sflag:s16] =	ssyncadd.s32 $0xFFFFDC00  }
0xf9: {  	[bflag:$0x0] =	sbarrier.arrive $0xFFFF  }
0xfa: {  	s23 =	rddreg [dreg:$0x9]  }
0xfb: {  	s10 =	rddreg [dreg:$0xb]  }
0xfc: {  	s11 =	rddreg [dreg:$0xc]  }
0xfd: {  	[hbm:s23], [sflag:s10] =	dma.local [spmem:s11], $0x2780  }
0xfe: {  	_ =	swait.ge [sflag:s16], $0x2780  }
0xff: {  	s22 =	sadd.s32 $0x1, s22;
	s24 =	rddreg [dreg:$0xa]  }
0x100: {  	p0 =	sne.s32 s22, s24  }
.Ltmp1:
0x101: {  	_ = 	snop;
	(pc) =	sbr.rel @p0 .LBB2_1-.Ltmp1, $3  }
0x102: {  	[sflag:s16] =	ssyncset.done $0x0  }
0x103: {  	[sflag:s16] =	ssyncadd.s32 $0xFFFFD880  }
0x104: {  	[bflag:$0x0] =	sbarrier.arrive $0xFFFF;
	_ =	sdelay $0x1  }
0x105: {  	_ =	sfence.sel $0x180000  }
0x106: {  	[bflag:$0x0] =	sbarrier.arrive $0xFFFF  }
0x107: {  	_ =	strace $0x9000004A  }
0x108: {  	s0 =	stileid.u32;
	[bflag:$0x2] =	sbarrier.arrive $0xFFFF  }
0x109: {  	p0 =	sne.s32 s0, $0x0;
	s0 =	rddreg [dreg:$0x3]  }
0x10a: {  	s0 =	sadd.s32 @!p0 $0x100000, s0  }
0x10b: {  	[sflag:s0] =	ssyncadd.tile.s32 @!p0 $0x1;
	_ =	shalt  }
.Lfunc_end2:
_tile_overlayer_lowered:
.L_overlay_start_2:
0x10c: {  	(tag) =	ssettag $0x2  }
0x10d: {  	s0 =	rddreg [dreg:$0x0];
	s2 =	stileid.u32  }
0x10e: {  	s1 =	rddreg [dreg:$0x1];
	p0 =	sne.s32 s2, $0x0  }
0x10f: {  	s3 =	rddreg [dreg:$0x2];
	[bflag:$0x3] =	sbarrier.arrive $0xFFFF;
	s2 =	simm.s32 @!p0 $0x1C09  }
0x110: {  	[timem:s3], [sflag:s2] =	dma.local @!p0 [hbm:s0], s1  }
0x111: {  	s0 =	simm.s32 @!p0 $0x9  }
0x112: {  	_ =	swait.ge @!p0 [sflag:s0], s1  }
0x113: {  	s1 =	ssub.s32 @!p0 $0x0, s1;
	[sflag:s0] =	ssyncset.done @!p0 $0x0  }
0x114: {  	[sflag:s0] =	ssyncadd.s32 @!p0 s1  }
0x115: {  	[bflag:$0x3] =	sbarrier.arrive $0xFFFF  }
0x116: {  	_ =	shalt  }

// kernel: kernel.16.cloned.1.call-start
scs
__scs_entry_jumppad:
0x0: {  	(pc) =	sbr.rel $0x88, $3  }
0x1: {  	(tag) =	ssettag $0x0;
	lr =	simm.s32 $0x1  }
0x2: {  	[smem:$0x3F93] =	sst lr;
	_ =	strace $0xD0000000  }
0x3: {  	_ = 	snop  }
0x4: {  	_ = 	snop  }
0x5: {  	_ = 	snop  }
0x6: {  	_ = 	snop  }
0x7: {  	_ = 	snop  }
__scs_overlays_trampoline_lowered:
0x8: {  	[smem:$0x3FA2] =	sst s0  }
0x9: {  	[smem:$0x3FA3] =	sst s1  }
0xa: {  	[smem:$0x3FA4] =	sst s2  }
0xb: {  	[smem:$0x3FA5] =	sst s3  }
0xc: {  	[smem:$0x3FA6] =	sst s4  }
0xd: {  	[smem:$0x3FA7] =	sst s5  }
0xe: {  	[smem:$0x3FA8] =	sst s6  }
0xf: {  	[smem:$0x3FA9] =	sst s7  }
0x10: {  	[smem:$0x3FAA] =	sst s8  }
0x11: {  	[smem:$0x3FAB] =	sst s9;
	s0 =	simm.s32 @!p0 $0x0  }
0x12: {  	s1 =	sld [smem:$0x3F91];
	s0 =	simm.s32 @p0 $0x1  }
0x13: {  	[smem:$0x3FAC] =	sst s0;
	s0 =	simm.s32 @!p1 $0x0  }
0x14: {  	s2 =	sld [smem:$0x3F90];
	s0 =	simm.s32 @p1 $0x1  }
0x15: {  	[smem:$0x3FAD] =	sst s0;
	s0 =	simm.s32 @!p2 $0x0  }
0x16: {  	s3 =	sld [smem:$0x3FDB];
	s0 =	simm.s32 @p2 $0x1  }
0x17: {  	s4 =	simm.s32 $0x1BF5;
	[smem:$0x3FAF] =	sst s0  }
0x18: {  	s0 =	sld [smem:$0x3F92];
	_ =	swait.ge [sflag:s4], $0x0  }
0x19: {  	s7 =	sld [smem:$0x3F93]  }
0x1a: {  	s8 =	sadd.s32 $0xFFFFE003, lr  }
0x1b: {  	s9 =	sadd.s32 $0xFFFFFEF7, lr;
	s5 =	simm.s32 $0xFFFFFFFF;
	p2 =	slt.u32 s8, $0xFFFFF086  }
0x1c: {  	p1 =	slt.u32 s9, $0xF7A;
	s5 =	simm.s32 @!p2 $0x0  }
0x1d: {  	s5 =	simm.s32 @p1 $0x1;
	p0 =	seq.s32 s7, s2  }
0x1e: {  	s7 =	smul.u32 @!p0 $0xF7A, s2;
	p2 =	seq.s32 @!p0 s5, $0x0  }
0x1f: {  	s9 =	smul.u32 $0xF7A, s1;
	s8 =	simm.s32 @!p0 $0x1BF5;
	p2 =	por !p2, p0  }
0x20: {  	[sflag:s8] =	ssyncset.s32 @!p0 $0xFFFFF086;
	s6 =	sadd.s32 @!p0 s3, s7;
	s7 =	simm.s32 @!p0 $0x108  }
0x21: {  	s3 =	sadd.s32 s3, s9;
	s6 =	sadd.s32 @!p0 $0x88, s6;
	s7 =	simm.s32 @p2 $0x1082  }
0x22: {  	[simem:s7], [sflag:s8] =	dma.local @!p0 [hbm:s6], $0xF7A  }
0x23: {  	s9 =	sor.u32 $0xD0000000, s2;
	s6 =	simm.s32 $0x108;
	_ =	swait.ge @!p0 [sflag:s8], $0x0  }
0x24: {  	s3 =	sadd.s32 $0x88, s3;
	s6 =	simm.s32 @!p1 $0x1082;
	[sflag:s4] =	ssyncset.s32 $0xFFFFF086  }
0x25: {  	[simem:s6], [sflag:s4] =	dma.local [hbm:s3], $0xF7A  }
0x26: {  	[smem:$0x3F93] =	sst s1;
	(tag) =	ssettag s2;
	_ =	strace s9  }
0x27: {  	s1 =	sld [smem:$0x3FA3]  }
0x28: {  	s2 =	sld [smem:$0x3FA4]  }
0x29: {  	s4 =	sld [smem:$0x3FA6]  }
0x2a: {  	p0 =	seq.s32 s5, $0x0;
	s5 =	sld [smem:$0x3FA7]  }
0x2b: {  	s6 =	sld [smem:$0x3FA8]  }
0x2c: {  	s7 =	sld [smem:$0x3FA9]  }
0x2d: {  	s3 =	simm.s32 $0x108;
	s8 =	sld [smem:$0x3FAA]  }
0x2e: {  	s3 =	simm.s32 @!p0 $0x1082;
	s9 =	sld [smem:$0x3FAB]  }
0x2f: {  	lr =	sadd.s32 s0, s3;
	s0 =	sld [smem:$0x3FA2]  }
0x30: {  	s3 =	sld [smem:$0x3FA5]  }
0x31: {  	[smem:$0x3FAE] =	sst s10  }
0x32: {  	s10 =	sld [smem:$0x3FAC];
	_ =	sdelay $0x3  }
0x33: {  	p0 =	seq.s32 s10, $0x1;
	s10 =	sld [smem:$0x3FAE];
	_ =	sdelay $0x3  }
0x34: {  	[smem:$0x3FAE] =	sst s10  }
0x35: {  	s10 =	sld [smem:$0x3FAD];
	_ =	sdelay $0x3  }
0x36: {  	p1 =	seq.s32 s10, $0x1;
	s10 =	sld [smem:$0x3FAE];
	_ =	sdelay $0x3  }
0x37: {  	[smem:$0x3FAE] =	sst s10  }
0x38: {  	s10 =	sld [smem:$0x3FAF]  }
0x39: {  	_ = 	snop;
	(pc) =	sbr.ind lr, $3  }
0x3a: {  	_ = 	snop  }
0x3b: {  	_ = 	snop  }
0x3c: {  	p2 =	seq.s32 s10, $0x1;
	s10 =	sld [smem:$0x3FAE]  }
0x3d: {  	_ =	shalt  }
0x3e: {  	_ =	shalt  }
0x3f: {  	_ =	shalt  }
0x40: {  	_ =	shalt  }
0x41: {  	_ =	shalt  }
0x42: {  	_ =	shalt  }
0x43: {  	_ =	shalt  }
0x44: {  	_ =	shalt  }
0x45: {  	_ =	shalt  }
0x46: {  	_ =	shalt  }
0x47: {  	_ =	shalt  }
0x48: {  	_ =	shalt  }
0x49: {  	_ =	shalt  }
0x4a: {  	_ =	shalt  }
0x4b: {  	_ =	shalt  }
0x4c: {  	_ =	shalt  }
0x4d: {  	_ =	shalt  }
0x4e: {  	_ =	shalt  }
0x4f: {  	_ =	shalt  }
0x50: {  	_ =	shalt  }
0x51: {  	_ =	shalt  }
0x52: {  	_ =	shalt  }
0x53: {  	_ =	shalt  }
0x54: {  	_ =	shalt  }
0x55: {  	_ =	shalt  }
0x56: {  	_ =	shalt  }
0x57: {  	_ =	shalt  }
0x58: {  	_ =	shalt  }
0x59: {  	_ =	shalt  }
0x5a: {  	_ =	shalt  }
0x5b: {  	_ =	shalt  }
0x5c: {  	_ =	shalt  }
0x5d: {  	_ =	shalt  }
0x5e: {  	_ =	shalt  }
0x5f: {  	_ =	shalt  }
0x60: {  	_ =	shalt  }
0x61: {  	_ =	shalt  }
0x62: {  	_ =	shalt  }
0x63: {  	_ =	shalt  }
0x64: {  	_ =	shalt  }
0x65: {  	_ =	shalt  }
0x66: {  	_ =	shalt  }
0x67: {  	_ =	shalt  }
0x68: {  	_ =	shalt  }
0x69: {  	_ =	shalt  }
0x6a: {  	_ =	shalt  }
0x6b: {  	_ =	shalt  }
0x6c: {  	_ =	shalt  }
0x6d: {  	_ =	shalt  }
0x6e: {  	_ =	shalt  }
0x6f: {  	_ =	shalt  }
0x70: {  	_ =	shalt  }
0x71: {  	_ =	shalt  }
0x72: {  	_ =	shalt  }
0x73: {  	_ =	shalt  }
0x74: {  	_ =	shalt  }
0x75: {  	_ =	shalt  }
0x76: {  	_ =	shalt  }
0x77: {  	_ =	shalt  }
0x78: {  	_ =	shalt  }
0x79: {  	_ =	shalt  }
0x7a: {  	_ =	shalt  }
0x7b: {  	_ =	shalt  }
0x7c: {  	_ =	shalt  }
0x7d: {  	_ =	shalt  }
0x7e: {  	_ =	shalt  }
0x7f: {  	_ =	shalt  }
0x80: {  	_ =	shalt  }
0x81: {  	_ =	shalt  }
0x82: {  	_ =	shalt  }
0x83: {  	_ =	shalt  }
0x84: {  	_ =	shalt  }
0x85: {  	_ =	shalt  }
0x86: {  	_ =	shalt  }
0x87: {  	_ =	shalt  }
.Lfunc_end0:
.L_simem_size_0:
called_computation.2_lowered:
.L_overlay_start_0:
0x88: {  	s2 =	sld [smem:$0x3FD9]  }
0x89: {  	s3 =	sld [smem:$0x3FFE];
	_ =	sdelay $0x1  }
0x8a: {  	s1 =	srdreg.scid  }
0x8b: {  	s0 =	sand.u32 $0x1, s1  }
0x8c: {  	s17 =	sshll.u32 s0, $0xA;
	s2 =	sadd.s32 s3, s2  }
0x8d: {  	s2 =	sadd.s32 s2, s17  }
0x8e: {  	[smem:$0x3FBA] =	sst s2  }
0x8f: {  	_ = 	snop  }
0x90: {  	s2 =	sld [smem:$0x3FD0];
	(tm) =	ssettm $0x1  }
0x91: {  	s18 =	sld [smem:$0x3FFB];
	_ =	sdelay $0x3  }
0x92: {  	_ =	strace s18  }
0x93: {  	s3 =	sld [smem:$0x3FFC];
	_ =	sdelay $0x3  }
0x94: {  	_ =	strace s3  }
0x95: {  	s3 =	sld [smem:$0x3FFD];
	_ =	sdelay $0x3  }
0x96: {  	_ =	strace s3  }
0x97: {  	_ =	strace $0x8FFFFFFF  }
0x98: {  	s19 =	sld [smem:$0x3FDB];
	_ =	sdelay $0x1  }
0x99: {  	s4 =	simm.s32 $_scs_section_size  }
0x9a: {  	s5 =	simm.s32 $_size__tile_overlayer_lowered;
	s6 =	simm.s32 $_tile_overlayer_lowered  }
0x9b: {  	s22 =	simm.s32 $0x1BFF;
	s21 =	sshll.u32 s6, $0x1;
	s3 =	sadd.s32 s4, s19  }
0x9c: {  	s7 =	simm.s32 $0x0;
	s20 =	sshll.u32 s5, $0x1;
	s5 =	sadd.s32 s21, s3  }
0x9d: {  	[timem:s7], [sflag:s22] =	dma.local [hbm:s5], s20  }
0x9e: {  	_ =	swait.ge [sflag:s22], s20  }
0x9f: {  	s4 =	ssub.s32 $0x0, s20;
	[sflag:s22] =	ssyncset.done $0x0  }
0xa0: {  	[sflag:s22] =	ssyncadd.s32 s4;
	_ =	sdelay $0x1  }
0xa1: {  	s23 =	simm.s32 $0x1B8B  }
0xa2: {  	_ =	swait.ge [sflag:s23], $0x1  }
0xa3: {  	[sflag:s23] =	ssyncset.done $0x0  }
0xa4: {  	s25 =	simm.s32 $0x1B8E;
	s24 =	sld [smem:$0x3FFE];
	[sflag:s23] =	ssyncadd.s32 $0xFFFFFFFF  }
0xa5: {  	s26 =	simm.s32 $execute0_lowered;
	[smem:$0x3FD2] =	sst s25  }
0xa6: {  	s5 =	sshll.u32 s26, $0x1;
	_ =	strace $0x8000004C;
	[dreg:$0x1] =	wrdreg $0xFFFFFFFF  }
0xa7: {  	s28 =	simm.s32 $_size_execute0_lowered;
	s3 =	sadd.s32 s3, s5;
	[dreg:$0x0] =	wrdreg $0x0  }
0xa8: {  	s5 =	sshll.u32 s28, $0x1;
	[dreg:$0x2] =	wrdreg s3  }
0xa9: {  	[dreg:$0x3] =	wrdreg s5  }
0xaa: {  	[dreg:$0x4] =	wrdreg $0xC0  }
0xab: {  	_ =	task [dreg:s7], $0x5FFFF  }
0xac: {  	[dreg:$0x1] =	wrdreg $0xFFFFFFFF  }
0xad: {  	[dreg:$0x0] =	wrdreg $0x60  }
0xae: {  	[dreg:$0x2] =	wrdreg s2  }
0xaf: {  	[dreg:$0x3] =	wrdreg s24  }
0xb0: {  	[dreg:$0x4] =	wrdreg $0xB9800  }
0xb1: {  	[dreg:$0x5] =	wrdreg $0x9  }
0xb2: {  	_ =	task.clear_ibuf [dreg:s7], $0x6FFFF;
	_ =	strace $0x9000004C  }
0xb3: {  	s29 =	simm.s32 $0x9;
	_ =	strace $0x8000004E  }
0xb4: {  	_ =	swait.ge [sflag:s29], $0x1  }
0xb5: {  	[sflag:s29] =	ssyncadd.s32 $0xFFFFFFFF  }
0xb6: {  	_ =	strace $0x9000004E  }
0xb7: {  	_ =	sfence  }
0xb8: {  	s30 =	sld [smem:$0x0];
	_ =	sdelay $0x2  }
0xb9: {  	s31 =	sshll.u32 s1, $0xD;
	s1 =	sshrl.u32 s1, $0x2  }
0xba: {  	s3 =	sand.u32 $0x4000, s31;
	s1 =	sadd.s32 s1, s30  }
0xbb: {  	s0 =	sor.u32 s3, s0;
	s1 =	sshll.u32 s1, $0x11  }
0xbc: {  	s0 =	sor.u32 s1, s0  }
0xbd: {  	s0 =	sadd.s32 $0x8F2B, s0  }
0xbe: {  	[sflag:s0] =	ssyncadd.remote.s32 $0x1  }
0xbf: {  	_ =	sfence.sel $0xFFFF  }
0xc0: {  	[dreg:$0x0] =	wrdreg $0xFFFFFFFF;
	(pc) =	sbr.abs _section_cstart, $3  }
0xc1: {  	[dreg:$0x1] =	wrdreg $0xFFFFFFFF  }
0xc2: {  	_ =	task.clear_ibuf [dreg:s7], $0x2FFFF;
	_ =	strace $0x9FFFFFFF  }
0xc3: {  	(tm) =	ssettm $0x7FFFFFFF  }
tec
execute0_lowered:
.L_overlay_start_1:
0x0: {  	(tag) =	ssettag $0x1  }
0x1: {  	s1 =	rddreg [dreg:$0x0]  }
0x2: {  	s0 =	rddreg [dreg:$0x1];
	s2 =	srdreg.scid  }
0x3: {  	s13 =	stileid.u32;
	s3 =	rddreg [dreg:$0x2]  }
0x4: {  	s28 =	simm.s32 $0x7180;
	s29 =	simm.s32 $0x2880;
	s30 =	simm.s32 $0x9580  }
0x5: {  	s31 =	simm.s32 $0x2900;
	s2 =	sand.u32 $0x1, s2;
	s9 =	smul.u32 $0x13C00, s13  }
0x6: {  	s4 =	sshll.u32 s13, $0x1;
	s5 =	sshrl.u32 s13, $0x2;
	s12 =	smul.u32 $0x4F000, s13  }
0x7: {  	s26 =	sshll.u32 s13, $0x6;
	s7 =	sor.u32 s2, s4;
	s6 =	smul.u32 $0x13C00, s5  }
0x8: {  	s4 =	simm.s32 $0x0;
	s5 =	sadd.s32 $0x4A000, s0;
	s10 =	smul.u32 $0x13C000, s2  }
0x9: {  	s2 =	ssub.s32 $0x2, s2;
	s16 =	sshll.u32 s7, $0x7;
	[smem:$0x7FF] =	sst s4  }
0xa: {  	s17 =	sshrl.u32 s9, $0x3;
	s7 =	smul.u32 $0x4800, s7;
	s18 =	sshrl.u32 s2, $0x1  }
0xb: {  	s21 =	sshrl.u32 s12, $0x2;
	s12 =	sor.u32 $0x1C09, s26;
	s8 =	sand.u32 $0x380, s16  }
0xc: {  	_ =	strace $0x8000004D;
	s9 =	sadd.s32 s9, s10;
	s2 =	ssub.s32 s2, s18  }
0xd: {  	s10 =	sadd.s32 s21, s3;
	s18 =	simm.s32 $0x9;
	s21 =	simm.s32 $0x48  }
0xe: {  	s16 =	simm.s32 $0x7;
	[dreg:$0xc] =	wrdreg s12;
	s6 =	sor.u32 s6, s8  }
0xf: {  	s8 =	sadd.s32 s17, s0;
	s9 =	sshrl.u32 s9, $0x3;
	s19 =	sshrl.u32 s7, $0x3  }
0x10: {  	s25 =	smax.u32 s2, $0x1;
	s13 =	sshrl.u32 s10, $0x3;
	s2 =	simm.s32 $0x5  }
0x11: {  	s17 =	simm.s32 $0x3;
	s6 =	sshrl.u32 s6, $0x3;
	[dreg:$0xb] =	wrdreg s25  }
0x12: {  	s8 =	sadd.s32 $0x22800, s8;
	[dreg:$0xd] =	wrdreg s13;
	s11 =	sadd.s32 s6, s0  }
0x13: {  	s6 =	sadd.s32 $0x10800, s0;
	[dreg:$0x6] =	wrdreg s8;
	s20 =	sadd.s32 $0x6A00, s11  }
0x14: {  	s0 =	sadd.s32 s9, s0;
	s9 =	sadd.s32 s6, s19;
	[dreg:$0x4] =	wrdreg s20  }
0x15: {  	s10 =	simm.s32 $0x0;
	s24 =	sadd.s32 $0xE8000, s0;
	[dreg:$0x5] =	wrdreg s9  }
0x16: {  	s8 =	simm.s32 $0x8;
	s0 =	sadd.s32 $0x137000, s0;
	[dreg:$0x9] =	wrdreg s24  }
0x17: {  	s22 =	sadd.s32 $0x10, s9;
	s23 =	sadd.s32 $0x20, s9;
	[dreg:$0xa] =	wrdreg s0  }
0x18: {  	s0 =	simm.s32 $0x1;
	s24 =	simm.s32 $0x4;
	[dreg:$0x7] =	wrdreg s22  }
0x19: {  	[dreg:$0x8] =	wrdreg s23;
	s22 =	simm.s32 $0x2980;
	s23 =	simm.s32 $0x2780  }
.LBB2_1:
0x1a: {  	[dreg:$0xe] =	wrdreg s10  }
0x1b: {  	s9 =	rddreg [dreg:$0x4];
	s19 =	simm.s32 $0x80;
	s11 =	simm.s32 $0x400  }
0x1c: {  	[tilespmem:s4], [sflag:$0x9] =	stream.strided.gather [hbm4b:s9+s19], $0x2780, s11, s19, $0x38;
	[tilespmem:$0x1F580] =	vst v63  }
0x1d: {  	_ =	swait.ge [sflag:s18], $0x2780  }
0x1e: {  	[sflag:s18] =	ssyncset.done $0x0  }
0x1f: {  	s20 =	rddreg [dreg:$0x6];
	[sflag:s18] =	ssyncadd.s32 $0xFFFFD880  }
0x20: {  	[spmem:s13], [sflag:s12] =	dma.local [hbm:s20], $0x2780  }
0x21: {  	_ =	swait.ge [sflag:s18], $0x2780  }
0x22: {  	[sflag:s18] =	ssyncset.done $0x0  }
0x23: {  	[sflag:s18] =	ssyncadd.s32 $0xFFFFD880  }
0x24: {  	[bflag:$0x0] =	sbarrier.arrive $0xFFFF  }
0x25: {  	[tilespmem:s22], [sflag:$0x1] =	stream.indirect.gather [hbm4b:s1+s21], $0x80, s4, s21, $0xb8;
	[tilespmem:$0x1F580] =	vst v63  }
0x26: {  	s25 =	rddreg [dreg:$0x5]  }
0x27: {  	[tilespmem:s23], [sflag:$0x5] =	stream.linear.gather [hbm4b:s25+s4], $0x80, $0x38;
	[tilespmem:$0x1F580] =	vst v63  }
0x28: {  	s26 =	simm.s32 $0x4D80;
	s14 =	sand.u32 $0x7C00, s4  }
0x29: {  	[tilespmem:s26], [sflag:$0x2] =	stream.indirect.gather [hbm4b:s1+s21], $0x80, s21, s21, $0xb8;
	[tilespmem:$0x1F580] =	vst v63  }
0x2a: {  	s15 =	simm.s32 $0x180;
	s11 =	simm.s32 $0x2800;
	s10 =	rddreg [dreg:$0x7]  }
0x2b: {  	[tilespmem:s11], [sflag:$0x6] =	stream.linear.gather [hbm4b:s10+s4], $0x80, $0x38;
	[tilespmem:$0x1F580] =	vst v63  }
0x2c: {  	s12 =	simm.s32 $0x90;
	s10 =	sadd.s32 s7, s14;
	s11 =	sand.u32 $0x380, s15  }
0x2d: {  	[tilespmem:s28], [sflag:$0x3] =	stream.indirect.gather [hbm4b:s1+s21], $0x80, s12, s21, $0xb8;
	[tilespmem:$0x1F580] =	vst v63  }
0x2e: {  	s13 =	rddreg [dreg:$0x8];
	s10 =	sor.u32 s10, s11  }
0x2f: {  	[tilespmem:s29], [sflag:$0x7] =	stream.linear.gather [hbm4b:s13+s4], $0x80, $0x38;
	[tilespmem:$0x1F580] =	vst v63  }
0x30: {  	s19 =	simm.s32 $0xD8;
	s10 =	sshrl.u32 s10, $0x3  }
0x31: {  	[tilespmem:s30], [sflag:$0x4] =	stream.indirect.gather [hbm4b:s1+s21], $0x80, s19, s21, $0xb8;
	[tilespmem:$0x1F580] =	vst v63  }
0x32: {  	s10 =	sadd.s32 s6, s10  }
0x33: {  	[tilespmem:s31], [sflag:$0x8] =	stream.linear.gather [hbm4b:s10+s4], $0x80, $0x38;
	[tilespmem:$0x1F580] =	vst v63  }
0x34: {  	_ =	swait.ge [sflag:s2], $0x80  }
0x35: {  	[sflag:s2] =	ssyncset.done $0x0  }
0x36: {  	[sflag:s2] =	ssyncadd.s32 $0xFFFFFF80  }
0x37: {  	_ =	swait.ge [sflag:s0], $0x2400  }
0x38: {  	[sflag:s0] =	ssyncset.done $0x0  }
0x39: {  	[sflag:s0] =	ssyncadd.s32 $0xFFFFDC00  }
0x3a: {  	[spmem:s3] =	stream.indirect.scatter.add.f32 [tilespmem:s22], [sflag:$0x9], $0x80, s23, s21, $0xb8;
	[tilespmem:$0x1F580] =	vst v63  }
0x3b: {  	_ =	swait.ge [sflag:s18], $0x2400  }
0x3c: {  	p0 =	por $0x0, $0x0;
	[sflag:s18] =	ssyncset.done $0x0  }
0x3d: {  	s10 =	simm.s32 @p0 $0x6;
	[sflag:s18] =	ssyncadd.s32 $0xFFFFDC00  }
0x3e: {  	_ =	swait.ge @p0 [sflag:s10], $0x80  }
0x3f: {  	s14 =	simm.s32 @p0 $0x9;
	s11 =	simm.s32 @!p0 $0x200;
	[sflag:s10] =	ssyncset.done @p0 $0x0  }
0x40: {  	s13 =	sand.u32 @!p0 $0xFC00, s11;
	[sflag:s10] =	ssyncadd.s32 @p0 $0xFFFFFF80;
	s10 =	simm.s32 @p0 $0x2  }
0x41: {  	s11 =	sand.u32 @!p0 $0x200, s11;
	s13 =	sadd.s32 @!p0 s7, s13;
	_ =	swait.ge @p0 [sflag:s10], $0x2400  }
0x42: {  	s15 =	simm.s32 @p0 $0x2800;
	s11 =	sor.u32 @!p0 s11, s13;
	[sflag:s10] =	ssyncset.done @p0 $0x0  }
0x43: {  	s13 =	simm.s32 @p0 $0x4D80;
	[sflag:s10] =	ssyncadd.s32 @p0 $0xFFFFDC00;
	s10 =	simm.s32 @p0 $0x48  }
0x44: {  	[spmem:s3] =	stream.indirect.scatter.add.f32 @p0 [tilespmem:s13], [sflag:$0x9], $0x80, s15, s10, $0xb8;
	[tilespmem:$0x1F580] =	vst v63  }
0x45: {  	s10 =	sshrl.u32 @!p0 s11, $0x3;
	_ =	swait.ge @p0 [sflag:s14], $0x2400  }
0x46: {  	s11 =	simm.s32 @!p0 $0x2980;
	s13 =	simm.s32 @!p0 $0x120;
	[sflag:s14] =	ssyncset.done @p0 $0x0  }
0x47: {  	s15 =	simm.s32 @!p0 $0x6;
	[sflag:s14] =	ssyncadd.s32 @p0 $0xFFFFDC00;
	s14 =	simm.s32 @!p0 $0x48  }
0x48: {  	[tilespmem:s11], [sflag:$0x1] =	stream.indirect.gather @!p0 [hbm4b:s1+s14], $0x80, s13, s14, $0xb8;
	[tilespmem:$0x1F580] =	vst v63  }
0x49: {  	s10 =	sadd.s32 @!p0 s6, s10;
	s11 =	simm.s32 @!p0 $0x0;
	s13 =	simm.s32 @!p0 $0x2780  }
0x4a: {  	[tilespmem:s13], [sflag:$0x5] =	stream.linear.gather @!p0 [hbm4b:s10+s11], $0x80, $0x38;
	[tilespmem:$0x1F580] =	vst v63  }
0x4b: {  	_ =	swait.ge @!p0 [sflag:s15], $0x80  }
0x4c: {  	[sflag:s15] =	ssyncset.done @!p0 $0x0  }
0x4d: {  	s10 =	simm.s32 @!p0 $0x2;
	[sflag:s15] =	ssyncadd.s32 @!p0 $0xFFFFFF80  }
0x4e: {  	_ =	swait.ge @!p0 [sflag:s10], $0x2400  }
0x4f: {  	s13 =	simm.s32 @!p0 $0x9;
	[sflag:s10] =	ssyncset.done @!p0 $0x0  }
0x50: {  	s15 =	simm.s32 @!p0 $0x4D80;
	[sflag:s10] =	ssyncadd.s32 @!p0 $0xFFFFDC00;
	s10 =	simm.s32 @!p0 $0x2800  }
0x51: {  	[spmem:s3] =	stream.indirect.scatter.add.f32 @!p0 [tilespmem:s15], [sflag:$0x9], $0x80, s10, s14, $0xb8;
	[tilespmem:$0x1F580] =	vst v63  }
0x52: {  	_ =	swait.ge @!p0 [sflag:s13], $0x2400  }
0x53: {  	[sflag:s13] =	ssyncset.done @!p0 $0x0  }
0x54: {  	[sflag:s13] =	ssyncadd.s32 @!p0 $0xFFFFDC00;
	s13 =	simm.s32 @!p0 $0x168  }
0x55: {  	[tilespmem:s15], [sflag:$0x2] =	stream.indirect.gather @!p0 [hbm4b:s1+s14], $0x80, s13, s14, $0xb8;
	[tilespmem:$0x1F580] =	vst v63  }
0x56: {  	s13 =	simm.s32 @!p0 $0x280  }
0x57: {  	s15 =	sand.u32 @!p0 $0xFC00, s13  }
0x58: {  	s13 =	sand.u32 @!p0 $0x280, s13;
	s15 =	sadd.s32 @!p0 s7, s15  }
0x59: {  	s13 =	sor.u32 @!p0 s13, s15  }
0x5a: {  	s13 =	sshrl.u32 @!p0 s13, $0x3  }
0x5b: {  	s13 =	sadd.s32 @!p0 s6, s13  }
0x5c: {  	[tilespmem:s10], [sflag:$0x6] =	stream.linear.gather @!p0 [hbm4b:s13+s11], $0x80, $0x38;
	[tilespmem:$0x1F580] =	vst v63  }
0x5d: {  	_ =	swait.ge [sflag:s16], $0x80  }
0x5e: {  	[sflag:s16] =	ssyncset.done $0x0  }
0x5f: {  	[sflag:s16] =	ssyncadd.s32 $0xFFFFFF80  }
0x60: {  	_ =	swait.ge [sflag:s17], $0x2400  }
0x61: {  	s10 =	simm.s32 @!p0 $0x300;
	[sflag:s17] =	ssyncset.done $0x0  }
0x62: {  	s13 =	sand.u32 @!p0 $0xFC00, s10;
	[sflag:s17] =	ssyncadd.s32 $0xFFFFDC00  }
0x63: {  	[spmem:s3] =	stream.indirect.scatter.add.f32 [tilespmem:s28], [sflag:$0x9], $0x80, s29, s21, $0xb8;
	[tilespmem:$0x1F580] =	vst v63  }
0x64: {  	s10 =	sand.u32 @!p0 $0x300, s10;
	s13 =	sadd.s32 @!p0 s7, s13;
	_ =	swait.ge [sflag:s18], $0x2400  }
0x65: {  	s15 =	simm.s32 @!p0 $0x7180;
	s10 =	sor.u32 @!p0 s10, s13;
	[sflag:s18] =	ssyncset.done $0x0  }
0x66: {  	s13 =	simm.s32 @!p0 $0x1B0;
	s10 =	sshrl.u32 @!p0 s10, $0x3;
	[sflag:s18] =	ssyncadd.s32 $0xFFFFDC00  }
0x67: {  	[tilespmem:s15], [sflag:$0x3] =	stream.indirect.gather @!p0 [hbm4b:s1+s14], $0x80, s13, s14, $0xb8;
	[tilespmem:$0x1F580] =	vst v63  }
0x68: {  	s10 =	sadd.s32 @!p0 s6, s10;
	s13 =	simm.s32 @!p0 $0x2880  }
0x69: {  	[tilespmem:s13], [sflag:$0x7] =	stream.linear.gather @!p0 [hbm4b:s10+s11], $0x80, $0x38;
	[tilespmem:$0x1F580] =	vst v63  }
0x6a: {  	_ =	swait.ge [sflag:s8], $0x80  }
0x6b: {  	s26 =	simm.s32 $0x200;
	[sflag:s8] =	ssyncset.done $0x0  }
0x6c: {  	s25 =	simm.s32 $0x380;
	s20 =	sand.u32 $0x7C00, s26;
	[sflag:s8] =	ssyncadd.s32 $0xFFFFFF80  }
0x6d: {  	s14 =	simm.s32 $0x400;
	s13 =	simm.s32 $0x1F8;
	_ =	swait.ge [sflag:s24], $0x2400  }
0x6e: {  	s10 =	sadd.s32 s7, s20;
	s11 =	sand.u32 $0x380, s25;
	[sflag:s24] =	ssyncset.done $0x0  }
.LBB2_2:
0x6f: {  	s10 =	sor.u32 s10, s11  }
0x70: {  	[sflag:s24] =	ssyncadd.s32 $0xFFFFDC00;
	s15 =	smov.u32 s14;
	s14 =	sadd.s32 $0x200, s14  }
0x71: {  	[spmem:s3] =	stream.indirect.scatter.add.f32 [tilespmem:s30], [sflag:$0x9], $0x80, s31, s21, $0xb8;
	[tilespmem:$0x1F580] =	vst v63  }
0x72: {  	p0 =	sne.s32 s14, $0x4600;
	s10 =	sshrl.u32 s10, $0x3;
	_ =	swait.ge [sflag:s18], $0x2400  }
0x73: {  	[sflag:s18] =	ssyncset.done $0x0  }
0x74: {  	[sflag:s18] =	ssyncadd.s32 $0xFFFFDC00  }
0x75: {  	[tilespmem:s30], [sflag:$0x4] =	stream.indirect.gather [hbm4b:s1+s21], $0x80, s13, s21, $0xb8;
	[tilespmem:$0x1F580] =	vst v63  }
0x76: {  	s10 =	sadd.s32 s6, s10  }
0x77: {  	[tilespmem:s31], [sflag:$0x8] =	stream.linear.gather [hbm4b:s10+s4], $0x80, $0x38;
	[tilespmem:$0x1F580] =	vst v63  }
0x78: {  	_ =	swait.ge [sflag:s2], $0x80  }
0x79: {  	[sflag:s2] =	ssyncset.done $0x0  }
0x7a: {  	[sflag:s2] =	ssyncadd.s32 $0xFFFFFF80  }
0x7b: {  	_ =	swait.ge [sflag:s0], $0x2400  }
0x7c: {  	[sflag:s0] =	ssyncset.done $0x0  }
0x7d: {  	[sflag:s0] =	ssyncadd.s32 $0xFFFFDC00  }
0x7e: {  	[spmem:s3] =	stream.indirect.scatter.add.f32 [tilespmem:s22], [sflag:$0x9], $0x80, s23, s21, $0xb8;
	[tilespmem:$0x1F580] =	vst v63  }
0x7f: {  	_ =	swait.ge [sflag:s18], $0x2400  }
0x80: {  	p1 =	seq.s32 s26, $0x4400;
	[sflag:s18] =	ssyncset.done $0x0  }
0x81: {  	s11 =	sadd.s32 @!p1 $0x200, s26;
	s10 =	simm.s32 @p1 $0x6;
	[sflag:s18] =	ssyncadd.s32 $0xFFFFDC00  }
0x82: {  	s12 =	sand.u32 @!p1 $0xFC00, s11;
	s11 =	sand.u32 @!p1 $0x200, s11;
	_ =	swait.ge @p1 [sflag:s10], $0x80  }
0x83: {  	s9 =	sadd.s32 @!p1 $0x280, s26;
	s12 =	sadd.s32 @!p1 s7, s12;
	[sflag:s10] =	ssyncset.done @p1 $0x0  }
0x84: {  	s19 =	sand.u32 @!p1 $0xFC00, s9;
	[sflag:s10] =	ssyncadd.s32 @p1 $0xFFFFFF80;
	s10 =	simm.s32 @p1 $0x2  }
0x85: {  	s9 =	sand.u32 @!p1 $0x280, s9;
	s11 =	sor.u32 @!p1 s11, s12;
	_ =	swait.ge @p1 [sflag:s10], $0x2400  }
0x86: {  	s20 =	simm.s32 @p1 $0x9;
	s12 =	simm.s32 @p1 $0x4D80;
	[sflag:s10] =	ssyncset.done @p1 $0x0  }
0x87: {  	s25 =	simm.s32 @p1 $0x2800;
	[sflag:s10] =	ssyncadd.s32 @p1 $0xFFFFDC00;
	s10 =	simm.s32 @p1 $0x48  }
0x88: {  	[spmem:s3] =	stream.indirect.scatter.add.f32 @p1 [tilespmem:s12], [sflag:$0x9], $0x80, s25, s10, $0xb8;
	[tilespmem:$0x1F580] =	vst v63  }
0x89: {  	s10 =	sshrl.u32 @!p1 s11, $0x3;
	s12 =	sadd.s32 @!p1 s7, s19;
	_ =	swait.ge @p1 [sflag:s20], $0x2400  }
0x8a: {  	s11 =	simm.s32 @!p1 $0x2980;
	s19 =	sadd.s32 @!p1 s6, s10;
	[sflag:s20] =	ssyncset.done @p1 $0x0  }
0x8b: {  	s10 =	simm.s32 @!p1 $0x48;
	[sflag:s20] =	ssyncadd.s32 @p1 $0xFFFFDC00;
	s20 =	sadd.s32 @!p1 $0x48, s13  }
0x8c: {  	[tilespmem:s11], [sflag:$0x1] =	stream.indirect.gather @!p1 [hbm4b:s1+s10], $0x80, s20, s10, $0xb8;
	[tilespmem:$0x1F580] =	vst v63  }
0x8d: {  	s25 =	simm.s32 @!p1 $0x6;
	s11 =	simm.s32 @!p1 $0x0;
	s20 =	simm.s32 @!p1 $0x2780  }
0x8e: {  	[tilespmem:s20], [sflag:$0x5] =	stream.linear.gather @!p1 [hbm4b:s19+s11], $0x80, $0x38;
	[tilespmem:$0x1F580] =	vst v63  }
0x8f: {  	s9 =	sor.u32 @!p1 s9, s12;
	s12 =	sadd.s32 @!p1 $0x300, s26;
	_ =	swait.ge @!p1 [sflag:s25], $0x80  }
0x90: {  	s9 =	sshrl.u32 @!p1 s9, $0x3;
	s19 =	sand.u32 @!p1 $0xFC00, s12;
	[sflag:s25] =	ssyncset.done @!p1 $0x0  }
0x91: {  	s9 =	sadd.s32 @!p1 s6, s9;
	s20 =	simm.s32 @!p1 $0x2;
	[sflag:s25] =	ssyncadd.s32 @!p1 $0xFFFFFF80  }
0x92: {  	s12 =	sand.u32 @!p1 $0x300, s12;
	s19 =	sadd.s32 @!p1 s7, s19;
	_ =	swait.ge @!p1 [sflag:s20], $0x2400  }
0x93: {  	s12 =	sor.u32 @!p1 s12, s19;
	s25 =	simm.s32 @!p1 $0x9;
	[sflag:s20] =	ssyncset.done @!p1 $0x0  }
0x94: {  	s19 =	simm.s32 @!p1 $0x2800;
	[sflag:s20] =	ssyncadd.s32 @!p1 $0xFFFFDC00;
	s20 =	simm.s32 @!p1 $0x4D80  }
0x95: {  	[spmem:s3] =	stream.indirect.scatter.add.f32 @!p1 [tilespmem:s20], [sflag:$0x9], $0x80, s19, s10, $0xb8;
	[tilespmem:$0x1F580] =	vst v63  }
0x96: {  	s26 =	smov.u32 s15;
	s12 =	sshrl.u32 @!p1 s12, $0x3;
	_ =	swait.ge @!p1 [sflag:s25], $0x2400  }
0x97: {  	s12 =	sadd.s32 @!p1 s6, s12;
	[sflag:s25] =	ssyncset.done @!p1 $0x0  }
0x98: {  	s15 =	sadd.s32 @!p1 $0x90, s13;
	[sflag:s25] =	ssyncadd.s32 @!p1 $0xFFFFDC00  }
0x99: {  	[tilespmem:s20], [sflag:$0x2] =	stream.indirect.gather @!p1 [hbm4b:s1+s10], $0x80, s15, s10, $0xb8;
	[tilespmem:$0x1F580] =	vst v63  }
0x9a: {  	_ = 	snop  }
0x9b: {  	[tilespmem:s19], [sflag:$0x6] =	stream.linear.gather @!p1 [hbm4b:s9+s11], $0x80, $0x38;
	[tilespmem:$0x1F580] =	vst v63  }
0x9c: {  	_ =	swait.ge [sflag:s16], $0x80  }
0x9d: {  	[sflag:s16] =	ssyncset.done $0x0  }
0x9e: {  	[sflag:s16] =	ssyncadd.s32 $0xFFFFFF80  }
0x9f: {  	_ =	swait.ge [sflag:s17], $0x2400  }
0xa0: {  	[sflag:s17] =	ssyncset.done $0x0  }
0xa1: {  	[sflag:s17] =	ssyncadd.s32 $0xFFFFDC00  }
0xa2: {  	[spmem:s3] =	stream.indirect.scatter.add.f32 [tilespmem:s28], [sflag:$0x9], $0x80, s29, s21, $0xb8;
	[tilespmem:$0x1F580] =	vst v63  }
0xa3: {  	_ =	swait.ge [sflag:s18], $0x2400  }
0xa4: {  	[sflag:s18] =	ssyncset.done $0x0  }
0xa5: {  	s15 =	simm.s32 @!p1 $0x7180;
	s9 =	sadd.s32 @!p1 $0xD8, s13;
	[sflag:s18] =	ssyncadd.s32 $0xFFFFDC00  }
0xa6: {  	[tilespmem:s15], [sflag:$0x3] =	stream.indirect.gather @!p1 [hbm4b:s1+s10], $0x80, s9, s10, $0xb8;
	[tilespmem:$0x1F580] =	vst v63  }
0xa7: {  	s9 =	simm.s32 @!p1 $0x2880  }
0xa8: {  	[tilespmem:s9], [sflag:$0x7] =	stream.linear.gather @!p1 [hbm4b:s12+s11], $0x80, $0x38;
	[tilespmem:$0x1F580] =	vst v63  }
.Ltmp0:
0xa9: {  	_ =	swait.ge [sflag:s8], $0x80;
	(pc) =	sbr.rel @p0 .LBB2_2-.Ltmp0, $4  }
0xaa: {  	[sflag:s8] =	ssyncset.done $0x0  }
0xab: {  	s13 =	sadd.s32 $0x120, s13;
	[sflag:s8] =	ssyncadd.s32 $0xFFFFFF80  }
0xac: {  	s9 =	sand.u32 $0x7C00, s26;
	s11 =	sadd.s32 $0x180, s26;
	_ =	swait.ge [sflag:s24], $0x2400  }
0xad: {  	s10 =	sadd.s32 s7, s9;
	s11 =	sand.u32 $0x380, s11;
	[sflag:s24] =	ssyncset.done $0x0  }
0xae: {  	[sflag:s24] =	ssyncadd.s32 $0xFFFFDC00  }
0xaf: {  	[spmem:s3] =	stream.indirect.scatter.add.f32 [tilespmem:s30], [sflag:$0x9], $0x80, s31, s21, $0xb8;
	[tilespmem:$0x1F580] =	vst v63  }
0xb0: {  	_ =	swait.ge [sflag:s18], $0x2400  }
0xb1: {  	s9 =	sor.u32 s10, s11;
	[sflag:s18] =	ssyncset.done $0x0  }
0xb2: {  	s9 =	sshrl.u32 s9, $0x3;
	[sflag:s18] =	ssyncadd.s32 $0xFFFFDC00  }
0xb3: {  	[tilespmem:s30], [sflag:$0x4] =	stream.indirect.gather [hbm4b:s1+s21], $0x80, s13, s21, $0xb8;
	[tilespmem:$0x1F580] =	vst v63  }
0xb4: {  	s9 =	sadd.s32 s6, s9  }
0xb5: {  	[tilespmem:s31], [sflag:$0x8] =	stream.linear.gather [hbm4b:s9+s4], $0x80, $0x38;
	[tilespmem:$0x1F580] =	vst v63  }
0xb6: {  	_ =	swait.ge [sflag:s2], $0x80  }
0xb7: {  	[sflag:s2] =	ssyncset.done $0x0  }
0xb8: {  	[sflag:s2] =	ssyncadd.s32 $0xFFFFFF80  }
0xb9: {  	_ =	swait.ge [sflag:s0], $0x2400  }
0xba: {  	[sflag:s0] =	ssyncset.done $0x0  }
0xbb: {  	[sflag:s0] =	ssyncadd.s32 $0xFFFFDC00  }
0xbc: {  	[spmem:s3] =	stream.indirect.scatter.add.f32 [tilespmem:s22], [sflag:$0x9], $0x80, s23, s21, $0xb8;
	[tilespmem:$0x1F580] =	vst v63  }
0xbd: {  	_ =	swait.ge [sflag:s18], $0x2400  }
0xbe: {  	p0 =	seq.s32 s26, $0x4400;
	[sflag:s18] =	ssyncset.done $0x0  }
0xbf: {  	s9 =	simm.s32 @p0 $0x6;
	[sflag:s18] =	ssyncadd.s32 $0xFFFFDC00  }
0xc0: {  	_ =	swait.ge @p0 [sflag:s9], $0x80  }
0xc1: {  	s10 =	sadd.s32 @!p0 $0x200, s26;
	s12 =	simm.s32 @p0 $0x9;
	[sflag:s9] =	ssyncset.done @p0 $0x0  }
0xc2: {  	s11 =	sand.u32 @!p0 $0xFC00, s10;
	[sflag:s9] =	ssyncadd.s32 @p0 $0xFFFFFF80;
	s9 =	simm.s32 @p0 $0x2  }
0xc3: {  	s10 =	sand.u32 @!p0 $0x200, s10;
	s11 =	sadd.s32 @!p0 s7, s11;
	_ =	swait.ge @p0 [sflag:s9], $0x2400  }
0xc4: {  	s14 =	simm.s32 @p0 $0x2800;
	s10 =	sor.u32 @!p0 s10, s11;
	[sflag:s9] =	ssyncset.done @p0 $0x0  }
0xc5: {  	s11 =	simm.s32 @p0 $0x4D80;
	[sflag:s9] =	ssyncadd.s32 @p0 $0xFFFFDC00;
	s9 =	simm.s32 @p0 $0x48  }
0xc6: {  	[spmem:s3] =	stream.indirect.scatter.add.f32 @p0 [tilespmem:s11], [sflag:$0x9], $0x80, s14, s9, $0xb8;
	[tilespmem:$0x1F580] =	vst v63  }
0xc7: {  	s9 =	sshrl.u32 @!p0 s10, $0x3;
	_ =	swait.ge @p0 [sflag:s12], $0x2400  }
0xc8: {  	s10 =	simm.s32 @!p0 $0x2980;
	s11 =	sadd.s32 @!p0 $0x48, s13;
	[sflag:s12] =	ssyncset.done @p0 $0x0  }
0xc9: {  	s14 =	simm.s32 @!p0 $0x6;
	[sflag:s12] =	ssyncadd.s32 @p0 $0xFFFFDC00;
	s12 =	simm.s32 @!p0 $0x48  }
0xca: {  	[tilespmem:s10], [sflag:$0x1] =	stream.indirect.gather @!p0 [hbm4b:s1+s12], $0x80, s11, s12, $0xb8;
	[tilespmem:$0x1F580] =	vst v63  }
0xcb: {  	s9 =	sadd.s32 @!p0 s6, s9;
	s10 =	simm.s32 @!p0 $0x0;
	s11 =	simm.s32 @!p0 $0x2780  }
0xcc: {  	[tilespmem:s11], [sflag:$0x5] =	stream.linear.gather @!p0 [hbm4b:s9+s10], $0x80, $0x38;
	[tilespmem:$0x1F580] =	vst v63  }
0xcd: {  	_ =	swait.ge @!p0 [sflag:s14], $0x80  }
0xce: {  	[sflag:s14] =	ssyncset.done @!p0 $0x0  }
0xcf: {  	s9 =	simm.s32 @!p0 $0x2;
	[sflag:s14] =	ssyncadd.s32 @!p0 $0xFFFFFF80  }
0xd0: {  	_ =	swait.ge @!p0 [sflag:s9], $0x2400  }
0xd1: {  	s11 =	simm.s32 @!p0 $0x9;
	[sflag:s9] =	ssyncset.done @!p0 $0x0  }
0xd2: {  	s14 =	simm.s32 @!p0 $0x4D80;
	[sflag:s9] =	ssyncadd.s32 @!p0 $0xFFFFDC00;
	s9 =	simm.s32 @!p0 $0x2800  }
0xd3: {  	[spmem:s3] =	stream.indirect.scatter.add.f32 @!p0 [tilespmem:s14], [sflag:$0x9], $0x80, s9, s12, $0xb8;
	[tilespmem:$0x1F580] =	vst v63  }
0xd4: {  	_ =	swait.ge @!p0 [sflag:s11], $0x2400  }
0xd5: {  	[sflag:s11] =	ssyncset.done @!p0 $0x0  }
0xd6: {  	[sflag:s11] =	ssyncadd.s32 @!p0 $0xFFFFDC00;
	s11 =	sadd.s32 @!p0 $0x90, s13  }
0xd7: {  	[tilespmem:s14], [sflag:$0x2] =	stream.indirect.gather @!p0 [hbm4b:s1+s12], $0x80, s11, s12, $0xb8;
	[tilespmem:$0x1F580] =	vst v63  }
0xd8: {  	s11 =	sadd.s32 @!p0 $0x280, s26  }
0xd9: {  	s14 =	sand.u32 @!p0 $0xFC00, s11  }
0xda: {  	s11 =	sand.u32 @!p0 $0x280, s11;
	s14 =	sadd.s32 @!p0 s7, s14  }
0xdb: {  	s11 =	sor.u32 @!p0 s11, s14  }
0xdc: {  	s11 =	sshrl.u32 @!p0 s11, $0x3  }
0xdd: {  	s11 =	sadd.s32 @!p0 s6, s11  }
0xde: {  	[tilespmem:s9], [sflag:$0x6] =	stream.linear.gather @!p0 [hbm4b:s11+s10], $0x80, $0x38;
	[tilespmem:$0x1F580] =	vst v63  }
0xdf: {  	_ =	swait.ge [sflag:s16], $0x80  }
0xe0: {  	[sflag:s16] =	ssyncset.done $0x0  }
0xe1: {  	[sflag:s16] =	ssyncadd.s32 $0xFFFFFF80  }
0xe2: {  	_ =	swait.ge [sflag:s17], $0x2400  }
0xe3: {  	s9 =	sadd.s32 @!p0 $0x300, s26;
	[sflag:s17] =	ssyncset.done $0x0  }
0xe4: {  	s11 =	sand.u32 @!p0 $0xFC00, s9;
	[sflag:s17] =	ssyncadd.s32 $0xFFFFDC00  }
0xe5: {  	[spmem:s3] =	stream.indirect.scatter.add.f32 [tilespmem:s28], [sflag:$0x9], $0x80, s29, s21, $0xb8;
	[tilespmem:$0x1F580] =	vst v63  }
0xe6: {  	s9 =	sand.u32 @!p0 $0x300, s9;
	s11 =	sadd.s32 @!p0 s7, s11;
	_ =	swait.ge [sflag:s18], $0x2400  }
0xe7: {  	s9 =	sor.u32 @!p0 s9, s11;
	s11 =	sadd.s32 @!p0 $0xD8, s13;
	[sflag:s18] =	ssyncset.done $0x0  }
0xe8: {  	s13 =	simm.s32 @!p0 $0x7180;
	s9 =	sshrl.u32 @!p0 s9, $0x3;
	[sflag:s18] =	ssyncadd.s32 $0xFFFFDC00  }
0xe9: {  	[tilespmem:s13], [sflag:$0x3] =	stream.indirect.gather @!p0 [hbm4b:s1+s12], $0x80, s11, s12, $0xb8;
	[tilespmem:$0x1F580] =	vst v63  }
0xea: {  	s9 =	sadd.s32 @!p0 s6, s9;
	s11 =	simm.s32 @!p0 $0x2880  }
0xeb: {  	[tilespmem:s11], [sflag:$0x7] =	stream.linear.gather @!p0 [hbm4b:s9+s10], $0x80, $0x38;
	[tilespmem:$0x1F580] =	vst v63  }
0xec: {  	_ =	swait.ge [sflag:s8], $0x80  }
0xed: {  	[sflag:s8] =	ssyncset.done $0x0  }
0xee: {  	[sflag:s8] =	ssyncadd.s32 $0xFFFFFF80  }
0xef: {  	_ =	swait.ge [sflag:s24], $0x2400  }
0xf0: {  	[sflag:s24] =	ssyncset.done $0x0  }
0xf1: {  	[sflag:s24] =	ssyncadd.s32 $0xFFFFDC00  }
0xf2: {  	[spmem:s3] =	stream.indirect.scatter.add.f32 [tilespmem:s30], [sflag:$0x9], $0x80, s31, s21, $0xb8;
	[tilespmem:$0x1F580] =	vst v63  }
0xf3: {  	_ =	swait.ge [sflag:s18], $0x2400  }
0xf4: {  	[sflag:s18] =	ssyncset.done $0x0  }
0xf5: {  	[sflag:s18] =	ssyncadd.s32 $0xFFFFDC00  }
0xf6: {  	[bflag:$0x0] =	sbarrier.arrive $0xFFFF  }
0xf7: {  	s13 =	rddreg [dreg:$0x9]  }
0xf8: {  	s14 =	rddreg [dreg:$0xc]  }
0xf9: {  	s15 =	rddreg [dreg:$0xd]  }
0xfa: {  	[hbm:s13], [sflag:s14] =	dma.local [spmem:s15], $0x2780  }
0xfb: {  	_ =	swait.ge [sflag:s18], $0x2780  }
0xfc: {  	[sflag:s18] =	ssyncset.done $0x0  }
0xfd: {  	[sflag:s18] =	ssyncadd.s32 $0xFFFFD880  }
0xfe: {  	[bflag:$0x0] =	sbarrier.arrive $0xFFFF  }
0xff: {  	s19 =	rddreg [dreg:$0x6]  }
0x100: {  	[spmem:s15], [sflag:s14] =	dma.local [hbm:s19], $0x2780  }
0x101: {  	_ =	swait.ge [sflag:s18], $0x2780  }
0x102: {  	[sflag:s18] =	ssyncset.done $0x0  }
0x103: {  	[sflag:s18] =	ssyncadd.s32 $0xFFFFD880  }
0x104: {  	s20 =	simm.s32 $0x0;
	[bflag:$0x0] =	sbarrier.arrive $0xFFFF  }
0x105: {  	[tilespmem:s22], [sflag:$0x1] =	stream.indirect.gather [hbm4b:s5+s21], $0x80, s20, s21, $0xb8;
	[tilespmem:$0x1F580] =	vst v63  }
0x106: {  	s25 =	rddreg [dreg:$0x5]  }
0x107: {  	[tilespmem:s23], [sflag:$0x5] =	stream.linear.gather [hbm4b:s25+s20], $0x80, $0x38;
	[tilespmem:$0x1F580] =	vst v63  }
0x108: {  	s26 =	simm.s32 $0x4D80;
	s12 =	simm.s32 $0x2800  }
0x109: {  	[tilespmem:s26], [sflag:$0x2] =	stream.indirect.gather [hbm4b:s5+s21], $0x80, s21, s21, $0xb8;
	[tilespmem:$0x1F580] =	vst v63  }
0x10a: {  	s9 =	sand.u32 $0x7C00, s20;
	s15 =	simm.s32 $0x180;
	s11 =	rddreg [dreg:$0x7]  }
0x10b: {  	[tilespmem:s12], [sflag:$0x6] =	stream.linear.gather [hbm4b:s11+s20], $0x80, $0x38;
	[tilespmem:$0x1F580] =	vst v63  }
0x10c: {  	s9 =	sadd.s32 s7, s9;
	s13 =	simm.s32 $0x90;
	s10 =	sand.u32 $0x380, s15  }
0x10d: {  	[tilespmem:s28], [sflag:$0x3] =	stream.indirect.gather [hbm4b:s5+s21], $0x80, s13, s21, $0xb8;
	[tilespmem:$0x1F580] =	vst v63  }
0x10e: {  	s9 =	sor.u32 s9, s10;
	s14 =	rddreg [dreg:$0x8]  }
0x10f: {  	[tilespmem:s29], [sflag:$0x7] =	stream.linear.gather [hbm4b:s14+s20], $0x80, $0x38;
	[tilespmem:$0x1F580] =	vst v63  }
0x110: {  	s19 =	simm.s32 $0xD8;
	s9 =	sshrl.u32 s9, $0x3  }
0x111: {  	[tilespmem:s30], [sflag:$0x4] =	stream.indirect.gather [hbm4b:s5+s21], $0x80, s19, s21, $0xb8;
	[tilespmem:$0x1F580] =	vst v63  }
0x112: {  	s9 =	sadd.s32 s6, s9  }
0x113: {  	[tilespmem:s31], [sflag:$0x8] =	stream.linear.gather [hbm4b:s9+s4], $0x80, $0x38;
	[tilespmem:$0x1F580] =	vst v63  }
0x114: {  	_ =	swait.ge [sflag:s2], $0x80  }
0x115: {  	[sflag:s2] =	ssyncset.done $0x0  }
0x116: {  	[sflag:s2] =	ssyncadd.s32 $0xFFFFFF80  }
0x117: {  	_ =	swait.ge [sflag:s0], $0x2400  }
0x118: {  	[sflag:s0] =	ssyncset.done $0x0  }
0x119: {  	[sflag:s0] =	ssyncadd.s32 $0xFFFFDC00  }
0x11a: {  	[spmem:s3] =	stream.indirect.scatter.add.f32 [tilespmem:s22], [sflag:$0x9], $0x80, s23, s21, $0xb8;
	[tilespmem:$0x1F580] =	vst v63  }
0x11b: {  	_ =	swait.ge [sflag:s18], $0x2400  }
0x11c: {  	p0 =	por $0x0, $0x0;
	[sflag:s18] =	ssyncset.done $0x0  }
0x11d: {  	s9 =	simm.s32 @p0 $0x6;
	[sflag:s18] =	ssyncadd.s32 $0xFFFFDC00  }
0x11e: {  	s10 =	simm.s32 @!p0 $0x200;
	_ =	swait.ge @p0 [sflag:s9], $0x80  }
0x11f: {  	s11 =	sand.u32 @!p0 $0xFC00, s10;
	[sflag:s9] =	ssyncset.done @p0 $0x0  }
0x120: {  	s10 =	sand.u32 @!p0 $0x200, s10;
	[sflag:s9] =	ssyncadd.s32 @p0 $0xFFFFFF80;
	s9 =	simm.s32 @p0 $0x2  }
0x121: {  	s12 =	simm.s32 @p0 $0x9;
	s11 =	sadd.s32 @!p0 s7, s11;
	_ =	swait.ge @p0 [sflag:s9], $0x2400  }
0x122: {  	s10 =	sor.u32 @!p0 s10, s11;
	s11 =	simm.s32 @p0 $0x4D80;
	[sflag:s9] =	ssyncset.done @p0 $0x0  }
0x123: {  	s13 =	simm.s32 @p0 $0x2800;
	[sflag:s9] =	ssyncadd.s32 @p0 $0xFFFFDC00;
	s9 =	simm.s32 @p0 $0x48  }
0x124: {  	[spmem:s3] =	stream.indirect.scatter.add.f32 @p0 [tilespmem:s11], [sflag:$0x9], $0x80, s13, s9, $0xb8;
	[tilespmem:$0x1F580] =	vst v63  }
0x125: {  	s9 =	sshrl.u32 @!p0 s10, $0x3;
	_ =	swait.ge @p0 [sflag:s12], $0x2400  }
0x126: {  	s10 =	simm.s32 @!p0 $0x2980;
	s11 =	simm.s32 @!p0 $0x120;
	[sflag:s12] =	ssyncset.done @p0 $0x0  }
0x127: {  	s13 =	simm.s32 @!p0 $0x6;
	[sflag:s12] =	ssyncadd.s32 @p0 $0xFFFFDC00;
	s12 =	simm.s32 @!p0 $0x48  }
0x128: {  	[tilespmem:s10], [sflag:$0x1] =	stream.indirect.gather @!p0 [hbm4b:s5+s12], $0x80, s11, s12, $0xb8;
	[tilespmem:$0x1F580] =	vst v63  }
0x129: {  	s9 =	sadd.s32 @!p0 s6, s9;
	s10 =	simm.s32 @!p0 $0x0;
	s11 =	simm.s32 @!p0 $0x2780  }
0x12a: {  	[tilespmem:s11], [sflag:$0x5] =	stream.linear.gather @!p0 [hbm4b:s9+s10], $0x80, $0x38;
	[tilespmem:$0x1F580] =	vst v63  }
0x12b: {  	_ =	swait.ge @!p0 [sflag:s13], $0x80  }
0x12c: {  	[sflag:s13] =	ssyncset.done @!p0 $0x0  }
0x12d: {  	s9 =	simm.s32 @!p0 $0x2;
	[sflag:s13] =	ssyncadd.s32 @!p0 $0xFFFFFF80  }
0x12e: {  	_ =	swait.ge @!p0 [sflag:s9], $0x2400  }
0x12f: {  	s11 =	simm.s32 @!p0 $0x9;
	[sflag:s9] =	ssyncset.done @!p0 $0x0  }
0x130: {  	s13 =	simm.s32 @!p0 $0x4D80;
	[sflag:s9] =	ssyncadd.s32 @!p0 $0xFFFFDC00;
	s9 =	simm.s32 @!p0 $0x2800  }
0x131: {  	[spmem:s3] =	stream.indirect.scatter.add.f32 @!p0 [tilespmem:s13], [sflag:$0x9], $0x80, s9, s12, $0xb8;
	[tilespmem:$0x1F580] =	vst v63  }
0x132: {  	_ =	swait.ge @!p0 [sflag:s11], $0x2400  }
0x133: {  	[sflag:s11] =	ssyncset.done @!p0 $0x0  }
0x134: {  	[sflag:s11] =	ssyncadd.s32 @!p0 $0xFFFFDC00;
	s11 =	simm.s32 @!p0 $0x168  }
0x135: {  	[tilespmem:s13], [sflag:$0x2] =	stream.indirect.gather @!p0 [hbm4b:s5+s12], $0x80, s11, s12, $0xb8;
	[tilespmem:$0x1F580] =	vst v63  }
0x136: {  	s11 =	simm.s32 @!p0 $0x280  }
0x137: {  	s13 =	sand.u32 @!p0 $0xFC00, s11  }
0x138: {  	s11 =	sand.u32 @!p0 $0x280, s11;
	s13 =	sadd.s32 @!p0 s7, s13  }
0x139: {  	s11 =	sor.u32 @!p0 s11, s13  }
0x13a: {  	s11 =	sshrl.u32 @!p0 s11, $0x3  }
0x13b: {  	s11 =	sadd.s32 @!p0 s6, s11  }
0x13c: {  	[tilespmem:s9], [sflag:$0x6] =	stream.linear.gather @!p0 [hbm4b:s11+s10], $0x80, $0x38;
	[tilespmem:$0x1F580] =	vst v63  }
0x13d: {  	_ =	swait.ge [sflag:s16], $0x80  }
0x13e: {  	[sflag:s16] =	ssyncset.done $0x0  }
0x13f: {  	[sflag:s16] =	ssyncadd.s32 $0xFFFFFF80  }
0x140: {  	_ =	swait.ge [sflag:s17], $0x2400  }
0x141: {  	s9 =	simm.s32 @!p0 $0x300;
	[sflag:s17] =	ssyncset.done $0x0  }
0x142: {  	s11 =	sand.u32 @!p0 $0xFC00, s9;
	[sflag:s17] =	ssyncadd.s32 $0xFFFFDC00  }
0x143: {  	[spmem:s3] =	stream.indirect.scatter.add.f32 [tilespmem:s28], [sflag:$0x9], $0x80, s29, s21, $0xb8;
	[tilespmem:$0x1F580] =	vst v63  }
0x144: {  	s9 =	sand.u32 @!p0 $0x300, s9;
	s11 =	sadd.s32 @!p0 s7, s11;
	_ =	swait.ge [sflag:s18], $0x2400  }
0x145: {  	s13 =	simm.s32 @!p0 $0x7180;
	s9 =	sor.u32 @!p0 s9, s11;
	[sflag:s18] =	ssyncset.done $0x0  }
0x146: {  	s11 =	simm.s32 @!p0 $0x1B0;
	s9 =	sshrl.u32 @!p0 s9, $0x3;
	[sflag:s18] =	ssyncadd.s32 $0xFFFFDC00  }
0x147: {  	[tilespmem:s13], [sflag:$0x3] =	stream.indirect.gather @!p0 [hbm4b:s5+s12], $0x80, s11, s12, $0xb8;
	[tilespmem:$0x1F580] =	vst v63  }
0x148: {  	s9 =	sadd.s32 @!p0 s6, s9;
	s11 =	simm.s32 @!p0 $0x2880  }
0x149: {  	[tilespmem:s11], [sflag:$0x7] =	stream.linear.gather @!p0 [hbm4b:s9+s10], $0x80, $0x38;
	[tilespmem:$0x1F580] =	vst v63  }
0x14a: {  	_ =	swait.ge [sflag:s8], $0x80  }
0x14b: {  	s25 =	simm.s32 $0x380;
	[sflag:s8] =	ssyncset.done $0x0  }
0x14c: {  	s26 =	simm.s32 $0x200;
	s14 =	simm.s32 $0x400;
	[sflag:s8] =	ssyncadd.s32 $0xFFFFFF80  }
0x14d: {  	s20 =	sand.u32 $0x7C00, s26;
	s13 =	simm.s32 $0x1F8;
	_ =	swait.ge [sflag:s24], $0x2400  }
0x14e: {  	s10 =	sadd.s32 s7, s20;
	s11 =	sand.u32 $0x380, s25;
	[sflag:s24] =	ssyncset.done $0x0  }
.LBB2_4:
0x14f: {  	s9 =	sor.u32 s10, s11  }
0x150: {  	[sflag:s24] =	ssyncadd.s32 $0xFFFFDC00;
	s15 =	smov.u32 s14;
	s14 =	sadd.s32 $0x200, s14  }
0x151: {  	[spmem:s3] =	stream.indirect.scatter.add.f32 [tilespmem:s30], [sflag:$0x9], $0x80, s31, s21, $0xb8;
	[tilespmem:$0x1F580] =	vst v63  }
0x152: {  	p0 =	sne.s32 s14, $0x4600;
	s9 =	sshrl.u32 s9, $0x3;
	_ =	swait.ge [sflag:s18], $0x2400  }
0x153: {  	[sflag:s18] =	ssyncset.done $0x0  }
0x154: {  	[sflag:s18] =	ssyncadd.s32 $0xFFFFDC00  }
0x155: {  	[tilespmem:s30], [sflag:$0x4] =	stream.indirect.gather [hbm4b:s5+s21], $0x80, s13, s21, $0xb8;
	[tilespmem:$0x1F580] =	vst v63  }
0x156: {  	s9 =	sadd.s32 s6, s9  }
0x157: {  	[tilespmem:s31], [sflag:$0x8] =	stream.linear.gather [hbm4b:s9+s4], $0x80, $0x38;
	[tilespmem:$0x1F580] =	vst v63  }
0x158: {  	_ =	swait.ge [sflag:s2], $0x80  }
0x159: {  	[sflag:s2] =	ssyncset.done $0x0  }
0x15a: {  	[sflag:s2] =	ssyncadd.s32 $0xFFFFFF80  }
0x15b: {  	_ =	swait.ge [sflag:s0], $0x2400  }
0x15c: {  	[sflag:s0] =	ssyncset.done $0x0  }
0x15d: {  	[sflag:s0] =	ssyncadd.s32 $0xFFFFDC00  }
0x15e: {  	[spmem:s3] =	stream.indirect.scatter.add.f32 [tilespmem:s22], [sflag:$0x9], $0x80, s23, s21, $0xb8;
	[tilespmem:$0x1F580] =	vst v63  }
0x15f: {  	_ =	swait.ge [sflag:s18], $0x2400  }
0x160: {  	p1 =	seq.s32 s26, $0x4400;
	[sflag:s18] =	ssyncset.done $0x0  }
0x161: {  	s10 =	sadd.s32 @!p1 $0x200, s26;
	s9 =	simm.s32 @p1 $0x6;
	[sflag:s18] =	ssyncadd.s32 $0xFFFFDC00  }
0x162: {  	s11 =	sand.u32 @!p1 $0xFC00, s10;
	s10 =	sand.u32 @!p1 $0x200, s10;
	_ =	swait.ge @p1 [sflag:s9], $0x80  }
0x163: {  	s12 =	sadd.s32 @!p1 $0x280, s26;
	s11 =	sadd.s32 @!p1 s7, s11;
	[sflag:s9] =	ssyncset.done @p1 $0x0  }
0x164: {  	s19 =	sand.u32 @!p1 $0xFC00, s12;
	[sflag:s9] =	ssyncadd.s32 @p1 $0xFFFFFF80;
	s9 =	simm.s32 @p1 $0x2  }
0x165: {  	s12 =	sand.u32 @!p1 $0x280, s12;
	s10 =	sor.u32 @!p1 s10, s11;
	_ =	swait.ge @p1 [sflag:s9], $0x2400  }
0x166: {  	s20 =	simm.s32 @p1 $0x9;
	s11 =	simm.s32 @p1 $0x4D80;
	[sflag:s9] =	ssyncset.done @p1 $0x0  }
0x167: {  	s25 =	simm.s32 @p1 $0x2800;
	[sflag:s9] =	ssyncadd.s32 @p1 $0xFFFFDC00;
	s9 =	simm.s32 @p1 $0x48  }
0x168: {  	[spmem:s3] =	stream.indirect.scatter.add.f32 @p1 [tilespmem:s11], [sflag:$0x9], $0x80, s25, s9, $0xb8;
	[tilespmem:$0x1F580] =	vst v63  }
0x169: {  	s19 =	sadd.s32 @!p1 s7, s19;
	s9 =	sshrl.u32 @!p1 s10, $0x3;
	_ =	swait.ge @p1 [sflag:s20], $0x2400  }
0x16a: {  	s11 =	simm.s32 @!p1 $0x2980;
	s9 =	sadd.s32 @!p1 s6, s9;
	[sflag:s20] =	ssyncset.done @p1 $0x0  }
0x16b: {  	s10 =	simm.s32 @!p1 $0x48;
	[sflag:s20] =	ssyncadd.s32 @p1 $0xFFFFDC00;
	s20 =	sadd.s32 @!p1 $0x48, s13  }
0x16c: {  	[tilespmem:s11], [sflag:$0x1] =	stream.indirect.gather @!p1 [hbm4b:s5+s10], $0x80, s20, s10, $0xb8;
	[tilespmem:$0x1F580] =	vst v63  }
0x16d: {  	s25 =	simm.s32 @!p1 $0x6;
	s11 =	simm.s32 @!p1 $0x0;
	s20 =	simm.s32 @!p1 $0x2780  }
0x16e: {  	[tilespmem:s20], [sflag:$0x5] =	stream.linear.gather @!p1 [hbm4b:s9+s11], $0x80, $0x38;
	[tilespmem:$0x1F580] =	vst v63  }
0x16f: {  	s9 =	sor.u32 @!p1 s12, s19;
	s12 =	sadd.s32 @!p1 $0x300, s26;
	_ =	swait.ge @!p1 [sflag:s25], $0x80  }
0x170: {  	s9 =	sshrl.u32 @!p1 s9, $0x3;
	s19 =	sand.u32 @!p1 $0xFC00, s12;
	[sflag:s25] =	ssyncset.done @!p1 $0x0  }
0x171: {  	s20 =	simm.s32 @!p1 $0x2;
	s9 =	sadd.s32 @!p1 s6, s9;
	[sflag:s25] =	ssyncadd.s32 @!p1 $0xFFFFFF80  }
0x172: {  	s12 =	sand.u32 @!p1 $0x300, s12;
	s19 =	sadd.s32 @!p1 s7, s19;
	_ =	swait.ge @!p1 [sflag:s20], $0x2400  }
0x173: {  	s25 =	simm.s32 @!p1 $0x9;
	s12 =	sor.u32 @!p1 s12, s19;
	[sflag:s20] =	ssyncset.done @!p1 $0x0  }
0x174: {  	s19 =	simm.s32 @!p1 $0x2800;
	[sflag:s20] =	ssyncadd.s32 @!p1 $0xFFFFDC00;
	s20 =	simm.s32 @!p1 $0x4D80  }
0x175: {  	[spmem:s3] =	stream.indirect.scatter.add.f32 @!p1 [tilespmem:s20], [sflag:$0x9], $0x80, s19, s10, $0xb8;
	[tilespmem:$0x1F580] =	vst v63  }
0x176: {  	s26 =	smov.u32 s15;
	s12 =	sshrl.u32 @!p1 s12, $0x3;
	_ =	swait.ge @!p1 [sflag:s25], $0x2400  }
0x177: {  	s12 =	sadd.s32 @!p1 s6, s12;
	[sflag:s25] =	ssyncset.done @!p1 $0x0  }
0x178: {  	s15 =	sadd.s32 @!p1 $0x90, s13;
	[sflag:s25] =	ssyncadd.s32 @!p1 $0xFFFFDC00  }
0x179: {  	[tilespmem:s20], [sflag:$0x2] =	stream.indirect.gather @!p1 [hbm4b:s5+s10], $0x80, s15, s10, $0xb8;
	[tilespmem:$0x1F580] =	vst v63  }
0x17a: {  	_ = 	snop  }
0x17b: {  	[tilespmem:s19], [sflag:$0x6] =	stream.linear.gather @!p1 [hbm4b:s9+s11], $0x80, $0x38;
	[tilespmem:$0x1F580] =	vst v63  }
0x17c: {  	_ =	swait.ge [sflag:s16], $0x80  }
0x17d: {  	[sflag:s16] =	ssyncset.done $0x0  }
0x17e: {  	[sflag:s16] =	ssyncadd.s32 $0xFFFFFF80  }
0x17f: {  	_ =	swait.ge [sflag:s17], $0x2400  }
0x180: {  	[sflag:s17] =	ssyncset.done $0x0  }
0x181: {  	[sflag:s17] =	ssyncadd.s32 $0xFFFFDC00  }
0x182: {  	[spmem:s3] =	stream.indirect.scatter.add.f32 [tilespmem:s28], [sflag:$0x9], $0x80, s29, s21, $0xb8;
	[tilespmem:$0x1F580] =	vst v63  }
0x183: {  	_ =	swait.ge [sflag:s18], $0x2400  }
0x184: {  	[sflag:s18] =	ssyncset.done $0x0  }
0x185: {  	s15 =	simm.s32 @!p1 $0x7180;
	s9 =	sadd.s32 @!p1 $0xD8, s13;
	[sflag:s18] =	ssyncadd.s32 $0xFFFFDC00  }
0x186: {  	[tilespmem:s15], [sflag:$0x3] =	stream.indirect.gather @!p1 [hbm4b:s5+s10], $0x80, s9, s10, $0xb8;
	[tilespmem:$0x1F580] =	vst v63  }
0x187: {  	s9 =	simm.s32 @!p1 $0x2880  }
0x188: {  	[tilespmem:s9], [sflag:$0x7] =	stream.linear.gather @!p1 [hbm4b:s12+s11], $0x80, $0x38;
	[tilespmem:$0x1F580] =	vst v63  }
.Ltmp1:
0x189: {  	_ =	swait.ge [sflag:s8], $0x80;
	(pc) =	sbr.rel @p0 .LBB2_4-.Ltmp1, $4  }
0x18a: {  	[sflag:s8] =	ssyncset.done $0x0  }
0x18b: {  	s13 =	sadd.s32 $0x120, s13;
	[sflag:s8] =	ssyncadd.s32 $0xFFFFFF80  }
0x18c: {  	s9 =	sand.u32 $0x7C00, s26;
	s11 =	sadd.s32 $0x180, s26;
	_ =	swait.ge [sflag:s24], $0x2400  }
0x18d: {  	s10 =	sadd.s32 s7, s9;
	s11 =	sand.u32 $0x380, s11;
	[sflag:s24] =	ssyncset.done $0x0  }
0x18e: {  	[sflag:s24] =	ssyncadd.s32 $0xFFFFDC00  }
0x18f: {  	[spmem:s3] =	stream.indirect.scatter.add.f32 [tilespmem:s30], [sflag:$0x9], $0x80, s31, s21, $0xb8;
	[tilespmem:$0x1F580] =	vst v63  }
0x190: {  	_ =	swait.ge [sflag:s18], $0x2400  }
0x191: {  	s9 =	sor.u32 s10, s11;
	[sflag:s18] =	ssyncset.done $0x0  }
0x192: {  	s9 =	sshrl.u32 s9, $0x3;
	[sflag:s18] =	ssyncadd.s32 $0xFFFFDC00  }
0x193: {  	[tilespmem:s30], [sflag:$0x4] =	stream.indirect.gather [hbm4b:s5+s21], $0x80, s13, s21, $0xb8;
	[tilespmem:$0x1F580] =	vst v63  }
0x194: {  	s9 =	sadd.s32 s6, s9  }
0x195: {  	[tilespmem:s31], [sflag:$0x8] =	stream.linear.gather [hbm4b:s9+s4], $0x80, $0x38;
	[tilespmem:$0x1F580] =	vst v63  }
0x196: {  	_ =	swait.ge [sflag:s2], $0x80  }
0x197: {  	[sflag:s2] =	ssyncset.done $0x0  }
0x198: {  	[sflag:s2] =	ssyncadd.s32 $0xFFFFFF80  }
0x199: {  	_ =	swait.ge [sflag:s0], $0x2400  }
0x19a: {  	[sflag:s0] =	ssyncset.done $0x0  }
0x19b: {  	[sflag:s0] =	ssyncadd.s32 $0xFFFFDC00  }
0x19c: {  	[spmem:s3] =	stream.indirect.scatter.add.f32 [tilespmem:s22], [sflag:$0x9], $0x80, s23, s21, $0xb8;
	[tilespmem:$0x1F580] =	vst v63  }
0x19d: {  	_ =	swait.ge [sflag:s18], $0x2400  }
0x19e: {  	p0 =	seq.s32 s26, $0x4400;
	[sflag:s18] =	ssyncset.done $0x0  }
0x19f: {  	s9 =	simm.s32 @p0 $0x6;
	[sflag:s18] =	ssyncadd.s32 $0xFFFFDC00  }
0x1a0: {  	_ =	swait.ge @p0 [sflag:s9], $0x80  }
0x1a1: {  	s10 =	sadd.s32 @!p0 $0x200, s26;
	s12 =	simm.s32 @p0 $0x9;
	[sflag:s9] =	ssyncset.done @p0 $0x0  }
0x1a2: {  	s11 =	sand.u32 @!p0 $0xFC00, s10;
	[sflag:s9] =	ssyncadd.s32 @p0 $0xFFFFFF80;
	s9 =	simm.s32 @p0 $0x2  }
0x1a3: {  	s10 =	sand.u32 @!p0 $0x200, s10;
	s11 =	sadd.s32 @!p0 s7, s11;
	_ =	swait.ge @p0 [sflag:s9], $0x2400  }
0x1a4: {  	s14 =	simm.s32 @p0 $0x2800;
	s10 =	sor.u32 @!p0 s10, s11;
	[sflag:s9] =	ssyncset.done @p0 $0x0  }
0x1a5: {  	s11 =	simm.s32 @p0 $0x4D80;
	[sflag:s9] =	ssyncadd.s32 @p0 $0xFFFFDC00;
	s9 =	simm.s32 @p0 $0x48  }
0x1a6: {  	[spmem:s3] =	stream.indirect.scatter.add.f32 @p0 [tilespmem:s11], [sflag:$0x9], $0x80, s14, s9, $0xb8;
	[tilespmem:$0x1F580] =	vst v63  }
0x1a7: {  	s9 =	sshrl.u32 @!p0 s10, $0x3;
	_ =	swait.ge @p0 [sflag:s12], $0x2400  }
0x1a8: {  	s10 =	simm.s32 @!p0 $0x2980;
	s11 =	sadd.s32 @!p0 $0x48, s13;
	[sflag:s12] =	ssyncset.done @p0 $0x0  }
0x1a9: {  	s14 =	simm.s32 @!p0 $0x6;
	[sflag:s12] =	ssyncadd.s32 @p0 $0xFFFFDC00;
	s12 =	simm.s32 @!p0 $0x48  }
0x1aa: {  	[tilespmem:s10], [sflag:$0x1] =	stream.indirect.gather @!p0 [hbm4b:s5+s12], $0x80, s11, s12, $0xb8;
	[tilespmem:$0x1F580] =	vst v63  }
0x1ab: {  	s9 =	sadd.s32 @!p0 s6, s9;
	s10 =	simm.s32 @!p0 $0x0;
	s11 =	simm.s32 @!p0 $0x2780  }
0x1ac: {  	[tilespmem:s11], [sflag:$0x5] =	stream.linear.gather @!p0 [hbm4b:s9+s10], $0x80, $0x38;
	[tilespmem:$0x1F580] =	vst v63  }
0x1ad: {  	_ =	swait.ge @!p0 [sflag:s14], $0x80  }
0x1ae: {  	[sflag:s14] =	ssyncset.done @!p0 $0x0  }
0x1af: {  	s9 =	simm.s32 @!p0 $0x2;
	[sflag:s14] =	ssyncadd.s32 @!p0 $0xFFFFFF80  }
0x1b0: {  	_ =	swait.ge @!p0 [sflag:s9], $0x2400  }
0x1b1: {  	s11 =	simm.s32 @!p0 $0x9;
	[sflag:s9] =	ssyncset.done @!p0 $0x0  }
0x1b2: {  	s14 =	simm.s32 @!p0 $0x4D80;
	[sflag:s9] =	ssyncadd.s32 @!p0 $0xFFFFDC00;
	s9 =	simm.s32 @!p0 $0x2800  }
0x1b3: {  	[spmem:s3] =	stream.indirect.scatter.add.f32 @!p0 [tilespmem:s14], [sflag:$0x9], $0x80, s9, s12, $0xb8;
	[tilespmem:$0x1F580] =	vst v63  }
0x1b4: {  	_ =	swait.ge @!p0 [sflag:s11], $0x2400  }
0x1b5: {  	[sflag:s11] =	ssyncset.done @!p0 $0x0  }
0x1b6: {  	[sflag:s11] =	ssyncadd.s32 @!p0 $0xFFFFDC00;
	s11 =	sadd.s32 @!p0 $0x90, s13  }
0x1b7: {  	[tilespmem:s14], [sflag:$0x2] =	stream.indirect.gather @!p0 [hbm4b:s5+s12], $0x80, s11, s12, $0xb8;
	[tilespmem:$0x1F580] =	vst v63  }
0x1b8: {  	s11 =	sadd.s32 @!p0 $0x280, s26  }
0x1b9: {  	s14 =	sand.u32 @!p0 $0xFC00, s11  }
0x1ba: {  	s11 =	sand.u32 @!p0 $0x280, s11;
	s14 =	sadd.s32 @!p0 s7, s14  }
0x1bb: {  	s11 =	sor.u32 @!p0 s11, s14  }
0x1bc: {  	s11 =	sshrl.u32 @!p0 s11, $0x3  }
0x1bd: {  	s11 =	sadd.s32 @!p0 s6, s11  }
0x1be: {  	[tilespmem:s9], [sflag:$0x6] =	stream.linear.gather @!p0 [hbm4b:s11+s10], $0x80, $0x38;
	[tilespmem:$0x1F580] =	vst v63  }
0x1bf: {  	_ =	swait.ge [sflag:s16], $0x80  }
0x1c0: {  	[sflag:s16] =	ssyncset.done $0x0  }
0x1c1: {  	[sflag:s16] =	ssyncadd.s32 $0xFFFFFF80  }
0x1c2: {  	_ =	swait.ge [sflag:s17], $0x2400  }
0x1c3: {  	[sflag:s17] =	ssyncset.done $0x0  }
0x1c4: {  	[sflag:s17] =	ssyncadd.s32 $0xFFFFDC00  }
0x1c5: {  	[spmem:s3] =	stream.indirect.scatter.add.f32 [tilespmem:s28], [sflag:$0x9], $0x80, s29, s21, $0xb8;
	[tilespmem:$0x1F580] =	vst v63  }
0x1c6: {  	_ =	swait.ge [sflag:s18], $0x2400  }
0x1c7: {  	[sflag:s18] =	ssyncset.done $0x0  }
0x1c8: {  	s9 =	sadd.s32 @!p0 $0xD8, s13;
	s11 =	simm.s32 @!p0 $0x7180;
	[sflag:s18] =	ssyncadd.s32 $0xFFFFDC00  }
0x1c9: {  	[tilespmem:s11], [sflag:$0x3] =	stream.indirect.gather @!p0 [hbm4b:s5+s12], $0x80, s9, s12, $0xb8;
	[tilespmem:$0x1F580] =	vst v63  }
0x1ca: {  	s9 =	sadd.s32 @!p0 $0x300, s26  }
0x1cb: {  	s11 =	sand.u32 @!p0 $0xFC00, s9  }
0x1cc: {  	s9 =	sand.u32 @!p0 $0x300, s9;
	s11 =	sadd.s32 @!p0 s7, s11  }
0x1cd: {  	s9 =	sor.u32 @!p0 s9, s11  }
0x1ce: {  	s9 =	sshrl.u32 @!p0 s9, $0x3  }
0x1cf: {  	s11 =	simm.s32 @!p0 $0x2880;
	s9 =	sadd.s32 @!p0 s6, s9  }
0x1d0: {  	[tilespmem:s11], [sflag:$0x7] =	stream.linear.gather @!p0 [hbm4b:s9+s10], $0x80, $0x38;
	[tilespmem:$0x1F580] =	vst v63  }
0x1d1: {  	_ =	swait.ge [sflag:s8], $0x80  }
0x1d2: {  	[sflag:s8] =	ssyncset.done $0x0  }
0x1d3: {  	[sflag:s8] =	ssyncadd.s32 $0xFFFFFF80  }
0x1d4: {  	_ =	swait.ge [sflag:s24], $0x2400  }
0x1d5: {  	[sflag:s24] =	ssyncset.done $0x0  }
0x1d6: {  	[sflag:s24] =	ssyncadd.s32 $0xFFFFDC00  }
0x1d7: {  	[spmem:s3] =	stream.indirect.scatter.add.f32 [tilespmem:s30], [sflag:$0x9], $0x80, s31, s21, $0xb8;
	[tilespmem:$0x1F580] =	vst v63  }
0x1d8: {  	_ =	swait.ge [sflag:s18], $0x2400  }
0x1d9: {  	[sflag:s18] =	ssyncset.done $0x0  }
0x1da: {  	[sflag:s18] =	ssyncadd.s32 $0xFFFFDC00  }
0x1db: {  	[bflag:$0x0] =	sbarrier.arrive $0xFFFF  }
0x1dc: {  	s20 =	rddreg [dreg:$0xa]  }
0x1dd: {  	s12 =	rddreg [dreg:$0xc]  }
0x1de: {  	s13 =	rddreg [dreg:$0xd]  }
0x1df: {  	[hbm:s20], [sflag:s12] =	dma.local [spmem:s13], $0x2780  }
0x1e0: {  	_ =	swait.ge [sflag:s18], $0x2780  }
0x1e1: {  	s25 =	rddreg [dreg:$0xe]  }
0x1e2: {  	s26 =	rddreg [dreg:$0xb];
	s10 =	sadd.s32 $0x1, s25  }
0x1e3: {  	p0 =	sne.s32 s10, s26  }
.Ltmp2:
0x1e4: {  	_ = 	snop;
	(pc) =	sbr.rel @p0 .LBB2_1-.Ltmp2, $3  }
0x1e5: {  	[sflag:s18] =	ssyncset.done $0x0  }
0x1e6: {  	[sflag:s18] =	ssyncadd.s32 $0xFFFFD880  }
0x1e7: {  	[bflag:$0x0] =	sbarrier.arrive $0xFFFF;
	_ =	sdelay $0x1  }
0x1e8: {  	_ =	sfence.sel $0x180000  }
0x1e9: {  	[bflag:$0x0] =	sbarrier.arrive $0xFFFF  }
0x1ea: {  	_ =	strace $0x9000004D  }
0x1eb: {  	s0 =	stileid.u32;
	[bflag:$0x2] =	sbarrier.arrive $0xFFFF  }
0x1ec: {  	p0 =	sne.s32 s0, $0x0;
	s0 =	rddreg [dreg:$0x3]  }
0x1ed: {  	s0 =	sadd.s32 @!p0 $0x100000, s0  }
0x1ee: {  	[sflag:s0] =	ssyncadd.tile.s32 @!p0 $0x1;
	_ =	shalt  }
.Lfunc_end2:
_tile_overlayer_lowered:
.L_overlay_start_2:
0x1ef: {  	(tag) =	ssettag $0x2  }
0x1f0: {  	s0 =	rddreg [dreg:$0x0];
	s2 =	stileid.u32  }
0x1f1: {  	s1 =	rddreg [dreg:$0x1];
	p0 =	sne.s32 s2, $0x0  }
0x1f2: {  	s3 =	rddreg [dreg:$0x2];
	[bflag:$0x3] =	sbarrier.arrive $0xFFFF;
	s2 =	simm.s32 @!p0 $0x1C09  }
0x1f3: {  	[timem:s3], [sflag:s2] =	dma.local @!p0 [hbm:s0], s1  }
0x1f4: {  	s0 =	simm.s32 @!p0 $0x9  }
0x1f5: {  	_ =	swait.ge @!p0 [sflag:s0], s1  }
0x1f6: {  	s1 =	ssub.s32 @!p0 $0x0, s1;
	[sflag:s0] =	ssyncset.done @!p0 $0x0  }
0x1f7: {  	[sflag:s0] =	ssyncadd.s32 @!p0 s1  }
0x1f8: {  	[bflag:$0x3] =	sbarrier.arrive $0xFFFF  }
0x1f9: {  	_ =	shalt  }

// kernel: kernel.19.cloned.1.call-start
scs
__scs_entry_jumppad:
0x0: {  	(pc) =	sbr.rel $0x88, $3  }
0x1: {  	(tag) =	ssettag $0x0;
	lr =	simm.s32 $0x1  }
0x2: {  	[smem:$0x3F93] =	sst lr;
	_ =	strace $0xD0000000  }
0x3: {  	_ = 	snop  }
0x4: {  	_ = 	snop  }
0x5: {  	_ = 	snop  }
0x6: {  	_ = 	snop  }
0x7: {  	_ = 	snop  }
__scs_overlays_trampoline_lowered:
0x8: {  	[smem:$0x3FA2] =	sst s0  }
0x9: {  	[smem:$0x3FA3] =	sst s1  }
0xa: {  	[smem:$0x3FA4] =	sst s2  }
0xb: {  	[smem:$0x3FA5] =	sst s3  }
0xc: {  	[smem:$0x3FA6] =	sst s4  }
0xd: {  	[smem:$0x3FA7] =	sst s5  }
0xe: {  	[smem:$0x3FA8] =	sst s6  }
0xf: {  	[smem:$0x3FA9] =	sst s7  }
0x10: {  	[smem:$0x3FAA] =	sst s8  }
0x11: {  	[smem:$0x3FAB] =	sst s9;
	s0 =	simm.s32 @!p0 $0x0  }
0x12: {  	s1 =	sld [smem:$0x3F91];
	s0 =	simm.s32 @p0 $0x1  }
0x13: {  	[smem:$0x3FAC] =	sst s0;
	s0 =	simm.s32 @!p1 $0x0  }
0x14: {  	s2 =	sld [smem:$0x3F90];
	s0 =	simm.s32 @p1 $0x1  }
0x15: {  	[smem:$0x3FAD] =	sst s0;
	s0 =	simm.s32 @!p2 $0x0  }
0x16: {  	s3 =	sld [smem:$0x3FDB];
	s0 =	simm.s32 @p2 $0x1  }
0x17: {  	s4 =	simm.s32 $0x1BF5;
	[smem:$0x3FAF] =	sst s0  }
0x18: {  	s0 =	sld [smem:$0x3F92];
	_ =	swait.ge [sflag:s4], $0x0  }
0x19: {  	s7 =	sld [smem:$0x3F93]  }
0x1a: {  	s8 =	sadd.s32 $0xFFFFE003, lr  }
0x1b: {  	s9 =	sadd.s32 $0xFFFFFEF7, lr;
	s5 =	simm.s32 $0xFFFFFFFF;
	p2 =	slt.u32 s8, $0xFFFFF086  }
0x1c: {  	p1 =	slt.u32 s9, $0xF7A;
	s5 =	simm.s32 @!p2 $0x0  }
0x1d: {  	s5 =	simm.s32 @p1 $0x1;
	p0 =	seq.s32 s7, s2  }
0x1e: {  	s7 =	smul.u32 @!p0 $0xF7A, s2;
	p2 =	seq.s32 @!p0 s5, $0x0  }
0x1f: {  	s9 =	smul.u32 $0xF7A, s1;
	s8 =	simm.s32 @!p0 $0x1BF5;
	p2 =	por !p2, p0  }
0x20: {  	[sflag:s8] =	ssyncset.s32 @!p0 $0xFFFFF086;
	s6 =	sadd.s32 @!p0 s3, s7;
	s7 =	simm.s32 @!p0 $0x108  }
0x21: {  	s3 =	sadd.s32 s3, s9;
	s6 =	sadd.s32 @!p0 $0x88, s6;
	s7 =	simm.s32 @p2 $0x1082  }
0x22: {  	[simem:s7], [sflag:s8] =	dma.local @!p0 [hbm:s6], $0xF7A  }
0x23: {  	s9 =	sor.u32 $0xD0000000, s2;
	s6 =	simm.s32 $0x108;
	_ =	swait.ge @!p0 [sflag:s8], $0x0  }
0x24: {  	s3 =	sadd.s32 $0x88, s3;
	s6 =	simm.s32 @!p1 $0x1082;
	[sflag:s4] =	ssyncset.s32 $0xFFFFF086  }
0x25: {  	[simem:s6], [sflag:s4] =	dma.local [hbm:s3], $0xF7A  }
0x26: {  	[smem:$0x3F93] =	sst s1;
	(tag) =	ssettag s2;
	_ =	strace s9  }
0x27: {  	s1 =	sld [smem:$0x3FA3]  }
0x28: {  	s2 =	sld [smem:$0x3FA4]  }
0x29: {  	s4 =	sld [smem:$0x3FA6]  }
0x2a: {  	p0 =	seq.s32 s5, $0x0;
	s5 =	sld [smem:$0x3FA7]  }
0x2b: {  	s6 =	sld [smem:$0x3FA8]  }
0x2c: {  	s7 =	sld [smem:$0x3FA9]  }
0x2d: {  	s3 =	simm.s32 $0x108;
	s8 =	sld [smem:$0x3FAA]  }
0x2e: {  	s3 =	simm.s32 @!p0 $0x1082;
	s9 =	sld [smem:$0x3FAB]  }
0x2f: {  	lr =	sadd.s32 s0, s3;
	s0 =	sld [smem:$0x3FA2]  }
0x30: {  	s3 =	sld [smem:$0x3FA5]  }
0x31: {  	[smem:$0x3FAE] =	sst s10  }
0x32: {  	s10 =	sld [smem:$0x3FAC];
	_ =	sdelay $0x3  }
0x33: {  	p0 =	seq.s32 s10, $0x1;
	s10 =	sld [smem:$0x3FAE];
	_ =	sdelay $0x3  }
0x34: {  	[smem:$0x3FAE] =	sst s10  }
0x35: {  	s10 =	sld [smem:$0x3FAD];
	_ =	sdelay $0x3  }
0x36: {  	p1 =	seq.s32 s10, $0x1;
	s10 =	sld [smem:$0x3FAE];
	_ =	sdelay $0x3  }
0x37: {  	[smem:$0x3FAE] =	sst s10  }
0x38: {  	s10 =	sld [smem:$0x3FAF]  }
0x39: {  	_ = 	snop;
	(pc) =	sbr.ind lr, $3  }
0x3a: {  	_ = 	snop  }
0x3b: {  	_ = 	snop  }
0x3c: {  	p2 =	seq.s32 s10, $0x1;
	s10 =	sld [smem:$0x3FAE]  }
0x3d: {  	_ =	shalt  }
0x3e: {  	_ =	shalt  }
0x3f: {  	_ =	shalt  }
0x40: {  	_ =	shalt  }
0x41: {  	_ =	shalt  }
0x42: {  	_ =	shalt  }
0x43: {  	_ =	shalt  }
0x44: {  	_ =	shalt  }
0x45: {  	_ =	shalt  }
0x46: {  	_ =	shalt  }
0x47: {  	_ =	shalt  }
0x48: {  	_ =	shalt  }
0x49: {  	_ =	shalt  }
0x4a: {  	_ =	shalt  }
0x4b: {  	_ =	shalt  }
0x4c: {  	_ =	shalt  }
0x4d: {  	_ =	shalt  }
0x4e: {  	_ =	shalt  }
0x4f: {  	_ =	shalt  }
0x50: {  	_ =	shalt  }
0x51: {  	_ =	shalt  }
0x52: {  	_ =	shalt  }
0x53: {  	_ =	shalt  }
0x54: {  	_ =	shalt  }
0x55: {  	_ =	shalt  }
0x56: {  	_ =	shalt  }
0x57: {  	_ =	shalt  }
0x58: {  	_ =	shalt  }
0x59: {  	_ =	shalt  }
0x5a: {  	_ =	shalt  }
0x5b: {  	_ =	shalt  }
0x5c: {  	_ =	shalt  }
0x5d: {  	_ =	shalt  }
0x5e: {  	_ =	shalt  }
0x5f: {  	_ =	shalt  }
0x60: {  	_ =	shalt  }
0x61: {  	_ =	shalt  }
0x62: {  	_ =	shalt  }
0x63: {  	_ =	shalt  }
0x64: {  	_ =	shalt  }
0x65: {  	_ =	shalt  }
0x66: {  	_ =	shalt  }
0x67: {  	_ =	shalt  }
0x68: {  	_ =	shalt  }
0x69: {  	_ =	shalt  }
0x6a: {  	_ =	shalt  }
0x6b: {  	_ =	shalt  }
0x6c: {  	_ =	shalt  }
0x6d: {  	_ =	shalt  }
0x6e: {  	_ =	shalt  }
0x6f: {  	_ =	shalt  }
0x70: {  	_ =	shalt  }
0x71: {  	_ =	shalt  }
0x72: {  	_ =	shalt  }
0x73: {  	_ =	shalt  }
0x74: {  	_ =	shalt  }
0x75: {  	_ =	shalt  }
0x76: {  	_ =	shalt  }
0x77: {  	_ =	shalt  }
0x78: {  	_ =	shalt  }
0x79: {  	_ =	shalt  }
0x7a: {  	_ =	shalt  }
0x7b: {  	_ =	shalt  }
0x7c: {  	_ =	shalt  }
0x7d: {  	_ =	shalt  }
0x7e: {  	_ =	shalt  }
0x7f: {  	_ =	shalt  }
0x80: {  	_ =	shalt  }
0x81: {  	_ =	shalt  }
0x82: {  	_ =	shalt  }
0x83: {  	_ =	shalt  }
0x84: {  	_ =	shalt  }
0x85: {  	_ =	shalt  }
0x86: {  	_ =	shalt  }
0x87: {  	_ =	shalt  }
.Lfunc_end0:
.L_simem_size_0:
called_computation.3_lowered:
.L_overlay_start_0:
0x88: {  	s2 =	sld [smem:$0x3FD9]  }
0x89: {  	s3 =	sld [smem:$0x3FFE];
	_ =	sdelay $0x1  }
0x8a: {  	s1 =	srdreg.scid  }
0x8b: {  	s0 =	sand.u32 $0x1, s1  }
0x8c: {  	s17 =	sshll.u32 s0, $0xA;
	s2 =	sadd.s32 s3, s2  }
0x8d: {  	s2 =	sadd.s32 s2, s17  }
0x8e: {  	[smem:$0x3FBA] =	sst s2  }
0x8f: {  	_ = 	snop  }
0x90: {  	s2 =	sld [smem:$0x3FD0];
	(tm) =	ssettm $0x1  }
0x91: {  	s18 =	sld [smem:$0x3FFB];
	_ =	sdelay $0x3  }
0x92: {  	_ =	strace s18  }
0x93: {  	s3 =	sld [smem:$0x3FFC];
	_ =	sdelay $0x3  }
0x94: {  	_ =	strace s3  }
0x95: {  	s3 =	sld [smem:$0x3FFD];
	_ =	sdelay $0x3  }
0x96: {  	_ =	strace s3  }
0x97: {  	_ =	strace $0x8FFFFFFF  }
0x98: {  	s19 =	sld [smem:$0x3FDB];
	_ =	sdelay $0x1  }
0x99: {  	s4 =	simm.s32 $_scs_section_size  }
0x9a: {  	s5 =	simm.s32 $_size__tile_overlayer_lowered;
	s6 =	simm.s32 $_tile_overlayer_lowered  }
0x9b: {  	s22 =	simm.s32 $0x1BFF;
	s21 =	sshll.u32 s6, $0x1;
	s3 =	sadd.s32 s4, s19  }
0x9c: {  	s7 =	simm.s32 $0x0;
	s20 =	sshll.u32 s5, $0x1;
	s5 =	sadd.s32 s21, s3  }
0x9d: {  	[timem:s7], [sflag:s22] =	dma.local [hbm:s5], s20  }
0x9e: {  	_ =	swait.ge [sflag:s22], s20  }
0x9f: {  	s4 =	ssub.s32 $0x0, s20;
	[sflag:s22] =	ssyncset.done $0x0  }
0xa0: {  	[sflag:s22] =	ssyncadd.s32 s4;
	_ =	sdelay $0x1  }
0xa1: {  	s23 =	simm.s32 $0x1B8B  }
0xa2: {  	_ =	swait.ge [sflag:s23], $0x1  }
0xa3: {  	[sflag:s23] =	ssyncset.done $0x0  }
0xa4: {  	s25 =	simm.s32 $0x1B8E;
	s24 =	sld [smem:$0x3FFE];
	[sflag:s23] =	ssyncadd.s32 $0xFFFFFFFF  }
0xa5: {  	s26 =	simm.s32 $execute0_lowered;
	[smem:$0x3FD2] =	sst s25  }
0xa6: {  	s5 =	sshll.u32 s26, $0x1;
	_ =	strace $0x8000004F;
	[dreg:$0x1] =	wrdreg $0xFFFFFFFF  }
0xa7: {  	s28 =	simm.s32 $_size_execute0_lowered;
	s3 =	sadd.s32 s3, s5;
	[dreg:$0x0] =	wrdreg $0x0  }
0xa8: {  	s5 =	sshll.u32 s28, $0x1;
	[dreg:$0x2] =	wrdreg s3  }
0xa9: {  	[dreg:$0x3] =	wrdreg s5  }
0xaa: {  	[dreg:$0x4] =	wrdreg $0xC0  }
0xab: {  	_ =	task [dreg:s7], $0x5FFFF  }
0xac: {  	[dreg:$0x1] =	wrdreg $0xFFFFFFFF  }
0xad: {  	[dreg:$0x0] =	wrdreg $0x60  }
0xae: {  	[dreg:$0x2] =	wrdreg s2  }
0xaf: {  	[dreg:$0x3] =	wrdreg s24  }
0xb0: {  	[dreg:$0x4] =	wrdreg $0xB9800  }
0xb1: {  	[dreg:$0x5] =	wrdreg $0x9  }
0xb2: {  	_ =	task.clear_ibuf [dreg:s7], $0x6FFFF;
	_ =	strace $0x9000004F  }
0xb3: {  	s29 =	simm.s32 $0x9;
	_ =	strace $0x80000051  }
0xb4: {  	_ =	swait.ge [sflag:s29], $0x1  }
0xb5: {  	[sflag:s29] =	ssyncadd.s32 $0xFFFFFFFF  }
0xb6: {  	_ =	strace $0x90000051  }
0xb7: {  	_ =	sfence  }
0xb8: {  	s30 =	sld [smem:$0x0];
	_ =	sdelay $0x2  }
0xb9: {  	s31 =	sshll.u32 s1, $0xD;
	s1 =	sshrl.u32 s1, $0x2  }
0xba: {  	s3 =	sand.u32 $0x4000, s31;
	s1 =	sadd.s32 s1, s30  }
0xbb: {  	s0 =	sor.u32 s3, s0;
	s1 =	sshll.u32 s1, $0x11  }
0xbc: {  	s0 =	sor.u32 s1, s0  }
0xbd: {  	s0 =	sadd.s32 $0x8F2B, s0  }
0xbe: {  	[sflag:s0] =	ssyncadd.remote.s32 $0x1  }
0xbf: {  	_ =	sfence.sel $0xFFFF  }
0xc0: {  	[dreg:$0x0] =	wrdreg $0xFFFFFFFF;
	(pc) =	sbr.abs _section_cstart, $3  }
0xc1: {  	[dreg:$0x1] =	wrdreg $0xFFFFFFFF  }
0xc2: {  	_ =	task.clear_ibuf [dreg:s7], $0x2FFFF;
	_ =	strace $0x9FFFFFFF  }
0xc3: {  	(tm) =	ssettm $0x7FFFFFFF  }
tec
execute0_lowered:
.L_overlay_start_1:
0x0: {  	(tag) =	ssettag $0x1  }
0x1: {  	s1 =	rddreg [dreg:$0x0]  }
0x2: {  	s0 =	rddreg [dreg:$0x1];
	s2 =	srdreg.scid  }
0x3: {  	s13 =	stileid.u32;
	s3 =	rddreg [dreg:$0x2]  }
0x4: {  	s28 =	simm.s32 $0x7180;
	s29 =	simm.s32 $0x2880;
	s30 =	simm.s32 $0x9580  }
0x5: {  	s31 =	simm.s32 $0x2900;
	s2 =	sand.u32 $0x1, s2;
	s9 =	smul.u32 $0x13C00, s13  }
0x6: {  	s4 =	sshll.u32 s13, $0x1;
	s5 =	sshrl.u32 s13, $0x2;
	s12 =	smul.u32 $0x4F000, s13  }
0x7: {  	s26 =	sshll.u32 s13, $0x6;
	s7 =	sor.u32 s2, s4;
	s6 =	smul.u32 $0x13C00, s5  }
0x8: {  	s4 =	simm.s32 $0x0;
	s5 =	sadd.s32 $0x4A000, s0;
	s10 =	smul.u32 $0x13C000, s2  }
0x9: {  	s2 =	ssub.s32 $0x2, s2;
	s16 =	sshll.u32 s7, $0x7;
	[smem:$0x7FF] =	sst s4  }
0xa: {  	s17 =	sshrl.u32 s9, $0x3;
	s7 =	smul.u32 $0x4800, s7;
	s18 =	sshrl.u32 s2, $0x1  }
0xb: {  	s21 =	sshrl.u32 s12, $0x2;
	s12 =	sor.u32 $0x1C09, s26;
	s8 =	sand.u32 $0x380, s16  }
0xc: {  	_ =	strace $0x80000050;
	s9 =	sadd.s32 s9, s10;
	s2 =	ssub.s32 s2, s18  }
0xd: {  	s10 =	sadd.s32 s21, s3;
	s18 =	simm.s32 $0x9;
	s21 =	simm.s32 $0x48  }
0xe: {  	s16 =	simm.s32 $0x7;
	[dreg:$0xc] =	wrdreg s12;
	s6 =	sor.u32 s6, s8  }
0xf: {  	s8 =	sadd.s32 s17, s0;
	s9 =	sshrl.u32 s9, $0x3;
	s19 =	sshrl.u32 s7, $0x3  }
0x10: {  	s25 =	smax.u32 s2, $0x1;
	s13 =	sshrl.u32 s10, $0x3;
	s2 =	simm.s32 $0x5  }
0x11: {  	s17 =	simm.s32 $0x3;
	s6 =	sshrl.u32 s6, $0x3;
	[dreg:$0xb] =	wrdreg s25  }
0x12: {  	s8 =	sadd.s32 $0x22800, s8;
	[dreg:$0xd] =	wrdreg s13;
	s11 =	sadd.s32 s6, s0  }
0x13: {  	s6 =	sadd.s32 $0x10800, s0;
	[dreg:$0x6] =	wrdreg s8;
	s20 =	sadd.s32 $0x6A00, s11  }
0x14: {  	s0 =	sadd.s32 s9, s0;
	s9 =	sadd.s32 s6, s19;
	[dreg:$0x4] =	wrdreg s20  }
0x15: {  	s10 =	simm.s32 $0x0;
	s24 =	sadd.s32 $0xE8000, s0;
	[dreg:$0x5] =	wrdreg s9  }
0x16: {  	s8 =	simm.s32 $0x8;
	s0 =	sadd.s32 $0x137000, s0;
	[dreg:$0x9] =	wrdreg s24  }
0x17: {  	s22 =	sadd.s32 $0x10, s9;
	s23 =	sadd.s32 $0x20, s9;
	[dreg:$0xa] =	wrdreg s0  }
0x18: {  	s0 =	simm.s32 $0x1;
	s24 =	simm.s32 $0x4;
	[dreg:$0x7] =	wrdreg s22  }
0x19: {  	[dreg:$0x8] =	wrdreg s23;
	s22 =	simm.s32 $0x2980;
	s23 =	simm.s32 $0x2780  }
.LBB2_1:
0x1a: {  	[dreg:$0xe] =	wrdreg s10  }
0x1b: {  	s9 =	rddreg [dreg:$0x4];
	s19 =	simm.s32 $0x80;
	s11 =	simm.s32 $0x400  }
0x1c: {  	[tilespmem:s4], [sflag:$0x9] =	stream.strided.gather [hbm4b:s9+s19], $0x2780, s11, s19, $0x38;
	[tilespmem:$0x1F580] =	vst v63  }
0x1d: {  	_ =	swait.ge [sflag:s18], $0x2780  }
0x1e: {  	[sflag:s18] =	ssyncset.done $0x0  }
0x1f: {  	s20 =	rddreg [dreg:$0x6];
	[sflag:s18] =	ssyncadd.s32 $0xFFFFD880  }
0x20: {  	[spmem:s13], [sflag:s12] =	dma.local [hbm:s20], $0x2780  }
0x21: {  	_ =	swait.ge [sflag:s18], $0x2780  }
0x22: {  	[sflag:s18] =	ssyncset.done $0x0  }
0x23: {  	[sflag:s18] =	ssyncadd.s32 $0xFFFFD880  }
0x24: {  	[bflag:$0x0] =	sbarrier.arrive $0xFFFF  }
0x25: {  	[tilespmem:s22], [sflag:$0x1] =	stream.indirect.gather [hbm4b:s1+s21], $0x80, s4, s21, $0xb8;
	[tilespmem:$0x1F580] =	vst v63  }
0x26: {  	s25 =	rddreg [dreg:$0x5]  }
0x27: {  	[tilespmem:s23], [sflag:$0x5] =	stream.linear.gather [hbm4b:s25+s4], $0x80, $0x38;
	[tilespmem:$0x1F580] =	vst v63  }
0x28: {  	s26 =	simm.s32 $0x4D80;
	s14 =	sand.u32 $0x7C00, s4  }
0x29: {  	[tilespmem:s26], [sflag:$0x2] =	stream.indirect.gather [hbm4b:s1+s21], $0x80, s21, s21, $0xb8;
	[tilespmem:$0x1F580] =	vst v63  }
0x2a: {  	s15 =	simm.s32 $0x180;
	s11 =	simm.s32 $0x2800;
	s10 =	rddreg [dreg:$0x7]  }
0x2b: {  	[tilespmem:s11], [sflag:$0x6] =	stream.linear.gather [hbm4b:s10+s4], $0x80, $0x38;
	[tilespmem:$0x1F580] =	vst v63  }
0x2c: {  	s12 =	simm.s32 $0x90;
	s10 =	sadd.s32 s7, s14;
	s11 =	sand.u32 $0x380, s15  }
0x2d: {  	[tilespmem:s28], [sflag:$0x3] =	stream.indirect.gather [hbm4b:s1+s21], $0x80, s12, s21, $0xb8;
	[tilespmem:$0x1F580] =	vst v63  }
0x2e: {  	s13 =	rddreg [dreg:$0x8];
	s10 =	sor.u32 s10, s11  }
0x2f: {  	[tilespmem:s29], [sflag:$0x7] =	stream.linear.gather [hbm4b:s13+s4], $0x80, $0x38;
	[tilespmem:$0x1F580] =	vst v63  }
0x30: {  	s19 =	simm.s32 $0xD8;
	s10 =	sshrl.u32 s10, $0x3  }
0x31: {  	[tilespmem:s30], [sflag:$0x4] =	stream.indirect.gather [hbm4b:s1+s21], $0x80, s19, s21, $0xb8;
	[tilespmem:$0x1F580] =	vst v63  }
0x32: {  	s10 =	sadd.s32 s6, s10  }
0x33: {  	[tilespmem:s31], [sflag:$0x8] =	stream.linear.gather [hbm4b:s10+s4], $0x80, $0x38;
	[tilespmem:$0x1F580] =	vst v63  }
0x34: {  	_ =	swait.ge [sflag:s2], $0x80  }
0x35: {  	[sflag:s2] =	ssyncset.done $0x0  }
0x36: {  	[sflag:s2] =	ssyncadd.s32 $0xFFFFFF80  }
0x37: {  	_ =	swait.ge [sflag:s0], $0x2400  }
0x38: {  	[sflag:s0] =	ssyncset.done $0x0  }
0x39: {  	[sflag:s0] =	ssyncadd.s32 $0xFFFFDC00  }
0x3a: {  	[spmem:s3] =	stream.indirect.scatter.add.f32 [tilespmem:s22], [sflag:$0x9], $0x80, s23, s21, $0xb8;
	[tilespmem:$0x1F580] =	vst v63  }
0x3b: {  	_ =	swait.ge [sflag:s18], $0x2400  }
0x3c: {  	p0 =	por $0x0, $0x0;
	[sflag:s18] =	ssyncset.done $0x0  }
0x3d: {  	s10 =	simm.s32 @p0 $0x6;
	[sflag:s18] =	ssyncadd.s32 $0xFFFFDC00  }
0x3e: {  	_ =	swait.ge @p0 [sflag:s10], $0x80  }
0x3f: {  	s14 =	simm.s32 @p0 $0x9;
	s11 =	simm.s32 @!p0 $0x200;
	[sflag:s10] =	ssyncset.done @p0 $0x0  }
0x40: {  	s13 =	sand.u32 @!p0 $0xFC00, s11;
	[sflag:s10] =	ssyncadd.s32 @p0 $0xFFFFFF80;
	s10 =	simm.s32 @p0 $0x2  }
0x41: {  	s11 =	sand.u32 @!p0 $0x200, s11;
	s13 =	sadd.s32 @!p0 s7, s13;
	_ =	swait.ge @p0 [sflag:s10], $0x2400  }
0x42: {  	s15 =	simm.s32 @p0 $0x2800;
	s11 =	sor.u32 @!p0 s11, s13;
	[sflag:s10] =	ssyncset.done @p0 $0x0  }
0x43: {  	s13 =	simm.s32 @p0 $0x4D80;
	[sflag:s10] =	ssyncadd.s32 @p0 $0xFFFFDC00;
	s10 =	simm.s32 @p0 $0x48  }
0x44: {  	[spmem:s3] =	stream.indirect.scatter.add.f32 @p0 [tilespmem:s13], [sflag:$0x9], $0x80, s15, s10, $0xb8;
	[tilespmem:$0x1F580] =	vst v63  }
0x45: {  	s10 =	sshrl.u32 @!p0 s11, $0x3;
	_ =	swait.ge @p0 [sflag:s14], $0x2400  }
0x46: {  	s11 =	simm.s32 @!p0 $0x2980;
	s13 =	simm.s32 @!p0 $0x120;
	[sflag:s14] =	ssyncset.done @p0 $0x0  }
0x47: {  	s15 =	simm.s32 @!p0 $0x6;
	[sflag:s14] =	ssyncadd.s32 @p0 $0xFFFFDC00;
	s14 =	simm.s32 @!p0 $0x48  }
0x48: {  	[tilespmem:s11], [sflag:$0x1] =	stream.indirect.gather @!p0 [hbm4b:s1+s14], $0x80, s13, s14, $0xb8;
	[tilespmem:$0x1F580] =	vst v63  }
0x49: {  	s10 =	sadd.s32 @!p0 s6, s10;
	s11 =	simm.s32 @!p0 $0x0;
	s13 =	simm.s32 @!p0 $0x2780  }
0x4a: {  	[tilespmem:s13], [sflag:$0x5] =	stream.linear.gather @!p0 [hbm4b:s10+s11], $0x80, $0x38;
	[tilespmem:$0x1F580] =	vst v63  }
0x4b: {  	_ =	swait.ge @!p0 [sflag:s15], $0x80  }
0x4c: {  	[sflag:s15] =	ssyncset.done @!p0 $0x0  }
0x4d: {  	s10 =	simm.s32 @!p0 $0x2;
	[sflag:s15] =	ssyncadd.s32 @!p0 $0xFFFFFF80  }
0x4e: {  	_ =	swait.ge @!p0 [sflag:s10], $0x2400  }
0x4f: {  	s13 =	simm.s32 @!p0 $0x9;
	[sflag:s10] =	ssyncset.done @!p0 $0x0  }
0x50: {  	s15 =	simm.s32 @!p0 $0x4D80;
	[sflag:s10] =	ssyncadd.s32 @!p0 $0xFFFFDC00;
	s10 =	simm.s32 @!p0 $0x2800  }
0x51: {  	[spmem:s3] =	stream.indirect.scatter.add.f32 @!p0 [tilespmem:s15], [sflag:$0x9], $0x80, s10, s14, $0xb8;
	[tilespmem:$0x1F580] =	vst v63  }
0x52: {  	_ =	swait.ge @!p0 [sflag:s13], $0x2400  }
0x53: {  	[sflag:s13] =	ssyncset.done @!p0 $0x0  }
0x54: {  	[sflag:s13] =	ssyncadd.s32 @!p0 $0xFFFFDC00;
	s13 =	simm.s32 @!p0 $0x168  }
0x55: {  	[tilespmem:s15], [sflag:$0x2] =	stream.indirect.gather @!p0 [hbm4b:s1+s14], $0x80, s13, s14, $0xb8;
	[tilespmem:$0x1F580] =	vst v63  }
0x56: {  	s13 =	simm.s32 @!p0 $0x280  }
0x57: {  	s15 =	sand.u32 @!p0 $0xFC00, s13  }
0x58: {  	s13 =	sand.u32 @!p0 $0x280, s13;
	s15 =	sadd.s32 @!p0 s7, s15  }
0x59: {  	s13 =	sor.u32 @!p0 s13, s15  }
0x5a: {  	s13 =	sshrl.u32 @!p0 s13, $0x3  }
0x5b: {  	s13 =	sadd.s32 @!p0 s6, s13  }
0x5c: {  	[tilespmem:s10], [sflag:$0x6] =	stream.linear.gather @!p0 [hbm4b:s13+s11], $0x80, $0x38;
	[tilespmem:$0x1F580] =	vst v63  }
0x5d: {  	_ =	swait.ge [sflag:s16], $0x80  }
0x5e: {  	[sflag:s16] =	ssyncset.done $0x0  }
0x5f: {  	[sflag:s16] =	ssyncadd.s32 $0xFFFFFF80  }
0x60: {  	_ =	swait.ge [sflag:s17], $0x2400  }
0x61: {  	s10 =	simm.s32 @!p0 $0x300;
	[sflag:s17] =	ssyncset.done $0x0  }
0x62: {  	s13 =	sand.u32 @!p0 $0xFC00, s10;
	[sflag:s17] =	ssyncadd.s32 $0xFFFFDC00  }
0x63: {  	[spmem:s3] =	stream.indirect.scatter.add.f32 [tilespmem:s28], [sflag:$0x9], $0x80, s29, s21, $0xb8;
	[tilespmem:$0x1F580] =	vst v63  }
0x64: {  	s10 =	sand.u32 @!p0 $0x300, s10;
	s13 =	sadd.s32 @!p0 s7, s13;
	_ =	swait.ge [sflag:s18], $0x2400  }
0x65: {  	s15 =	simm.s32 @!p0 $0x7180;
	s10 =	sor.u32 @!p0 s10, s13;
	[sflag:s18] =	ssyncset.done $0x0  }
0x66: {  	s13 =	simm.s32 @!p0 $0x1B0;
	s10 =	sshrl.u32 @!p0 s10, $0x3;
	[sflag:s18] =	ssyncadd.s32 $0xFFFFDC00  }
0x67: {  	[tilespmem:s15], [sflag:$0x3] =	stream.indirect.gather @!p0 [hbm4b:s1+s14], $0x80, s13, s14, $0xb8;
	[tilespmem:$0x1F580] =	vst v63  }
0x68: {  	s10 =	sadd.s32 @!p0 s6, s10;
	s13 =	simm.s32 @!p0 $0x2880  }
0x69: {  	[tilespmem:s13], [sflag:$0x7] =	stream.linear.gather @!p0 [hbm4b:s10+s11], $0x80, $0x38;
	[tilespmem:$0x1F580] =	vst v63  }
0x6a: {  	_ =	swait.ge [sflag:s8], $0x80  }
0x6b: {  	s26 =	simm.s32 $0x200;
	[sflag:s8] =	ssyncset.done $0x0  }
0x6c: {  	s25 =	simm.s32 $0x380;
	s20 =	sand.u32 $0x7C00, s26;
	[sflag:s8] =	ssyncadd.s32 $0xFFFFFF80  }
0x6d: {  	s14 =	simm.s32 $0x400;
	s13 =	simm.s32 $0x1F8;
	_ =	swait.ge [sflag:s24], $0x2400  }
0x6e: {  	s10 =	sadd.s32 s7, s20;
	s11 =	sand.u32 $0x380, s25;
	[sflag:s24] =	ssyncset.done $0x0  }
.LBB2_2:
0x6f: {  	s10 =	sor.u32 s10, s11  }
0x70: {  	[sflag:s24] =	ssyncadd.s32 $0xFFFFDC00;
	s15 =	smov.u32 s14;
	s14 =	sadd.s32 $0x200, s14  }
0x71: {  	[spmem:s3] =	stream.indirect.scatter.add.f32 [tilespmem:s30], [sflag:$0x9], $0x80, s31, s21, $0xb8;
	[tilespmem:$0x1F580] =	vst v63  }
0x72: {  	p0 =	sne.s32 s14, $0x4600;
	s10 =	sshrl.u32 s10, $0x3;
	_ =	swait.ge [sflag:s18], $0x2400  }
0x73: {  	[sflag:s18] =	ssyncset.done $0x0  }
0x74: {  	[sflag:s18] =	ssyncadd.s32 $0xFFFFDC00  }
0x75: {  	[tilespmem:s30], [sflag:$0x4] =	stream.indirect.gather [hbm4b:s1+s21], $0x80, s13, s21, $0xb8;
	[tilespmem:$0x1F580] =	vst v63  }
0x76: {  	s10 =	sadd.s32 s6, s10  }
0x77: {  	[tilespmem:s31], [sflag:$0x8] =	stream.linear.gather [hbm4b:s10+s4], $0x80, $0x38;
	[tilespmem:$0x1F580] =	vst v63  }
0x78: {  	_ =	swait.ge [sflag:s2], $0x80  }
0x79: {  	[sflag:s2] =	ssyncset.done $0x0  }
0x7a: {  	[sflag:s2] =	ssyncadd.s32 $0xFFFFFF80  }
0x7b: {  	_ =	swait.ge [sflag:s0], $0x2400  }
0x7c: {  	[sflag:s0] =	ssyncset.done $0x0  }
0x7d: {  	[sflag:s0] =	ssyncadd.s32 $0xFFFFDC00  }
0x7e: {  	[spmem:s3] =	stream.indirect.scatter.add.f32 [tilespmem:s22], [sflag:$0x9], $0x80, s23, s21, $0xb8;
	[tilespmem:$0x1F580] =	vst v63  }
0x7f: {  	_ =	swait.ge [sflag:s18], $0x2400  }
0x80: {  	p1 =	seq.s32 s26, $0x4400;
	[sflag:s18] =	ssyncset.done $0x0  }
0x81: {  	s11 =	sadd.s32 @!p1 $0x200, s26;
	s10 =	simm.s32 @p1 $0x6;
	[sflag:s18] =	ssyncadd.s32 $0xFFFFDC00  }
0x82: {  	s12 =	sand.u32 @!p1 $0xFC00, s11;
	s11 =	sand.u32 @!p1 $0x200, s11;
	_ =	swait.ge @p1 [sflag:s10], $0x80  }
0x83: {  	s9 =	sadd.s32 @!p1 $0x280, s26;
	s12 =	sadd.s32 @!p1 s7, s12;
	[sflag:s10] =	ssyncset.done @p1 $0x0  }
0x84: {  	s19 =	sand.u32 @!p1 $0xFC00, s9;
	[sflag:s10] =	ssyncadd.s32 @p1 $0xFFFFFF80;
	s10 =	simm.s32 @p1 $0x2  }
0x85: {  	s9 =	sand.u32 @!p1 $0x280, s9;
	s11 =	sor.u32 @!p1 s11, s12;
	_ =	swait.ge @p1 [sflag:s10], $0x2400  }
0x86: {  	s20 =	simm.s32 @p1 $0x9;
	s12 =	simm.s32 @p1 $0x4D80;
	[sflag:s10] =	ssyncset.done @p1 $0x0  }
0x87: {  	s25 =	simm.s32 @p1 $0x2800;
	[sflag:s10] =	ssyncadd.s32 @p1 $0xFFFFDC00;
	s10 =	simm.s32 @p1 $0x48  }
0x88: {  	[spmem:s3] =	stream.indirect.scatter.add.f32 @p1 [tilespmem:s12], [sflag:$0x9], $0x80, s25, s10, $0xb8;
	[tilespmem:$0x1F580] =	vst v63  }
0x89: {  	s10 =	sshrl.u32 @!p1 s11, $0x3;
	s12 =	sadd.s32 @!p1 s7, s19;
	_ =	swait.ge @p1 [sflag:s20], $0x2400  }
0x8a: {  	s11 =	simm.s32 @!p1 $0x2980;
	s19 =	sadd.s32 @!p1 s6, s10;
	[sflag:s20] =	ssyncset.done @p1 $0x0  }
0x8b: {  	s10 =	simm.s32 @!p1 $0x48;
	[sflag:s20] =	ssyncadd.s32 @p1 $0xFFFFDC00;
	s20 =	sadd.s32 @!p1 $0x48, s13  }
0x8c: {  	[tilespmem:s11], [sflag:$0x1] =	stream.indirect.gather @!p1 [hbm4b:s1+s10], $0x80, s20, s10, $0xb8;
	[tilespmem:$0x1F580] =	vst v63  }
0x8d: {  	s25 =	simm.s32 @!p1 $0x6;
	s11 =	simm.s32 @!p1 $0x0;
	s20 =	simm.s32 @!p1 $0x2780  }
0x8e: {  	[tilespmem:s20], [sflag:$0x5] =	stream.linear.gather @!p1 [hbm4b:s19+s11], $0x80, $0x38;
	[tilespmem:$0x1F580] =	vst v63  }
0x8f: {  	s9 =	sor.u32 @!p1 s9, s12;
	s12 =	sadd.s32 @!p1 $0x300, s26;
	_ =	swait.ge @!p1 [sflag:s25], $0x80  }
0x90: {  	s9 =	sshrl.u32 @!p1 s9, $0x3;
	s19 =	sand.u32 @!p1 $0xFC00, s12;
	[sflag:s25] =	ssyncset.done @!p1 $0x0  }
0x91: {  	s9 =	sadd.s32 @!p1 s6, s9;
	s20 =	simm.s32 @!p1 $0x2;
	[sflag:s25] =	ssyncadd.s32 @!p1 $0xFFFFFF80  }
0x92: {  	s12 =	sand.u32 @!p1 $0x300, s12;
	s19 =	sadd.s32 @!p1 s7, s19;
	_ =	swait.ge @!p1 [sflag:s20], $0x2400  }
0x93: {  	s12 =	sor.u32 @!p1 s12, s19;
	s25 =	simm.s32 @!p1 $0x9;
	[sflag:s20] =	ssyncset.done @!p1 $0x0  }
0x94: {  	s19 =	simm.s32 @!p1 $0x2800;
	[sflag:s20] =	ssyncadd.s32 @!p1 $0xFFFFDC00;
	s20 =	simm.s32 @!p1 $0x4D80  }
0x95: {  	[spmem:s3] =	stream.indirect.scatter.add.f32 @!p1 [tilespmem:s20], [sflag:$0x9], $0x80, s19, s10, $0xb8;
	[tilespmem:$0x1F580] =	vst v63  }
0x96: {  	s26 =	smov.u32 s15;
	s12 =	sshrl.u32 @!p1 s12, $0x3;
	_ =	swait.ge @!p1 [sflag:s25], $0x2400  }
0x97: {  	s12 =	sadd.s32 @!p1 s6, s12;
	[sflag:s25] =	ssyncset.done @!p1 $0x0  }
0x98: {  	s15 =	sadd.s32 @!p1 $0x90, s13;
	[sflag:s25] =	ssyncadd.s32 @!p1 $0xFFFFDC00  }
0x99: {  	[tilespmem:s20], [sflag:$0x2] =	stream.indirect.gather @!p1 [hbm4b:s1+s10], $0x80, s15, s10, $0xb8;
	[tilespmem:$0x1F580] =	vst v63  }
0x9a: {  	_ = 	snop  }
0x9b: {  	[tilespmem:s19], [sflag:$0x6] =	stream.linear.gather @!p1 [hbm4b:s9+s11], $0x80, $0x38;
	[tilespmem:$0x1F580] =	vst v63  }
0x9c: {  	_ =	swait.ge [sflag:s16], $0x80  }
0x9d: {  	[sflag:s16] =	ssyncset.done $0x0  }
0x9e: {  	[sflag:s16] =	ssyncadd.s32 $0xFFFFFF80  }
0x9f: {  	_ =	swait.ge [sflag:s17], $0x2400  }
0xa0: {  	[sflag:s17] =	ssyncset.done $0x0  }
0xa1: {  	[sflag:s17] =	ssyncadd.s32 $0xFFFFDC00  }
0xa2: {  	[spmem:s3] =	stream.indirect.scatter.add.f32 [tilespmem:s28], [sflag:$0x9], $0x80, s29, s21, $0xb8;
	[tilespmem:$0x1F580] =	vst v63  }
0xa3: {  	_ =	swait.ge [sflag:s18], $0x2400  }
0xa4: {  	[sflag:s18] =	ssyncset.done $0x0  }
0xa5: {  	s15 =	simm.s32 @!p1 $0x7180;
	s9 =	sadd.s32 @!p1 $0xD8, s13;
	[sflag:s18] =	ssyncadd.s32 $0xFFFFDC00  }
0xa6: {  	[tilespmem:s15], [sflag:$0x3] =	stream.indirect.gather @!p1 [hbm4b:s1+s10], $0x80, s9, s10, $0xb8;
	[tilespmem:$0x1F580] =	vst v63  }
0xa7: {  	s9 =	simm.s32 @!p1 $0x2880  }
0xa8: {  	[tilespmem:s9], [sflag:$0x7] =	stream.linear.gather @!p1 [hbm4b:s12+s11], $0x80, $0x38;
	[tilespmem:$0x1F580] =	vst v63  }
.Ltmp0:
0xa9: {  	_ =	swait.ge [sflag:s8], $0x80;
	(pc) =	sbr.rel @p0 .LBB2_2-.Ltmp0, $4  }
0xaa: {  	[sflag:s8] =	ssyncset.done $0x0  }
0xab: {  	s13 =	sadd.s32 $0x120, s13;
	[sflag:s8] =	ssyncadd.s32 $0xFFFFFF80  }
0xac: {  	s9 =	sand.u32 $0x7C00, s26;
	s11 =	sadd.s32 $0x180, s26;
	_ =	swait.ge [sflag:s24], $0x2400  }
0xad: {  	s10 =	sadd.s32 s7, s9;
	s11 =	sand.u32 $0x380, s11;
	[sflag:s24] =	ssyncset.done $0x0  }
0xae: {  	[sflag:s24] =	ssyncadd.s32 $0xFFFFDC00  }
0xaf: {  	[spmem:s3] =	stream.indirect.scatter.add.f32 [tilespmem:s30], [sflag:$0x9], $0x80, s31, s21, $0xb8;
	[tilespmem:$0x1F580] =	vst v63  }
0xb0: {  	_ =	swait.ge [sflag:s18], $0x2400  }
0xb1: {  	s9 =	sor.u32 s10, s11;
	[sflag:s18] =	ssyncset.done $0x0  }
0xb2: {  	s9 =	sshrl.u32 s9, $0x3;
	[sflag:s18] =	ssyncadd.s32 $0xFFFFDC00  }
0xb3: {  	[tilespmem:s30], [sflag:$0x4] =	stream.indirect.gather [hbm4b:s1+s21], $0x80, s13, s21, $0xb8;
	[tilespmem:$0x1F580] =	vst v63  }
0xb4: {  	s9 =	sadd.s32 s6, s9  }
0xb5: {  	[tilespmem:s31], [sflag:$0x8] =	stream.linear.gather [hbm4b:s9+s4], $0x80, $0x38;
	[tilespmem:$0x1F580] =	vst v63  }
0xb6: {  	_ =	swait.ge [sflag:s2], $0x80  }
0xb7: {  	[sflag:s2] =	ssyncset.done $0x0  }
0xb8: {  	[sflag:s2] =	ssyncadd.s32 $0xFFFFFF80  }
0xb9: {  	_ =	swait.ge [sflag:s0], $0x2400  }
0xba: {  	[sflag:s0] =	ssyncset.done $0x0  }
0xbb: {  	[sflag:s0] =	ssyncadd.s32 $0xFFFFDC00  }
0xbc: {  	[spmem:s3] =	stream.indirect.scatter.add.f32 [tilespmem:s22], [sflag:$0x9], $0x80, s23, s21, $0xb8;
	[tilespmem:$0x1F580] =	vst v63  }
0xbd: {  	_ =	swait.ge [sflag:s18], $0x2400  }
0xbe: {  	p0 =	seq.s32 s26, $0x4400;
	[sflag:s18] =	ssyncset.done $0x0  }
0xbf: {  	s9 =	simm.s32 @p0 $0x6;
	[sflag:s18] =	ssyncadd.s32 $0xFFFFDC00  }
0xc0: {  	_ =	swait.ge @p0 [sflag:s9], $0x80  }
0xc1: {  	s10 =	sadd.s32 @!p0 $0x200, s26;
	s12 =	simm.s32 @p0 $0x9;
	[sflag:s9] =	ssyncset.done @p0 $0x0  }
0xc2: {  	s11 =	sand.u32 @!p0 $0xFC00, s10;
	[sflag:s9] =	ssyncadd.s32 @p0 $0xFFFFFF80;
	s9 =	simm.s32 @p0 $0x2  }
0xc3: {  	s10 =	sand.u32 @!p0 $0x200, s10;
	s11 =	sadd.s32 @!p0 s7, s11;
	_ =	swait.ge @p0 [sflag:s9], $0x2400  }
0xc4: {  	s14 =	simm.s32 @p0 $0x2800;
	s10 =	sor.u32 @!p0 s10, s11;
	[sflag:s9] =	ssyncset.done @p0 $0x0  }
0xc5: {  	s11 =	simm.s32 @p0 $0x4D80;
	[sflag:s9] =	ssyncadd.s32 @p0 $0xFFFFDC00;
	s9 =	simm.s32 @p0 $0x48  }
0xc6: {  	[spmem:s3] =	stream.indirect.scatter.add.f32 @p0 [tilespmem:s11], [sflag:$0x9], $0x80, s14, s9, $0xb8;
	[tilespmem:$0x1F580] =	vst v63  }
0xc7: {  	s9 =	sshrl.u32 @!p0 s10, $0x3;
	_ =	swait.ge @p0 [sflag:s12], $0x2400  }
0xc8: {  	s10 =	simm.s32 @!p0 $0x2980;
	s11 =	sadd.s32 @!p0 $0x48, s13;
	[sflag:s12] =	ssyncset.done @p0 $0x0  }
0xc9: {  	s14 =	simm.s32 @!p0 $0x6;
	[sflag:s12] =	ssyncadd.s32 @p0 $0xFFFFDC00;
	s12 =	simm.s32 @!p0 $0x48  }
0xca: {  	[tilespmem:s10], [sflag:$0x1] =	stream.indirect.gather @!p0 [hbm4b:s1+s12], $0x80, s11, s12, $0xb8;
	[tilespmem:$0x1F580] =	vst v63  }
0xcb: {  	s9 =	sadd.s32 @!p0 s6, s9;
	s10 =	simm.s32 @!p0 $0x0;
	s11 =	simm.s32 @!p0 $0x2780  }
0xcc: {  	[tilespmem:s11], [sflag:$0x5] =	stream.linear.gather @!p0 [hbm4b:s9+s10], $0x80, $0x38;
	[tilespmem:$0x1F580] =	vst v63  }
0xcd: {  	_ =	swait.ge @!p0 [sflag:s14], $0x80  }
0xce: {  	[sflag:s14] =	ssyncset.done @!p0 $0x0  }
0xcf: {  	s9 =	simm.s32 @!p0 $0x2;
	[sflag:s14] =	ssyncadd.s32 @!p0 $0xFFFFFF80  }
0xd0: {  	_ =	swait.ge @!p0 [sflag:s9], $0x2400  }
0xd1: {  	s11 =	simm.s32 @!p0 $0x9;
	[sflag:s9] =	ssyncset.done @!p0 $0x0  }
0xd2: {  	s14 =	simm.s32 @!p0 $0x4D80;
	[sflag:s9] =	ssyncadd.s32 @!p0 $0xFFFFDC00;
	s9 =	simm.s32 @!p0 $0x2800  }
0xd3: {  	[spmem:s3] =	stream.indirect.scatter.add.f32 @!p0 [tilespmem:s14], [sflag:$0x9], $0x80, s9, s12, $0xb8;
	[tilespmem:$0x1F580] =	vst v63  }
0xd4: {  	_ =	swait.ge @!p0 [sflag:s11], $0x2400  }
0xd5: {  	[sflag:s11] =	ssyncset.done @!p0 $0x0  }
0xd6: {  	[sflag:s11] =	ssyncadd.s32 @!p0 $0xFFFFDC00;
	s11 =	sadd.s32 @!p0 $0x90, s13  }
0xd7: {  	[tilespmem:s14], [sflag:$0x2] =	stream.indirect.gather @!p0 [hbm4b:s1+s12], $0x80, s11, s12, $0xb8;
	[tilespmem:$0x1F580] =	vst v63  }
0xd8: {  	s11 =	sadd.s32 @!p0 $0x280, s26  }
0xd9: {  	s14 =	sand.u32 @!p0 $0xFC00, s11  }
0xda: {  	s11 =	sand.u32 @!p0 $0x280, s11;
	s14 =	sadd.s32 @!p0 s7, s14  }
0xdb: {  	s11 =	sor.u32 @!p0 s11, s14  }
0xdc: {  	s11 =	sshrl.u32 @!p0 s11, $0x3  }
0xdd: {  	s11 =	sadd.s32 @!p0 s6, s11  }
0xde: {  	[tilespmem:s9], [sflag:$0x6] =	stream.linear.gather @!p0 [hbm4b:s11+s10], $0x80, $0x38;
	[tilespmem:$0x1F580] =	vst v63  }
0xdf: {  	_ =	swait.ge [sflag:s16], $0x80  }
0xe0: {  	[sflag:s16] =	ssyncset.done $0x0  }
0xe1: {  	[sflag:s16] =	ssyncadd.s32 $0xFFFFFF80  }
0xe2: {  	_ =	swait.ge [sflag:s17], $0x2400  }
0xe3: {  	s9 =	sadd.s32 @!p0 $0x300, s26;
	[sflag:s17] =	ssyncset.done $0x0  }
0xe4: {  	s11 =	sand.u32 @!p0 $0xFC00, s9;
	[sflag:s17] =	ssyncadd.s32 $0xFFFFDC00  }
0xe5: {  	[spmem:s3] =	stream.indirect.scatter.add.f32 [tilespmem:s28], [sflag:$0x9], $0x80, s29, s21, $0xb8;
	[tilespmem:$0x1F580] =	vst v63  }
0xe6: {  	s9 =	sand.u32 @!p0 $0x300, s9;
	s11 =	sadd.s32 @!p0 s7, s11;
	_ =	swait.ge [sflag:s18], $0x2400  }
0xe7: {  	s9 =	sor.u32 @!p0 s9, s11;
	s11 =	sadd.s32 @!p0 $0xD8, s13;
	[sflag:s18] =	ssyncset.done $0x0  }
0xe8: {  	s13 =	simm.s32 @!p0 $0x7180;
	s9 =	sshrl.u32 @!p0 s9, $0x3;
	[sflag:s18] =	ssyncadd.s32 $0xFFFFDC00  }
0xe9: {  	[tilespmem:s13], [sflag:$0x3] =	stream.indirect.gather @!p0 [hbm4b:s1+s12], $0x80, s11, s12, $0xb8;
	[tilespmem:$0x1F580] =	vst v63  }
0xea: {  	s9 =	sadd.s32 @!p0 s6, s9;
	s11 =	simm.s32 @!p0 $0x2880  }
0xeb: {  	[tilespmem:s11], [sflag:$0x7] =	stream.linear.gather @!p0 [hbm4b:s9+s10], $0x80, $0x38;
	[tilespmem:$0x1F580] =	vst v63  }
0xec: {  	_ =	swait.ge [sflag:s8], $0x80  }
0xed: {  	[sflag:s8] =	ssyncset.done $0x0  }
0xee: {  	[sflag:s8] =	ssyncadd.s32 $0xFFFFFF80  }
0xef: {  	_ =	swait.ge [sflag:s24], $0x2400  }
0xf0: {  	[sflag:s24] =	ssyncset.done $0x0  }
0xf1: {  	[sflag:s24] =	ssyncadd.s32 $0xFFFFDC00  }
0xf2: {  	[spmem:s3] =	stream.indirect.scatter.add.f32 [tilespmem:s30], [sflag:$0x9], $0x80, s31, s21, $0xb8;
	[tilespmem:$0x1F580] =	vst v63  }
0xf3: {  	_ =	swait.ge [sflag:s18], $0x2400  }
0xf4: {  	[sflag:s18] =	ssyncset.done $0x0  }
0xf5: {  	[sflag:s18] =	ssyncadd.s32 $0xFFFFDC00  }
0xf6: {  	[bflag:$0x0] =	sbarrier.arrive $0xFFFF  }
0xf7: {  	s13 =	rddreg [dreg:$0x9]  }
0xf8: {  	s14 =	rddreg [dreg:$0xc]  }
0xf9: {  	s15 =	rddreg [dreg:$0xd]  }
0xfa: {  	[hbm:s13], [sflag:s14] =	dma.local [spmem:s15], $0x2780  }
0xfb: {  	_ =	swait.ge [sflag:s18], $0x2780  }
0xfc: {  	[sflag:s18] =	ssyncset.done $0x0  }
0xfd: {  	[sflag:s18] =	ssyncadd.s32 $0xFFFFD880  }
0xfe: {  	[bflag:$0x0] =	sbarrier.arrive $0xFFFF  }
0xff: {  	s19 =	rddreg [dreg:$0x6]  }
0x100: {  	[spmem:s15], [sflag:s14] =	dma.local [hbm:s19], $0x2780  }
0x101: {  	_ =	swait.ge [sflag:s18], $0x2780  }
0x102: {  	[sflag:s18] =	ssyncset.done $0x0  }
0x103: {  	[sflag:s18] =	ssyncadd.s32 $0xFFFFD880  }
0x104: {  	s20 =	simm.s32 $0x0;
	[bflag:$0x0] =	sbarrier.arrive $0xFFFF  }
0x105: {  	[tilespmem:s22], [sflag:$0x1] =	stream.indirect.gather [hbm4b:s5+s21], $0x80, s20, s21, $0xb8;
	[tilespmem:$0x1F580] =	vst v63  }
0x106: {  	s25 =	rddreg [dreg:$0x5]  }
0x107: {  	[tilespmem:s23], [sflag:$0x5] =	stream.linear.gather [hbm4b:s25+s20], $0x80, $0x38;
	[tilespmem:$0x1F580] =	vst v63  }
0x108: {  	s26 =	simm.s32 $0x4D80;
	s12 =	simm.s32 $0x2800  }
0x109: {  	[tilespmem:s26], [sflag:$0x2] =	stream.indirect.gather [hbm4b:s5+s21], $0x80, s21, s21, $0xb8;
	[tilespmem:$0x1F580] =	vst v63  }
0x10a: {  	s9 =	sand.u32 $0x7C00, s20;
	s15 =	simm.s32 $0x180;
	s11 =	rddreg [dreg:$0x7]  }
0x10b: {  	[tilespmem:s12], [sflag:$0x6] =	stream.linear.gather [hbm4b:s11+s20], $0x80, $0x38;
	[tilespmem:$0x1F580] =	vst v63  }
0x10c: {  	s9 =	sadd.s32 s7, s9;
	s13 =	simm.s32 $0x90;
	s10 =	sand.u32 $0x380, s15  }
0x10d: {  	[tilespmem:s28], [sflag:$0x3] =	stream.indirect.gather [hbm4b:s5+s21], $0x80, s13, s21, $0xb8;
	[tilespmem:$0x1F580] =	vst v63  }
0x10e: {  	s9 =	sor.u32 s9, s10;
	s14 =	rddreg [dreg:$0x8]  }
0x10f: {  	[tilespmem:s29], [sflag:$0x7] =	stream.linear.gather [hbm4b:s14+s20], $0x80, $0x38;
	[tilespmem:$0x1F580] =	vst v63  }
0x110: {  	s19 =	simm.s32 $0xD8;
	s9 =	sshrl.u32 s9, $0x3  }
0x111: {  	[tilespmem:s30], [sflag:$0x4] =	stream.indirect.gather [hbm4b:s5+s21], $0x80, s19, s21, $0xb8;
	[tilespmem:$0x1F580] =	vst v63  }
0x112: {  	s9 =	sadd.s32 s6, s9  }
0x113: {  	[tilespmem:s31], [sflag:$0x8] =	stream.linear.gather [hbm4b:s9+s4], $0x80, $0x38;
	[tilespmem:$0x1F580] =	vst v63  }
0x114: {  	_ =	swait.ge [sflag:s2], $0x80  }
0x115: {  	[sflag:s2] =	ssyncset.done $0x0  }
0x116: {  	[sflag:s2] =	ssyncadd.s32 $0xFFFFFF80  }
0x117: {  	_ =	swait.ge [sflag:s0], $0x2400  }
0x118: {  	[sflag:s0] =	ssyncset.done $0x0  }
0x119: {  	[sflag:s0] =	ssyncadd.s32 $0xFFFFDC00  }
0x11a: {  	[spmem:s3] =	stream.indirect.scatter.add.f32 [tilespmem:s22], [sflag:$0x9], $0x80, s23, s21, $0xb8;
	[tilespmem:$0x1F580] =	vst v63  }
0x11b: {  	_ =	swait.ge [sflag:s18], $0x2400  }
0x11c: {  	p0 =	por $0x0, $0x0;
	[sflag:s18] =	ssyncset.done $0x0  }
0x11d: {  	s9 =	simm.s32 @p0 $0x6;
	[sflag:s18] =	ssyncadd.s32 $0xFFFFDC00  }
0x11e: {  	s10 =	simm.s32 @!p0 $0x200;
	_ =	swait.ge @p0 [sflag:s9], $0x80  }
0x11f: {  	s11 =	sand.u32 @!p0 $0xFC00, s10;
	[sflag:s9] =	ssyncset.done @p0 $0x0  }
0x120: {  	s10 =	sand.u32 @!p0 $0x200, s10;
	[sflag:s9] =	ssyncadd.s32 @p0 $0xFFFFFF80;
	s9 =	simm.s32 @p0 $0x2  }
0x121: {  	s12 =	simm.s32 @p0 $0x9;
	s11 =	sadd.s32 @!p0 s7, s11;
	_ =	swait.ge @p0 [sflag:s9], $0x2400  }
0x122: {  	s10 =	sor.u32 @!p0 s10, s11;
	s11 =	simm.s32 @p0 $0x4D80;
	[sflag:s9] =	ssyncset.done @p0 $0x0  }
0x123: {  	s13 =	simm.s32 @p0 $0x2800;
	[sflag:s9] =	ssyncadd.s32 @p0 $0xFFFFDC00;
	s9 =	simm.s32 @p0 $0x48  }
0x124: {  	[spmem:s3] =	stream.indirect.scatter.add.f32 @p0 [tilespmem:s11], [sflag:$0x9], $0x80, s13, s9, $0xb8;
	[tilespmem:$0x1F580] =	vst v63  }
0x125: {  	s9 =	sshrl.u32 @!p0 s10, $0x3;
	_ =	swait.ge @p0 [sflag:s12], $0x2400  }
0x126: {  	s10 =	simm.s32 @!p0 $0x2980;
	s11 =	simm.s32 @!p0 $0x120;
	[sflag:s12] =	ssyncset.done @p0 $0x0  }
0x127: {  	s13 =	simm.s32 @!p0 $0x6;
	[sflag:s12] =	ssyncadd.s32 @p0 $0xFFFFDC00;
	s12 =	simm.s32 @!p0 $0x48  }
0x128: {  	[tilespmem:s10], [sflag:$0x1] =	stream.indirect.gather @!p0 [hbm4b:s5+s12], $0x80, s11, s12, $0xb8;
	[tilespmem:$0x1F580] =	vst v63  }
0x129: {  	s9 =	sadd.s32 @!p0 s6, s9;
	s10 =	simm.s32 @!p0 $0x0;
	s11 =	simm.s32 @!p0 $0x2780  }
0x12a: {  	[tilespmem:s11], [sflag:$0x5] =	stream.linear.gather @!p0 [hbm4b:s9+s10], $0x80, $0x38;
	[tilespmem:$0x1F580] =	vst v63  }
0x12b: {  	_ =	swait.ge @!p0 [sflag:s13], $0x80  }
0x12c: {  	[sflag:s13] =	ssyncset.done @!p0 $0x0  }
0x12d: {  	s9 =	simm.s32 @!p0 $0x2;
	[sflag:s13] =	ssyncadd.s32 @!p0 $0xFFFFFF80  }
0x12e: {  	_ =	swait.ge @!p0 [sflag:s9], $0x2400  }
0x12f: {  	s11 =	simm.s32 @!p0 $0x9;
	[sflag:s9] =	ssyncset.done @!p0 $0x0  }
0x130: {  	s13 =	simm.s32 @!p0 $0x4D80;
	[sflag:s9] =	ssyncadd.s32 @!p0 $0xFFFFDC00;
	s9 =	simm.s32 @!p0 $0x2800  }
0x131: {  	[spmem:s3] =	stream.indirect.scatter.add.f32 @!p0 [tilespmem:s13], [sflag:$0x9], $0x80, s9, s12, $0xb8;
	[tilespmem:$0x1F580] =	vst v63  }
0x132: {  	_ =	swait.ge @!p0 [sflag:s11], $0x2400  }
0x133: {  	[sflag:s11] =	ssyncset.done @!p0 $0x0  }
0x134: {  	[sflag:s11] =	ssyncadd.s32 @!p0 $0xFFFFDC00;
	s11 =	simm.s32 @!p0 $0x168  }
0x135: {  	[tilespmem:s13], [sflag:$0x2] =	stream.indirect.gather @!p0 [hbm4b:s5+s12], $0x80, s11, s12, $0xb8;
	[tilespmem:$0x1F580] =	vst v63  }
0x136: {  	s11 =	simm.s32 @!p0 $0x280  }
0x137: {  	s13 =	sand.u32 @!p0 $0xFC00, s11  }
0x138: {  	s11 =	sand.u32 @!p0 $0x280, s11;
	s13 =	sadd.s32 @!p0 s7, s13  }
0x139: {  	s11 =	sor.u32 @!p0 s11, s13  }
0x13a: {  	s11 =	sshrl.u32 @!p0 s11, $0x3  }
0x13b: {  	s11 =	sadd.s32 @!p0 s6, s11  }
0x13c: {  	[tilespmem:s9], [sflag:$0x6] =	stream.linear.gather @!p0 [hbm4b:s11+s10], $0x80, $0x38;
	[tilespmem:$0x1F580] =	vst v63  }
0x13d: {  	_ =	swait.ge [sflag:s16], $0x80  }
0x13e: {  	[sflag:s16] =	ssyncset.done $0x0  }
0x13f: {  	[sflag:s16] =	ssyncadd.s32 $0xFFFFFF80  }
0x140: {  	_ =	swait.ge [sflag:s17], $0x2400  }
0x141: {  	s9 =	simm.s32 @!p0 $0x300;
	[sflag:s17] =	ssyncset.done $0x0  }
0x142: {  	s11 =	sand.u32 @!p0 $0xFC00, s9;
	[sflag:s17] =	ssyncadd.s32 $0xFFFFDC00  }
0x143: {  	[spmem:s3] =	stream.indirect.scatter.add.f32 [tilespmem:s28], [sflag:$0x9], $0x80, s29, s21, $0xb8;
	[tilespmem:$0x1F580] =	vst v63  }
0x144: {  	s9 =	sand.u32 @!p0 $0x300, s9;
	s11 =	sadd.s32 @!p0 s7, s11;
	_ =	swait.ge [sflag:s18], $0x2400  }
0x145: {  	s13 =	simm.s32 @!p0 $0x7180;
	s9 =	sor.u32 @!p0 s9, s11;
	[sflag:s18] =	ssyncset.done $0x0  }
0x146: {  	s11 =	simm.s32 @!p0 $0x1B0;
	s9 =	sshrl.u32 @!p0 s9, $0x3;
	[sflag:s18] =	ssyncadd.s32 $0xFFFFDC00  }
0x147: {  	[tilespmem:s13], [sflag:$0x3] =	stream.indirect.gather @!p0 [hbm4b:s5+s12], $0x80, s11, s12, $0xb8;
	[tilespmem:$0x1F580] =	vst v63  }
0x148: {  	s9 =	sadd.s32 @!p0 s6, s9;
	s11 =	simm.s32 @!p0 $0x2880  }
0x149: {  	[tilespmem:s11], [sflag:$0x7] =	stream.linear.gather @!p0 [hbm4b:s9+s10], $0x80, $0x38;
	[tilespmem:$0x1F580] =	vst v63  }
0x14a: {  	_ =	swait.ge [sflag:s8], $0x80  }
0x14b: {  	s25 =	simm.s32 $0x380;
	[sflag:s8] =	ssyncset.done $0x0  }
0x14c: {  	s26 =	simm.s32 $0x200;
	s14 =	simm.s32 $0x400;
	[sflag:s8] =	ssyncadd.s32 $0xFFFFFF80  }
0x14d: {  	s20 =	sand.u32 $0x7C00, s26;
	s13 =	simm.s32 $0x1F8;
	_ =	swait.ge [sflag:s24], $0x2400  }
0x14e: {  	s10 =	sadd.s32 s7, s20;
	s11 =	sand.u32 $0x380, s25;
	[sflag:s24] =	ssyncset.done $0x0  }
.LBB2_4:
0x14f: {  	s9 =	sor.u32 s10, s11  }
0x150: {  	[sflag:s24] =	ssyncadd.s32 $0xFFFFDC00;
	s15 =	smov.u32 s14;
	s14 =	sadd.s32 $0x200, s14  }
0x151: {  	[spmem:s3] =	stream.indirect.scatter.add.f32 [tilespmem:s30], [sflag:$0x9], $0x80, s31, s21, $0xb8;
	[tilespmem:$0x1F580] =	vst v63  }
0x152: {  	p0 =	sne.s32 s14, $0x4600;
	s9 =	sshrl.u32 s9, $0x3;
	_ =	swait.ge [sflag:s18], $0x2400  }
0x153: {  	[sflag:s18] =	ssyncset.done $0x0  }
0x154: {  	[sflag:s18] =	ssyncadd.s32 $0xFFFFDC00  }
0x155: {  	[tilespmem:s30], [sflag:$0x4] =	stream.indirect.gather [hbm4b:s5+s21], $0x80, s13, s21, $0xb8;
	[tilespmem:$0x1F580] =	vst v63  }
0x156: {  	s9 =	sadd.s32 s6, s9  }
0x157: {  	[tilespmem:s31], [sflag:$0x8] =	stream.linear.gather [hbm4b:s9+s4], $0x80, $0x38;
	[tilespmem:$0x1F580] =	vst v63  }
0x158: {  	_ =	swait.ge [sflag:s2], $0x80  }
0x159: {  	[sflag:s2] =	ssyncset.done $0x0  }
0x15a: {  	[sflag:s2] =	ssyncadd.s32 $0xFFFFFF80  }
0x15b: {  	_ =	swait.ge [sflag:s0], $0x2400  }
0x15c: {  	[sflag:s0] =	ssyncset.done $0x0  }
0x15d: {  	[sflag:s0] =	ssyncadd.s32 $0xFFFFDC00  }
0x15e: {  	[spmem:s3] =	stream.indirect.scatter.add.f32 [tilespmem:s22], [sflag:$0x9], $0x80, s23, s21, $0xb8;
	[tilespmem:$0x1F580] =	vst v63  }
0x15f: {  	_ =	swait.ge [sflag:s18], $0x2400  }
0x160: {  	p1 =	seq.s32 s26, $0x4400;
	[sflag:s18] =	ssyncset.done $0x0  }
0x161: {  	s10 =	sadd.s32 @!p1 $0x200, s26;
	s9 =	simm.s32 @p1 $0x6;
	[sflag:s18] =	ssyncadd.s32 $0xFFFFDC00  }
0x162: {  	s11 =	sand.u32 @!p1 $0xFC00, s10;
	s10 =	sand.u32 @!p1 $0x200, s10;
	_ =	swait.ge @p1 [sflag:s9], $0x80  }
0x163: {  	s12 =	sadd.s32 @!p1 $0x280, s26;
	s11 =	sadd.s32 @!p1 s7, s11;
	[sflag:s9] =	ssyncset.done @p1 $0x0  }
0x164: {  	s19 =	sand.u32 @!p1 $0xFC00, s12;
	[sflag:s9] =	ssyncadd.s32 @p1 $0xFFFFFF80;
	s9 =	simm.s32 @p1 $0x2  }
0x165: {  	s12 =	sand.u32 @!p1 $0x280, s12;
	s10 =	sor.u32 @!p1 s10, s11;
	_ =	swait.ge @p1 [sflag:s9], $0x2400  }
0x166: {  	s20 =	simm.s32 @p1 $0x9;
	s11 =	simm.s32 @p1 $0x4D80;
	[sflag:s9] =	ssyncset.done @p1 $0x0  }
0x167: {  	s25 =	simm.s32 @p1 $0x2800;
	[sflag:s9] =	ssyncadd.s32 @p1 $0xFFFFDC00;
	s9 =	simm.s32 @p1 $0x48  }
0x168: {  	[spmem:s3] =	stream.indirect.scatter.add.f32 @p1 [tilespmem:s11], [sflag:$0x9], $0x80, s25, s9, $0xb8;
	[tilespmem:$0x1F580] =	vst v63  }
0x169: {  	s19 =	sadd.s32 @!p1 s7, s19;
	s9 =	sshrl.u32 @!p1 s10, $0x3;
	_ =	swait.ge @p1 [sflag:s20], $0x2400  }
0x16a: {  	s11 =	simm.s32 @!p1 $0x2980;
	s9 =	sadd.s32 @!p1 s6, s9;
	[sflag:s20] =	ssyncset.done @p1 $0x0  }
0x16b: {  	s10 =	simm.s32 @!p1 $0x48;
	[sflag:s20] =	ssyncadd.s32 @p1 $0xFFFFDC00;
	s20 =	sadd.s32 @!p1 $0x48, s13  }
0x16c: {  	[tilespmem:s11], [sflag:$0x1] =	stream.indirect.gather @!p1 [hbm4b:s5+s10], $0x80, s20, s10, $0xb8;
	[tilespmem:$0x1F580] =	vst v63  }
0x16d: {  	s25 =	simm.s32 @!p1 $0x6;
	s11 =	simm.s32 @!p1 $0x0;
	s20 =	simm.s32 @!p1 $0x2780  }
0x16e: {  	[tilespmem:s20], [sflag:$0x5] =	stream.linear.gather @!p1 [hbm4b:s9+s11], $0x80, $0x38;
	[tilespmem:$0x1F580] =	vst v63  }
0x16f: {  	s9 =	sor.u32 @!p1 s12, s19;
	s12 =	sadd.s32 @!p1 $0x300, s26;
	_ =	swait.ge @!p1 [sflag:s25], $0x80  }
0x170: {  	s9 =	sshrl.u32 @!p1 s9, $0x3;
	s19 =	sand.u32 @!p1 $0xFC00, s12;
	[sflag:s25] =	ssyncset.done @!p1 $0x0  }
0x171: {  	s20 =	simm.s32 @!p1 $0x2;
	s9 =	sadd.s32 @!p1 s6, s9;
	[sflag:s25] =	ssyncadd.s32 @!p1 $0xFFFFFF80  }
0x172: {  	s12 =	sand.u32 @!p1 $0x300, s12;
	s19 =	sadd.s32 @!p1 s7, s19;
	_ =	swait.ge @!p1 [sflag:s20], $0x2400  }
0x173: {  	s25 =	simm.s32 @!p1 $0x9;
	s12 =	sor.u32 @!p1 s12, s19;
	[sflag:s20] =	ssyncset.done @!p1 $0x0  }
0x174: {  	s19 =	simm.s32 @!p1 $0x2800;
	[sflag:s20] =	ssyncadd.s32 @!p1 $0xFFFFDC00;
	s20 =	simm.s32 @!p1 $0x4D80  }
0x175: {  	[spmem:s3] =	stream.indirect.scatter.add.f32 @!p1 [tilespmem:s20], [sflag:$0x9], $0x80, s19, s10, $0xb8;
	[tilespmem:$0x1F580] =	vst v63  }
0x176: {  	s26 =	smov.u32 s15;
	s12 =	sshrl.u32 @!p1 s12, $0x3;
	_ =	swait.ge @!p1 [sflag:s25], $0x2400  }
0x177: {  	s12 =	sadd.s32 @!p1 s6, s12;
	[sflag:s25] =	ssyncset.done @!p1 $0x0  }
0x178: {  	s15 =	sadd.s32 @!p1 $0x90, s13;
	[sflag:s25] =	ssyncadd.s32 @!p1 $0xFFFFDC00  }
0x179: {  	[tilespmem:s20], [sflag:$0x2] =	stream.indirect.gather @!p1 [hbm4b:s5+s10], $0x80, s15, s10, $0xb8;
	[tilespmem:$0x1F580] =	vst v63  }
0x17a: {  	_ = 	snop  }
0x17b: {  	[tilespmem:s19], [sflag:$0x6] =	stream.linear.gather @!p1 [hbm4b:s9+s11], $0x80, $0x38;
	[tilespmem:$0x1F580] =	vst v63  }
0x17c: {  	_ =	swait.ge [sflag:s16], $0x80  }
0x17d: {  	[sflag:s16] =	ssyncset.done $0x0  }
0x17e: {  	[sflag:s16] =	ssyncadd.s32 $0xFFFFFF80  }
0x17f: {  	_ =	swait.ge [sflag:s17], $0x2400  }
0x180: {  	[sflag:s17] =	ssyncset.done $0x0  }
0x181: {  	[sflag:s17] =	ssyncadd.s32 $0xFFFFDC00  }
0x182: {  	[spmem:s3] =	stream.indirect.scatter.add.f32 [tilespmem:s28], [sflag:$0x9], $0x80, s29, s21, $0xb8;
	[tilespmem:$0x1F580] =	vst v63  }
0x183: {  	_ =	swait.ge [sflag:s18], $0x2400  }
0x184: {  	[sflag:s18] =	ssyncset.done $0x0  }
0x185: {  	s15 =	simm.s32 @!p1 $0x7180;
	s9 =	sadd.s32 @!p1 $0xD8, s13;
	[sflag:s18] =	ssyncadd.s32 $0xFFFFDC00  }
0x186: {  	[tilespmem:s15], [sflag:$0x3] =	stream.indirect.gather @!p1 [hbm4b:s5+s10], $0x80, s9, s10, $0xb8;
	[tilespmem:$0x1F580] =	vst v63  }
0x187: {  	s9 =	simm.s32 @!p1 $0x2880  }
0x188: {  	[tilespmem:s9], [sflag:$0x7] =	stream.linear.gather @!p1 [hbm4b:s12+s11], $0x80, $0x38;
	[tilespmem:$0x1F580] =	vst v63  }
.Ltmp1:
0x189: {  	_ =	swait.ge [sflag:s8], $0x80;
	(pc) =	sbr.rel @p0 .LBB2_4-.Ltmp1, $4  }
0x18a: {  	[sflag:s8] =	ssyncset.done $0x0  }
0x18b: {  	s13 =	sadd.s32 $0x120, s13;
	[sflag:s8] =	ssyncadd.s32 $0xFFFFFF80  }
0x18c: {  	s9 =	sand.u32 $0x7C00, s26;
	s11 =	sadd.s32 $0x180, s26;
	_ =	swait.ge [sflag:s24], $0x2400  }
0x18d: {  	s10 =	sadd.s32 s7, s9;
	s11 =	sand.u32 $0x380, s11;
	[sflag:s24] =	ssyncset.done $0x0  }
0x18e: {  	[sflag:s24] =	ssyncadd.s32 $0xFFFFDC00  }
0x18f: {  	[spmem:s3] =	stream.indirect.scatter.add.f32 [tilespmem:s30], [sflag:$0x9], $0x80, s31, s21, $0xb8;
	[tilespmem:$0x1F580] =	vst v63  }
0x190: {  	_ =	swait.ge [sflag:s18], $0x2400  }
0x191: {  	s9 =	sor.u32 s10, s11;
	[sflag:s18] =	ssyncset.done $0x0  }
0x192: {  	s9 =	sshrl.u32 s9, $0x3;
	[sflag:s18] =	ssyncadd.s32 $0xFFFFDC00  }
0x193: {  	[tilespmem:s30], [sflag:$0x4] =	stream.indirect.gather [hbm4b:s5+s21], $0x80, s13, s21, $0xb8;
	[tilespmem:$0x1F580] =	vst v63  }
0x194: {  	s9 =	sadd.s32 s6, s9  }
0x195: {  	[tilespmem:s31], [sflag:$0x8] =	stream.linear.gather [hbm4b:s9+s4], $0x80, $0x38;
	[tilespmem:$0x1F580] =	vst v63  }
0x196: {  	_ =	swait.ge [sflag:s2], $0x80  }
0x197: {  	[sflag:s2] =	ssyncset.done $0x0  }
0x198: {  	[sflag:s2] =	ssyncadd.s32 $0xFFFFFF80  }
0x199: {  	_ =	swait.ge [sflag:s0], $0x2400  }
0x19a: {  	[sflag:s0] =	ssyncset.done $0x0  }
0x19b: {  	[sflag:s0] =	ssyncadd.s32 $0xFFFFDC00  }
0x19c: {  	[spmem:s3] =	stream.indirect.scatter.add.f32 [tilespmem:s22], [sflag:$0x9], $0x80, s23, s21, $0xb8;
	[tilespmem:$0x1F580] =	vst v63  }
0x19d: {  	_ =	swait.ge [sflag:s18], $0x2400  }
0x19e: {  	p0 =	seq.s32 s26, $0x4400;
	[sflag:s18] =	ssyncset.done $0x0  }
0x19f: {  	s9 =	simm.s32 @p0 $0x6;
	[sflag:s18] =	ssyncadd.s32 $0xFFFFDC00  }
0x1a0: {  	_ =	swait.ge @p0 [sflag:s9], $0x80  }
0x1a1: {  	s10 =	sadd.s32 @!p0 $0x200, s26;
	s12 =	simm.s32 @p0 $0x9;
	[sflag:s9] =	ssyncset.done @p0 $0x0  }
0x1a2: {  	s11 =	sand.u32 @!p0 $0xFC00, s10;
	[sflag:s9] =	ssyncadd.s32 @p0 $0xFFFFFF80;
	s9 =	simm.s32 @p0 $0x2  }
0x1a3: {  	s10 =	sand.u32 @!p0 $0x200, s10;
	s11 =	sadd.s32 @!p0 s7, s11;
	_ =	swait.ge @p0 [sflag:s9], $0x2400  }
0x1a4: {  	s14 =	simm.s32 @p0 $0x2800;
	s10 =	sor.u32 @!p0 s10, s11;
	[sflag:s9] =	ssyncset.done @p0 $0x0  }
0x1a5: {  	s11 =	simm.s32 @p0 $0x4D80;
	[sflag:s9] =	ssyncadd.s32 @p0 $0xFFFFDC00;
	s9 =	simm.s32 @p0 $0x48  }
0x1a6: {  	[spmem:s3] =	stream.indirect.scatter.add.f32 @p0 [tilespmem:s11], [sflag:$0x9], $0x80, s14, s9, $0xb8;
	[tilespmem:$0x1F580] =	vst v63  }
0x1a7: {  	s9 =	sshrl.u32 @!p0 s10, $0x3;
	_ =	swait.ge @p0 [sflag:s12], $0x2400  }
0x1a8: {  	s10 =	simm.s32 @!p0 $0x2980;
	s11 =	sadd.s32 @!p0 $0x48, s13;
	[sflag:s12] =	ssyncset.done @p0 $0x0  }
0x1a9: {  	s14 =	simm.s32 @!p0 $0x6;
	[sflag:s12] =	ssyncadd.s32 @p0 $0xFFFFDC00;
	s12 =	simm.s32 @!p0 $0x48  }
0x1aa: {  	[tilespmem:s10], [sflag:$0x1] =	stream.indirect.gather @!p0 [hbm4b:s5+s12], $0x80, s11, s12, $0xb8;
	[tilespmem:$0x1F580] =	vst v63  }
0x1ab: {  	s9 =	sadd.s32 @!p0 s6, s9;
	s10 =	simm.s32 @!p0 $0x0;
	s11 =	simm.s32 @!p0 $0x2780  }
0x1ac: {  	[tilespmem:s11], [sflag:$0x5] =	stream.linear.gather @!p0 [hbm4b:s9+s10], $0x80, $0x38;
	[tilespmem:$0x1F580] =	vst v63  }
0x1ad: {  	_ =	swait.ge @!p0 [sflag:s14], $0x80  }
0x1ae: {  	[sflag:s14] =	ssyncset.done @!p0 $0x0  }
0x1af: {  	s9 =	simm.s32 @!p0 $0x2;
	[sflag:s14] =	ssyncadd.s32 @!p0 $0xFFFFFF80  }
0x1b0: {  	_ =	swait.ge @!p0 [sflag:s9], $0x2400  }
0x1b1: {  	s11 =	simm.s32 @!p0 $0x9;
	[sflag:s9] =	ssyncset.done @!p0 $0x0  }
0x1b2: {  	s14 =	simm.s32 @!p0 $0x4D80;
	[sflag:s9] =	ssyncadd.s32 @!p0 $0xFFFFDC00;
	s9 =	simm.s32 @!p0 $0x2800  }
0x1b3: {  	[spmem:s3] =	stream.indirect.scatter.add.f32 @!p0 [tilespmem:s14], [sflag:$0x9], $0x80, s9, s12, $0xb8;
	[tilespmem:$0x1F580] =	vst v63  }
0x1b4: {  	_ =	swait.ge @!p0 [sflag:s11], $0x2400  }
0x1b5: {  	[sflag:s11] =	ssyncset.done @!p0 $0x0  }
0x1b6: {  	[sflag:s11] =	ssyncadd.s32 @!p0 $0xFFFFDC00;
	s11 =	sadd.s32 @!p0 $0x90, s13  }
0x1b7: {  	[tilespmem:s14], [sflag:$0x2] =	stream.indirect.gather @!p0 [hbm4b:s5+s12], $0x80, s11, s12, $0xb8;
	[tilespmem:$0x1F580] =	vst v63  }
0x1b8: {  	s11 =	sadd.s32 @!p0 $0x280, s26  }
0x1b9: {  	s14 =	sand.u32 @!p0 $0xFC00, s11  }
0x1ba: {  	s11 =	sand.u32 @!p0 $0x280, s11;
	s14 =	sadd.s32 @!p0 s7, s14  }
0x1bb: {  	s11 =	sor.u32 @!p0 s11, s14  }
0x1bc: {  	s11 =	sshrl.u32 @!p0 s11, $0x3  }
0x1bd: {  	s11 =	sadd.s32 @!p0 s6, s11  }
0x1be: {  	[tilespmem:s9], [sflag:$0x6] =	stream.linear.gather @!p0 [hbm4b:s11+s10], $0x80, $0x38;
	[tilespmem:$0x1F580] =	vst v63  }
0x1bf: {  	_ =	swait.ge [sflag:s16], $0x80  }
0x1c0: {  	[sflag:s16] =	ssyncset.done $0x0  }
0x1c1: {  	[sflag:s16] =	ssyncadd.s32 $0xFFFFFF80  }
0x1c2: {  	_ =	swait.ge [sflag:s17], $0x2400  }
0x1c3: {  	[sflag:s17] =	ssyncset.done $0x0  }
0x1c4: {  	[sflag:s17] =	ssyncadd.s32 $0xFFFFDC00  }
0x1c5: {  	[spmem:s3] =	stream.indirect.scatter.add.f32 [tilespmem:s28], [sflag:$0x9], $0x80, s29, s21, $0xb8;
	[tilespmem:$0x1F580] =	vst v63  }
0x1c6: {  	_ =	swait.ge [sflag:s18], $0x2400  }
0x1c7: {  	[sflag:s18] =	ssyncset.done $0x0  }
0x1c8: {  	s9 =	sadd.s32 @!p0 $0xD8, s13;
	s11 =	simm.s32 @!p0 $0x7180;
	[sflag:s18] =	ssyncadd.s32 $0xFFFFDC00  }
0x1c9: {  	[tilespmem:s11], [sflag:$0x3] =	stream.indirect.gather @!p0 [hbm4b:s5+s12], $0x80, s9, s12, $0xb8;
	[tilespmem:$0x1F580] =	vst v63  }
0x1ca: {  	s9 =	sadd.s32 @!p0 $0x300, s26  }
0x1cb: {  	s11 =	sand.u32 @!p0 $0xFC00, s9  }
0x1cc: {  	s9 =	sand.u32 @!p0 $0x300, s9;
	s11 =	sadd.s32 @!p0 s7, s11  }
0x1cd: {  	s9 =	sor.u32 @!p0 s9, s11  }
0x1ce: {  	s9 =	sshrl.u32 @!p0 s9, $0x3  }
0x1cf: {  	s11 =	simm.s32 @!p0 $0x2880;
	s9 =	sadd.s32 @!p0 s6, s9  }
0x1d0: {  	[tilespmem:s11], [sflag:$0x7] =	stream.linear.gather @!p0 [hbm4b:s9+s10], $0x80, $0x38;
	[tilespmem:$0x1F580] =	vst v63  }
0x1d1: {  	_ =	swait.ge [sflag:s8], $0x80  }
0x1d2: {  	[sflag:s8] =	ssyncset.done $0x0  }
0x1d3: {  	[sflag:s8] =	ssyncadd.s32 $0xFFFFFF80  }
0x1d4: {  	_ =	swait.ge [sflag:s24], $0x2400  }
0x1d5: {  	[sflag:s24] =	ssyncset.done $0x0  }
0x1d6: {  	[sflag:s24] =	ssyncadd.s32 $0xFFFFDC00  }
0x1d7: {  	[spmem:s3] =	stream.indirect.scatter.add.f32 [tilespmem:s30], [sflag:$0x9], $0x80, s31, s21, $0xb8;
	[tilespmem:$0x1F580] =	vst v63  }
0x1d8: {  	_ =	swait.ge [sflag:s18], $0x2400  }
0x1d9: {  	[sflag:s18] =	ssyncset.done $0x0  }
0x1da: {  	[sflag:s18] =	ssyncadd.s32 $0xFFFFDC00  }
0x1db: {  	[bflag:$0x0] =	sbarrier.arrive $0xFFFF  }
0x1dc: {  	s20 =	rddreg [dreg:$0xa]  }
0x1dd: {  	s12 =	rddreg [dreg:$0xc]  }
0x1de: {  	s13 =	rddreg [dreg:$0xd]  }
0x1df: {  	[hbm:s20], [sflag:s12] =	dma.local [spmem:s13], $0x2780  }
0x1e0: {  	_ =	swait.ge [sflag:s18], $0x2780  }
0x1e1: {  	s25 =	rddreg [dreg:$0xe]  }
0x1e2: {  	s26 =	rddreg [dreg:$0xb];
	s10 =	sadd.s32 $0x1, s25  }
0x1e3: {  	p0 =	sne.s32 s10, s26  }
.Ltmp2:
0x1e4: {  	_ = 	snop;
	(pc) =	sbr.rel @p0 .LBB2_1-.Ltmp2, $3  }
0x1e5: {  	[sflag:s18] =	ssyncset.done $0x0  }
0x1e6: {  	[sflag:s18] =	ssyncadd.s32 $0xFFFFD880  }
0x1e7: {  	[bflag:$0x0] =	sbarrier.arrive $0xFFFF;
	_ =	sdelay $0x1  }
0x1e8: {  	_ =	sfence.sel $0x180000  }
0x1e9: {  	[bflag:$0x0] =	sbarrier.arrive $0xFFFF  }
0x1ea: {  	_ =	strace $0x90000050  }
0x1eb: {  	s0 =	stileid.u32;
	[bflag:$0x2] =	sbarrier.arrive $0xFFFF  }
0x1ec: {  	p0 =	sne.s32 s0, $0x0;
	s0 =	rddreg [dreg:$0x3]  }
0x1ed: {  	s0 =	sadd.s32 @!p0 $0x100000, s0  }
0x1ee: {  	[sflag:s0] =	ssyncadd.tile.s32 @!p0 $0x1;
	_ =	shalt  }
.Lfunc_end2:
_tile_overlayer_lowered:
.L_overlay_start_2:
0x1ef: {  	(tag) =	ssettag $0x2  }
0x1f0: {  	s0 =	rddreg [dreg:$0x0];
	s2 =	stileid.u32  }
0x1f1: {  	s1 =	rddreg [dreg:$0x1];
	p0 =	sne.s32 s2, $0x0  }
0x1f2: {  	s3 =	rddreg [dreg:$0x2];
	[bflag:$0x3] =	sbarrier.arrive $0xFFFF;
	s2 =	simm.s32 @!p0 $0x1C09  }
0x1f3: {  	[timem:s3], [sflag:s2] =	dma.local @!p0 [hbm:s0], s1  }
0x1f4: {  	s0 =	simm.s32 @!p0 $0x9  }
0x1f5: {  	_ =	swait.ge @!p0 [sflag:s0], s1  }
0x1f6: {  	s1 =	ssub.s32 @!p0 $0x0, s1;
	[sflag:s0] =	ssyncset.done @!p0 $0x0  }
0x1f7: {  	[sflag:s0] =	ssyncadd.s32 @!p0 s1  }
0x1f8: {  	[bflag:$0x3] =	sbarrier.arrive $0xFFFF  }
0x1f9: {  	_ =	shalt  }

</sc_bundles>
